<compile_context>
chip_gen: v7x
topology: tpu7x:2x2x1
jax: 0.10.2.dev20260603
libtpu: 0.0.44.dev20260713+nightly
codegen_flags: <defaults>
</compile_context>

<pallas_src>
import functools

import jax
import jax.numpy as jnp
from jax import lax
from jax.experimental import pallas as pl
from jax.experimental.pallas import tpu as pltpu
from jax.experimental.pallas import tpu_sc as plsc

_NC, _NS = 2, 16
_NW = _NC * _NS
_SR = 16

_NBUF = 5
_PF = 3


def _sc_body(B, S, D, x_hbm, pe_hbm, out_hbm, *scratch):
    wid = lax.axis_index("s") * _NC + lax.axis_index("c")
    rows_w = S // _NW
    nsr = rows_w // _SR
    nch = nsr * B
    row_base = wid * rows_w
    vx = scratch[:_NBUF]
    vp = scratch[_NBUF:_NBUF + 2]
    isem = scratch[_NBUF + 2:2 * _NBUF + 2]
    osem = scratch[2 * _NBUF + 2:3 * _NBUF + 2]
    psem = scratch[3 * _NBUF + 2:3 * _NBUF + 4]

    def x_copy(ci):
        sr, b = divmod(ci, B)
        buf = ci % _NBUF
        return pltpu.make_async_copy(
            x_hbm.at[b, pl.ds(row_base + sr * _SR, _SR), :], vx[buf],
            isem[buf])

    def o_copy(ci):
        sr, b = divmod(ci, B)
        buf = ci % _NBUF
        return pltpu.make_async_copy(
            vx[buf], out_hbm.at[b, pl.ds(row_base + sr * _SR, _SR), :],
            osem[buf])

    def pe_copy(sr):
        return pltpu.make_async_copy(
            pe_hbm.at[pl.ds(row_base + sr * _SR, _SR), :], vp[sr % 2],
            psem[sr % 2])

    pe_copy(0).start()
    for ci in range(_PF):
        x_copy(ci).start()
    for ci in range(nch):
        sr, b = divmod(ci, B)
        if b == 0:
            pe_copy(sr).wait()
            if sr + 1 < nsr:
                pe_copy(sr + 1).start()
        x_copy(ci).wait()

        vx_c = vx[ci % _NBUF]
        vp_c = vp[sr % 2]

        @plsc.parallel_loop(0, _SR, step=1)
        def _(r):
            @plsc.parallel_loop(0, D, step=16, unroll=16)
            def _(c):
                plsc.addupdate(vx_c.at[r, pl.ds(c, 16)],
                               vp_c[r, pl.ds(c, 16)])

        o_copy(ci).start()
        nxt = ci + _PF
        if nxt < nch:
            prev = nxt - _NBUF
            if prev >= 0:
                o_copy(prev).wait()
            x_copy(nxt).start()

    for ci in range(max(0, nch - _NBUF), nch):
        o_copy(ci).wait()


def kernel(x, pe):
    B, S, D = x.shape
    mesh = plsc.VectorSubcoreMesh(core_axis_name="c", subcore_axis_name="s")
    k = pl.kernel(
        functools.partial(_sc_body, B, S, D),
        out_type=jax.ShapeDtypeStruct((B, S, D), jnp.float32),
        mesh=mesh,
        scratch_types=(
            [pltpu.VMEM((_SR, D), jnp.float32)] * (_NBUF + 2)
            + [pltpu.SemaphoreType.DMA] * (_NBUF * 2 + 2)
        ),
    )
    return k(x, pe[:S])

# --- scband reference (transcript-rebuilt; emitter-appended) ---
"""Pipeline reference for scband-learnable-positional-encoding-75814762709794 (READ-ONLY COPY).

The authoritative reference and input builder live on the scoring server;
editing this copy changes nothing except your own understanding.
"""

import jax, jax.numpy as jnp
import numpy as np

D_MODEL = 1024
MAX_LEN = 4096
BATCH = 4
SEQ_LEN = 4096


def setup_inputs(seed: int = 0) -> dict:
    key = jax.random.key(seed)
    k_x, k_pe = jax.random.split(key)
    x = jax.random.normal(k_x, (BATCH, SEQ_LEN, D_MODEL), dtype=jnp.float32)
    # Learned positional embedding table (nn.Embedding(max_len, d_model))
    pe = jax.random.normal(k_pe, (MAX_LEN, D_MODEL), dtype=jnp.float32)
    return {"x": x, "pe": pe}


def reference(x, pe):
    # seq_len = x.size(1); positions = arange(seq_len); out = x + pe(positions)
    # dropout p=0.0 -> identity
    seq_len = x.shape[1]
    positions = jnp.arange(seq_len)
    pos_emb = jnp.take(pe, positions, axis=0)  # [S, D] gather from embedding table
    return x + pos_emb[None, :, :]

if __name__ == "__main__":
    import jax
    _d = setup_inputs()
    print(jax.jit(kernel)(*tuple(_d.values())))

</pallas_src>

<mosaic_0001>
#map = affine_map<(d0, d1) -> (0, 0, 0)>
#map1 = affine_map<(d0, d1) -> (0, 0)>
module attributes {stable_mosaic.version = 14 : i64} {
  func.func @_sc_body(%arg0: i32, %arg1: i32, %arg2: memref<4x4096x1024xf32, #tpu.memory_space<hbm>>, %arg3: memref<4096x1024xf32, #tpu.memory_space<hbm>>, %arg4: memref<4x4096x1024xf32, #tpu.memory_space<hbm>>, %arg5: memref<16x1024xf32, #tpu.memory_space<vmem>>, %arg6: memref<16x1024xf32, #tpu.memory_space<vmem>>, %arg7: memref<16x1024xf32, #tpu.memory_space<vmem>>, %arg8: memref<16x1024xf32, #tpu.memory_space<vmem>>, %arg9: memref<16x1024xf32, #tpu.memory_space<vmem>>, %arg10: memref<16x1024xf32, #tpu.memory_space<vmem>>, %arg11: memref<16x1024xf32, #tpu.memory_space<vmem>>, %arg12: memref<!tpu.dma_semaphore, #tpu.memory_space<semaphore_mem>>, %arg13: memref<!tpu.dma_semaphore, #tpu.memory_space<semaphore_mem>>, %arg14: memref<!tpu.dma_semaphore, #tpu.memory_space<semaphore_mem>>, %arg15: memref<!tpu.dma_semaphore, #tpu.memory_space<semaphore_mem>>, %arg16: memref<!tpu.dma_semaphore, #tpu.memory_space<semaphore_mem>>, %arg17: memref<!tpu.dma_semaphore, #tpu.memory_space<semaphore_mem>>, %arg18: memref<!tpu.dma_semaphore, #tpu.memory_space<semaphore_mem>>, %arg19: memref<!tpu.dma_semaphore, #tpu.memory_space<semaphore_mem>>, %arg20: memref<!tpu.dma_semaphore, #tpu.memory_space<semaphore_mem>>, %arg21: memref<!tpu.dma_semaphore, #tpu.memory_space<semaphore_mem>>, %arg22: memref<!tpu.dma_semaphore, #tpu.memory_space<semaphore_mem>>, %arg23: memref<!tpu.dma_semaphore, #tpu.memory_space<semaphore_mem>>) attributes {dimension_semantics = [#tpu.dimension_semantics<core_parallel>, #tpu.dimension_semantics<subcore_parallel>], iteration_bounds = array<i64: 2, 16>, scalar_prefetch = 0 : i64, scratch_operands = 19 : i64, tpu.core_type = #tpu.core_type<sc_vector_subcore>, window_params = [{transform_indices = #map}, {transform_indices = #map1}, {transform_indices = #map}]} {
    %mul3A = arith.constant 2 : i32
    %mul3A_0 = arith.muli %arg1, %mul3A : i32
    %add3A = arith.addi %mul3A_0, %arg0 : i32
    %mul3A_1 = arith.constant 128 : i32
    %mul3A_2 = arith.muli %add3A, %mul3A_1 : i32
    %add3A_3 = arith.constant 0 : i32
    %add3A_4 = arith.addi %mul3A_2, %add3A_3 : i32
    %dma_start3A = arith.constant 0 : i32
    %dma_start3A_5 = tpu.memref_slice %arg3[%add3A_4, %dma_start3A] : memref<4096x1024xf32, #tpu.memory_space<hbm>> -> memref<16x1024xf32, #tpu.memory_space<hbm>>
    %dma_start3A_6 = arith.constant 0 : i32
    %dma_start3A_7 = tpu.memref_slice %arg3[%add3A_4, %dma_start3A_6] : memref<4096x1024xf32, #tpu.memory_space<hbm>> -> memref<16x1024xf32, #tpu.memory_space<hbm>>
    tpu.enqueue_dma source(%dma_start3A_7 : memref<16x1024xf32, #tpu.memory_space<hbm>>) target(%arg10 : memref<16x1024xf32, #tpu.memory_space<vmem>>) target_semaphore(%arg22 : memref<!tpu.dma_semaphore, #tpu.memory_space<semaphore_mem>>)
    %add3A_8 = arith.constant 0 : i32
    %add3A_9 = arith.addi %mul3A_2, %add3A_8 : i32
    %dma_start3A_10 = arith.constant 0 : i32
    %dma_start3A_11 = arith.constant 0 : i32
    %dma_start3A_12 = tpu.memref_slice %arg2[%dma_start3A_10, %add3A_9, %dma_start3A_11] : memref<4x4096x1024xf32, #tpu.memory_space<hbm>> -> memref<1x16x1024xf32, #tpu.memory_space<hbm>>
    %dma_start3A_13 = tpu.memref_squeeze %dma_start3A_12 : memref<1x16x1024xf32, #tpu.memory_space<hbm>> -> memref<16x1024xf32, #tpu.memory_space<hbm>>
    %dma_start3A_14 = arith.constant 0 : i32
    %dma_start3A_15 = tpu.memref_slice %arg2[%dma_start3A_10, %add3A_9, %dma_start3A_14] : memref<4x4096x1024xf32, #tpu.memory_space<hbm>> -> memref<1x16x1024xf32, #tpu.memory_space<hbm>>
    %dma_start3A_16 = tpu.memref_squeeze %dma_start3A_15 : memref<1x16x1024xf32, #tpu.memory_space<hbm>> -> memref<16x1024xf32, #tpu.memory_space<hbm>>
    tpu.enqueue_dma source(%dma_start3A_16 : memref<16x1024xf32, #tpu.memory_space<hbm>>) target(%arg5 : memref<16x1024xf32, #tpu.memory_space<vmem>>) target_semaphore(%arg12 : memref<!tpu.dma_semaphore, #tpu.memory_space<semaphore_mem>>)
    %add3A_17 = arith.constant 0 : i32
    %add3A_18 = arith.addi %mul3A_2, %add3A_17 : i32
    %dma_start3A_19 = arith.constant 1 : i32
    %dma_start3A_20 = arith.constant 0 : i32
    %dma_start3A_21 = tpu.memref_slice %arg2[%dma_start3A_19, %add3A_18, %dma_start3A_20] : memref<4x4096x1024xf32, #tpu.memory_space<hbm>> -> memref<1x16x1024xf32, #tpu.memory_space<hbm>>
    %dma_start3A_22 = tpu.memref_squeeze %dma_start3A_21 : memref<1x16x1024xf32, #tpu.memory_space<hbm>> -> memref<16x1024xf32, #tpu.memory_space<hbm>>
    %dma_start3A_23 = arith.constant 0 : i32
    %dma_start3A_24 = tpu.memref_slice %arg2[%dma_start3A_19, %add3A_18, %dma_start3A_23] : memref<4x4096x1024xf32, #tpu.memory_space<hbm>> -> memref<1x16x1024xf32, #tpu.memory_space<hbm>>
    %dma_start3A_25 = tpu.memref_squeeze %dma_start3A_24 : memref<1x16x1024xf32, #tpu.memory_space<hbm>> -> memref<16x1024xf32, #tpu.memory_space<hbm>>
    tpu.enqueue_dma source(%dma_start3A_25 : memref<16x1024xf32, #tpu.memory_space<hbm>>) target(%arg6 : memref<16x1024xf32, #tpu.memory_space<vmem>>) target_semaphore(%arg13 : memref<!tpu.dma_semaphore, #tpu.memory_space<semaphore_mem>>)
    %add3A_26 = arith.constant 0 : i32
    %add3A_27 = arith.addi %mul3A_2, %add3A_26 : i32
    %dma_start3A_28 = arith.constant 2 : i32
    %dma_start3A_29 = arith.constant 0 : i32
    %dma_start3A_30 = tpu.memref_slice %arg2[%dma_start3A_28, %add3A_27, %dma_start3A_29] : memref<4x4096x1024xf32, #tpu.memory_space<hbm>> -> memref<1x16x1024xf32, #tpu.memory_space<hbm>>
    %dma_start3A_31 = tpu.memref_squeeze %dma_start3A_30 : memref<1x16x1024xf32, #tpu.memory_space<hbm>> -> memref<16x1024xf32, #tpu.memory_space<hbm>>
    %dma_start3A_32 = arith.constant 0 : i32
    %dma_start3A_33 = tpu.memref_slice %arg2[%dma_start3A_28, %add3A_27, %dma_start3A_32] : memref<4x4096x1024xf32, #tpu.memory_space<hbm>> -> memref<1x16x1024xf32, #tpu.memory_space<hbm>>
    %dma_start3A_34 = tpu.memref_squeeze %dma_start3A_33 : memref<1x16x1024xf32, #tpu.memory_space<hbm>> -> memref<16x1024xf32, #tpu.memory_space<hbm>>
    tpu.enqueue_dma source(%dma_start3A_34 : memref<16x1024xf32, #tpu.memory_space<hbm>>) target(%arg7 : memref<16x1024xf32, #tpu.memory_space<vmem>>) target_semaphore(%arg14 : memref<!tpu.dma_semaphore, #tpu.memory_space<semaphore_mem>>)
    %add3A_35 = arith.constant 0 : i32
    %add3A_36 = arith.addi %mul3A_2, %add3A_35 : i32
    %dma_wait3A = arith.constant 0 : i32
    %dma_wait3A_37 = tpu.memref_slice %arg3[%add3A_36, %dma_wait3A] : memref<4096x1024xf32, #tpu.memory_space<hbm>> -> memref<16x1024xf32, #tpu.memory_space<hbm>>
    %dma_wait3A_38 = arith.constant 0 : i32
    %dma_wait3A_39 = tpu.memref_slice %arg3[%add3A_36, %dma_wait3A_38] : memref<4096x1024xf32, #tpu.memory_space<hbm>> -> memref<16x1024xf32, #tpu.memory_space<hbm>>
    tpu.wait_dma2 semaphore(%arg22 : memref<!tpu.dma_semaphore, #tpu.memory_space<semaphore_mem>>) src(%dma_wait3A_39 : memref<16x1024xf32, #tpu.memory_space<hbm>>) dst(%arg10 : memref<16x1024xf32, #tpu.memory_space<vmem>>)
    %add3A_40 = arith.constant 16 : i32
    %add3A_41 = arith.addi %mul3A_2, %add3A_40 : i32
    %dma_start3A_42 = arith.constant 0 : i32
    %dma_start3A_43 = tpu.memref_slice %arg3[%add3A_41, %dma_start3A_42] : memref<4096x1024xf32, #tpu.memory_space<hbm>> -> memref<16x1024xf32, #tpu.memory_space<hbm>>
    %dma_start3A_44 = arith.constant 0 : i32
    %dma_start3A_45 = tpu.memref_slice %arg3[%add3A_41, %dma_start3A_44] : memref<4096x1024xf32, #tpu.memory_space<hbm>> -> memref<16x1024xf32, #tpu.memory_space<hbm>>
    tpu.enqueue_dma source(%dma_start3A_45 : memref<16x1024xf32, #tpu.memory_space<hbm>>) target(%arg11 : memref<16x1024xf32, #tpu.memory_space<vmem>>) target_semaphore(%arg23 : memref<!tpu.dma_semaphore, #tpu.memory_space<semaphore_mem>>)
    %add3A_46 = arith.constant 0 : i32
    %add3A_47 = arith.addi %mul3A_2, %add3A_46 : i32
    %dma_wait3A_48 = arith.constant 0 : i32
    %dma_wait3A_49 = arith.constant 0 : i32
    %dma_wait3A_50 = tpu.memref_slice %arg2[%dma_wait3A_48, %add3A_47, %dma_wait3A_49] : memref<4x4096x1024xf32, #tpu.memory_space<hbm>> -> memref<1x16x1024xf32, #tpu.memory_space<hbm>>
    %dma_wait3A_51 = tpu.memref_squeeze %dma_wait3A_50 : memref<1x16x1024xf32, #tpu.memory_space<hbm>> -> memref<16x1024xf32, #tpu.memory_space<hbm>>
    %dma_wait3A_52 = arith.constant 0 : i32
    %dma_wait3A_53 = tpu.memref_slice %arg2[%dma_wait3A_48, %add3A_47, %dma_wait3A_52] : memref<4x4096x1024xf32, #tpu.memory_space<hbm>> -> memref<1x16x1024xf32, #tpu.memory_space<hbm>>
    %dma_wait3A_54 = tpu.memref_squeeze %dma_wait3A_53 : memref<1x16x1024xf32, #tpu.memory_space<hbm>> -> memref<16x1024xf32, #tpu.memory_space<hbm>>
    tpu.wait_dma2 semaphore(%arg12 : memref<!tpu.dma_semaphore, #tpu.memory_space<semaphore_mem>>) src(%dma_wait3A_54 : memref<16x1024xf32, #tpu.memory_space<hbm>>) dst(%arg5 : memref<16x1024xf32, #tpu.memory_space<vmem>>)
    %parallel_loop3A = arith.constant 0 : i32
    %parallel_loop3A_55 = arith.constant 16 : i32
    %parallel_loop3A_56 = arith.constant 1 : i32
    scf.for %parallel_loop3A_1344 = %parallel_loop3A to %parallel_loop3A_55 step %parallel_loop3A_56  : i32 {
      %parallel_loop3A_1345 = arith.constant 0 : i32
      %parallel_loop3A_1346 = arith.constant 1024 : i32
      %parallel_loop3A_1347 = arith.constant 16 : i32
      scf.for %parallel_loop3A_1348 = %parallel_loop3A_1345 to %parallel_loop3A_1346 step %parallel_loop3A_1347  : i32 {
        %parallel_loop3A_1349 = arith.index_cast %parallel_loop3A_1344 : i32 to index
        %parallel_loop3A_1350 = arith.index_cast %parallel_loop3A_1348 : i32 to index
        %parallel_loop3A_1351 = tpu.vector_load %arg10[%parallel_loop3A_1349, %parallel_loop3A_1350] {strides = array<i32>} : memref<16x1024xf32, #tpu.memory_space<vmem>>, vector<1x16xf32>,
        %parallel_loop3A_1352 = vector.shape_cast %parallel_loop3A_1351 : vector<1x16xf32> to vector<16xf32>
        %parallel_loop3A_1353 = arith.index_cast %parallel_loop3A_1344 : i32 to index
        %parallel_loop3A_1354 = arith.index_cast %parallel_loop3A_1348 : i32 to index
        %parallel_loop3A_1355 = tpu.vector_load %arg5[%parallel_loop3A_1353, %parallel_loop3A_1354] {strides = array<i32>} : memref<16x1024xf32, #tpu.memory_space<vmem>>, vector<1x16xf32>,
        %parallel_loop3A_1356 = vector.shape_cast %parallel_loop3A_1355 : vector<1x16xf32> to vector<16xf32>
        %parallel_loop3A_1357 = vector.shape_cast %parallel_loop3A_1352 : vector<16xf32> to vector<1x16xf32>
        tpu.vector_store %arg5[%parallel_loop3A_1353, %parallel_loop3A_1354], %parallel_loop3A_1357 {add = true, strides = array<i32>} : memref<16x1024xf32, #tpu.memory_space<vmem>>, vector<1x16xf32>,
      } {sc.loop_unroll_factor = 16 : i64, sc.parallel_access}
    } {sc.loop_unroll_factor = 1 : i64, sc.parallel_access}
    %add3A_57 = arith.constant 0 : i32
    %add3A_58 = arith.addi %mul3A_2, %add3A_57 : i32
    %dma_start3A_59 = arith.constant 0 : i32
    %dma_start3A_60 = arith.constant 0 : i32
    %dma_start3A_61 = tpu.memref_slice %arg4[%dma_start3A_59, %add3A_58, %dma_start3A_60] : memref<4x4096x1024xf32, #tpu.memory_space<hbm>> -> memref<1x16x1024xf32, #tpu.memory_space<hbm>>
    %dma_start3A_62 = tpu.memref_squeeze %dma_start3A_61 : memref<1x16x1024xf32, #tpu.memory_space<hbm>> -> memref<16x1024xf32, #tpu.memory_space<hbm>>
    %dma_start3A_63 = arith.constant 0 : i32
    %dma_start3A_64 = tpu.memref_slice %arg4[%dma_start3A_59, %add3A_58, %dma_start3A_63] : memref<4x4096x1024xf32, #tpu.memory_space<hbm>> -> memref<1x16x1024xf32, #tpu.memory_space<hbm>>
    %dma_start3A_65 = tpu.memref_squeeze %dma_start3A_64 : memref<1x16x1024xf32, #tpu.memory_space<hbm>> -> memref<16x1024xf32, #tpu.memory_space<hbm>>
    tpu.enqueue_dma source(%arg5 : memref<16x1024xf32, #tpu.memory_space<vmem>>) target(%dma_start3A_65 : memref<16x1024xf32, #tpu.memory_space<hbm>>) target_semaphore(%arg17 : memref<!tpu.dma_semaphore, #tpu.memory_space<semaphore_mem>>)
    %add3A_66 = arith.constant 0 : i32
    %add3A_67 = arith.addi %mul3A_2, %add3A_66 : i32
    %dma_start3A_68 = arith.constant 3 : i32
    %dma_start3A_69 = arith.constant 0 : i32
    %dma_start3A_70 = tpu.memref_slice %arg2[%dma_start3A_68, %add3A_67, %dma_start3A_69] : memref<4x4096x1024xf32, #tpu.memory_space<hbm>> -> memref<1x16x1024xf32, #tpu.memory_space<hbm>>
    %dma_start3A_71 = tpu.memref_squeeze %dma_start3A_70 : memref<1x16x1024xf32, #tpu.memory_space<hbm>> -> memref<16x1024xf32, #tpu.memory_space<hbm>>
    %dma_start3A_72 = arith.constant 0 : i32
    %dma_start3A_73 = tpu.memref_slice %arg2[%dma_start3A_68, %add3A_67, %dma_start3A_72] : memref<4x4096x1024xf32, #tpu.memory_space<hbm>> -> memref<1x16x1024xf32, #tpu.memory_space<hbm>>
    %dma_start3A_74 = tpu.memref_squeeze %dma_start3A_73 : memref<1x16x1024xf32, #tpu.memory_space<hbm>> -> memref<16x1024xf32, #tpu.memory_space<hbm>>
    tpu.enqueue_dma source(%dma_start3A_74 : memref<16x1024xf32, #tpu.memory_space<hbm>>) target(%arg8 : memref<16x1024xf32, #tpu.memory_space<vmem>>) target_semaphore(%arg15 : memref<!tpu.dma_semaphore, #tpu.memory_space<semaphore_mem>>)
    %add3A_75 = arith.constant 0 : i32
    %add3A_76 = arith.addi %mul3A_2, %add3A_75 : i32
    %dma_wait3A_77 = arith.constant 1 : i32
    %dma_wait3A_78 = arith.constant 0 : i32
    %dma_wait3A_79 = tpu.memref_slice %arg2[%dma_wait3A_77, %add3A_76, %dma_wait3A_78] : memref<4x4096x1024xf32, #tpu.memory_space<hbm>> -> memref<1x16x1024xf32, #tpu.memory_space<hbm>>
    %dma_wait3A_80 = tpu.memref_squeeze %dma_wait3A_79 : memref<1x16x1024xf32, #tpu.memory_space<hbm>> -> memref<16x1024xf32, #tpu.memory_space<hbm>>
    %dma_wait3A_81 = arith.constant 0 : i32
    %dma_wait3A_82 = tpu.memref_slice %arg2[%dma_wait3A_77, %add3A_76, %dma_wait3A_81] : memref<4x4096x1024xf32, #tpu.memory_space<hbm>> -> memref<1x16x1024xf32, #tpu.memory_space<hbm>>
    %dma_wait3A_83 = tpu.memref_squeeze %dma_wait3A_82 : memref<1x16x1024xf32, #tpu.memory_space<hbm>> -> memref<16x1024xf32, #tpu.memory_space<hbm>>
    tpu.wait_dma2 semaphore(%arg13 : memref<!tpu.dma_semaphore, #tpu.memory_space<semaphore_mem>>) src(%dma_wait3A_83 : memref<16x1024xf32, #tpu.memory_space<hbm>>) dst(%arg6 : memref<16x1024xf32, #tpu.memory_space<vmem>>)
    %parallel_loop3A_84 = arith.constant 0 : i32
    %parallel_loop3A_85 = arith.constant 16 : i32
    %parallel_loop3A_86 = arith.constant 1 : i32
    scf.for %parallel_loop3A_1344 = %parallel_loop3A_84 to %parallel_loop3A_85 step %parallel_loop3A_86  : i32 {
      %parallel_loop3A_1345 = arith.constant 0 : i32
      %parallel_loop3A_1346 = arith.constant 1024 : i32
      %parallel_loop3A_1347 = arith.constant 16 : i32
      scf.for %parallel_loop3A_1348 = %parallel_loop3A_1345 to %parallel_loop3A_1346 step %parallel_loop3A_1347  : i32 {
        %parallel_loop3A_1349 = arith.index_cast %parallel_loop3A_1344 : i32 to index
        %parallel_loop3A_1350 = arith.index_cast %parallel_loop3A_1348 : i32 to index
        %parallel_loop3A_1351 = tpu.vector_load %arg10[%parallel_loop3A_1349, %parallel_loop3A_1350] {strides = array<i32>} : memref<16x1024xf32, #tpu.memory_space<vmem>>, vector<1x16xf32>,
        %parallel_loop3A_1352 = vector.shape_cast %parallel_loop3A_1351 : vector<1x16xf32> to vector<16xf32>
        %parallel_loop3A_1353 = arith.index_cast %parallel_loop3A_1344 : i32 to index
        %parallel_loop3A_1354 = arith.index_cast %parallel_loop3A_1348 : i32 to index
        %parallel_loop3A_1355 = tpu.vector_load %arg6[%parallel_loop3A_1353, %parallel_loop3A_1354] {strides = array<i32>} : memref<16x1024xf32, #tpu.memory_space<vmem>>, vector<1x16xf32>,
        %parallel_loop3A_1356 = vector.shape_cast %parallel_loop3A_1355 : vector<1x16xf32> to vector<16xf32>
        %parallel_loop3A_1357 = vector.shape_cast %parallel_loop3A_1352 : vector<16xf32> to vector<1x16xf32>
        tpu.vector_store %arg6[%parallel_loop3A_1353, %parallel_loop3A_1354], %parallel_loop3A_1357 {add = true, strides = array<i32>} : memref<16x1024xf32, #tpu.memory_space<vmem>>, vector<1x16xf32>,
      } {sc.loop_unroll_factor = 16 : i64, sc.parallel_access}
    } {sc.loop_unroll_factor = 1 : i64, sc.parallel_access}
    %add3A_87 = arith.constant 0 : i32
    %add3A_88 = arith.addi %mul3A_2, %add3A_87 : i32
    %dma_start3A_89 = arith.constant 1 : i32
    %dma_start3A_90 = arith.constant 0 : i32
    %dma_start3A_91 = tpu.memref_slice %arg4[%dma_start3A_89, %add3A_88, %dma_start3A_90] : memref<4x4096x1024xf32, #tpu.memory_space<hbm>> -> memref<1x16x1024xf32, #tpu.memory_space<hbm>>
    %dma_start3A_92 = tpu.memref_squeeze %dma_start3A_91 : memref<1x16x1024xf32, #tpu.memory_space<hbm>> -> memref<16x1024xf32, #tpu.memory_space<hbm>>
    %dma_start3A_93 = arith.constant 0 : i32
    %dma_start3A_94 = tpu.memref_slice %arg4[%dma_start3A_89, %add3A_88, %dma_start3A_93] : memref<4x4096x1024xf32, #tpu.memory_space<hbm>> -> memref<1x16x1024xf32, #tpu.memory_space<hbm>>
    %dma_start3A_95 = tpu.memref_squeeze %dma_start3A_94 : memref<1x16x1024xf32, #tpu.memory_space<hbm>> -> memref<16x1024xf32, #tpu.memory_space<hbm>>
    tpu.enqueue_dma source(%arg6 : memref<16x1024xf32, #tpu.memory_space<vmem>>) target(%dma_start3A_95 : memref<16x1024xf32, #tpu.memory_space<hbm>>) target_semaphore(%arg18 : memref<!tpu.dma_semaphore, #tpu.memory_space<semaphore_mem>>)
    %add3A_96 = arith.constant 16 : i32
    %add3A_97 = arith.addi %mul3A_2, %add3A_96 : i32
    %dma_start3A_98 = arith.constant 0 : i32
    %dma_start3A_99 = arith.constant 0 : i32
    %dma_start3A_100 = tpu.memref_slice %arg2[%dma_start3A_98, %add3A_97, %dma_start3A_99] : memref<4x4096x1024xf32, #tpu.memory_space<hbm>> -> memref<1x16x1024xf32, #tpu.memory_space<hbm>>
    %dma_start3A_101 = tpu.memref_squeeze %dma_start3A_100 : memref<1x16x1024xf32, #tpu.memory_space<hbm>> -> memref<16x1024xf32, #tpu.memory_space<hbm>>
    %dma_start3A_102 = arith.constant 0 : i32
    %dma_start3A_103 = tpu.memref_slice %arg2[%dma_start3A_98, %add3A_97, %dma_start3A_102] : memref<4x4096x1024xf32, #tpu.memory_space<hbm>> -> memref<1x16x1024xf32, #tpu.memory_space<hbm>>
    %dma_start3A_104 = tpu.memref_squeeze %dma_start3A_103 : memref<1x16x1024xf32, #tpu.memory_space<hbm>> -> memref<16x1024xf32, #tpu.memory_space<hbm>>
    tpu.enqueue_dma source(%dma_start3A_104 : memref<16x1024xf32, #tpu.memory_space<hbm>>) target(%arg9 : memref<16x1024xf32, #tpu.memory_space<vmem>>) target_semaphore(%arg16 : memref<!tpu.dma_semaphore, #tpu.memory_space<semaphore_mem>>)
    %add3A_105 = arith.constant 0 : i32
    %add3A_106 = arith.addi %mul3A_2, %add3A_105 : i32
    %dma_wait3A_107 = arith.constant 2 : i32
    %dma_wait3A_108 = arith.constant 0 : i32
    %dma_wait3A_109 = tpu.memref_slice %arg2[%dma_wait3A_107, %add3A_106, %dma_wait3A_108] : memref<4x4096x1024xf32, #tpu.memory_space<hbm>> -> memref<1x16x1024xf32, #tpu.memory_space<hbm>>
    %dma_wait3A_110 = tpu.memref_squeeze %dma_wait3A_109 : memref<1x16x1024xf32, #tpu.memory_space<hbm>> -> memref<16x1024xf32, #tpu.memory_space<hbm>>
    %dma_wait3A_111 = arith.constant 0 : i32
    %dma_wait3A_112 = tpu.memref_slice %arg2[%dma_wait3A_107, %add3A_106, %dma_wait3A_111] : memref<4x4096x1024xf32, #tpu.memory_space<hbm>> -> memref<1x16x1024xf32, #tpu.memory_space<hbm>>
    %dma_wait3A_113 = tpu.memref_squeeze %dma_wait3A_112 : memref<1x16x1024xf32, #tpu.memory_space<hbm>> -> memref<16x1024xf32, #tpu.memory_space<hbm>>
    tpu.wait_dma2 semaphore(%arg14 : memref<!tpu.dma_semaphore, #tpu.memory_space<semaphore_mem>>) src(%dma_wait3A_113 : memref<16x1024xf32, #tpu.memory_space<hbm>>) dst(%arg7 : memref<16x1024xf32, #tpu.memory_space<vmem>>)
    %parallel_loop3A_114 = arith.constant 0 : i32
    %parallel_loop3A_115 = arith.constant 16 : i32
    %parallel_loop3A_116 = arith.constant 1 : i32
    scf.for %parallel_loop3A_1344 = %parallel_loop3A_114 to %parallel_loop3A_115 step %parallel_loop3A_116  : i32 {
      %parallel_loop3A_1345 = arith.constant 0 : i32
      %parallel_loop3A_1346 = arith.constant 1024 : i32
      %parallel_loop3A_1347 = arith.constant 16 : i32
      scf.for %parallel_loop3A_1348 = %parallel_loop3A_1345 to %parallel_loop3A_1346 step %parallel_loop3A_1347  : i32 {
        %parallel_loop3A_1349 = arith.index_cast %parallel_loop3A_1344 : i32 to index
        %parallel_loop3A_1350 = arith.index_cast %parallel_loop3A_1348 : i32 to index
        %parallel_loop3A_1351 = tpu.vector_load %arg10[%parallel_loop3A_1349, %parallel_loop3A_1350] {strides = array<i32>} : memref<16x1024xf32, #tpu.memory_space<vmem>>, vector<1x16xf32>,
        %parallel_loop3A_1352 = vector.shape_cast %parallel_loop3A_1351 : vector<1x16xf32> to vector<16xf32>
        %parallel_loop3A_1353 = arith.index_cast %parallel_loop3A_1344 : i32 to index
        %parallel_loop3A_1354 = arith.index_cast %parallel_loop3A_1348 : i32 to index
        %parallel_loop3A_1355 = tpu.vector_load %arg7[%parallel_loop3A_1353, %parallel_loop3A_1354] {strides = array<i32>} : memref<16x1024xf32, #tpu.memory_space<vmem>>, vector<1x16xf32>,
        %parallel_loop3A_1356 = vector.shape_cast %parallel_loop3A_1355 : vector<1x16xf32> to vector<16xf32>
        %parallel_loop3A_1357 = vector.shape_cast %parallel_loop3A_1352 : vector<16xf32> to vector<1x16xf32>
        tpu.vector_store %arg7[%parallel_loop3A_1353, %parallel_loop3A_1354], %parallel_loop3A_1357 {add = true, strides = array<i32>} : memref<16x1024xf32, #tpu.memory_space<vmem>>, vector<1x16xf32>,
      } {sc.loop_unroll_factor = 16 : i64, sc.parallel_access}
    } {sc.loop_unroll_factor = 1 : i64, sc.parallel_access}
    %add3A_117 = arith.constant 0 : i32
    %add3A_118 = arith.addi %mul3A_2, %add3A_117 : i32
    %dma_start3A_119 = arith.constant 2 : i32
    %dma_start3A_120 = arith.constant 0 : i32
    %dma_start3A_121 = tpu.memref_slice %arg4[%dma_start3A_119, %add3A_118, %dma_start3A_120] : memref<4x4096x1024xf32, #tpu.memory_space<hbm>> -> memref<1x16x1024xf32, #tpu.memory_space<hbm>>
    %dma_start3A_122 = tpu.memref_squeeze %dma_start3A_121 : memref<1x16x1024xf32, #tpu.memory_space<hbm>> -> memref<16x1024xf32, #tpu.memory_space<hbm>>
    %dma_start3A_123 = arith.constant 0 : i32
    %dma_start3A_124 = tpu.memref_slice %arg4[%dma_start3A_119, %add3A_118, %dma_start3A_123] : memref<4x4096x1024xf32, #tpu.memory_space<hbm>> -> memref<1x16x1024xf32, #tpu.memory_space<hbm>>
    %dma_start3A_125 = tpu.memref_squeeze %dma_start3A_124 : memref<1x16x1024xf32, #tpu.memory_space<hbm>> -> memref<16x1024xf32, #tpu.memory_space<hbm>>
    tpu.enqueue_dma source(%arg7 : memref<16x1024xf32, #tpu.memory_space<vmem>>) target(%dma_start3A_125 : memref<16x1024xf32, #tpu.memory_space<hbm>>) target_semaphore(%arg19 : memref<!tpu.dma_semaphore, #tpu.memory_space<semaphore_mem>>)
    %add3A_126 = arith.constant 0 : i32
    %add3A_127 = arith.addi %mul3A_2, %add3A_126 : i32
    %dma_wait3A_128 = arith.constant 0 : i32
    %dma_wait3A_129 = arith.constant 0 : i32
    %dma_wait3A_130 = tpu.memref_slice %arg4[%dma_wait3A_128, %add3A_127, %dma_wait3A_129] : memref<4x4096x1024xf32, #tpu.memory_space<hbm>> -> memref<1x16x1024xf32, #tpu.memory_space<hbm>>
    %dma_wait3A_131 = tpu.memref_squeeze %dma_wait3A_130 : memref<1x16x1024xf32, #tpu.memory_space<hbm>> -> memref<16x1024xf32, #tpu.memory_space<hbm>>
    %dma_wait3A_132 = arith.constant 0 : i32
    %dma_wait3A_133 = tpu.memref_slice %arg4[%dma_wait3A_128, %add3A_127, %dma_wait3A_132] : memref<4x4096x1024xf32, #tpu.memory_space<hbm>> -> memref<1x16x1024xf32, #tpu.memory_space<hbm>>
    %dma_wait3A_134 = tpu.memref_squeeze %dma_wait3A_133 : memref<1x16x1024xf32, #tpu.memory_space<hbm>> -> memref<16x1024xf32, #tpu.memory_space<hbm>>
    tpu.wait_dma2 semaphore(%arg17 : memref<!tpu.dma_semaphore, #tpu.memory_space<semaphore_mem>>) src(%arg5 : memref<16x1024xf32, #tpu.memory_space<vmem>>) dst(%dma_wait3A_134 : memref<16x1024xf32, #tpu.memory_space<hbm>>)
    %add3A_135 = arith.constant 16 : i32
    %add3A_136 = arith.addi %mul3A_2, %add3A_135 : i32
    %dma_start3A_137 = arith.constant 1 : i32
    %dma_start3A_138 = arith.constant 0 : i32
    %dma_start3A_139 = tpu.memref_slice %arg2[%dma_start3A_137, %add3A_136, %dma_start3A_138] : memref<4x4096x1024xf32, #tpu.memory_space<hbm>> -> memref<1x16x1024xf32, #tpu.memory_space<hbm>>
    %dma_start3A_140 = tpu.memref_squeeze %dma_start3A_139 : memref<1x16x1024xf32, #tpu.memory_space<hbm>> -> memref<16x1024xf32, #tpu.memory_space<hbm>>
    %dma_start3A_141 = arith.constant 0 : i32
    %dma_start3A_142 = tpu.memref_slice %arg2[%dma_start3A_137, %add3A_136, %dma_start3A_141] : memref<4x4096x1024xf32, #tpu.memory_space<hbm>> -> memref<1x16x1024xf32, #tpu.memory_space<hbm>>
    %dma_start3A_143 = tpu.memref_squeeze %dma_start3A_142 : memref<1x16x1024xf32, #tpu.memory_space<hbm>> -> memref<16x1024xf32, #tpu.memory_space<hbm>>
    tpu.enqueue_dma source(%dma_start3A_143 : memref<16x1024xf32, #tpu.memory_space<hbm>>) target(%arg5 : memref<16x1024xf32, #tpu.memory_space<vmem>>) target_semaphore(%arg12 : memref<!tpu.dma_semaphore, #tpu.memory_space<semaphore_mem>>)
    %add3A_144 = arith.constant 0 : i32
    %add3A_145 = arith.addi %mul3A_2, %add3A_144 : i32
    %dma_wait3A_146 = arith.constant 3 : i32
    %dma_wait3A_147 = arith.constant 0 : i32
    %dma_wait3A_148 = tpu.memref_slice %arg2[%dma_wait3A_146, %add3A_145, %dma_wait3A_147] : memref<4x4096x1024xf32, #tpu.memory_space<hbm>> -> memref<1x16x1024xf32, #tpu.memory_space<hbm>>
    %dma_wait3A_149 = tpu.memref_squeeze %dma_wait3A_148 : memref<1x16x1024xf32, #tpu.memory_space<hbm>> -> memref<16x1024xf32, #tpu.memory_space<hbm>>
    %dma_wait3A_150 = arith.constant 0 : i32
    %dma_wait3A_151 = tpu.memref_slice %arg2[%dma_wait3A_146, %add3A_145, %dma_wait3A_150] : memref<4x4096x1024xf32, #tpu.memory_space<hbm>> -> memref<1x16x1024xf32, #tpu.memory_space<hbm>>
    %dma_wait3A_152 = tpu.memref_squeeze %dma_wait3A_151 : memref<1x16x1024xf32, #tpu.memory_space<hbm>> -> memref<16x1024xf32, #tpu.memory_space<hbm>>
    tpu.wait_dma2 semaphore(%arg15 : memref<!tpu.dma_semaphore, #tpu.memory_space<semaphore_mem>>) src(%dma_wait3A_152 : memref<16x1024xf32, #tpu.memory_space<hbm>>) dst(%arg8 : memref<16x1024xf32, #tpu.memory_space<vmem>>)
    %parallel_loop3A_153 = arith.constant 0 : i32
    %parallel_loop3A_154 = arith.constant 16 : i32
    %parallel_loop3A_155 = arith.constant 1 : i32
    scf.for %parallel_loop3A_1344 = %parallel_loop3A_153 to %parallel_loop3A_154 step %parallel_loop3A_155  : i32 {
      %parallel_loop3A_1345 = arith.constant 0 : i32
      %parallel_loop3A_1346 = arith.constant 1024 : i32
      %parallel_loop3A_1347 = arith.constant 16 : i32
      scf.for %parallel_loop3A_1348 = %parallel_loop3A_1345 to %parallel_loop3A_1346 step %parallel_loop3A_1347  : i32 {
        %parallel_loop3A_1349 = arith.index_cast %parallel_loop3A_1344 : i32 to index
        %parallel_loop3A_1350 = arith.index_cast %parallel_loop3A_1348 : i32 to index
        %parallel_loop3A_1351 = tpu.vector_load %arg10[%parallel_loop3A_1349, %parallel_loop3A_1350] {strides = array<i32>} : memref<16x1024xf32, #tpu.memory_space<vmem>>, vector<1x16xf32>,
        %parallel_loop3A_1352 = vector.shape_cast %parallel_loop3A_1351 : vector<1x16xf32> to vector<16xf32>
        %parallel_loop3A_1353 = arith.index_cast %parallel_loop3A_1344 : i32 to index
        %parallel_loop3A_1354 = arith.index_cast %parallel_loop3A_1348 : i32 to index
        %parallel_loop3A_1355 = tpu.vector_load %arg8[%parallel_loop3A_1353, %parallel_loop3A_1354] {strides = array<i32>} : memref<16x1024xf32, #tpu.memory_space<vmem>>, vector<1x16xf32>,
        %parallel_loop3A_1356 = vector.shape_cast %parallel_loop3A_1355 : vector<1x16xf32> to vector<16xf32>
        %parallel_loop3A_1357 = vector.shape_cast %parallel_loop3A_1352 : vector<16xf32> to vector<1x16xf32>
        tpu.vector_store %arg8[%parallel_loop3A_1353, %parallel_loop3A_1354], %parallel_loop3A_1357 {add = true, strides = array<i32>} : memref<16x1024xf32, #tpu.memory_space<vmem>>, vector<1x16xf32>,
      } {sc.loop_unroll_factor = 16 : i64, sc.parallel_access}
    } {sc.loop_unroll_factor = 1 : i64, sc.parallel_access}
    %add3A_156 = arith.constant 0 : i32
    %add3A_157 = arith.addi %mul3A_2, %add3A_156 : i32
    %dma_start3A_158 = arith.constant 3 : i32
    %dma_start3A_159 = arith.constant 0 : i32
    %dma_start3A_160 = tpu.memref_slice %arg4[%dma_start3A_158, %add3A_157, %dma_start3A_159] : memref<4x4096x1024xf32, #tpu.memory_space<hbm>> -> memref<1x16x1024xf32, #tpu.memory_space<hbm>>
    %dma_start3A_161 = tpu.memref_squeeze %dma_start3A_160 : memref<1x16x1024xf32, #tpu.memory_space<hbm>> -> memref<16x1024xf32, #tpu.memory_space<hbm>>
    %dma_start3A_162 = arith.constant 0 : i32
    %dma_start3A_163 = tpu.memref_slice %arg4[%dma_start3A_158, %add3A_157, %dma_start3A_162] : memref<4x4096x1024xf32, #tpu.memory_space<hbm>> -> memref<1x16x1024xf32, #tpu.memory_space<hbm>>
    %dma_start3A_164 = tpu.memref_squeeze %dma_start3A_163 : memref<1x16x1024xf32, #tpu.memory_space<hbm>> -> memref<16x1024xf32, #tpu.memory_space<hbm>>
    tpu.enqueue_dma source(%arg8 : memref<16x1024xf32, #tpu.memory_space<vmem>>) target(%dma_start3A_164 : memref<16x1024xf32, #tpu.memory_space<hbm>>) target_semaphore(%arg20 : memref<!tpu.dma_semaphore, #tpu.memory_space<semaphore_mem>>)
    %add3A_165 = arith.constant 0 : i32
    %add3A_166 = arith.addi %mul3A_2, %add3A_165 : i32
    %dma_wait3A_167 = arith.constant 1 : i32
    %dma_wait3A_168 = arith.constant 0 : i32
    %dma_wait3A_169 = tpu.memref_slice %arg4[%dma_wait3A_167, %add3A_166, %dma_wait3A_168] : memref<4x4096x1024xf32, #tpu.memory_space<hbm>> -> memref<1x16x1024xf32, #tpu.memory_space<hbm>>
    %dma_wait3A_170 = tpu.memref_squeeze %dma_wait3A_169 : memref<1x16x1024xf32, #tpu.memory_space<hbm>> -> memref<16x1024xf32, #tpu.memory_space<hbm>>
    %dma_wait3A_171 = arith.constant 0 : i32
    %dma_wait3A_172 = tpu.memref_slice %arg4[%dma_wait3A_167, %add3A_166, %dma_wait3A_171] : memref<4x4096x1024xf32, #tpu.memory_space<hbm>> -> memref<1x16x1024xf32, #tpu.memory_space<hbm>>
    %dma_wait3A_173 = tpu.memref_squeeze %dma_wait3A_172 : memref<1x16x1024xf32, #tpu.memory_space<hbm>> -> memref<16x1024xf32, #tpu.memory_space<hbm>>
    tpu.wait_dma2 semaphore(%arg18 : memref<!tpu.dma_semaphore, #tpu.memory_space<semaphore_mem>>) src(%arg6 : memref<16x1024xf32, #tpu.memory_space<vmem>>) dst(%dma_wait3A_173 : memref<16x1024xf32, #tpu.memory_space<hbm>>)
    %add3A_174 = arith.constant 16 : i32
    %add3A_175 = arith.addi %mul3A_2, %add3A_174 : i32
    %dma_start3A_176 = arith.constant 2 : i32
    %dma_start3A_177 = arith.constant 0 : i32
    %dma_start3A_178 = tpu.memref_slice %arg2[%dma_start3A_176, %add3A_175, %dma_start3A_177] : memref<4x4096x1024xf32, #tpu.memory_space<hbm>> -> memref<1x16x1024xf32, #tpu.memory_space<hbm>>
    %dma_start3A_179 = tpu.memref_squeeze %dma_start3A_178 : memref<1x16x1024xf32, #tpu.memory_space<hbm>> -> memref<16x1024xf32, #tpu.memory_space<hbm>>
    %dma_start3A_180 = arith.constant 0 : i32
    %dma_start3A_181 = tpu.memref_slice %arg2[%dma_start3A_176, %add3A_175, %dma_start3A_180] : memref<4x4096x1024xf32, #tpu.memory_space<hbm>> -> memref<1x16x1024xf32, #tpu.memory_space<hbm>>
    %dma_start3A_182 = tpu.memref_squeeze %dma_start3A_181 : memref<1x16x1024xf32, #tpu.memory_space<hbm>> -> memref<16x1024xf32, #tpu.memory_space<hbm>>
    tpu.enqueue_dma source(%dma_start3A_182 : memref<16x1024xf32, #tpu.memory_space<hbm>>) target(%arg6 : memref<16x1024xf32, #tpu.memory_space<vmem>>) target_semaphore(%arg13 : memref<!tpu.dma_semaphore, #tpu.memory_space<semaphore_mem>>)
    %add3A_183 = arith.constant 16 : i32
    %add3A_184 = arith.addi %mul3A_2, %add3A_183 : i32
    %dma_wait3A_185 = arith.constant 0 : i32
    %dma_wait3A_186 = tpu.memref_slice %arg3[%add3A_184, %dma_wait3A_185] : memref<4096x1024xf32, #tpu.memory_space<hbm>> -> memref<16x1024xf32, #tpu.memory_space<hbm>>
    %dma_wait3A_187 = arith.constant 0 : i32
    %dma_wait3A_188 = tpu.memref_slice %arg3[%add3A_184, %dma_wait3A_187] : memref<4096x1024xf32, #tpu.memory_space<hbm>> -> memref<16x1024xf32, #tpu.memory_space<hbm>>
    tpu.wait_dma2 semaphore(%arg23 : memref<!tpu.dma_semaphore, #tpu.memory_space<semaphore_mem>>) src(%dma_wait3A_188 : memref<16x1024xf32, #tpu.memory_space<hbm>>) dst(%arg11 : memref<16x1024xf32, #tpu.memory_space<vmem>>)
    %add3A_189 = arith.constant 32 : i32
    %add3A_190 = arith.addi %mul3A_2, %add3A_189 : i32
    %dma_start3A_191 = arith.constant 0 : i32
    %dma_start3A_192 = tpu.memref_slice %arg3[%add3A_190, %dma_start3A_191] : memref<4096x1024xf32, #tpu.memory_space<hbm>> -> memref<16x1024xf32, #tpu.memory_space<hbm>>
    %dma_start3A_193 = arith.constant 0 : i32
    %dma_start3A_194 = tpu.memref_slice %arg3[%add3A_190, %dma_start3A_193] : memref<4096x1024xf32, #tpu.memory_space<hbm>> -> memref<16x1024xf32, #tpu.memory_space<hbm>>
    tpu.enqueue_dma source(%dma_start3A_194 : memref<16x1024xf32, #tpu.memory_space<hbm>>) target(%arg10 : memref<16x1024xf32, #tpu.memory_space<vmem>>) target_semaphore(%arg22 : memref<!tpu.dma_semaphore, #tpu.memory_space<semaphore_mem>>)
    %add3A_195 = arith.constant 16 : i32
    %add3A_196 = arith.addi %mul3A_2, %add3A_195 : i32
    %dma_wait3A_197 = arith.constant 0 : i32
    %dma_wait3A_198 = arith.constant 0 : i32
    %dma_wait3A_199 = tpu.memref_slice %arg2[%dma_wait3A_197, %add3A_196, %dma_wait3A_198] : memref<4x4096x1024xf32, #tpu.memory_space<hbm>> -> memref<1x16x1024xf32, #tpu.memory_space<hbm>>
    %dma_wait3A_200 = tpu.memref_squeeze %dma_wait3A_199 : memref<1x16x1024xf32, #tpu.memory_space<hbm>> -> memref<16x1024xf32, #tpu.memory_space<hbm>>
    %dma_wait3A_201 = arith.constant 0 : i32
    %dma_wait3A_202 = tpu.memref_slice %arg2[%dma_wait3A_197, %add3A_196, %dma_wait3A_201] : memref<4x4096x1024xf32, #tpu.memory_space<hbm>> -> memref<1x16x1024xf32, #tpu.memory_space<hbm>>
    %dma_wait3A_203 = tpu.memref_squeeze %dma_wait3A_202 : memref<1x16x1024xf32, #tpu.memory_space<hbm>> -> memref<16x1024xf32, #tpu.memory_space<hbm>>
    tpu.wait_dma2 semaphore(%arg16 : memref<!tpu.dma_semaphore, #tpu.memory_space<semaphore_mem>>) src(%dma_wait3A_203 : memref<16x1024xf32, #tpu.memory_space<hbm>>) dst(%arg9 : memref<16x1024xf32, #tpu.memory_space<vmem>>)
    %parallel_loop3A_204 = arith.constant 0 : i32
    %parallel_loop3A_205 = arith.constant 16 : i32
    %parallel_loop3A_206 = arith.constant 1 : i32
    scf.for %parallel_loop3A_1344 = %parallel_loop3A_204 to %parallel_loop3A_205 step %parallel_loop3A_206  : i32 {
      %parallel_loop3A_1345 = arith.constant 0 : i32
      %parallel_loop3A_1346 = arith.constant 1024 : i32
      %parallel_loop3A_1347 = arith.constant 16 : i32
      scf.for %parallel_loop3A_1348 = %parallel_loop3A_1345 to %parallel_loop3A_1346 step %parallel_loop3A_1347  : i32 {
        %parallel_loop3A_1349 = arith.index_cast %parallel_loop3A_1344 : i32 to index
        %parallel_loop3A_1350 = arith.index_cast %parallel_loop3A_1348 : i32 to index
        %parallel_loop3A_1351 = tpu.vector_load %arg11[%parallel_loop3A_1349, %parallel_loop3A_1350] {strides = array<i32>} : memref<16x1024xf32, #tpu.memory_space<vmem>>, vector<1x16xf32>,
        %parallel_loop3A_1352 = vector.shape_cast %parallel_loop3A_1351 : vector<1x16xf32> to vector<16xf32>
        %parallel_loop3A_1353 = arith.index_cast %parallel_loop3A_1344 : i32 to index
        %parallel_loop3A_1354 = arith.index_cast %parallel_loop3A_1348 : i32 to index
        %parallel_loop3A_1355 = tpu.vector_load %arg9[%parallel_loop3A_1353, %parallel_loop3A_1354] {strides = array<i32>} : memref<16x1024xf32, #tpu.memory_space<vmem>>, vector<1x16xf32>,
        %parallel_loop3A_1356 = vector.shape_cast %parallel_loop3A_1355 : vector<1x16xf32> to vector<16xf32>
        %parallel_loop3A_1357 = vector.shape_cast %parallel_loop3A_1352 : vector<16xf32> to vector<1x16xf32>
        tpu.vector_store %arg9[%parallel_loop3A_1353, %parallel_loop3A_1354], %parallel_loop3A_1357 {add = true, strides = array<i32>} : memref<16x1024xf32, #tpu.memory_space<vmem>>, vector<1x16xf32>,
      } {sc.loop_unroll_factor = 16 : i64, sc.parallel_access}
    } {sc.loop_unroll_factor = 1 : i64, sc.parallel_access}
    %add3A_207 = arith.constant 16 : i32
    %add3A_208 = arith.addi %mul3A_2, %add3A_207 : i32
    %dma_start3A_209 = arith.constant 0 : i32
    %dma_start3A_210 = arith.constant 0 : i32
    %dma_start3A_211 = tpu.memref_slice %arg4[%dma_start3A_209, %add3A_208, %dma_start3A_210] : memref<4x4096x1024xf32, #tpu.memory_space<hbm>> -> memref<1x16x1024xf32, #tpu.memory_space<hbm>>
    %dma_start3A_212 = tpu.memref_squeeze %dma_start3A_211 : memref<1x16x1024xf32, #tpu.memory_space<hbm>> -> memref<16x1024xf32, #tpu.memory_space<hbm>>
    %dma_start3A_213 = arith.constant 0 : i32
    %dma_start3A_214 = tpu.memref_slice %arg4[%dma_start3A_209, %add3A_208, %dma_start3A_213] : memref<4x4096x1024xf32, #tpu.memory_space<hbm>> -> memref<1x16x1024xf32, #tpu.memory_space<hbm>>
    %dma_start3A_215 = tpu.memref_squeeze %dma_start3A_214 : memref<1x16x1024xf32, #tpu.memory_space<hbm>> -> memref<16x1024xf32, #tpu.memory_space<hbm>>
    tpu.enqueue_dma source(%arg9 : memref<16x1024xf32, #tpu.memory_space<vmem>>) target(%dma_start3A_215 : memref<16x1024xf32, #tpu.memory_space<hbm>>) target_semaphore(%arg21 : memref<!tpu.dma_semaphore, #tpu.memory_space<semaphore_mem>>)
    %add3A_216 = arith.constant 0 : i32
    %add3A_217 = arith.addi %mul3A_2, %add3A_216 : i32
    %dma_wait3A_218 = arith.constant 2 : i32
    %dma_wait3A_219 = arith.constant 0 : i32
    %dma_wait3A_220 = tpu.memref_slice %arg4[%dma_wait3A_218, %add3A_217, %dma_wait3A_219] : memref<4x4096x1024xf32, #tpu.memory_space<hbm>> -> memref<1x16x1024xf32, #tpu.memory_space<hbm>>
    %dma_wait3A_221 = tpu.memref_squeeze %dma_wait3A_220 : memref<1x16x1024xf32, #tpu.memory_space<hbm>> -> memref<16x1024xf32, #tpu.memory_space<hbm>>
    %dma_wait3A_222 = arith.constant 0 : i32
    %dma_wait3A_223 = tpu.memref_slice %arg4[%dma_wait3A_218, %add3A_217, %dma_wait3A_222] : memref<4x4096x1024xf32, #tpu.memory_space<hbm>> -> memref<1x16x1024xf32, #tpu.memory_space<hbm>>
    %dma_wait3A_224 = tpu.memref_squeeze %dma_wait3A_223 : memref<1x16x1024xf32, #tpu.memory_space<hbm>> -> memref<16x1024xf32, #tpu.memory_space<hbm>>
    tpu.wait_dma2 semaphore(%arg19 : memref<!tpu.dma_semaphore, #tpu.memory_space<semaphore_mem>>) src(%arg7 : memref<16x1024xf32, #tpu.memory_space<vmem>>) dst(%dma_wait3A_224 : memref<16x1024xf32, #tpu.memory_space<hbm>>)
    %add3A_225 = arith.constant 16 : i32
    %add3A_226 = arith.addi %mul3A_2, %add3A_225 : i32
    %dma_start3A_227 = arith.constant 3 : i32
    %dma_start3A_228 = arith.constant 0 : i32
    %dma_start3A_229 = tpu.memref_slice %arg2[%dma_start3A_227, %add3A_226, %dma_start3A_228] : memref<4x4096x1024xf32, #tpu.memory_space<hbm>> -> memref<1x16x1024xf32, #tpu.memory_space<hbm>>
    %dma_start3A_230 = tpu.memref_squeeze %dma_start3A_229 : memref<1x16x1024xf32, #tpu.memory_space<hbm>> -> memref<16x1024xf32, #tpu.memory_space<hbm>>
    %dma_start3A_231 = arith.constant 0 : i32
    %dma_start3A_232 = tpu.memref_slice %arg2[%dma_start3A_227, %add3A_226, %dma_start3A_231] : memref<4x4096x1024xf32, #tpu.memory_space<hbm>> -> memref<1x16x1024xf32, #tpu.memory_space<hbm>>
    %dma_start3A_233 = tpu.memref_squeeze %dma_start3A_232 : memref<1x16x1024xf32, #tpu.memory_space<hbm>> -> memref<16x1024xf32, #tpu.memory_space<hbm>>
    tpu.enqueue_dma source(%dma_start3A_233 : memref<16x1024xf32, #tpu.memory_space<hbm>>) target(%arg7 : memref<16x1024xf32, #tpu.memory_space<vmem>>) target_semaphore(%arg14 : memref<!tpu.dma_semaphore, #tpu.memory_space<semaphore_mem>>)
    %add3A_234 = arith.constant 16 : i32
    %add3A_235 = arith.addi %mul3A_2, %add3A_234 : i32
    %dma_wait3A_236 = arith.constant 1 : i32
    %dma_wait3A_237 = arith.constant 0 : i32
    %dma_wait3A_238 = tpu.memref_slice %arg2[%dma_wait3A_236, %add3A_235, %dma_wait3A_237] : memref<4x4096x1024xf32, #tpu.memory_space<hbm>> -> memref<1x16x1024xf32, #tpu.memory_space<hbm>>
    %dma_wait3A_239 = tpu.memref_squeeze %dma_wait3A_238 : memref<1x16x1024xf32, #tpu.memory_space<hbm>> -> memref<16x1024xf32, #tpu.memory_space<hbm>>
    %dma_wait3A_240 = arith.constant 0 : i32
    %dma_wait3A_241 = tpu.memref_slice %arg2[%dma_wait3A_236, %add3A_235, %dma_wait3A_240] : memref<4x4096x1024xf32, #tpu.memory_space<hbm>> -> memref<1x16x1024xf32, #tpu.memory_space<hbm>>
    %dma_wait3A_242 = tpu.memref_squeeze %dma_wait3A_241 : memref<1x16x1024xf32, #tpu.memory_space<hbm>> -> memref<16x1024xf32, #tpu.memory_space<hbm>>
    tpu.wait_dma2 semaphore(%arg12 : memref<!tpu.dma_semaphore, #tpu.memory_space<semaphore_mem>>) src(%dma_wait3A_242 : memref<16x1024xf32, #tpu.memory_space<hbm>>) dst(%arg5 : memref<16x1024xf32, #tpu.memory_space<vmem>>)
    %parallel_loop3A_243 = arith.constant 0 : i32
    %parallel_loop3A_244 = arith.constant 16 : i32
    %parallel_loop3A_245 = arith.constant 1 : i32
    scf.for %parallel_loop3A_1344 = %parallel_loop3A_243 to %parallel_loop3A_244 step %parallel_loop3A_245  : i32 {
      %parallel_loop3A_1345 = arith.constant 0 : i32
      %parallel_loop3A_1346 = arith.constant 1024 : i32
      %parallel_loop3A_1347 = arith.constant 16 : i32
      scf.for %parallel_loop3A_1348 = %parallel_loop3A_1345 to %parallel_loop3A_1346 step %parallel_loop3A_1347  : i32 {
        %parallel_loop3A_1349 = arith.index_cast %parallel_loop3A_1344 : i32 to index
        %parallel_loop3A_1350 = arith.index_cast %parallel_loop3A_1348 : i32 to index
        %parallel_loop3A_1351 = tpu.vector_load %arg11[%parallel_loop3A_1349, %parallel_loop3A_1350] {strides = array<i32>} : memref<16x1024xf32, #tpu.memory_space<vmem>>, vector<1x16xf32>,
        %parallel_loop3A_1352 = vector.shape_cast %parallel_loop3A_1351 : vector<1x16xf32> to vector<16xf32>
        %parallel_loop3A_1353 = arith.index_cast %parallel_loop3A_1344 : i32 to index
        %parallel_loop3A_1354 = arith.index_cast %parallel_loop3A_1348 : i32 to index
        %parallel_loop3A_1355 = tpu.vector_load %arg5[%parallel_loop3A_1353, %parallel_loop3A_1354] {strides = array<i32>} : memref<16x1024xf32, #tpu.memory_space<vmem>>, vector<1x16xf32>,
        %parallel_loop3A_1356 = vector.shape_cast %parallel_loop3A_1355 : vector<1x16xf32> to vector<16xf32>
        %parallel_loop3A_1357 = vector.shape_cast %parallel_loop3A_1352 : vector<16xf32> to vector<1x16xf32>
        tpu.vector_store %arg5[%parallel_loop3A_1353, %parallel_loop3A_1354], %parallel_loop3A_1357 {add = true, strides = array<i32>} : memref<16x1024xf32, #tpu.memory_space<vmem>>, vector<1x16xf32>,
      } {sc.loop_unroll_factor = 16 : i64, sc.parallel_access}
    } {sc.loop_unroll_factor = 1 : i64, sc.parallel_access}
    %add3A_246 = arith.constant 16 : i32
    %add3A_247 = arith.addi %mul3A_2, %add3A_246 : i32
    %dma_start3A_248 = arith.constant 1 : i32
    %dma_start3A_249 = arith.constant 0 : i32
    %dma_start3A_250 = tpu.memref_slice %arg4[%dma_start3A_248, %add3A_247, %dma_start3A_249] : memref<4x4096x1024xf32, #tpu.memory_space<hbm>> -> memref<1x16x1024xf32, #tpu.memory_space<hbm>>
    %dma_start3A_251 = tpu.memref_squeeze %dma_start3A_250 : memref<1x16x1024xf32, #tpu.memory_space<hbm>> -> memref<16x1024xf32, #tpu.memory_space<hbm>>
    %dma_start3A_252 = arith.constant 0 : i32
    %dma_start3A_253 = tpu.memref_slice %arg4[%dma_start3A_248, %add3A_247, %dma_start3A_252] : memref<4x4096x1024xf32, #tpu.memory_space<hbm>> -> memref<1x16x1024xf32, #tpu.memory_space<hbm>>
    %dma_start3A_254 = tpu.memref_squeeze %dma_start3A_253 : memref<1x16x1024xf32, #tpu.memory_space<hbm>> -> memref<16x1024xf32, #tpu.memory_space<hbm>>
    tpu.enqueue_dma source(%arg5 : memref<16x1024xf32, #tpu.memory_space<vmem>>) target(%dma_start3A_254 : memref<16x1024xf32, #tpu.memory_space<hbm>>) target_semaphore(%arg17 : memref<!tpu.dma_semaphore, #tpu.memory_space<semaphore_mem>>)
    %add3A_255 = arith.constant 0 : i32
    %add3A_256 = arith.addi %mul3A_2, %add3A_255 : i32
    %dma_wait3A_257 = arith.constant 3 : i32
    %dma_wait3A_258 = arith.constant 0 : i32
    %dma_wait3A_259 = tpu.memref_slice %arg4[%dma_wait3A_257, %add3A_256, %dma_wait3A_258] : memref<4x4096x1024xf32, #tpu.memory_space<hbm>> -> memref<1x16x1024xf32, #tpu.memory_space<hbm>>
    %dma_wait3A_260 = tpu.memref_squeeze %dma_wait3A_259 : memref<1x16x1024xf32, #tpu.memory_space<hbm>> -> memref<16x1024xf32, #tpu.memory_space<hbm>>
    %dma_wait3A_261 = arith.constant 0 : i32
    %dma_wait3A_262 = tpu.memref_slice %arg4[%dma_wait3A_257, %add3A_256, %dma_wait3A_261] : memref<4x4096x1024xf32, #tpu.memory_space<hbm>> -> memref<1x16x1024xf32, #tpu.memory_space<hbm>>
    %dma_wait3A_263 = tpu.memref_squeeze %dma_wait3A_262 : memref<1x16x1024xf32, #tpu.memory_space<hbm>> -> memref<16x1024xf32, #tpu.memory_space<hbm>>
    tpu.wait_dma2 semaphore(%arg20 : memref<!tpu.dma_semaphore, #tpu.memory_space<semaphore_mem>>) src(%arg8 : memref<16x1024xf32, #tpu.memory_space<vmem>>) dst(%dma_wait3A_263 : memref<16x1024xf32, #tpu.memory_space<hbm>>)
    %add3A_264 = arith.constant 32 : i32
    %add3A_265 = arith.addi %mul3A_2, %add3A_264 : i32
    %dma_start3A_266 = arith.constant 0 : i32
    %dma_start3A_267 = arith.constant 0 : i32
    %dma_start3A_268 = tpu.memref_slice %arg2[%dma_start3A_266, %add3A_265, %dma_start3A_267] : memref<4x4096x1024xf32, #tpu.memory_space<hbm>> -> memref<1x16x1024xf32, #tpu.memory_space<hbm>>
    %dma_start3A_269 = tpu.memref_squeeze %dma_start3A_268 : memref<1x16x1024xf32, #tpu.memory_space<hbm>> -> memref<16x1024xf32, #tpu.memory_space<hbm>>
    %dma_start3A_270 = arith.constant 0 : i32
    %dma_start3A_271 = tpu.memref_slice %arg2[%dma_start3A_266, %add3A_265, %dma_start3A_270] : memref<4x4096x1024xf32, #tpu.memory_space<hbm>> -> memref<1x16x1024xf32, #tpu.memory_space<hbm>>
    %dma_start3A_272 = tpu.memref_squeeze %dma_start3A_271 : memref<1x16x1024xf32, #tpu.memory_space<hbm>> -> memref<16x1024xf32, #tpu.memory_space<hbm>>
    tpu.enqueue_dma source(%dma_start3A_272 : memref<16x1024xf32, #tpu.memory_space<hbm>>) target(%arg8 : memref<16x1024xf32, #tpu.memory_space<vmem>>) target_semaphore(%arg15 : memref<!tpu.dma_semaphore, #tpu.memory_space<semaphore_mem>>)
    %add3A_273 = arith.constant 16 : i32
    %add3A_274 = arith.addi %mul3A_2, %add3A_273 : i32
    %dma_wait3A_275 = arith.constant 2 : i32
    %dma_wait3A_276 = arith.constant 0 : i32
    %dma_wait3A_277 = tpu.memref_slice %arg2[%dma_wait3A_275, %add3A_274, %dma_wait3A_276] : memref<4x4096x1024xf32, #tpu.memory_space<hbm>> -> memref<1x16x1024xf32, #tpu.memory_space<hbm>>
    %dma_wait3A_278 = tpu.memref_squeeze %dma_wait3A_277 : memref<1x16x1024xf32, #tpu.memory_space<hbm>> -> memref<16x1024xf32, #tpu.memory_space<hbm>>
    %dma_wait3A_279 = arith.constant 0 : i32
    %dma_wait3A_280 = tpu.memref_slice %arg2[%dma_wait3A_275, %add3A_274, %dma_wait3A_279] : memref<4x4096x1024xf32, #tpu.memory_space<hbm>> -> memref<1x16x1024xf32, #tpu.memory_space<hbm>>
    %dma_wait3A_281 = tpu.memref_squeeze %dma_wait3A_280 : memref<1x16x1024xf32, #tpu.memory_space<hbm>> -> memref<16x1024xf32, #tpu.memory_space<hbm>>
    tpu.wait_dma2 semaphore(%arg13 : memref<!tpu.dma_semaphore, #tpu.memory_space<semaphore_mem>>) src(%dma_wait3A_281 : memref<16x1024xf32, #tpu.memory_space<hbm>>) dst(%arg6 : memref<16x1024xf32, #tpu.memory_space<vmem>>)
    %parallel_loop3A_282 = arith.constant 0 : i32
    %parallel_loop3A_283 = arith.constant 16 : i32
    %parallel_loop3A_284 = arith.constant 1 : i32
    scf.for %parallel_loop3A_1344 = %parallel_loop3A_282 to %parallel_loop3A_283 step %parallel_loop3A_284  : i32 {
      %parallel_loop3A_1345 = arith.constant 0 : i32
      %parallel_loop3A_1346 = arith.constant 1024 : i32
      %parallel_loop3A_1347 = arith.constant 16 : i32
      scf.for %parallel_loop3A_1348 = %parallel_loop3A_1345 to %parallel_loop3A_1346 step %parallel_loop3A_1347  : i32 {
        %parallel_loop3A_1349 = arith.index_cast %parallel_loop3A_1344 : i32 to index
        %parallel_loop3A_1350 = arith.index_cast %parallel_loop3A_1348 : i32 to index
        %parallel_loop3A_1351 = tpu.vector_load %arg11[%parallel_loop3A_1349, %parallel_loop3A_1350] {strides = array<i32>} : memref<16x1024xf32, #tpu.memory_space<vmem>>, vector<1x16xf32>,
        %parallel_loop3A_1352 = vector.shape_cast %parallel_loop3A_1351 : vector<1x16xf32> to vector<16xf32>
        %parallel_loop3A_1353 = arith.index_cast %parallel_loop3A_1344 : i32 to index
        %parallel_loop3A_1354 = arith.index_cast %parallel_loop3A_1348 : i32 to index
        %parallel_loop3A_1355 = tpu.vector_load %arg6[%parallel_loop3A_1353, %parallel_loop3A_1354] {strides = array<i32>} : memref<16x1024xf32, #tpu.memory_space<vmem>>, vector<1x16xf32>,
        %parallel_loop3A_1356 = vector.shape_cast %parallel_loop3A_1355 : vector<1x16xf32> to vector<16xf32>
        %parallel_loop3A_1357 = vector.shape_cast %parallel_loop3A_1352 : vector<16xf32> to vector<1x16xf32>
        tpu.vector_store %arg6[%parallel_loop3A_1353, %parallel_loop3A_1354], %parallel_loop3A_1357 {add = true, strides = array<i32>} : memref<16x1024xf32, #tpu.memory_space<vmem>>, vector<1x16xf32>,
      } {sc.loop_unroll_factor = 16 : i64, sc.parallel_access}
    } {sc.loop_unroll_factor = 1 : i64, sc.parallel_access}
    %add3A_285 = arith.constant 16 : i32
    %add3A_286 = arith.addi %mul3A_2, %add3A_285 : i32
    %dma_start3A_287 = arith.constant 2 : i32
    %dma_start3A_288 = arith.constant 0 : i32
    %dma_start3A_289 = tpu.memref_slice %arg4[%dma_start3A_287, %add3A_286, %dma_start3A_288] : memref<4x4096x1024xf32, #tpu.memory_space<hbm>> -> memref<1x16x1024xf32, #tpu.memory_space<hbm>>
    %dma_start3A_290 = tpu.memref_squeeze %dma_start3A_289 : memref<1x16x1024xf32, #tpu.memory_space<hbm>> -> memref<16x1024xf32, #tpu.memory_space<hbm>>
    %dma_start3A_291 = arith.constant 0 : i32
    %dma_start3A_292 = tpu.memref_slice %arg4[%dma_start3A_287, %add3A_286, %dma_start3A_291] : memref<4x4096x1024xf32, #tpu.memory_space<hbm>> -> memref<1x16x1024xf32, #tpu.memory_space<hbm>>
    %dma_start3A_293 = tpu.memref_squeeze %dma_start3A_292 : memref<1x16x1024xf32, #tpu.memory_space<hbm>> -> memref<16x1024xf32, #tpu.memory_space<hbm>>
    tpu.enqueue_dma source(%arg6 : memref<16x1024xf32, #tpu.memory_space<vmem>>) target(%dma_start3A_293 : memref<16x1024xf32, #tpu.memory_space<hbm>>) target_semaphore(%arg18 : memref<!tpu.dma_semaphore, #tpu.memory_space<semaphore_mem>>)
    %add3A_294 = arith.constant 16 : i32
    %add3A_295 = arith.addi %mul3A_2, %add3A_294 : i32
    %dma_wait3A_296 = arith.constant 0 : i32
    %dma_wait3A_297 = arith.constant 0 : i32
    %dma_wait3A_298 = tpu.memref_slice %arg4[%dma_wait3A_296, %add3A_295, %dma_wait3A_297] : memref<4x4096x1024xf32, #tpu.memory_space<hbm>> -> memref<1x16x1024xf32, #tpu.memory_space<hbm>>
    %dma_wait3A_299 = tpu.memref_squeeze %dma_wait3A_298 : memref<1x16x1024xf32, #tpu.memory_space<hbm>> -> memref<16x1024xf32, #tpu.memory_space<hbm>>
    %dma_wait3A_300 = arith.constant 0 : i32
    %dma_wait3A_301 = tpu.memref_slice %arg4[%dma_wait3A_296, %add3A_295, %dma_wait3A_300] : memref<4x4096x1024xf32, #tpu.memory_space<hbm>> -> memref<1x16x1024xf32, #tpu.memory_space<hbm>>
    %dma_wait3A_302 = tpu.memref_squeeze %dma_wait3A_301 : memref<1x16x1024xf32, #tpu.memory_space<hbm>> -> memref<16x1024xf32, #tpu.memory_space<hbm>>
    tpu.wait_dma2 semaphore(%arg21 : memref<!tpu.dma_semaphore, #tpu.memory_space<semaphore_mem>>) src(%arg9 : memref<16x1024xf32, #tpu.memory_space<vmem>>) dst(%dma_wait3A_302 : memref<16x1024xf32, #tpu.memory_space<hbm>>)
    %add3A_303 = arith.constant 32 : i32
    %add3A_304 = arith.addi %mul3A_2, %add3A_303 : i32
    %dma_start3A_305 = arith.constant 1 : i32
    %dma_start3A_306 = arith.constant 0 : i32
    %dma_start3A_307 = tpu.memref_slice %arg2[%dma_start3A_305, %add3A_304, %dma_start3A_306] : memref<4x4096x1024xf32, #tpu.memory_space<hbm>> -> memref<1x16x1024xf32, #tpu.memory_space<hbm>>
    %dma_start3A_308 = tpu.memref_squeeze %dma_start3A_307 : memref<1x16x1024xf32, #tpu.memory_space<hbm>> -> memref<16x1024xf32, #tpu.memory_space<hbm>>
    %dma_start3A_309 = arith.constant 0 : i32
    %dma_start3A_310 = tpu.memref_slice %arg2[%dma_start3A_305, %add3A_304, %dma_start3A_309] : memref<4x4096x1024xf32, #tpu.memory_space<hbm>> -> memref<1x16x1024xf32, #tpu.memory_space<hbm>>
    %dma_start3A_311 = tpu.memref_squeeze %dma_start3A_310 : memref<1x16x1024xf32, #tpu.memory_space<hbm>> -> memref<16x1024xf32, #tpu.memory_space<hbm>>
    tpu.enqueue_dma source(%dma_start3A_311 : memref<16x1024xf32, #tpu.memory_space<hbm>>) target(%arg9 : memref<16x1024xf32, #tpu.memory_space<vmem>>) target_semaphore(%arg16 : memref<!tpu.dma_semaphore, #tpu.memory_space<semaphore_mem>>)
    %add3A_312 = arith.constant 16 : i32
    %add3A_313 = arith.addi %mul3A_2, %add3A_312 : i32
    %dma_wait3A_314 = arith.constant 3 : i32
    %dma_wait3A_315 = arith.constant 0 : i32
    %dma_wait3A_316 = tpu.memref_slice %arg2[%dma_wait3A_314, %add3A_313, %dma_wait3A_315] : memref<4x4096x1024xf32, #tpu.memory_space<hbm>> -> memref<1x16x1024xf32, #tpu.memory_space<hbm>>
    %dma_wait3A_317 = tpu.memref_squeeze %dma_wait3A_316 : memref<1x16x1024xf32, #tpu.memory_space<hbm>> -> memref<16x1024xf32, #tpu.memory_space<hbm>>
    %dma_wait3A_318 = arith.constant 0 : i32
    %dma_wait3A_319 = tpu.memref_slice %arg2[%dma_wait3A_314, %add3A_313, %dma_wait3A_318] : memref<4x4096x1024xf32, #tpu.memory_space<hbm>> -> memref<1x16x1024xf32, #tpu.memory_space<hbm>>
    %dma_wait3A_320 = tpu.memref_squeeze %dma_wait3A_319 : memref<1x16x1024xf32, #tpu.memory_space<hbm>> -> memref<16x1024xf32, #tpu.memory_space<hbm>>
    tpu.wait_dma2 semaphore(%arg14 : memref<!tpu.dma_semaphore, #tpu.memory_space<semaphore_mem>>) src(%dma_wait3A_320 : memref<16x1024xf32, #tpu.memory_space<hbm>>) dst(%arg7 : memref<16x1024xf32, #tpu.memory_space<vmem>>)
    %parallel_loop3A_321 = arith.constant 0 : i32
    %parallel_loop3A_322 = arith.constant 16 : i32
    %parallel_loop3A_323 = arith.constant 1 : i32
    scf.for %parallel_loop3A_1344 = %parallel_loop3A_321 to %parallel_loop3A_322 step %parallel_loop3A_323  : i32 {
      %parallel_loop3A_1345 = arith.constant 0 : i32
      %parallel_loop3A_1346 = arith.constant 1024 : i32
      %parallel_loop3A_1347 = arith.constant 16 : i32
      scf.for %parallel_loop3A_1348 = %parallel_loop3A_1345 to %parallel_loop3A_1346 step %parallel_loop3A_1347  : i32 {
        %parallel_loop3A_1349 = arith.index_cast %parallel_loop3A_1344 : i32 to index
        %parallel_loop3A_1350 = arith.index_cast %parallel_loop3A_1348 : i32 to index
        %parallel_loop3A_1351 = tpu.vector_load %arg11[%parallel_loop3A_1349, %parallel_loop3A_1350] {strides = array<i32>} : memref<16x1024xf32, #tpu.memory_space<vmem>>, vector<1x16xf32>,
        %parallel_loop3A_1352 = vector.shape_cast %parallel_loop3A_1351 : vector<1x16xf32> to vector<16xf32>
        %parallel_loop3A_1353 = arith.index_cast %parallel_loop3A_1344 : i32 to index
        %parallel_loop3A_1354 = arith.index_cast %parallel_loop3A_1348 : i32 to index
        %parallel_loop3A_1355 = tpu.vector_load %arg7[%parallel_loop3A_1353, %parallel_loop3A_1354] {strides = array<i32>} : memref<16x1024xf32, #tpu.memory_space<vmem>>, vector<1x16xf32>,
        %parallel_loop3A_1356 = vector.shape_cast %parallel_loop3A_1355 : vector<1x16xf32> to vector<16xf32>
        %parallel_loop3A_1357 = vector.shape_cast %parallel_loop3A_1352 : vector<16xf32> to vector<1x16xf32>
        tpu.vector_store %arg7[%parallel_loop3A_1353, %parallel_loop3A_1354], %parallel_loop3A_1357 {add = true, strides = array<i32>} : memref<16x1024xf32, #tpu.memory_space<vmem>>, vector<1x16xf32>,
      } {sc.loop_unroll_factor = 16 : i64, sc.parallel_access}
    } {sc.loop_unroll_factor = 1 : i64, sc.parallel_access}
    %add3A_324 = arith.constant 16 : i32
    %add3A_325 = arith.addi %mul3A_2, %add3A_324 : i32
    %dma_start3A_326 = arith.constant 3 : i32
    %dma_start3A_327 = arith.constant 0 : i32
    %dma_start3A_328 = tpu.memref_slice %arg4[%dma_start3A_326, %add3A_325, %dma_start3A_327] : memref<4x4096x1024xf32, #tpu.memory_space<hbm>> -> memref<1x16x1024xf32, #tpu.memory_space<hbm>>
    %dma_start3A_329 = tpu.memref_squeeze %dma_start3A_328 : memref<1x16x1024xf32, #tpu.memory_space<hbm>> -> memref<16x1024xf32, #tpu.memory_space<hbm>>
    %dma_start3A_330 = arith.constant 0 : i32
    %dma_start3A_331 = tpu.memref_slice %arg4[%dma_start3A_326, %add3A_325, %dma_start3A_330] : memref<4x4096x1024xf32, #tpu.memory_space<hbm>> -> memref<1x16x1024xf32, #tpu.memory_space<hbm>>
    %dma_start3A_332 = tpu.memref_squeeze %dma_start3A_331 : memref<1x16x1024xf32, #tpu.memory_space<hbm>> -> memref<16x1024xf32, #tpu.memory_space<hbm>>
    tpu.enqueue_dma source(%arg7 : memref<16x1024xf32, #tpu.memory_space<vmem>>) target(%dma_start3A_332 : memref<16x1024xf32, #tpu.memory_space<hbm>>) target_semaphore(%arg19 : memref<!tpu.dma_semaphore, #tpu.memory_space<semaphore_mem>>)
    %add3A_333 = arith.constant 16 : i32
    %add3A_334 = arith.addi %mul3A_2, %add3A_333 : i32
    %dma_wait3A_335 = arith.constant 1 : i32
    %dma_wait3A_336 = arith.constant 0 : i32
    %dma_wait3A_337 = tpu.memref_slice %arg4[%dma_wait3A_335, %add3A_334, %dma_wait3A_336] : memref<4x4096x1024xf32, #tpu.memory_space<hbm>> -> memref<1x16x1024xf32, #tpu.memory_space<hbm>>
    %dma_wait3A_338 = tpu.memref_squeeze %dma_wait3A_337 : memref<1x16x1024xf32, #tpu.memory_space<hbm>> -> memref<16x1024xf32, #tpu.memory_space<hbm>>
    %dma_wait3A_339 = arith.constant 0 : i32
    %dma_wait3A_340 = tpu.memref_slice %arg4[%dma_wait3A_335, %add3A_334, %dma_wait3A_339] : memref<4x4096x1024xf32, #tpu.memory_space<hbm>> -> memref<1x16x1024xf32, #tpu.memory_space<hbm>>
    %dma_wait3A_341 = tpu.memref_squeeze %dma_wait3A_340 : memref<1x16x1024xf32, #tpu.memory_space<hbm>> -> memref<16x1024xf32, #tpu.memory_space<hbm>>
    tpu.wait_dma2 semaphore(%arg17 : memref<!tpu.dma_semaphore, #tpu.memory_space<semaphore_mem>>) src(%arg5 : memref<16x1024xf32, #tpu.memory_space<vmem>>) dst(%dma_wait3A_341 : memref<16x1024xf32, #tpu.memory_space<hbm>>)
    %add3A_342 = arith.constant 32 : i32
    %add3A_343 = arith.addi %mul3A_2, %add3A_342 : i32
    %dma_start3A_344 = arith.constant 2 : i32
    %dma_start3A_345 = arith.constant 0 : i32
    %dma_start3A_346 = tpu.memref_slice %arg2[%dma_start3A_344, %add3A_343, %dma_start3A_345] : memref<4x4096x1024xf32, #tpu.memory_space<hbm>> -> memref<1x16x1024xf32, #tpu.memory_space<hbm>>
    %dma_start3A_347 = tpu.memref_squeeze %dma_start3A_346 : memref<1x16x1024xf32, #tpu.memory_space<hbm>> -> memref<16x1024xf32, #tpu.memory_space<hbm>>
    %dma_start3A_348 = arith.constant 0 : i32
    %dma_start3A_349 = tpu.memref_slice %arg2[%dma_start3A_344, %add3A_343, %dma_start3A_348] : memref<4x4096x1024xf32, #tpu.memory_space<hbm>> -> memref<1x16x1024xf32, #tpu.memory_space<hbm>>
    %dma_start3A_350 = tpu.memref_squeeze %dma_start3A_349 : memref<1x16x1024xf32, #tpu.memory_space<hbm>> -> memref<16x1024xf32, #tpu.memory_space<hbm>>
    tpu.enqueue_dma source(%dma_start3A_350 : memref<16x1024xf32, #tpu.memory_space<hbm>>) target(%arg5 : memref<16x1024xf32, #tpu.memory_space<vmem>>) target_semaphore(%arg12 : memref<!tpu.dma_semaphore, #tpu.memory_space<semaphore_mem>>)
    %add3A_351 = arith.constant 32 : i32
    %add3A_352 = arith.addi %mul3A_2, %add3A_351 : i32
    %dma_wait3A_353 = arith.constant 0 : i32
    %dma_wait3A_354 = tpu.memref_slice %arg3[%add3A_352, %dma_wait3A_353] : memref<4096x1024xf32, #tpu.memory_space<hbm>> -> memref<16x1024xf32, #tpu.memory_space<hbm>>
    %dma_wait3A_355 = arith.constant 0 : i32
    %dma_wait3A_356 = tpu.memref_slice %arg3[%add3A_352, %dma_wait3A_355] : memref<4096x1024xf32, #tpu.memory_space<hbm>> -> memref<16x1024xf32, #tpu.memory_space<hbm>>
    tpu.wait_dma2 semaphore(%arg22 : memref<!tpu.dma_semaphore, #tpu.memory_space<semaphore_mem>>) src(%dma_wait3A_356 : memref<16x1024xf32, #tpu.memory_space<hbm>>) dst(%arg10 : memref<16x1024xf32, #tpu.memory_space<vmem>>)
    %add3A_357 = arith.constant 48 : i32
    %add3A_358 = arith.addi %mul3A_2, %add3A_357 : i32
    %dma_start3A_359 = arith.constant 0 : i32
    %dma_start3A_360 = tpu.memref_slice %arg3[%add3A_358, %dma_start3A_359] : memref<4096x1024xf32, #tpu.memory_space<hbm>> -> memref<16x1024xf32, #tpu.memory_space<hbm>>
    %dma_start3A_361 = arith.constant 0 : i32
    %dma_start3A_362 = tpu.memref_slice %arg3[%add3A_358, %dma_start3A_361] : memref<4096x1024xf32, #tpu.memory_space<hbm>> -> memref<16x1024xf32, #tpu.memory_space<hbm>>
    tpu.enqueue_dma source(%dma_start3A_362 : memref<16x1024xf32, #tpu.memory_space<hbm>>) target(%arg11 : memref<16x1024xf32, #tpu.memory_space<vmem>>) target_semaphore(%arg23 : memref<!tpu.dma_semaphore, #tpu.memory_space<semaphore_mem>>)
    %add3A_363 = arith.constant 32 : i32
    %add3A_364 = arith.addi %mul3A_2, %add3A_363 : i32
    %dma_wait3A_365 = arith.constant 0 : i32
    %dma_wait3A_366 = arith.constant 0 : i32
    %dma_wait3A_367 = tpu.memref_slice %arg2[%dma_wait3A_365, %add3A_364, %dma_wait3A_366] : memref<4x4096x1024xf32, #tpu.memory_space<hbm>> -> memref<1x16x1024xf32, #tpu.memory_space<hbm>>
    %dma_wait3A_368 = tpu.memref_squeeze %dma_wait3A_367 : memref<1x16x1024xf32, #tpu.memory_space<hbm>> -> memref<16x1024xf32, #tpu.memory_space<hbm>>
    %dma_wait3A_369 = arith.constant 0 : i32
    %dma_wait3A_370 = tpu.memref_slice %arg2[%dma_wait3A_365, %add3A_364, %dma_wait3A_369] : memref<4x4096x1024xf32, #tpu.memory_space<hbm>> -> memref<1x16x1024xf32, #tpu.memory_space<hbm>>
    %dma_wait3A_371 = tpu.memref_squeeze %dma_wait3A_370 : memref<1x16x1024xf32, #tpu.memory_space<hbm>> -> memref<16x1024xf32, #tpu.memory_space<hbm>>
    tpu.wait_dma2 semaphore(%arg15 : memref<!tpu.dma_semaphore, #tpu.memory_space<semaphore_mem>>) src(%dma_wait3A_371 : memref<16x1024xf32, #tpu.memory_space<hbm>>) dst(%arg8 : memref<16x1024xf32, #tpu.memory_space<vmem>>)
    %parallel_loop3A_372 = arith.constant 0 : i32
    %parallel_loop3A_373 = arith.constant 16 : i32
    %parallel_loop3A_374 = arith.constant 1 : i32
    scf.for %parallel_loop3A_1344 = %parallel_loop3A_372 to %parallel_loop3A_373 step %parallel_loop3A_374  : i32 {
      %parallel_loop3A_1345 = arith.constant 0 : i32
      %parallel_loop3A_1346 = arith.constant 1024 : i32
      %parallel_loop3A_1347 = arith.constant 16 : i32
      scf.for %parallel_loop3A_1348 = %parallel_loop3A_1345 to %parallel_loop3A_1346 step %parallel_loop3A_1347  : i32 {
        %parallel_loop3A_1349 = arith.index_cast %parallel_loop3A_1344 : i32 to index
        %parallel_loop3A_1350 = arith.index_cast %parallel_loop3A_1348 : i32 to index
        %parallel_loop3A_1351 = tpu.vector_load %arg10[%parallel_loop3A_1349, %parallel_loop3A_1350] {strides = array<i32>} : memref<16x1024xf32, #tpu.memory_space<vmem>>, vector<1x16xf32>,
        %parallel_loop3A_1352 = vector.shape_cast %parallel_loop3A_1351 : vector<1x16xf32> to vector<16xf32>
        %parallel_loop3A_1353 = arith.index_cast %parallel_loop3A_1344 : i32 to index
        %parallel_loop3A_1354 = arith.index_cast %parallel_loop3A_1348 : i32 to index
        %parallel_loop3A_1355 = tpu.vector_load %arg8[%parallel_loop3A_1353, %parallel_loop3A_1354] {strides = array<i32>} : memref<16x1024xf32, #tpu.memory_space<vmem>>, vector<1x16xf32>,
        %parallel_loop3A_1356 = vector.shape_cast %parallel_loop3A_1355 : vector<1x16xf32> to vector<16xf32>
        %parallel_loop3A_1357 = vector.shape_cast %parallel_loop3A_1352 : vector<16xf32> to vector<1x16xf32>
        tpu.vector_store %arg8[%parallel_loop3A_1353, %parallel_loop3A_1354], %parallel_loop3A_1357 {add = true, strides = array<i32>} : memref<16x1024xf32, #tpu.memory_space<vmem>>, vector<1x16xf32>,
      } {sc.loop_unroll_factor = 16 : i64, sc.parallel_access}
    } {sc.loop_unroll_factor = 1 : i64, sc.parallel_access}
    %add3A_375 = arith.constant 32 : i32
    %add3A_376 = arith.addi %mul3A_2, %add3A_375 : i32
    %dma_start3A_377 = arith.constant 0 : i32
    %dma_start3A_378 = arith.constant 0 : i32
    %dma_start3A_379 = tpu.memref_slice %arg4[%dma_start3A_377, %add3A_376, %dma_start3A_378] : memref<4x4096x1024xf32, #tpu.memory_space<hbm>> -> memref<1x16x1024xf32, #tpu.memory_space<hbm>>
    %dma_start3A_380 = tpu.memref_squeeze %dma_start3A_379 : memref<1x16x1024xf32, #tpu.memory_space<hbm>> -> memref<16x1024xf32, #tpu.memory_space<hbm>>
    %dma_start3A_381 = arith.constant 0 : i32
    %dma_start3A_382 = tpu.memref_slice %arg4[%dma_start3A_377, %add3A_376, %dma_start3A_381] : memref<4x4096x1024xf32, #tpu.memory_space<hbm>> -> memref<1x16x1024xf32, #tpu.memory_space<hbm>>
    %dma_start3A_383 = tpu.memref_squeeze %dma_start3A_382 : memref<1x16x1024xf32, #tpu.memory_space<hbm>> -> memref<16x1024xf32, #tpu.memory_space<hbm>>
    tpu.enqueue_dma source(%arg8 : memref<16x1024xf32, #tpu.memory_space<vmem>>) target(%dma_start3A_383 : memref<16x1024xf32, #tpu.memory_space<hbm>>) target_semaphore(%arg20 : memref<!tpu.dma_semaphore, #tpu.memory_space<semaphore_mem>>)
    %add3A_384 = arith.constant 16 : i32
    %add3A_385 = arith.addi %mul3A_2, %add3A_384 : i32
    %dma_wait3A_386 = arith.constant 2 : i32
    %dma_wait3A_387 = arith.constant 0 : i32
    %dma_wait3A_388 = tpu.memref_slice %arg4[%dma_wait3A_386, %add3A_385, %dma_wait3A_387] : memref<4x4096x1024xf32, #tpu.memory_space<hbm>> -> memref<1x16x1024xf32, #tpu.memory_space<hbm>>
    %dma_wait3A_389 = tpu.memref_squeeze %dma_wait3A_388 : memref<1x16x1024xf32, #tpu.memory_space<hbm>> -> memref<16x1024xf32, #tpu.memory_space<hbm>>
    %dma_wait3A_390 = arith.constant 0 : i32
    %dma_wait3A_391 = tpu.memref_slice %arg4[%dma_wait3A_386, %add3A_385, %dma_wait3A_390] : memref<4x4096x1024xf32, #tpu.memory_space<hbm>> -> memref<1x16x1024xf32, #tpu.memory_space<hbm>>
    %dma_wait3A_392 = tpu.memref_squeeze %dma_wait3A_391 : memref<1x16x1024xf32, #tpu.memory_space<hbm>> -> memref<16x1024xf32, #tpu.memory_space<hbm>>
    tpu.wait_dma2 semaphore(%arg18 : memref<!tpu.dma_semaphore, #tpu.memory_space<semaphore_mem>>) src(%arg6 : memref<16x1024xf32, #tpu.memory_space<vmem>>) dst(%dma_wait3A_392 : memref<16x1024xf32, #tpu.memory_space<hbm>>)
    %add3A_393 = arith.constant 32 : i32
    %add3A_394 = arith.addi %mul3A_2, %add3A_393 : i32
    %dma_start3A_395 = arith.constant 3 : i32
    %dma_start3A_396 = arith.constant 0 : i32
    %dma_start3A_397 = tpu.memref_slice %arg2[%dma_start3A_395, %add3A_394, %dma_start3A_396] : memref<4x4096x1024xf32, #tpu.memory_space<hbm>> -> memref<1x16x1024xf32, #tpu.memory_space<hbm>>
    %dma_start3A_398 = tpu.memref_squeeze %dma_start3A_397 : memref<1x16x1024xf32, #tpu.memory_space<hbm>> -> memref<16x1024xf32, #tpu.memory_space<hbm>>
    %dma_start3A_399 = arith.constant 0 : i32
    %dma_start3A_400 = tpu.memref_slice %arg2[%dma_start3A_395, %add3A_394, %dma_start3A_399] : memref<4x4096x1024xf32, #tpu.memory_space<hbm>> -> memref<1x16x1024xf32, #tpu.memory_space<hbm>>
    %dma_start3A_401 = tpu.memref_squeeze %dma_start3A_400 : memref<1x16x1024xf32, #tpu.memory_space<hbm>> -> memref<16x1024xf32, #tpu.memory_space<hbm>>
    tpu.enqueue_dma source(%dma_start3A_401 : memref<16x1024xf32, #tpu.memory_space<hbm>>) target(%arg6 : memref<16x1024xf32, #tpu.memory_space<vmem>>) target_semaphore(%arg13 : memref<!tpu.dma_semaphore, #tpu.memory_space<semaphore_mem>>)
    %add3A_402 = arith.constant 32 : i32
    %add3A_403 = arith.addi %mul3A_2, %add3A_402 : i32
    %dma_wait3A_404 = arith.constant 1 : i32
    %dma_wait3A_405 = arith.constant 0 : i32
    %dma_wait3A_406 = tpu.memref_slice %arg2[%dma_wait3A_404, %add3A_403, %dma_wait3A_405] : memref<4x4096x1024xf32, #tpu.memory_space<hbm>> -> memref<1x16x1024xf32, #tpu.memory_space<hbm>>
    %dma_wait3A_407 = tpu.memref_squeeze %dma_wait3A_406 : memref<1x16x1024xf32, #tpu.memory_space<hbm>> -> memref<16x1024xf32, #tpu.memory_space<hbm>>
    %dma_wait3A_408 = arith.constant 0 : i32
    %dma_wait3A_409 = tpu.memref_slice %arg2[%dma_wait3A_404, %add3A_403, %dma_wait3A_408] : memref<4x4096x1024xf32, #tpu.memory_space<hbm>> -> memref<1x16x1024xf32, #tpu.memory_space<hbm>>
    %dma_wait3A_410 = tpu.memref_squeeze %dma_wait3A_409 : memref<1x16x1024xf32, #tpu.memory_space<hbm>> -> memref<16x1024xf32, #tpu.memory_space<hbm>>
    tpu.wait_dma2 semaphore(%arg16 : memref<!tpu.dma_semaphore, #tpu.memory_space<semaphore_mem>>) src(%dma_wait3A_410 : memref<16x1024xf32, #tpu.memory_space<hbm>>) dst(%arg9 : memref<16x1024xf32, #tpu.memory_space<vmem>>)
    %parallel_loop3A_411 = arith.constant 0 : i32
    %parallel_loop3A_412 = arith.constant 16 : i32
    %parallel_loop3A_413 = arith.constant 1 : i32
    scf.for %parallel_loop3A_1344 = %parallel_loop3A_411 to %parallel_loop3A_412 step %parallel_loop3A_413  : i32 {
      %parallel_loop3A_1345 = arith.constant 0 : i32
      %parallel_loop3A_1346 = arith.constant 1024 : i32
      %parallel_loop3A_1347 = arith.constant 16 : i32
      scf.for %parallel_loop3A_1348 = %parallel_loop3A_1345 to %parallel_loop3A_1346 step %parallel_loop3A_1347  : i32 {
        %parallel_loop3A_1349 = arith.index_cast %parallel_loop3A_1344 : i32 to index
        %parallel_loop3A_1350 = arith.index_cast %parallel_loop3A_1348 : i32 to index
        %parallel_loop3A_1351 = tpu.vector_load %arg10[%parallel_loop3A_1349, %parallel_loop3A_1350] {strides = array<i32>} : memref<16x1024xf32, #tpu.memory_space<vmem>>, vector<1x16xf32>,
        %parallel_loop3A_1352 = vector.shape_cast %parallel_loop3A_1351 : vector<1x16xf32> to vector<16xf32>
        %parallel_loop3A_1353 = arith.index_cast %parallel_loop3A_1344 : i32 to index
        %parallel_loop3A_1354 = arith.index_cast %parallel_loop3A_1348 : i32 to index
        %parallel_loop3A_1355 = tpu.vector_load %arg9[%parallel_loop3A_1353, %parallel_loop3A_1354] {strides = array<i32>} : memref<16x1024xf32, #tpu.memory_space<vmem>>, vector<1x16xf32>,
        %parallel_loop3A_1356 = vector.shape_cast %parallel_loop3A_1355 : vector<1x16xf32> to vector<16xf32>
        %parallel_loop3A_1357 = vector.shape_cast %parallel_loop3A_1352 : vector<16xf32> to vector<1x16xf32>
        tpu.vector_store %arg9[%parallel_loop3A_1353, %parallel_loop3A_1354], %parallel_loop3A_1357 {add = true, strides = array<i32>} : memref<16x1024xf32, #tpu.memory_space<vmem>>, vector<1x16xf32>,
      } {sc.loop_unroll_factor = 16 : i64, sc.parallel_access}
    } {sc.loop_unroll_factor = 1 : i64, sc.parallel_access}
    %add3A_414 = arith.constant 32 : i32
    %add3A_415 = arith.addi %mul3A_2, %add3A_414 : i32
    %dma_start3A_416 = arith.constant 1 : i32
    %dma_start3A_417 = arith.constant 0 : i32
    %dma_start3A_418 = tpu.memref_slice %arg4[%dma_start3A_416, %add3A_415, %dma_start3A_417] : memref<4x4096x1024xf32, #tpu.memory_space<hbm>> -> memref<1x16x1024xf32, #tpu.memory_space<hbm>>
    %dma_start3A_419 = tpu.memref_squeeze %dma_start3A_418 : memref<1x16x1024xf32, #tpu.memory_space<hbm>> -> memref<16x1024xf32, #tpu.memory_space<hbm>>
    %dma_start3A_420 = arith.constant 0 : i32
    %dma_start3A_421 = tpu.memref_slice %arg4[%dma_start3A_416, %add3A_415, %dma_start3A_420] : memref<4x4096x1024xf32, #tpu.memory_space<hbm>> -> memref<1x16x1024xf32, #tpu.memory_space<hbm>>
    %dma_start3A_422 = tpu.memref_squeeze %dma_start3A_421 : memref<1x16x1024xf32, #tpu.memory_space<hbm>> -> memref<16x1024xf32, #tpu.memory_space<hbm>>
    tpu.enqueue_dma source(%arg9 : memref<16x1024xf32, #tpu.memory_space<vmem>>) target(%dma_start3A_422 : memref<16x1024xf32, #tpu.memory_space<hbm>>) target_semaphore(%arg21 : memref<!tpu.dma_semaphore, #tpu.memory_space<semaphore_mem>>)
    %add3A_423 = arith.constant 16 : i32
    %add3A_424 = arith.addi %mul3A_2, %add3A_423 : i32
    %dma_wait3A_425 = arith.constant 3 : i32
    %dma_wait3A_426 = arith.constant 0 : i32
    %dma_wait3A_427 = tpu.memref_slice %arg4[%dma_wait3A_425, %add3A_424, %dma_wait3A_426] : memref<4x4096x1024xf32, #tpu.memory_space<hbm>> -> memref<1x16x1024xf32, #tpu.memory_space<hbm>>
    %dma_wait3A_428 = tpu.memref_squeeze %dma_wait3A_427 : memref<1x16x1024xf32, #tpu.memory_space<hbm>> -> memref<16x1024xf32, #tpu.memory_space<hbm>>
    %dma_wait3A_429 = arith.constant 0 : i32
    %dma_wait3A_430 = tpu.memref_slice %arg4[%dma_wait3A_425, %add3A_424, %dma_wait3A_429] : memref<4x4096x1024xf32, #tpu.memory_space<hbm>> -> memref<1x16x1024xf32, #tpu.memory_space<hbm>>
    %dma_wait3A_431 = tpu.memref_squeeze %dma_wait3A_430 : memref<1x16x1024xf32, #tpu.memory_space<hbm>> -> memref<16x1024xf32, #tpu.memory_space<hbm>>
    tpu.wait_dma2 semaphore(%arg19 : memref<!tpu.dma_semaphore, #tpu.memory_space<semaphore_mem>>) src(%arg7 : memref<16x1024xf32, #tpu.memory_space<vmem>>) dst(%dma_wait3A_431 : memref<16x1024xf32, #tpu.memory_space<hbm>>)
    %add3A_432 = arith.constant 48 : i32
    %add3A_433 = arith.addi %mul3A_2, %add3A_432 : i32
    %dma_start3A_434 = arith.constant 0 : i32
    %dma_start3A_435 = arith.constant 0 : i32
    %dma_start3A_436 = tpu.memref_slice %arg2[%dma_start3A_434, %add3A_433, %dma_start3A_435] : memref<4x4096x1024xf32, #tpu.memory_space<hbm>> -> memref<1x16x1024xf32, #tpu.memory_space<hbm>>
    %dma_start3A_437 = tpu.memref_squeeze %dma_start3A_436 : memref<1x16x1024xf32, #tpu.memory_space<hbm>> -> memref<16x1024xf32, #tpu.memory_space<hbm>>
    %dma_start3A_438 = arith.constant 0 : i32
    %dma_start3A_439 = tpu.memref_slice %arg2[%dma_start3A_434, %add3A_433, %dma_start3A_438] : memref<4x4096x1024xf32, #tpu.memory_space<hbm>> -> memref<1x16x1024xf32, #tpu.memory_space<hbm>>
    %dma_start3A_440 = tpu.memref_squeeze %dma_start3A_439 : memref<1x16x1024xf32, #tpu.memory_space<hbm>> -> memref<16x1024xf32, #tpu.memory_space<hbm>>
    tpu.enqueue_dma source(%dma_start3A_440 : memref<16x1024xf32, #tpu.memory_space<hbm>>) target(%arg7 : memref<16x1024xf32, #tpu.memory_space<vmem>>) target_semaphore(%arg14 : memref<!tpu.dma_semaphore, #tpu.memory_space<semaphore_mem>>)
    %add3A_441 = arith.constant 32 : i32
    %add3A_442 = arith.addi %mul3A_2, %add3A_441 : i32
    %dma_wait3A_443 = arith.constant 2 : i32
    %dma_wait3A_444 = arith.constant 0 : i32
    %dma_wait3A_445 = tpu.memref_slice %arg2[%dma_wait3A_443, %add3A_442, %dma_wait3A_444] : memref<4x4096x1024xf32, #tpu.memory_space<hbm>> -> memref<1x16x1024xf32, #tpu.memory_space<hbm>>
    %dma_wait3A_446 = tpu.memref_squeeze %dma_wait3A_445 : memref<1x16x1024xf32, #tpu.memory_space<hbm>> -> memref<16x1024xf32, #tpu.memory_space<hbm>>
    %dma_wait3A_447 = arith.constant 0 : i32
    %dma_wait3A_448 = tpu.memref_slice %arg2[%dma_wait3A_443, %add3A_442, %dma_wait3A_447] : memref<4x4096x1024xf32, #tpu.memory_space<hbm>> -> memref<1x16x1024xf32, #tpu.memory_space<hbm>>
    %dma_wait3A_449 = tpu.memref_squeeze %dma_wait3A_448 : memref<1x16x1024xf32, #tpu.memory_space<hbm>> -> memref<16x1024xf32, #tpu.memory_space<hbm>>
    tpu.wait_dma2 semaphore(%arg12 : memref<!tpu.dma_semaphore, #tpu.memory_space<semaphore_mem>>) src(%dma_wait3A_449 : memref<16x1024xf32, #tpu.memory_space<hbm>>) dst(%arg5 : memref<16x1024xf32, #tpu.memory_space<vmem>>)
    %parallel_loop3A_450 = arith.constant 0 : i32
    %parallel_loop3A_451 = arith.constant 16 : i32
    %parallel_loop3A_452 = arith.constant 1 : i32
    scf.for %parallel_loop3A_1344 = %parallel_loop3A_450 to %parallel_loop3A_451 step %parallel_loop3A_452  : i32 {
      %parallel_loop3A_1345 = arith.constant 0 : i32
      %parallel_loop3A_1346 = arith.constant 1024 : i32
      %parallel_loop3A_1347 = arith.constant 16 : i32
      scf.for %parallel_loop3A_1348 = %parallel_loop3A_1345 to %parallel_loop3A_1346 step %parallel_loop3A_1347  : i32 {
        %parallel_loop3A_1349 = arith.index_cast %parallel_loop3A_1344 : i32 to index
        %parallel_loop3A_1350 = arith.index_cast %parallel_loop3A_1348 : i32 to index
        %parallel_loop3A_1351 = tpu.vector_load %arg10[%parallel_loop3A_1349, %parallel_loop3A_1350] {strides = array<i32>} : memref<16x1024xf32, #tpu.memory_space<vmem>>, vector<1x16xf32>,
        %parallel_loop3A_1352 = vector.shape_cast %parallel_loop3A_1351 : vector<1x16xf32> to vector<16xf32>
        %parallel_loop3A_1353 = arith.index_cast %parallel_loop3A_1344 : i32 to index
        %parallel_loop3A_1354 = arith.index_cast %parallel_loop3A_1348 : i32 to index
        %parallel_loop3A_1355 = tpu.vector_load %arg5[%parallel_loop3A_1353, %parallel_loop3A_1354] {strides = array<i32>} : memref<16x1024xf32, #tpu.memory_space<vmem>>, vector<1x16xf32>,
        %parallel_loop3A_1356 = vector.shape_cast %parallel_loop3A_1355 : vector<1x16xf32> to vector<16xf32>
        %parallel_loop3A_1357 = vector.shape_cast %parallel_loop3A_1352 : vector<16xf32> to vector<1x16xf32>
        tpu.vector_store %arg5[%parallel_loop3A_1353, %parallel_loop3A_1354], %parallel_loop3A_1357 {add = true, strides = array<i32>} : memref<16x1024xf32, #tpu.memory_space<vmem>>, vector<1x16xf32>,
      } {sc.loop_unroll_factor = 16 : i64, sc.parallel_access}
    } {sc.loop_unroll_factor = 1 : i64, sc.parallel_access}
    %add3A_453 = arith.constant 32 : i32
    %add3A_454 = arith.addi %mul3A_2, %add3A_453 : i32
    %dma_start3A_455 = arith.constant 2 : i32
    %dma_start3A_456 = arith.constant 0 : i32
    %dma_start3A_457 = tpu.memref_slice %arg4[%dma_start3A_455, %add3A_454, %dma_start3A_456] : memref<4x4096x1024xf32, #tpu.memory_space<hbm>> -> memref<1x16x1024xf32, #tpu.memory_space<hbm>>
    %dma_start3A_458 = tpu.memref_squeeze %dma_start3A_457 : memref<1x16x1024xf32, #tpu.memory_space<hbm>> -> memref<16x1024xf32, #tpu.memory_space<hbm>>
    %dma_start3A_459 = arith.constant 0 : i32
    %dma_start3A_460 = tpu.memref_slice %arg4[%dma_start3A_455, %add3A_454, %dma_start3A_459] : memref<4x4096x1024xf32, #tpu.memory_space<hbm>> -> memref<1x16x1024xf32, #tpu.memory_space<hbm>>
    %dma_start3A_461 = tpu.memref_squeeze %dma_start3A_460 : memref<1x16x1024xf32, #tpu.memory_space<hbm>> -> memref<16x1024xf32, #tpu.memory_space<hbm>>
    tpu.enqueue_dma source(%arg5 : memref<16x1024xf32, #tpu.memory_space<vmem>>) target(%dma_start3A_461 : memref<16x1024xf32, #tpu.memory_space<hbm>>) target_semaphore(%arg17 : memref<!tpu.dma_semaphore, #tpu.memory_space<semaphore_mem>>)
    %add3A_462 = arith.constant 32 : i32
    %add3A_463 = arith.addi %mul3A_2, %add3A_462 : i32
    %dma_wait3A_464 = arith.constant 0 : i32
    %dma_wait3A_465 = arith.constant 0 : i32
    %dma_wait3A_466 = tpu.memref_slice %arg4[%dma_wait3A_464, %add3A_463, %dma_wait3A_465] : memref<4x4096x1024xf32, #tpu.memory_space<hbm>> -> memref<1x16x1024xf32, #tpu.memory_space<hbm>>
    %dma_wait3A_467 = tpu.memref_squeeze %dma_wait3A_466 : memref<1x16x1024xf32, #tpu.memory_space<hbm>> -> memref<16x1024xf32, #tpu.memory_space<hbm>>
    %dma_wait3A_468 = arith.constant 0 : i32
    %dma_wait3A_469 = tpu.memref_slice %arg4[%dma_wait3A_464, %add3A_463, %dma_wait3A_468] : memref<4x4096x1024xf32, #tpu.memory_space<hbm>> -> memref<1x16x1024xf32, #tpu.memory_space<hbm>>
    %dma_wait3A_470 = tpu.memref_squeeze %dma_wait3A_469 : memref<1x16x1024xf32, #tpu.memory_space<hbm>> -> memref<16x1024xf32, #tpu.memory_space<hbm>>
    tpu.wait_dma2 semaphore(%arg20 : memref<!tpu.dma_semaphore, #tpu.memory_space<semaphore_mem>>) src(%arg8 : memref<16x1024xf32, #tpu.memory_space<vmem>>) dst(%dma_wait3A_470 : memref<16x1024xf32, #tpu.memory_space<hbm>>)
    %add3A_471 = arith.constant 48 : i32
    %add3A_472 = arith.addi %mul3A_2, %add3A_471 : i32
    %dma_start3A_473 = arith.constant 1 : i32
    %dma_start3A_474 = arith.constant 0 : i32
    %dma_start3A_475 = tpu.memref_slice %arg2[%dma_start3A_473, %add3A_472, %dma_start3A_474] : memref<4x4096x1024xf32, #tpu.memory_space<hbm>> -> memref<1x16x1024xf32, #tpu.memory_space<hbm>>
    %dma_start3A_476 = tpu.memref_squeeze %dma_start3A_475 : memref<1x16x1024xf32, #tpu.memory_space<hbm>> -> memref<16x1024xf32, #tpu.memory_space<hbm>>
    %dma_start3A_477 = arith.constant 0 : i32
    %dma_start3A_478 = tpu.memref_slice %arg2[%dma_start3A_473, %add3A_472, %dma_start3A_477] : memref<4x4096x1024xf32, #tpu.memory_space<hbm>> -> memref<1x16x1024xf32, #tpu.memory_space<hbm>>
    %dma_start3A_479 = tpu.memref_squeeze %dma_start3A_478 : memref<1x16x1024xf32, #tpu.memory_space<hbm>> -> memref<16x1024xf32, #tpu.memory_space<hbm>>
    tpu.enqueue_dma source(%dma_start3A_479 : memref<16x1024xf32, #tpu.memory_space<hbm>>) target(%arg8 : memref<16x1024xf32, #tpu.memory_space<vmem>>) target_semaphore(%arg15 : memref<!tpu.dma_semaphore, #tpu.memory_space<semaphore_mem>>)
    %add3A_480 = arith.constant 32 : i32
    %add3A_481 = arith.addi %mul3A_2, %add3A_480 : i32
    %dma_wait3A_482 = arith.constant 3 : i32
    %dma_wait3A_483 = arith.constant 0 : i32
    %dma_wait3A_484 = tpu.memref_slice %arg2[%dma_wait3A_482, %add3A_481, %dma_wait3A_483] : memref<4x4096x1024xf32, #tpu.memory_space<hbm>> -> memref<1x16x1024xf32, #tpu.memory_space<hbm>>
    %dma_wait3A_485 = tpu.memref_squeeze %dma_wait3A_484 : memref<1x16x1024xf32, #tpu.memory_space<hbm>> -> memref<16x1024xf32, #tpu.memory_space<hbm>>
    %dma_wait3A_486 = arith.constant 0 : i32
    %dma_wait3A_487 = tpu.memref_slice %arg2[%dma_wait3A_482, %add3A_481, %dma_wait3A_486] : memref<4x4096x1024xf32, #tpu.memory_space<hbm>> -> memref<1x16x1024xf32, #tpu.memory_space<hbm>>
    %dma_wait3A_488 = tpu.memref_squeeze %dma_wait3A_487 : memref<1x16x1024xf32, #tpu.memory_space<hbm>> -> memref<16x1024xf32, #tpu.memory_space<hbm>>
    tpu.wait_dma2 semaphore(%arg13 : memref<!tpu.dma_semaphore, #tpu.memory_space<semaphore_mem>>) src(%dma_wait3A_488 : memref<16x1024xf32, #tpu.memory_space<hbm>>) dst(%arg6 : memref<16x1024xf32, #tpu.memory_space<vmem>>)
    %parallel_loop3A_489 = arith.constant 0 : i32
    %parallel_loop3A_490 = arith.constant 16 : i32
    %parallel_loop3A_491 = arith.constant 1 : i32
    scf.for %parallel_loop3A_1344 = %parallel_loop3A_489 to %parallel_loop3A_490 step %parallel_loop3A_491  : i32 {
      %parallel_loop3A_1345 = arith.constant 0 : i32
      %parallel_loop3A_1346 = arith.constant 1024 : i32
      %parallel_loop3A_1347 = arith.constant 16 : i32
      scf.for %parallel_loop3A_1348 = %parallel_loop3A_1345 to %parallel_loop3A_1346 step %parallel_loop3A_1347  : i32 {
        %parallel_loop3A_1349 = arith.index_cast %parallel_loop3A_1344 : i32 to index
        %parallel_loop3A_1350 = arith.index_cast %parallel_loop3A_1348 : i32 to index
        %parallel_loop3A_1351 = tpu.vector_load %arg10[%parallel_loop3A_1349, %parallel_loop3A_1350] {strides = array<i32>} : memref<16x1024xf32, #tpu.memory_space<vmem>>, vector<1x16xf32>,
        %parallel_loop3A_1352 = vector.shape_cast %parallel_loop3A_1351 : vector<1x16xf32> to vector<16xf32>
        %parallel_loop3A_1353 = arith.index_cast %parallel_loop3A_1344 : i32 to index
        %parallel_loop3A_1354 = arith.index_cast %parallel_loop3A_1348 : i32 to index
        %parallel_loop3A_1355 = tpu.vector_load %arg6[%parallel_loop3A_1353, %parallel_loop3A_1354] {strides = array<i32>} : memref<16x1024xf32, #tpu.memory_space<vmem>>, vector<1x16xf32>,
        %parallel_loop3A_1356 = vector.shape_cast %parallel_loop3A_1355 : vector<1x16xf32> to vector<16xf32>
        %parallel_loop3A_1357 = vector.shape_cast %parallel_loop3A_1352 : vector<16xf32> to vector<1x16xf32>
        tpu.vector_store %arg6[%parallel_loop3A_1353, %parallel_loop3A_1354], %parallel_loop3A_1357 {add = true, strides = array<i32>} : memref<16x1024xf32, #tpu.memory_space<vmem>>, vector<1x16xf32>,
      } {sc.loop_unroll_factor = 16 : i64, sc.parallel_access}
    } {sc.loop_unroll_factor = 1 : i64, sc.parallel_access}
    %add3A_492 = arith.constant 32 : i32
    %add3A_493 = arith.addi %mul3A_2, %add3A_492 : i32
    %dma_start3A_494 = arith.constant 3 : i32
    %dma_start3A_495 = arith.constant 0 : i32
    %dma_start3A_496 = tpu.memref_slice %arg4[%dma_start3A_494, %add3A_493, %dma_start3A_495] : memref<4x4096x1024xf32, #tpu.memory_space<hbm>> -> memref<1x16x1024xf32, #tpu.memory_space<hbm>>
    %dma_start3A_497 = tpu.memref_squeeze %dma_start3A_496 : memref<1x16x1024xf32, #tpu.memory_space<hbm>> -> memref<16x1024xf32, #tpu.memory_space<hbm>>
    %dma_start3A_498 = arith.constant 0 : i32
    %dma_start3A_499 = tpu.memref_slice %arg4[%dma_start3A_494, %add3A_493, %dma_start3A_498] : memref<4x4096x1024xf32, #tpu.memory_space<hbm>> -> memref<1x16x1024xf32, #tpu.memory_space<hbm>>
    %dma_start3A_500 = tpu.memref_squeeze %dma_start3A_499 : memref<1x16x1024xf32, #tpu.memory_space<hbm>> -> memref<16x1024xf32, #tpu.memory_space<hbm>>
    tpu.enqueue_dma source(%arg6 : memref<16x1024xf32, #tpu.memory_space<vmem>>) target(%dma_start3A_500 : memref<16x1024xf32, #tpu.memory_space<hbm>>) target_semaphore(%arg18 : memref<!tpu.dma_semaphore, #tpu.memory_space<semaphore_mem>>)
    %add3A_501 = arith.constant 32 : i32
    %add3A_502 = arith.addi %mul3A_2, %add3A_501 : i32
    %dma_wait3A_503 = arith.constant 1 : i32
    %dma_wait3A_504 = arith.constant 0 : i32
    %dma_wait3A_505 = tpu.memref_slice %arg4[%dma_wait3A_503, %add3A_502, %dma_wait3A_504] : memref<4x4096x1024xf32, #tpu.memory_space<hbm>> -> memref<1x16x1024xf32, #tpu.memory_space<hbm>>
    %dma_wait3A_506 = tpu.memref_squeeze %dma_wait3A_505 : memref<1x16x1024xf32, #tpu.memory_space<hbm>> -> memref<16x1024xf32, #tpu.memory_space<hbm>>
    %dma_wait3A_507 = arith.constant 0 : i32
    %dma_wait3A_508 = tpu.memref_slice %arg4[%dma_wait3A_503, %add3A_502, %dma_wait3A_507] : memref<4x4096x1024xf32, #tpu.memory_space<hbm>> -> memref<1x16x1024xf32, #tpu.memory_space<hbm>>
    %dma_wait3A_509 = tpu.memref_squeeze %dma_wait3A_508 : memref<1x16x1024xf32, #tpu.memory_space<hbm>> -> memref<16x1024xf32, #tpu.memory_space<hbm>>
    tpu.wait_dma2 semaphore(%arg21 : memref<!tpu.dma_semaphore, #tpu.memory_space<semaphore_mem>>) src(%arg9 : memref<16x1024xf32, #tpu.memory_space<vmem>>) dst(%dma_wait3A_509 : memref<16x1024xf32, #tpu.memory_space<hbm>>)
    %add3A_510 = arith.constant 48 : i32
    %add3A_511 = arith.addi %mul3A_2, %add3A_510 : i32
    %dma_start3A_512 = arith.constant 2 : i32
    %dma_start3A_513 = arith.constant 0 : i32
    %dma_start3A_514 = tpu.memref_slice %arg2[%dma_start3A_512, %add3A_511, %dma_start3A_513] : memref<4x4096x1024xf32, #tpu.memory_space<hbm>> -> memref<1x16x1024xf32, #tpu.memory_space<hbm>>
    %dma_start3A_515 = tpu.memref_squeeze %dma_start3A_514 : memref<1x16x1024xf32, #tpu.memory_space<hbm>> -> memref<16x1024xf32, #tpu.memory_space<hbm>>
    %dma_start3A_516 = arith.constant 0 : i32
    %dma_start3A_517 = tpu.memref_slice %arg2[%dma_start3A_512, %add3A_511, %dma_start3A_516] : memref<4x4096x1024xf32, #tpu.memory_space<hbm>> -> memref<1x16x1024xf32, #tpu.memory_space<hbm>>
    %dma_start3A_518 = tpu.memref_squeeze %dma_start3A_517 : memref<1x16x1024xf32, #tpu.memory_space<hbm>> -> memref<16x1024xf32, #tpu.memory_space<hbm>>
    tpu.enqueue_dma source(%dma_start3A_518 : memref<16x1024xf32, #tpu.memory_space<hbm>>) target(%arg9 : memref<16x1024xf32, #tpu.memory_space<vmem>>) target_semaphore(%arg16 : memref<!tpu.dma_semaphore, #tpu.memory_space<semaphore_mem>>)
    %add3A_519 = arith.constant 48 : i32
    %add3A_520 = arith.addi %mul3A_2, %add3A_519 : i32
    %dma_wait3A_521 = arith.constant 0 : i32
    %dma_wait3A_522 = tpu.memref_slice %arg3[%add3A_520, %dma_wait3A_521] : memref<4096x1024xf32, #tpu.memory_space<hbm>> -> memref<16x1024xf32, #tpu.memory_space<hbm>>
    %dma_wait3A_523 = arith.constant 0 : i32
    %dma_wait3A_524 = tpu.memref_slice %arg3[%add3A_520, %dma_wait3A_523] : memref<4096x1024xf32, #tpu.memory_space<hbm>> -> memref<16x1024xf32, #tpu.memory_space<hbm>>
    tpu.wait_dma2 semaphore(%arg23 : memref<!tpu.dma_semaphore, #tpu.memory_space<semaphore_mem>>) src(%dma_wait3A_524 : memref<16x1024xf32, #tpu.memory_space<hbm>>) dst(%arg11 : memref<16x1024xf32, #tpu.memory_space<vmem>>)
    %add3A_525 = arith.constant 64 : i32
    %add3A_526 = arith.addi %mul3A_2, %add3A_525 : i32
    %dma_start3A_527 = arith.constant 0 : i32
    %dma_start3A_528 = tpu.memref_slice %arg3[%add3A_526, %dma_start3A_527] : memref<4096x1024xf32, #tpu.memory_space<hbm>> -> memref<16x1024xf32, #tpu.memory_space<hbm>>
    %dma_start3A_529 = arith.constant 0 : i32
    %dma_start3A_530 = tpu.memref_slice %arg3[%add3A_526, %dma_start3A_529] : memref<4096x1024xf32, #tpu.memory_space<hbm>> -> memref<16x1024xf32, #tpu.memory_space<hbm>>
    tpu.enqueue_dma source(%dma_start3A_530 : memref<16x1024xf32, #tpu.memory_space<hbm>>) target(%arg10 : memref<16x1024xf32, #tpu.memory_space<vmem>>) target_semaphore(%arg22 : memref<!tpu.dma_semaphore, #tpu.memory_space<semaphore_mem>>)
    %add3A_531 = arith.constant 48 : i32
    %add3A_532 = arith.addi %mul3A_2, %add3A_531 : i32
    %dma_wait3A_533 = arith.constant 0 : i32
    %dma_wait3A_534 = arith.constant 0 : i32
    %dma_wait3A_535 = tpu.memref_slice %arg2[%dma_wait3A_533, %add3A_532, %dma_wait3A_534] : memref<4x4096x1024xf32, #tpu.memory_space<hbm>> -> memref<1x16x1024xf32, #tpu.memory_space<hbm>>
    %dma_wait3A_536 = tpu.memref_squeeze %dma_wait3A_535 : memref<1x16x1024xf32, #tpu.memory_space<hbm>> -> memref<16x1024xf32, #tpu.memory_space<hbm>>
    %dma_wait3A_537 = arith.constant 0 : i32
    %dma_wait3A_538 = tpu.memref_slice %arg2[%dma_wait3A_533, %add3A_532, %dma_wait3A_537] : memref<4x4096x1024xf32, #tpu.memory_space<hbm>> -> memref<1x16x1024xf32, #tpu.memory_space<hbm>>
    %dma_wait3A_539 = tpu.memref_squeeze %dma_wait3A_538 : memref<1x16x1024xf32, #tpu.memory_space<hbm>> -> memref<16x1024xf32, #tpu.memory_space<hbm>>
    tpu.wait_dma2 semaphore(%arg14 : memref<!tpu.dma_semaphore, #tpu.memory_space<semaphore_mem>>) src(%dma_wait3A_539 : memref<16x1024xf32, #tpu.memory_space<hbm>>) dst(%arg7 : memref<16x1024xf32, #tpu.memory_space<vmem>>)
    %parallel_loop3A_540 = arith.constant 0 : i32
    %parallel_loop3A_541 = arith.constant 16 : i32
    %parallel_loop3A_542 = arith.constant 1 : i32
    scf.for %parallel_loop3A_1344 = %parallel_loop3A_540 to %parallel_loop3A_541 step %parallel_loop3A_542  : i32 {
      %parallel_loop3A_1345 = arith.constant 0 : i32
      %parallel_loop3A_1346 = arith.constant 1024 : i32
      %parallel_loop3A_1347 = arith.constant 16 : i32
      scf.for %parallel_loop3A_1348 = %parallel_loop3A_1345 to %parallel_loop3A_1346 step %parallel_loop3A_1347  : i32 {
        %parallel_loop3A_1349 = arith.index_cast %parallel_loop3A_1344 : i32 to index
        %parallel_loop3A_1350 = arith.index_cast %parallel_loop3A_1348 : i32 to index
        %parallel_loop3A_1351 = tpu.vector_load %arg11[%parallel_loop3A_1349, %parallel_loop3A_1350] {strides = array<i32>} : memref<16x1024xf32, #tpu.memory_space<vmem>>, vector<1x16xf32>,
        %parallel_loop3A_1352 = vector.shape_cast %parallel_loop3A_1351 : vector<1x16xf32> to vector<16xf32>
        %parallel_loop3A_1353 = arith.index_cast %parallel_loop3A_1344 : i32 to index
        %parallel_loop3A_1354 = arith.index_cast %parallel_loop3A_1348 : i32 to index
        %parallel_loop3A_1355 = tpu.vector_load %arg7[%parallel_loop3A_1353, %parallel_loop3A_1354] {strides = array<i32>} : memref<16x1024xf32, #tpu.memory_space<vmem>>, vector<1x16xf32>,
        %parallel_loop3A_1356 = vector.shape_cast %parallel_loop3A_1355 : vector<1x16xf32> to vector<16xf32>
        %parallel_loop3A_1357 = vector.shape_cast %parallel_loop3A_1352 : vector<16xf32> to vector<1x16xf32>
        tpu.vector_store %arg7[%parallel_loop3A_1353, %parallel_loop3A_1354], %parallel_loop3A_1357 {add = true, strides = array<i32>} : memref<16x1024xf32, #tpu.memory_space<vmem>>, vector<1x16xf32>,
      } {sc.loop_unroll_factor = 16 : i64, sc.parallel_access}
    } {sc.loop_unroll_factor = 1 : i64, sc.parallel_access}
    %add3A_543 = arith.constant 48 : i32
    %add3A_544 = arith.addi %mul3A_2, %add3A_543 : i32
    %dma_start3A_545 = arith.constant 0 : i32
    %dma_start3A_546 = arith.constant 0 : i32
    %dma_start3A_547 = tpu.memref_slice %arg4[%dma_start3A_545, %add3A_544, %dma_start3A_546] : memref<4x4096x1024xf32, #tpu.memory_space<hbm>> -> memref<1x16x1024xf32, #tpu.memory_space<hbm>>
    %dma_start3A_548 = tpu.memref_squeeze %dma_start3A_547 : memref<1x16x1024xf32, #tpu.memory_space<hbm>> -> memref<16x1024xf32, #tpu.memory_space<hbm>>
    %dma_start3A_549 = arith.constant 0 : i32
    %dma_start3A_550 = tpu.memref_slice %arg4[%dma_start3A_545, %add3A_544, %dma_start3A_549] : memref<4x4096x1024xf32, #tpu.memory_space<hbm>> -> memref<1x16x1024xf32, #tpu.memory_space<hbm>>
    %dma_start3A_551 = tpu.memref_squeeze %dma_start3A_550 : memref<1x16x1024xf32, #tpu.memory_space<hbm>> -> memref<16x1024xf32, #tpu.memory_space<hbm>>
    tpu.enqueue_dma source(%arg7 : memref<16x1024xf32, #tpu.memory_space<vmem>>) target(%dma_start3A_551 : memref<16x1024xf32, #tpu.memory_space<hbm>>) target_semaphore(%arg19 : memref<!tpu.dma_semaphore, #tpu.memory_space<semaphore_mem>>)
    %add3A_552 = arith.constant 32 : i32
    %add3A_553 = arith.addi %mul3A_2, %add3A_552 : i32
    %dma_wait3A_554 = arith.constant 2 : i32
    %dma_wait3A_555 = arith.constant 0 : i32
    %dma_wait3A_556 = tpu.memref_slice %arg4[%dma_wait3A_554, %add3A_553, %dma_wait3A_555] : memref<4x4096x1024xf32, #tpu.memory_space<hbm>> -> memref<1x16x1024xf32, #tpu.memory_space<hbm>>
    %dma_wait3A_557 = tpu.memref_squeeze %dma_wait3A_556 : memref<1x16x1024xf32, #tpu.memory_space<hbm>> -> memref<16x1024xf32, #tpu.memory_space<hbm>>
    %dma_wait3A_558 = arith.constant 0 : i32
    %dma_wait3A_559 = tpu.memref_slice %arg4[%dma_wait3A_554, %add3A_553, %dma_wait3A_558] : memref<4x4096x1024xf32, #tpu.memory_space<hbm>> -> memref<1x16x1024xf32, #tpu.memory_space<hbm>>
    %dma_wait3A_560 = tpu.memref_squeeze %dma_wait3A_559 : memref<1x16x1024xf32, #tpu.memory_space<hbm>> -> memref<16x1024xf32, #tpu.memory_space<hbm>>
    tpu.wait_dma2 semaphore(%arg17 : memref<!tpu.dma_semaphore, #tpu.memory_space<semaphore_mem>>) src(%arg5 : memref<16x1024xf32, #tpu.memory_space<vmem>>) dst(%dma_wait3A_560 : memref<16x1024xf32, #tpu.memory_space<hbm>>)
    %add3A_561 = arith.constant 48 : i32
    %add3A_562 = arith.addi %mul3A_2, %add3A_561 : i32
    %dma_start3A_563 = arith.constant 3 : i32
    %dma_start3A_564 = arith.constant 0 : i32
    %dma_start3A_565 = tpu.memref_slice %arg2[%dma_start3A_563, %add3A_562, %dma_start3A_564] : memref<4x4096x1024xf32, #tpu.memory_space<hbm>> -> memref<1x16x1024xf32, #tpu.memory_space<hbm>>
    %dma_start3A_566 = tpu.memref_squeeze %dma_start3A_565 : memref<1x16x1024xf32, #tpu.memory_space<hbm>> -> memref<16x1024xf32, #tpu.memory_space<hbm>>
    %dma_start3A_567 = arith.constant 0 : i32
    %dma_start3A_568 = tpu.memref_slice %arg2[%dma_start3A_563, %add3A_562, %dma_start3A_567] : memref<4x4096x1024xf32, #tpu.memory_space<hbm>> -> memref<1x16x1024xf32, #tpu.memory_space<hbm>>
    %dma_start3A_569 = tpu.memref_squeeze %dma_start3A_568 : memref<1x16x1024xf32, #tpu.memory_space<hbm>> -> memref<16x1024xf32, #tpu.memory_space<hbm>>
    tpu.enqueue_dma source(%dma_start3A_569 : memref<16x1024xf32, #tpu.memory_space<hbm>>) target(%arg5 : memref<16x1024xf32, #tpu.memory_space<vmem>>) target_semaphore(%arg12 : memref<!tpu.dma_semaphore, #tpu.memory_space<semaphore_mem>>)
    %add3A_570 = arith.constant 48 : i32
    %add3A_571 = arith.addi %mul3A_2, %add3A_570 : i32
    %dma_wait3A_572 = arith.constant 1 : i32
    %dma_wait3A_573 = arith.constant 0 : i32
    %dma_wait3A_574 = tpu.memref_slice %arg2[%dma_wait3A_572, %add3A_571, %dma_wait3A_573] : memref<4x4096x1024xf32, #tpu.memory_space<hbm>> -> memref<1x16x1024xf32, #tpu.memory_space<hbm>>
    %dma_wait3A_575 = tpu.memref_squeeze %dma_wait3A_574 : memref<1x16x1024xf32, #tpu.memory_space<hbm>> -> memref<16x1024xf32, #tpu.memory_space<hbm>>
    %dma_wait3A_576 = arith.constant 0 : i32
    %dma_wait3A_577 = tpu.memref_slice %arg2[%dma_wait3A_572, %add3A_571, %dma_wait3A_576] : memref<4x4096x1024xf32, #tpu.memory_space<hbm>> -> memref<1x16x1024xf32, #tpu.memory_space<hbm>>
    %dma_wait3A_578 = tpu.memref_squeeze %dma_wait3A_577 : memref<1x16x1024xf32, #tpu.memory_space<hbm>> -> memref<16x1024xf32, #tpu.memory_space<hbm>>
    tpu.wait_dma2 semaphore(%arg15 : memref<!tpu.dma_semaphore, #tpu.memory_space<semaphore_mem>>) src(%dma_wait3A_578 : memref<16x1024xf32, #tpu.memory_space<hbm>>) dst(%arg8 : memref<16x1024xf32, #tpu.memory_space<vmem>>)
    %parallel_loop3A_579 = arith.constant 0 : i32
    %parallel_loop3A_580 = arith.constant 16 : i32
    %parallel_loop3A_581 = arith.constant 1 : i32
    scf.for %parallel_loop3A_1344 = %parallel_loop3A_579 to %parallel_loop3A_580 step %parallel_loop3A_581  : i32 {
      %parallel_loop3A_1345 = arith.constant 0 : i32
      %parallel_loop3A_1346 = arith.constant 1024 : i32
      %parallel_loop3A_1347 = arith.constant 16 : i32
      scf.for %parallel_loop3A_1348 = %parallel_loop3A_1345 to %parallel_loop3A_1346 step %parallel_loop3A_1347  : i32 {
        %parallel_loop3A_1349 = arith.index_cast %parallel_loop3A_1344 : i32 to index
        %parallel_loop3A_1350 = arith.index_cast %parallel_loop3A_1348 : i32 to index
        %parallel_loop3A_1351 = tpu.vector_load %arg11[%parallel_loop3A_1349, %parallel_loop3A_1350] {strides = array<i32>} : memref<16x1024xf32, #tpu.memory_space<vmem>>, vector<1x16xf32>,
        %parallel_loop3A_1352 = vector.shape_cast %parallel_loop3A_1351 : vector<1x16xf32> to vector<16xf32>
        %parallel_loop3A_1353 = arith.index_cast %parallel_loop3A_1344 : i32 to index
        %parallel_loop3A_1354 = arith.index_cast %parallel_loop3A_1348 : i32 to index
        %parallel_loop3A_1355 = tpu.vector_load %arg8[%parallel_loop3A_1353, %parallel_loop3A_1354] {strides = array<i32>} : memref<16x1024xf32, #tpu.memory_space<vmem>>, vector<1x16xf32>,
        %parallel_loop3A_1356 = vector.shape_cast %parallel_loop3A_1355 : vector<1x16xf32> to vector<16xf32>
        %parallel_loop3A_1357 = vector.shape_cast %parallel_loop3A_1352 : vector<16xf32> to vector<1x16xf32>
        tpu.vector_store %arg8[%parallel_loop3A_1353, %parallel_loop3A_1354], %parallel_loop3A_1357 {add = true, strides = array<i32>} : memref<16x1024xf32, #tpu.memory_space<vmem>>, vector<1x16xf32>,
      } {sc.loop_unroll_factor = 16 : i64, sc.parallel_access}
    } {sc.loop_unroll_factor = 1 : i64, sc.parallel_access}
    %add3A_582 = arith.constant 48 : i32
    %add3A_583 = arith.addi %mul3A_2, %add3A_582 : i32
    %dma_start3A_584 = arith.constant 1 : i32
    %dma_start3A_585 = arith.constant 0 : i32
    %dma_start3A_586 = tpu.memref_slice %arg4[%dma_start3A_584, %add3A_583, %dma_start3A_585] : memref<4x4096x1024xf32, #tpu.memory_space<hbm>> -> memref<1x16x1024xf32, #tpu.memory_space<hbm>>
    %dma_start3A_587 = tpu.memref_squeeze %dma_start3A_586 : memref<1x16x1024xf32, #tpu.memory_space<hbm>> -> memref<16x1024xf32, #tpu.memory_space<hbm>>
    %dma_start3A_588 = arith.constant 0 : i32
    %dma_start3A_589 = tpu.memref_slice %arg4[%dma_start3A_584, %add3A_583, %dma_start3A_588] : memref<4x4096x1024xf32, #tpu.memory_space<hbm>> -> memref<1x16x1024xf32, #tpu.memory_space<hbm>>
    %dma_start3A_590 = tpu.memref_squeeze %dma_start3A_589 : memref<1x16x1024xf32, #tpu.memory_space<hbm>> -> memref<16x1024xf32, #tpu.memory_space<hbm>>
    tpu.enqueue_dma source(%arg8 : memref<16x1024xf32, #tpu.memory_space<vmem>>) target(%dma_start3A_590 : memref<16x1024xf32, #tpu.memory_space<hbm>>) target_semaphore(%arg20 : memref<!tpu.dma_semaphore, #tpu.memory_space<semaphore_mem>>)
    %add3A_591 = arith.constant 32 : i32
    %add3A_592 = arith.addi %mul3A_2, %add3A_591 : i32
    %dma_wait3A_593 = arith.constant 3 : i32
    %dma_wait3A_594 = arith.constant 0 : i32
    %dma_wait3A_595 = tpu.memref_slice %arg4[%dma_wait3A_593, %add3A_592, %dma_wait3A_594] : memref<4x4096x1024xf32, #tpu.memory_space<hbm>> -> memref<1x16x1024xf32, #tpu.memory_space<hbm>>
    %dma_wait3A_596 = tpu.memref_squeeze %dma_wait3A_595 : memref<1x16x1024xf32, #tpu.memory_space<hbm>> -> memref<16x1024xf32, #tpu.memory_space<hbm>>
    %dma_wait3A_597 = arith.constant 0 : i32
    %dma_wait3A_598 = tpu.memref_slice %arg4[%dma_wait3A_593, %add3A_592, %dma_wait3A_597] : memref<4x4096x1024xf32, #tpu.memory_space<hbm>> -> memref<1x16x1024xf32, #tpu.memory_space<hbm>>
    %dma_wait3A_599 = tpu.memref_squeeze %dma_wait3A_598 : memref<1x16x1024xf32, #tpu.memory_space<hbm>> -> memref<16x1024xf32, #tpu.memory_space<hbm>>
    tpu.wait_dma2 semaphore(%arg18 : memref<!tpu.dma_semaphore, #tpu.memory_space<semaphore_mem>>) src(%arg6 : memref<16x1024xf32, #tpu.memory_space<vmem>>) dst(%dma_wait3A_599 : memref<16x1024xf32, #tpu.memory_space<hbm>>)
    %add3A_600 = arith.constant 64 : i32
    %add3A_601 = arith.addi %mul3A_2, %add3A_600 : i32
    %dma_start3A_602 = arith.constant 0 : i32
    %dma_start3A_603 = arith.constant 0 : i32
    %dma_start3A_604 = tpu.memref_slice %arg2[%dma_start3A_602, %add3A_601, %dma_start3A_603] : memref<4x4096x1024xf32, #tpu.memory_space<hbm>> -> memref<1x16x1024xf32, #tpu.memory_space<hbm>>
    %dma_start3A_605 = tpu.memref_squeeze %dma_start3A_604 : memref<1x16x1024xf32, #tpu.memory_space<hbm>> -> memref<16x1024xf32, #tpu.memory_space<hbm>>
    %dma_start3A_606 = arith.constant 0 : i32
    %dma_start3A_607 = tpu.memref_slice %arg2[%dma_start3A_602, %add3A_601, %dma_start3A_606] : memref<4x4096x1024xf32, #tpu.memory_space<hbm>> -> memref<1x16x1024xf32, #tpu.memory_space<hbm>>
    %dma_start3A_608 = tpu.memref_squeeze %dma_start3A_607 : memref<1x16x1024xf32, #tpu.memory_space<hbm>> -> memref<16x1024xf32, #tpu.memory_space<hbm>>
    tpu.enqueue_dma source(%dma_start3A_608 : memref<16x1024xf32, #tpu.memory_space<hbm>>) target(%arg6 : memref<16x1024xf32, #tpu.memory_space<vmem>>) target_semaphore(%arg13 : memref<!tpu.dma_semaphore, #tpu.memory_space<semaphore_mem>>)
    %add3A_609 = arith.constant 48 : i32
    %add3A_610 = arith.addi %mul3A_2, %add3A_609 : i32
    %dma_wait3A_611 = arith.constant 2 : i32
    %dma_wait3A_612 = arith.constant 0 : i32
    %dma_wait3A_613 = tpu.memref_slice %arg2[%dma_wait3A_611, %add3A_610, %dma_wait3A_612] : memref<4x4096x1024xf32, #tpu.memory_space<hbm>> -> memref<1x16x1024xf32, #tpu.memory_space<hbm>>
    %dma_wait3A_614 = tpu.memref_squeeze %dma_wait3A_613 : memref<1x16x1024xf32, #tpu.memory_space<hbm>> -> memref<16x1024xf32, #tpu.memory_space<hbm>>
    %dma_wait3A_615 = arith.constant 0 : i32
    %dma_wait3A_616 = tpu.memref_slice %arg2[%dma_wait3A_611, %add3A_610, %dma_wait3A_615] : memref<4x4096x1024xf32, #tpu.memory_space<hbm>> -> memref<1x16x1024xf32, #tpu.memory_space<hbm>>
    %dma_wait3A_617 = tpu.memref_squeeze %dma_wait3A_616 : memref<1x16x1024xf32, #tpu.memory_space<hbm>> -> memref<16x1024xf32, #tpu.memory_space<hbm>>
    tpu.wait_dma2 semaphore(%arg16 : memref<!tpu.dma_semaphore, #tpu.memory_space<semaphore_mem>>) src(%dma_wait3A_617 : memref<16x1024xf32, #tpu.memory_space<hbm>>) dst(%arg9 : memref<16x1024xf32, #tpu.memory_space<vmem>>)
    %parallel_loop3A_618 = arith.constant 0 : i32
    %parallel_loop3A_619 = arith.constant 16 : i32
    %parallel_loop3A_620 = arith.constant 1 : i32
    scf.for %parallel_loop3A_1344 = %parallel_loop3A_618 to %parallel_loop3A_619 step %parallel_loop3A_620  : i32 {
      %parallel_loop3A_1345 = arith.constant 0 : i32
      %parallel_loop3A_1346 = arith.constant 1024 : i32
      %parallel_loop3A_1347 = arith.constant 16 : i32
      scf.for %parallel_loop3A_1348 = %parallel_loop3A_1345 to %parallel_loop3A_1346 step %parallel_loop3A_1347  : i32 {
        %parallel_loop3A_1349 = arith.index_cast %parallel_loop3A_1344 : i32 to index
        %parallel_loop3A_1350 = arith.index_cast %parallel_loop3A_1348 : i32 to index
        %parallel_loop3A_1351 = tpu.vector_load %arg11[%parallel_loop3A_1349, %parallel_loop3A_1350] {strides = array<i32>} : memref<16x1024xf32, #tpu.memory_space<vmem>>, vector<1x16xf32>,
        %parallel_loop3A_1352 = vector.shape_cast %parallel_loop3A_1351 : vector<1x16xf32> to vector<16xf32>
        %parallel_loop3A_1353 = arith.index_cast %parallel_loop3A_1344 : i32 to index
        %parallel_loop3A_1354 = arith.index_cast %parallel_loop3A_1348 : i32 to index
        %parallel_loop3A_1355 = tpu.vector_load %arg9[%parallel_loop3A_1353, %parallel_loop3A_1354] {strides = array<i32>} : memref<16x1024xf32, #tpu.memory_space<vmem>>, vector<1x16xf32>,
        %parallel_loop3A_1356 = vector.shape_cast %parallel_loop3A_1355 : vector<1x16xf32> to vector<16xf32>
        %parallel_loop3A_1357 = vector.shape_cast %parallel_loop3A_1352 : vector<16xf32> to vector<1x16xf32>
        tpu.vector_store %arg9[%parallel_loop3A_1353, %parallel_loop3A_1354], %parallel_loop3A_1357 {add = true, strides = array<i32>} : memref<16x1024xf32, #tpu.memory_space<vmem>>, vector<1x16xf32>,
      } {sc.loop_unroll_factor = 16 : i64, sc.parallel_access}
    } {sc.loop_unroll_factor = 1 : i64, sc.parallel_access}
    %add3A_621 = arith.constant 48 : i32
    %add3A_622 = arith.addi %mul3A_2, %add3A_621 : i32
    %dma_start3A_623 = arith.constant 2 : i32
    %dma_start3A_624 = arith.constant 0 : i32
    %dma_start3A_625 = tpu.memref_slice %arg4[%dma_start3A_623, %add3A_622, %dma_start3A_624] : memref<4x4096x1024xf32, #tpu.memory_space<hbm>> -> memref<1x16x1024xf32, #tpu.memory_space<hbm>>
    %dma_start3A_626 = tpu.memref_squeeze %dma_start3A_625 : memref<1x16x1024xf32, #tpu.memory_space<hbm>> -> memref<16x1024xf32, #tpu.memory_space<hbm>>
    %dma_start3A_627 = arith.constant 0 : i32
    %dma_start3A_628 = tpu.memref_slice %arg4[%dma_start3A_623, %add3A_622, %dma_start3A_627] : memref<4x4096x1024xf32, #tpu.memory_space<hbm>> -> memref<1x16x1024xf32, #tpu.memory_space<hbm>>
    %dma_start3A_629 = tpu.memref_squeeze %dma_start3A_628 : memref<1x16x1024xf32, #tpu.memory_space<hbm>> -> memref<16x1024xf32, #tpu.memory_space<hbm>>
    tpu.enqueue_dma source(%arg9 : memref<16x1024xf32, #tpu.memory_space<vmem>>) target(%dma_start3A_629 : memref<16x1024xf32, #tpu.memory_space<hbm>>) target_semaphore(%arg21 : memref<!tpu.dma_semaphore, #tpu.memory_space<semaphore_mem>>)
    %add3A_630 = arith.constant 48 : i32
    %add3A_631 = arith.addi %mul3A_2, %add3A_630 : i32
    %dma_wait3A_632 = arith.constant 0 : i32
    %dma_wait3A_633 = arith.constant 0 : i32
    %dma_wait3A_634 = tpu.memref_slice %arg4[%dma_wait3A_632, %add3A_631, %dma_wait3A_633] : memref<4x4096x1024xf32, #tpu.memory_space<hbm>> -> memref<1x16x1024xf32, #tpu.memory_space<hbm>>
    %dma_wait3A_635 = tpu.memref_squeeze %dma_wait3A_634 : memref<1x16x1024xf32, #tpu.memory_space<hbm>> -> memref<16x1024xf32, #tpu.memory_space<hbm>>
    %dma_wait3A_636 = arith.constant 0 : i32
    %dma_wait3A_637 = tpu.memref_slice %arg4[%dma_wait3A_632, %add3A_631, %dma_wait3A_636] : memref<4x4096x1024xf32, #tpu.memory_space<hbm>> -> memref<1x16x1024xf32, #tpu.memory_space<hbm>>
    %dma_wait3A_638 = tpu.memref_squeeze %dma_wait3A_637 : memref<1x16x1024xf32, #tpu.memory_space<hbm>> -> memref<16x1024xf32, #tpu.memory_space<hbm>>
    tpu.wait_dma2 semaphore(%arg19 : memref<!tpu.dma_semaphore, #tpu.memory_space<semaphore_mem>>) src(%arg7 : memref<16x1024xf32, #tpu.memory_space<vmem>>) dst(%dma_wait3A_638 : memref<16x1024xf32, #tpu.memory_space<hbm>>)
    %add3A_639 = arith.constant 64 : i32
    %add3A_640 = arith.addi %mul3A_2, %add3A_639 : i32
    %dma_start3A_641 = arith.constant 1 : i32
    %dma_start3A_642 = arith.constant 0 : i32
    %dma_start3A_643 = tpu.memref_slice %arg2[%dma_start3A_641, %add3A_640, %dma_start3A_642] : memref<4x4096x1024xf32, #tpu.memory_space<hbm>> -> memref<1x16x1024xf32, #tpu.memory_space<hbm>>
    %dma_start3A_644 = tpu.memref_squeeze %dma_start3A_643 : memref<1x16x1024xf32, #tpu.memory_space<hbm>> -> memref<16x1024xf32, #tpu.memory_space<hbm>>
    %dma_start3A_645 = arith.constant 0 : i32
    %dma_start3A_646 = tpu.memref_slice %arg2[%dma_start3A_641, %add3A_640, %dma_start3A_645] : memref<4x4096x1024xf32, #tpu.memory_space<hbm>> -> memref<1x16x1024xf32, #tpu.memory_space<hbm>>
    %dma_start3A_647 = tpu.memref_squeeze %dma_start3A_646 : memref<1x16x1024xf32, #tpu.memory_space<hbm>> -> memref<16x1024xf32, #tpu.memory_space<hbm>>
    tpu.enqueue_dma source(%dma_start3A_647 : memref<16x1024xf32, #tpu.memory_space<hbm>>) target(%arg7 : memref<16x1024xf32, #tpu.memory_space<vmem>>) target_semaphore(%arg14 : memref<!tpu.dma_semaphore, #tpu.memory_space<semaphore_mem>>)
    %add3A_648 = arith.constant 48 : i32
    %add3A_649 = arith.addi %mul3A_2, %add3A_648 : i32
    %dma_wait3A_650 = arith.constant 3 : i32
    %dma_wait3A_651 = arith.constant 0 : i32
    %dma_wait3A_652 = tpu.memref_slice %arg2[%dma_wait3A_650, %add3A_649, %dma_wait3A_651] : memref<4x4096x1024xf32, #tpu.memory_space<hbm>> -> memref<1x16x1024xf32, #tpu.memory_space<hbm>>
    %dma_wait3A_653 = tpu.memref_squeeze %dma_wait3A_652 : memref<1x16x1024xf32, #tpu.memory_space<hbm>> -> memref<16x1024xf32, #tpu.memory_space<hbm>>
    %dma_wait3A_654 = arith.constant 0 : i32
    %dma_wait3A_655 = tpu.memref_slice %arg2[%dma_wait3A_650, %add3A_649, %dma_wait3A_654] : memref<4x4096x1024xf32, #tpu.memory_space<hbm>> -> memref<1x16x1024xf32, #tpu.memory_space<hbm>>
    %dma_wait3A_656 = tpu.memref_squeeze %dma_wait3A_655 : memref<1x16x1024xf32, #tpu.memory_space<hbm>> -> memref<16x1024xf32, #tpu.memory_space<hbm>>
    tpu.wait_dma2 semaphore(%arg12 : memref<!tpu.dma_semaphore, #tpu.memory_space<semaphore_mem>>) src(%dma_wait3A_656 : memref<16x1024xf32, #tpu.memory_space<hbm>>) dst(%arg5 : memref<16x1024xf32, #tpu.memory_space<vmem>>)
    %parallel_loop3A_657 = arith.constant 0 : i32
    %parallel_loop3A_658 = arith.constant 16 : i32
    %parallel_loop3A_659 = arith.constant 1 : i32
    scf.for %parallel_loop3A_1344 = %parallel_loop3A_657 to %parallel_loop3A_658 step %parallel_loop3A_659  : i32 {
      %parallel_loop3A_1345 = arith.constant 0 : i32
      %parallel_loop3A_1346 = arith.constant 1024 : i32
      %parallel_loop3A_1347 = arith.constant 16 : i32
      scf.for %parallel_loop3A_1348 = %parallel_loop3A_1345 to %parallel_loop3A_1346 step %parallel_loop3A_1347  : i32 {
        %parallel_loop3A_1349 = arith.index_cast %parallel_loop3A_1344 : i32 to index
        %parallel_loop3A_1350 = arith.index_cast %parallel_loop3A_1348 : i32 to index
        %parallel_loop3A_1351 = tpu.vector_load %arg11[%parallel_loop3A_1349, %parallel_loop3A_1350] {strides = array<i32>} : memref<16x1024xf32, #tpu.memory_space<vmem>>, vector<1x16xf32>,
        %parallel_loop3A_1352 = vector.shape_cast %parallel_loop3A_1351 : vector<1x16xf32> to vector<16xf32>
        %parallel_loop3A_1353 = arith.index_cast %parallel_loop3A_1344 : i32 to index
        %parallel_loop3A_1354 = arith.index_cast %parallel_loop3A_1348 : i32 to index
        %parallel_loop3A_1355 = tpu.vector_load %arg5[%parallel_loop3A_1353, %parallel_loop3A_1354] {strides = array<i32>} : memref<16x1024xf32, #tpu.memory_space<vmem>>, vector<1x16xf32>,
        %parallel_loop3A_1356 = vector.shape_cast %parallel_loop3A_1355 : vector<1x16xf32> to vector<16xf32>
        %parallel_loop3A_1357 = vector.shape_cast %parallel_loop3A_1352 : vector<16xf32> to vector<1x16xf32>
        tpu.vector_store %arg5[%parallel_loop3A_1353, %parallel_loop3A_1354], %parallel_loop3A_1357 {add = true, strides = array<i32>} : memref<16x1024xf32, #tpu.memory_space<vmem>>, vector<1x16xf32>,
      } {sc.loop_unroll_factor = 16 : i64, sc.parallel_access}
    } {sc.loop_unroll_factor = 1 : i64, sc.parallel_access}
    %add3A_660 = arith.constant 48 : i32
    %add3A_661 = arith.addi %mul3A_2, %add3A_660 : i32
    %dma_start3A_662 = arith.constant 3 : i32
    %dma_start3A_663 = arith.constant 0 : i32
    %dma_start3A_664 = tpu.memref_slice %arg4[%dma_start3A_662, %add3A_661, %dma_start3A_663] : memref<4x4096x1024xf32, #tpu.memory_space<hbm>> -> memref<1x16x1024xf32, #tpu.memory_space<hbm>>
    %dma_start3A_665 = tpu.memref_squeeze %dma_start3A_664 : memref<1x16x1024xf32, #tpu.memory_space<hbm>> -> memref<16x1024xf32, #tpu.memory_space<hbm>>
    %dma_start3A_666 = arith.constant 0 : i32
    %dma_start3A_667 = tpu.memref_slice %arg4[%dma_start3A_662, %add3A_661, %dma_start3A_666] : memref<4x4096x1024xf32, #tpu.memory_space<hbm>> -> memref<1x16x1024xf32, #tpu.memory_space<hbm>>
    %dma_start3A_668 = tpu.memref_squeeze %dma_start3A_667 : memref<1x16x1024xf32, #tpu.memory_space<hbm>> -> memref<16x1024xf32, #tpu.memory_space<hbm>>
    tpu.enqueue_dma source(%arg5 : memref<16x1024xf32, #tpu.memory_space<vmem>>) target(%dma_start3A_668 : memref<16x1024xf32, #tpu.memory_space<hbm>>) target_semaphore(%arg17 : memref<!tpu.dma_semaphore, #tpu.memory_space<semaphore_mem>>)
    %add3A_669 = arith.constant 48 : i32
    %add3A_670 = arith.addi %mul3A_2, %add3A_669 : i32
    %dma_wait3A_671 = arith.constant 1 : i32
    %dma_wait3A_672 = arith.constant 0 : i32
    %dma_wait3A_673 = tpu.memref_slice %arg4[%dma_wait3A_671, %add3A_670, %dma_wait3A_672] : memref<4x4096x1024xf32, #tpu.memory_space<hbm>> -> memref<1x16x1024xf32, #tpu.memory_space<hbm>>
    %dma_wait3A_674 = tpu.memref_squeeze %dma_wait3A_673 : memref<1x16x1024xf32, #tpu.memory_space<hbm>> -> memref<16x1024xf32, #tpu.memory_space<hbm>>
    %dma_wait3A_675 = arith.constant 0 : i32
    %dma_wait3A_676 = tpu.memref_slice %arg4[%dma_wait3A_671, %add3A_670, %dma_wait3A_675] : memref<4x4096x1024xf32, #tpu.memory_space<hbm>> -> memref<1x16x1024xf32, #tpu.memory_space<hbm>>
    %dma_wait3A_677 = tpu.memref_squeeze %dma_wait3A_676 : memref<1x16x1024xf32, #tpu.memory_space<hbm>> -> memref<16x1024xf32, #tpu.memory_space<hbm>>
    tpu.wait_dma2 semaphore(%arg20 : memref<!tpu.dma_semaphore, #tpu.memory_space<semaphore_mem>>) src(%arg8 : memref<16x1024xf32, #tpu.memory_space<vmem>>) dst(%dma_wait3A_677 : memref<16x1024xf32, #tpu.memory_space<hbm>>)
    %add3A_678 = arith.constant 64 : i32
    %add3A_679 = arith.addi %mul3A_2, %add3A_678 : i32
    %dma_start3A_680 = arith.constant 2 : i32
    %dma_start3A_681 = arith.constant 0 : i32
    %dma_start3A_682 = tpu.memref_slice %arg2[%dma_start3A_680, %add3A_679, %dma_start3A_681] : memref<4x4096x1024xf32, #tpu.memory_space<hbm>> -> memref<1x16x1024xf32, #tpu.memory_space<hbm>>
    %dma_start3A_683 = tpu.memref_squeeze %dma_start3A_682 : memref<1x16x1024xf32, #tpu.memory_space<hbm>> -> memref<16x1024xf32, #tpu.memory_space<hbm>>
    %dma_start3A_684 = arith.constant 0 : i32
    %dma_start3A_685 = tpu.memref_slice %arg2[%dma_start3A_680, %add3A_679, %dma_start3A_684] : memref<4x4096x1024xf32, #tpu.memory_space<hbm>> -> memref<1x16x1024xf32, #tpu.memory_space<hbm>>
    %dma_start3A_686 = tpu.memref_squeeze %dma_start3A_685 : memref<1x16x1024xf32, #tpu.memory_space<hbm>> -> memref<16x1024xf32, #tpu.memory_space<hbm>>
    tpu.enqueue_dma source(%dma_start3A_686 : memref<16x1024xf32, #tpu.memory_space<hbm>>) target(%arg8 : memref<16x1024xf32, #tpu.memory_space<vmem>>) target_semaphore(%arg15 : memref<!tpu.dma_semaphore, #tpu.memory_space<semaphore_mem>>)
    %add3A_687 = arith.constant 64 : i32
    %add3A_688 = arith.addi %mul3A_2, %add3A_687 : i32
    %dma_wait3A_689 = arith.constant 0 : i32
    %dma_wait3A_690 = tpu.memref_slice %arg3[%add3A_688, %dma_wait3A_689] : memref<4096x1024xf32, #tpu.memory_space<hbm>> -> memref<16x1024xf32, #tpu.memory_space<hbm>>
    %dma_wait3A_691 = arith.constant 0 : i32
    %dma_wait3A_692 = tpu.memref_slice %arg3[%add3A_688, %dma_wait3A_691] : memref<4096x1024xf32, #tpu.memory_space<hbm>> -> memref<16x1024xf32, #tpu.memory_space<hbm>>
    tpu.wait_dma2 semaphore(%arg22 : memref<!tpu.dma_semaphore, #tpu.memory_space<semaphore_mem>>) src(%dma_wait3A_692 : memref<16x1024xf32, #tpu.memory_space<hbm>>) dst(%arg10 : memref<16x1024xf32, #tpu.memory_space<vmem>>)
    %add3A_693 = arith.constant 80 : i32
    %add3A_694 = arith.addi %mul3A_2, %add3A_693 : i32
    %dma_start3A_695 = arith.constant 0 : i32
    %dma_start3A_696 = tpu.memref_slice %arg3[%add3A_694, %dma_start3A_695] : memref<4096x1024xf32, #tpu.memory_space<hbm>> -> memref<16x1024xf32, #tpu.memory_space<hbm>>
    %dma_start3A_697 = arith.constant 0 : i32
    %dma_start3A_698 = tpu.memref_slice %arg3[%add3A_694, %dma_start3A_697] : memref<4096x1024xf32, #tpu.memory_space<hbm>> -> memref<16x1024xf32, #tpu.memory_space<hbm>>
    tpu.enqueue_dma source(%dma_start3A_698 : memref<16x1024xf32, #tpu.memory_space<hbm>>) target(%arg11 : memref<16x1024xf32, #tpu.memory_space<vmem>>) target_semaphore(%arg23 : memref<!tpu.dma_semaphore, #tpu.memory_space<semaphore_mem>>)
    %add3A_699 = arith.constant 64 : i32
    %add3A_700 = arith.addi %mul3A_2, %add3A_699 : i32
    %dma_wait3A_701 = arith.constant 0 : i32
    %dma_wait3A_702 = arith.constant 0 : i32
    %dma_wait3A_703 = tpu.memref_slice %arg2[%dma_wait3A_701, %add3A_700, %dma_wait3A_702] : memref<4x4096x1024xf32, #tpu.memory_space<hbm>> -> memref<1x16x1024xf32, #tpu.memory_space<hbm>>
    %dma_wait3A_704 = tpu.memref_squeeze %dma_wait3A_703 : memref<1x16x1024xf32, #tpu.memory_space<hbm>> -> memref<16x1024xf32, #tpu.memory_space<hbm>>
    %dma_wait3A_705 = arith.constant 0 : i32
    %dma_wait3A_706 = tpu.memref_slice %arg2[%dma_wait3A_701, %add3A_700, %dma_wait3A_705] : memref<4x4096x1024xf32, #tpu.memory_space<hbm>> -> memref<1x16x1024xf32, #tpu.memory_space<hbm>>
    %dma_wait3A_707 = tpu.memref_squeeze %dma_wait3A_706 : memref<1x16x1024xf32, #tpu.memory_space<hbm>> -> memref<16x1024xf32, #tpu.memory_space<hbm>>
    tpu.wait_dma2 semaphore(%arg13 : memref<!tpu.dma_semaphore, #tpu.memory_space<semaphore_mem>>) src(%dma_wait3A_707 : memref<16x1024xf32, #tpu.memory_space<hbm>>) dst(%arg6 : memref<16x1024xf32, #tpu.memory_space<vmem>>)
    %parallel_loop3A_708 = arith.constant 0 : i32
    %parallel_loop3A_709 = arith.constant 16 : i32
    %parallel_loop3A_710 = arith.constant 1 : i32
    scf.for %parallel_loop3A_1344 = %parallel_loop3A_708 to %parallel_loop3A_709 step %parallel_loop3A_710  : i32 {
      %parallel_loop3A_1345 = arith.constant 0 : i32
      %parallel_loop3A_1346 = arith.constant 1024 : i32
      %parallel_loop3A_1347 = arith.constant 16 : i32
      scf.for %parallel_loop3A_1348 = %parallel_loop3A_1345 to %parallel_loop3A_1346 step %parallel_loop3A_1347  : i32 {
        %parallel_loop3A_1349 = arith.index_cast %parallel_loop3A_1344 : i32 to index
        %parallel_loop3A_1350 = arith.index_cast %parallel_loop3A_1348 : i32 to index
        %parallel_loop3A_1351 = tpu.vector_load %arg10[%parallel_loop3A_1349, %parallel_loop3A_1350] {strides = array<i32>} : memref<16x1024xf32, #tpu.memory_space<vmem>>, vector<1x16xf32>,
        %parallel_loop3A_1352 = vector.shape_cast %parallel_loop3A_1351 : vector<1x16xf32> to vector<16xf32>
        %parallel_loop3A_1353 = arith.index_cast %parallel_loop3A_1344 : i32 to index
        %parallel_loop3A_1354 = arith.index_cast %parallel_loop3A_1348 : i32 to index
        %parallel_loop3A_1355 = tpu.vector_load %arg6[%parallel_loop3A_1353, %parallel_loop3A_1354] {strides = array<i32>} : memref<16x1024xf32, #tpu.memory_space<vmem>>, vector<1x16xf32>,
        %parallel_loop3A_1356 = vector.shape_cast %parallel_loop3A_1355 : vector<1x16xf32> to vector<16xf32>
        %parallel_loop3A_1357 = vector.shape_cast %parallel_loop3A_1352 : vector<16xf32> to vector<1x16xf32>
        tpu.vector_store %arg6[%parallel_loop3A_1353, %parallel_loop3A_1354], %parallel_loop3A_1357 {add = true, strides = array<i32>} : memref<16x1024xf32, #tpu.memory_space<vmem>>, vector<1x16xf32>,
      } {sc.loop_unroll_factor = 16 : i64, sc.parallel_access}
    } {sc.loop_unroll_factor = 1 : i64, sc.parallel_access}
    %add3A_711 = arith.constant 64 : i32
    %add3A_712 = arith.addi %mul3A_2, %add3A_711 : i32
    %dma_start3A_713 = arith.constant 0 : i32
    %dma_start3A_714 = arith.constant 0 : i32
    %dma_start3A_715 = tpu.memref_slice %arg4[%dma_start3A_713, %add3A_712, %dma_start3A_714] : memref<4x4096x1024xf32, #tpu.memory_space<hbm>> -> memref<1x16x1024xf32, #tpu.memory_space<hbm>>
    %dma_start3A_716 = tpu.memref_squeeze %dma_start3A_715 : memref<1x16x1024xf32, #tpu.memory_space<hbm>> -> memref<16x1024xf32, #tpu.memory_space<hbm>>
    %dma_start3A_717 = arith.constant 0 : i32
    %dma_start3A_718 = tpu.memref_slice %arg4[%dma_start3A_713, %add3A_712, %dma_start3A_717] : memref<4x4096x1024xf32, #tpu.memory_space<hbm>> -> memref<1x16x1024xf32, #tpu.memory_space<hbm>>
    %dma_start3A_719 = tpu.memref_squeeze %dma_start3A_718 : memref<1x16x1024xf32, #tpu.memory_space<hbm>> -> memref<16x1024xf32, #tpu.memory_space<hbm>>
    tpu.enqueue_dma source(%arg6 : memref<16x1024xf32, #tpu.memory_space<vmem>>) target(%dma_start3A_719 : memref<16x1024xf32, #tpu.memory_space<hbm>>) target_semaphore(%arg18 : memref<!tpu.dma_semaphore, #tpu.memory_space<semaphore_mem>>)
    %add3A_720 = arith.constant 48 : i32
    %add3A_721 = arith.addi %mul3A_2, %add3A_720 : i32
    %dma_wait3A_722 = arith.constant 2 : i32
    %dma_wait3A_723 = arith.constant 0 : i32
    %dma_wait3A_724 = tpu.memref_slice %arg4[%dma_wait3A_722, %add3A_721, %dma_wait3A_723] : memref<4x4096x1024xf32, #tpu.memory_space<hbm>> -> memref<1x16x1024xf32, #tpu.memory_space<hbm>>
    %dma_wait3A_725 = tpu.memref_squeeze %dma_wait3A_724 : memref<1x16x1024xf32, #tpu.memory_space<hbm>> -> memref<16x1024xf32, #tpu.memory_space<hbm>>
    %dma_wait3A_726 = arith.constant 0 : i32
    %dma_wait3A_727 = tpu.memref_slice %arg4[%dma_wait3A_722, %add3A_721, %dma_wait3A_726] : memref<4x4096x1024xf32, #tpu.memory_space<hbm>> -> memref<1x16x1024xf32, #tpu.memory_space<hbm>>
    %dma_wait3A_728 = tpu.memref_squeeze %dma_wait3A_727 : memref<1x16x1024xf32, #tpu.memory_space<hbm>> -> memref<16x1024xf32, #tpu.memory_space<hbm>>
    tpu.wait_dma2 semaphore(%arg21 : memref<!tpu.dma_semaphore, #tpu.memory_space<semaphore_mem>>) src(%arg9 : memref<16x1024xf32, #tpu.memory_space<vmem>>) dst(%dma_wait3A_728 : memref<16x1024xf32, #tpu.memory_space<hbm>>)
    %add3A_729 = arith.constant 64 : i32
    %add3A_730 = arith.addi %mul3A_2, %add3A_729 : i32
    %dma_start3A_731 = arith.constant 3 : i32
    %dma_start3A_732 = arith.constant 0 : i32
    %dma_start3A_733 = tpu.memref_slice %arg2[%dma_start3A_731, %add3A_730, %dma_start3A_732] : memref<4x4096x1024xf32, #tpu.memory_space<hbm>> -> memref<1x16x1024xf32, #tpu.memory_space<hbm>>
    %dma_start3A_734 = tpu.memref_squeeze %dma_start3A_733 : memref<1x16x1024xf32, #tpu.memory_space<hbm>> -> memref<16x1024xf32, #tpu.memory_space<hbm>>
    %dma_start3A_735 = arith.constant 0 : i32
    %dma_start3A_736 = tpu.memref_slice %arg2[%dma_start3A_731, %add3A_730, %dma_start3A_735] : memref<4x4096x1024xf32, #tpu.memory_space<hbm>> -> memref<1x16x1024xf32, #tpu.memory_space<hbm>>
    %dma_start3A_737 = tpu.memref_squeeze %dma_start3A_736 : memref<1x16x1024xf32, #tpu.memory_space<hbm>> -> memref<16x1024xf32, #tpu.memory_space<hbm>>
    tpu.enqueue_dma source(%dma_start3A_737 : memref<16x1024xf32, #tpu.memory_space<hbm>>) target(%arg9 : memref<16x1024xf32, #tpu.memory_space<vmem>>) target_semaphore(%arg16 : memref<!tpu.dma_semaphore, #tpu.memory_space<semaphore_mem>>)
    %add3A_738 = arith.constant 64 : i32
    %add3A_739 = arith.addi %mul3A_2, %add3A_738 : i32
    %dma_wait3A_740 = arith.constant 1 : i32
    %dma_wait3A_741 = arith.constant 0 : i32
    %dma_wait3A_742 = tpu.memref_slice %arg2[%dma_wait3A_740, %add3A_739, %dma_wait3A_741] : memref<4x4096x1024xf32, #tpu.memory_space<hbm>> -> memref<1x16x1024xf32, #tpu.memory_space<hbm>>
    %dma_wait3A_743 = tpu.memref_squeeze %dma_wait3A_742 : memref<1x16x1024xf32, #tpu.memory_space<hbm>> -> memref<16x1024xf32, #tpu.memory_space<hbm>>
    %dma_wait3A_744 = arith.constant 0 : i32
    %dma_wait3A_745 = tpu.memref_slice %arg2[%dma_wait3A_740, %add3A_739, %dma_wait3A_744] : memref<4x4096x1024xf32, #tpu.memory_space<hbm>> -> memref<1x16x1024xf32, #tpu.memory_space<hbm>>
    %dma_wait3A_746 = tpu.memref_squeeze %dma_wait3A_745 : memref<1x16x1024xf32, #tpu.memory_space<hbm>> -> memref<16x1024xf32, #tpu.memory_space<hbm>>
    tpu.wait_dma2 semaphore(%arg14 : memref<!tpu.dma_semaphore, #tpu.memory_space<semaphore_mem>>) src(%dma_wait3A_746 : memref<16x1024xf32, #tpu.memory_space<hbm>>) dst(%arg7 : memref<16x1024xf32, #tpu.memory_space<vmem>>)
    %parallel_loop3A_747 = arith.constant 0 : i32
    %parallel_loop3A_748 = arith.constant 16 : i32
    %parallel_loop3A_749 = arith.constant 1 : i32
    scf.for %parallel_loop3A_1344 = %parallel_loop3A_747 to %parallel_loop3A_748 step %parallel_loop3A_749  : i32 {
      %parallel_loop3A_1345 = arith.constant 0 : i32
      %parallel_loop3A_1346 = arith.constant 1024 : i32
      %parallel_loop3A_1347 = arith.constant 16 : i32
      scf.for %parallel_loop3A_1348 = %parallel_loop3A_1345 to %parallel_loop3A_1346 step %parallel_loop3A_1347  : i32 {
        %parallel_loop3A_1349 = arith.index_cast %parallel_loop3A_1344 : i32 to index
        %parallel_loop3A_1350 = arith.index_cast %parallel_loop3A_1348 : i32 to index
        %parallel_loop3A_1351 = tpu.vector_load %arg10[%parallel_loop3A_1349, %parallel_loop3A_1350] {strides = array<i32>} : memref<16x1024xf32, #tpu.memory_space<vmem>>, vector<1x16xf32>,
        %parallel_loop3A_1352 = vector.shape_cast %parallel_loop3A_1351 : vector<1x16xf32> to vector<16xf32>
        %parallel_loop3A_1353 = arith.index_cast %parallel_loop3A_1344 : i32 to index
        %parallel_loop3A_1354 = arith.index_cast %parallel_loop3A_1348 : i32 to index
        %parallel_loop3A_1355 = tpu.vector_load %arg7[%parallel_loop3A_1353, %parallel_loop3A_1354] {strides = array<i32>} : memref<16x1024xf32, #tpu.memory_space<vmem>>, vector<1x16xf32>,
        %parallel_loop3A_1356 = vector.shape_cast %parallel_loop3A_1355 : vector<1x16xf32> to vector<16xf32>
        %parallel_loop3A_1357 = vector.shape_cast %parallel_loop3A_1352 : vector<16xf32> to vector<1x16xf32>
        tpu.vector_store %arg7[%parallel_loop3A_1353, %parallel_loop3A_1354], %parallel_loop3A_1357 {add = true, strides = array<i32>} : memref<16x1024xf32, #tpu.memory_space<vmem>>, vector<1x16xf32>,
      } {sc.loop_unroll_factor = 16 : i64, sc.parallel_access}
    } {sc.loop_unroll_factor = 1 : i64, sc.parallel_access}
    %add3A_750 = arith.constant 64 : i32
    %add3A_751 = arith.addi %mul3A_2, %add3A_750 : i32
    %dma_start3A_752 = arith.constant 1 : i32
    %dma_start3A_753 = arith.constant 0 : i32
    %dma_start3A_754 = tpu.memref_slice %arg4[%dma_start3A_752, %add3A_751, %dma_start3A_753] : memref<4x4096x1024xf32, #tpu.memory_space<hbm>> -> memref<1x16x1024xf32, #tpu.memory_space<hbm>>
    %dma_start3A_755 = tpu.memref_squeeze %dma_start3A_754 : memref<1x16x1024xf32, #tpu.memory_space<hbm>> -> memref<16x1024xf32, #tpu.memory_space<hbm>>
    %dma_start3A_756 = arith.constant 0 : i32
    %dma_start3A_757 = tpu.memref_slice %arg4[%dma_start3A_752, %add3A_751, %dma_start3A_756] : memref<4x4096x1024xf32, #tpu.memory_space<hbm>> -> memref<1x16x1024xf32, #tpu.memory_space<hbm>>
    %dma_start3A_758 = tpu.memref_squeeze %dma_start3A_757 : memref<1x16x1024xf32, #tpu.memory_space<hbm>> -> memref<16x1024xf32, #tpu.memory_space<hbm>>
    tpu.enqueue_dma source(%arg7 : memref<16x1024xf32, #tpu.memory_space<vmem>>) target(%dma_start3A_758 : memref<16x1024xf32, #tpu.memory_space<hbm>>) target_semaphore(%arg19 : memref<!tpu.dma_semaphore, #tpu.memory_space<semaphore_mem>>)
    %add3A_759 = arith.constant 48 : i32
    %add3A_760 = arith.addi %mul3A_2, %add3A_759 : i32
    %dma_wait3A_761 = arith.constant 3 : i32
    %dma_wait3A_762 = arith.constant 0 : i32
    %dma_wait3A_763 = tpu.memref_slice %arg4[%dma_wait3A_761, %add3A_760, %dma_wait3A_762] : memref<4x4096x1024xf32, #tpu.memory_space<hbm>> -> memref<1x16x1024xf32, #tpu.memory_space<hbm>>
    %dma_wait3A_764 = tpu.memref_squeeze %dma_wait3A_763 : memref<1x16x1024xf32, #tpu.memory_space<hbm>> -> memref<16x1024xf32, #tpu.memory_space<hbm>>
    %dma_wait3A_765 = arith.constant 0 : i32
    %dma_wait3A_766 = tpu.memref_slice %arg4[%dma_wait3A_761, %add3A_760, %dma_wait3A_765] : memref<4x4096x1024xf32, #tpu.memory_space<hbm>> -> memref<1x16x1024xf32, #tpu.memory_space<hbm>>
    %dma_wait3A_767 = tpu.memref_squeeze %dma_wait3A_766 : memref<1x16x1024xf32, #tpu.memory_space<hbm>> -> memref<16x1024xf32, #tpu.memory_space<hbm>>
    tpu.wait_dma2 semaphore(%arg17 : memref<!tpu.dma_semaphore, #tpu.memory_space<semaphore_mem>>) src(%arg5 : memref<16x1024xf32, #tpu.memory_space<vmem>>) dst(%dma_wait3A_767 : memref<16x1024xf32, #tpu.memory_space<hbm>>)
    %add3A_768 = arith.constant 80 : i32
    %add3A_769 = arith.addi %mul3A_2, %add3A_768 : i32
    %dma_start3A_770 = arith.constant 0 : i32
    %dma_start3A_771 = arith.constant 0 : i32
    %dma_start3A_772 = tpu.memref_slice %arg2[%dma_start3A_770, %add3A_769, %dma_start3A_771] : memref<4x4096x1024xf32, #tpu.memory_space<hbm>> -> memref<1x16x1024xf32, #tpu.memory_space<hbm>>
    %dma_start3A_773 = tpu.memref_squeeze %dma_start3A_772 : memref<1x16x1024xf32, #tpu.memory_space<hbm>> -> memref<16x1024xf32, #tpu.memory_space<hbm>>
    %dma_start3A_774 = arith.constant 0 : i32
    %dma_start3A_775 = tpu.memref_slice %arg2[%dma_start3A_770, %add3A_769, %dma_start3A_774] : memref<4x4096x1024xf32, #tpu.memory_space<hbm>> -> memref<1x16x1024xf32, #tpu.memory_space<hbm>>
    %dma_start3A_776 = tpu.memref_squeeze %dma_start3A_775 : memref<1x16x1024xf32, #tpu.memory_space<hbm>> -> memref<16x1024xf32, #tpu.memory_space<hbm>>
    tpu.enqueue_dma source(%dma_start3A_776 : memref<16x1024xf32, #tpu.memory_space<hbm>>) target(%arg5 : memref<16x1024xf32, #tpu.memory_space<vmem>>) target_semaphore(%arg12 : memref<!tpu.dma_semaphore, #tpu.memory_space<semaphore_mem>>)
    %add3A_777 = arith.constant 64 : i32
    %add3A_778 = arith.addi %mul3A_2, %add3A_777 : i32
    %dma_wait3A_779 = arith.constant 2 : i32
    %dma_wait3A_780 = arith.constant 0 : i32
    %dma_wait3A_781 = tpu.memref_slice %arg2[%dma_wait3A_779, %add3A_778, %dma_wait3A_780] : memref<4x4096x1024xf32, #tpu.memory_space<hbm>> -> memref<1x16x1024xf32, #tpu.memory_space<hbm>>
    %dma_wait3A_782 = tpu.memref_squeeze %dma_wait3A_781 : memref<1x16x1024xf32, #tpu.memory_space<hbm>> -> memref<16x1024xf32, #tpu.memory_space<hbm>>
    %dma_wait3A_783 = arith.constant 0 : i32
    %dma_wait3A_784 = tpu.memref_slice %arg2[%dma_wait3A_779, %add3A_778, %dma_wait3A_783] : memref<4x4096x1024xf32, #tpu.memory_space<hbm>> -> memref<1x16x1024xf32, #tpu.memory_space<hbm>>
    %dma_wait3A_785 = tpu.memref_squeeze %dma_wait3A_784 : memref<1x16x1024xf32, #tpu.memory_space<hbm>> -> memref<16x1024xf32, #tpu.memory_space<hbm>>
    tpu.wait_dma2 semaphore(%arg15 : memref<!tpu.dma_semaphore, #tpu.memory_space<semaphore_mem>>) src(%dma_wait3A_785 : memref<16x1024xf32, #tpu.memory_space<hbm>>) dst(%arg8 : memref<16x1024xf32, #tpu.memory_space<vmem>>)
    %parallel_loop3A_786 = arith.constant 0 : i32
    %parallel_loop3A_787 = arith.constant 16 : i32
    %parallel_loop3A_788 = arith.constant 1 : i32
    scf.for %parallel_loop3A_1344 = %parallel_loop3A_786 to %parallel_loop3A_787 step %parallel_loop3A_788  : i32 {
      %parallel_loop3A_1345 = arith.constant 0 : i32
      %parallel_loop3A_1346 = arith.constant 1024 : i32
      %parallel_loop3A_1347 = arith.constant 16 : i32
      scf.for %parallel_loop3A_1348 = %parallel_loop3A_1345 to %parallel_loop3A_1346 step %parallel_loop3A_1347  : i32 {
        %parallel_loop3A_1349 = arith.index_cast %parallel_loop3A_1344 : i32 to index
        %parallel_loop3A_1350 = arith.index_cast %parallel_loop3A_1348 : i32 to index
        %parallel_loop3A_1351 = tpu.vector_load %arg10[%parallel_loop3A_1349, %parallel_loop3A_1350] {strides = array<i32>} : memref<16x1024xf32, #tpu.memory_space<vmem>>, vector<1x16xf32>,
        %parallel_loop3A_1352 = vector.shape_cast %parallel_loop3A_1351 : vector<1x16xf32> to vector<16xf32>
        %parallel_loop3A_1353 = arith.index_cast %parallel_loop3A_1344 : i32 to index
        %parallel_loop3A_1354 = arith.index_cast %parallel_loop3A_1348 : i32 to index
        %parallel_loop3A_1355 = tpu.vector_load %arg8[%parallel_loop3A_1353, %parallel_loop3A_1354] {strides = array<i32>} : memref<16x1024xf32, #tpu.memory_space<vmem>>, vector<1x16xf32>,
        %parallel_loop3A_1356 = vector.shape_cast %parallel_loop3A_1355 : vector<1x16xf32> to vector<16xf32>
        %parallel_loop3A_1357 = vector.shape_cast %parallel_loop3A_1352 : vector<16xf32> to vector<1x16xf32>
        tpu.vector_store %arg8[%parallel_loop3A_1353, %parallel_loop3A_1354], %parallel_loop3A_1357 {add = true, strides = array<i32>} : memref<16x1024xf32, #tpu.memory_space<vmem>>, vector<1x16xf32>,
      } {sc.loop_unroll_factor = 16 : i64, sc.parallel_access}
    } {sc.loop_unroll_factor = 1 : i64, sc.parallel_access}
    %add3A_789 = arith.constant 64 : i32
    %add3A_790 = arith.addi %mul3A_2, %add3A_789 : i32
    %dma_start3A_791 = arith.constant 2 : i32
    %dma_start3A_792 = arith.constant 0 : i32
    %dma_start3A_793 = tpu.memref_slice %arg4[%dma_start3A_791, %add3A_790, %dma_start3A_792] : memref<4x4096x1024xf32, #tpu.memory_space<hbm>> -> memref<1x16x1024xf32, #tpu.memory_space<hbm>>
    %dma_start3A_794 = tpu.memref_squeeze %dma_start3A_793 : memref<1x16x1024xf32, #tpu.memory_space<hbm>> -> memref<16x1024xf32, #tpu.memory_space<hbm>>
    %dma_start3A_795 = arith.constant 0 : i32
    %dma_start3A_796 = tpu.memref_slice %arg4[%dma_start3A_791, %add3A_790, %dma_start3A_795] : memref<4x4096x1024xf32, #tpu.memory_space<hbm>> -> memref<1x16x1024xf32, #tpu.memory_space<hbm>>
    %dma_start3A_797 = tpu.memref_squeeze %dma_start3A_796 : memref<1x16x1024xf32, #tpu.memory_space<hbm>> -> memref<16x1024xf32, #tpu.memory_space<hbm>>
    tpu.enqueue_dma source(%arg8 : memref<16x1024xf32, #tpu.memory_space<vmem>>) target(%dma_start3A_797 : memref<16x1024xf32, #tpu.memory_space<hbm>>) target_semaphore(%arg20 : memref<!tpu.dma_semaphore, #tpu.memory_space<semaphore_mem>>)
    %add3A_798 = arith.constant 64 : i32
    %add3A_799 = arith.addi %mul3A_2, %add3A_798 : i32
    %dma_wait3A_800 = arith.constant 0 : i32
    %dma_wait3A_801 = arith.constant 0 : i32
    %dma_wait3A_802 = tpu.memref_slice %arg4[%dma_wait3A_800, %add3A_799, %dma_wait3A_801] : memref<4x4096x1024xf32, #tpu.memory_space<hbm>> -> memref<1x16x1024xf32, #tpu.memory_space<hbm>>
    %dma_wait3A_803 = tpu.memref_squeeze %dma_wait3A_802 : memref<1x16x1024xf32, #tpu.memory_space<hbm>> -> memref<16x1024xf32, #tpu.memory_space<hbm>>
    %dma_wait3A_804 = arith.constant 0 : i32
    %dma_wait3A_805 = tpu.memref_slice %arg4[%dma_wait3A_800, %add3A_799, %dma_wait3A_804] : memref<4x4096x1024xf32, #tpu.memory_space<hbm>> -> memref<1x16x1024xf32, #tpu.memory_space<hbm>>
    %dma_wait3A_806 = tpu.memref_squeeze %dma_wait3A_805 : memref<1x16x1024xf32, #tpu.memory_space<hbm>> -> memref<16x1024xf32, #tpu.memory_space<hbm>>
    tpu.wait_dma2 semaphore(%arg18 : memref<!tpu.dma_semaphore, #tpu.memory_space<semaphore_mem>>) src(%arg6 : memref<16x1024xf32, #tpu.memory_space<vmem>>) dst(%dma_wait3A_806 : memref<16x1024xf32, #tpu.memory_space<hbm>>)
    %add3A_807 = arith.constant 80 : i32
    %add3A_808 = arith.addi %mul3A_2, %add3A_807 : i32
    %dma_start3A_809 = arith.constant 1 : i32
    %dma_start3A_810 = arith.constant 0 : i32
    %dma_start3A_811 = tpu.memref_slice %arg2[%dma_start3A_809, %add3A_808, %dma_start3A_810] : memref<4x4096x1024xf32, #tpu.memory_space<hbm>> -> memref<1x16x1024xf32, #tpu.memory_space<hbm>>
    %dma_start3A_812 = tpu.memref_squeeze %dma_start3A_811 : memref<1x16x1024xf32, #tpu.memory_space<hbm>> -> memref<16x1024xf32, #tpu.memory_space<hbm>>
    %dma_start3A_813 = arith.constant 0 : i32
    %dma_start3A_814 = tpu.memref_slice %arg2[%dma_start3A_809, %add3A_808, %dma_start3A_813] : memref<4x4096x1024xf32, #tpu.memory_space<hbm>> -> memref<1x16x1024xf32, #tpu.memory_space<hbm>>
    %dma_start3A_815 = tpu.memref_squeeze %dma_start3A_814 : memref<1x16x1024xf32, #tpu.memory_space<hbm>> -> memref<16x1024xf32, #tpu.memory_space<hbm>>
    tpu.enqueue_dma source(%dma_start3A_815 : memref<16x1024xf32, #tpu.memory_space<hbm>>) target(%arg6 : memref<16x1024xf32, #tpu.memory_space<vmem>>) target_semaphore(%arg13 : memref<!tpu.dma_semaphore, #tpu.memory_space<semaphore_mem>>)
    %add3A_816 = arith.constant 64 : i32
    %add3A_817 = arith.addi %mul3A_2, %add3A_816 : i32
    %dma_wait3A_818 = arith.constant 3 : i32
    %dma_wait3A_819 = arith.constant 0 : i32
    %dma_wait3A_820 = tpu.memref_slice %arg2[%dma_wait3A_818, %add3A_817, %dma_wait3A_819] : memref<4x4096x1024xf32, #tpu.memory_space<hbm>> -> memref<1x16x1024xf32, #tpu.memory_space<hbm>>
    %dma_wait3A_821 = tpu.memref_squeeze %dma_wait3A_820 : memref<1x16x1024xf32, #tpu.memory_space<hbm>> -> memref<16x1024xf32, #tpu.memory_space<hbm>>
    %dma_wait3A_822 = arith.constant 0 : i32
    %dma_wait3A_823 = tpu.memref_slice %arg2[%dma_wait3A_818, %add3A_817, %dma_wait3A_822] : memref<4x4096x1024xf32, #tpu.memory_space<hbm>> -> memref<1x16x1024xf32, #tpu.memory_space<hbm>>
    %dma_wait3A_824 = tpu.memref_squeeze %dma_wait3A_823 : memref<1x16x1024xf32, #tpu.memory_space<hbm>> -> memref<16x1024xf32, #tpu.memory_space<hbm>>
    tpu.wait_dma2 semaphore(%arg16 : memref<!tpu.dma_semaphore, #tpu.memory_space<semaphore_mem>>) src(%dma_wait3A_824 : memref<16x1024xf32, #tpu.memory_space<hbm>>) dst(%arg9 : memref<16x1024xf32, #tpu.memory_space<vmem>>)
    %parallel_loop3A_825 = arith.constant 0 : i32
    %parallel_loop3A_826 = arith.constant 16 : i32
    %parallel_loop3A_827 = arith.constant 1 : i32
    scf.for %parallel_loop3A_1344 = %parallel_loop3A_825 to %parallel_loop3A_826 step %parallel_loop3A_827  : i32 {
      %parallel_loop3A_1345 = arith.constant 0 : i32
      %parallel_loop3A_1346 = arith.constant 1024 : i32
      %parallel_loop3A_1347 = arith.constant 16 : i32
      scf.for %parallel_loop3A_1348 = %parallel_loop3A_1345 to %parallel_loop3A_1346 step %parallel_loop3A_1347  : i32 {
        %parallel_loop3A_1349 = arith.index_cast %parallel_loop3A_1344 : i32 to index
        %parallel_loop3A_1350 = arith.index_cast %parallel_loop3A_1348 : i32 to index
        %parallel_loop3A_1351 = tpu.vector_load %arg10[%parallel_loop3A_1349, %parallel_loop3A_1350] {strides = array<i32>} : memref<16x1024xf32, #tpu.memory_space<vmem>>, vector<1x16xf32>,
        %parallel_loop3A_1352 = vector.shape_cast %parallel_loop3A_1351 : vector<1x16xf32> to vector<16xf32>
        %parallel_loop3A_1353 = arith.index_cast %parallel_loop3A_1344 : i32 to index
        %parallel_loop3A_1354 = arith.index_cast %parallel_loop3A_1348 : i32 to index
        %parallel_loop3A_1355 = tpu.vector_load %arg9[%parallel_loop3A_1353, %parallel_loop3A_1354] {strides = array<i32>} : memref<16x1024xf32, #tpu.memory_space<vmem>>, vector<1x16xf32>,
        %parallel_loop3A_1356 = vector.shape_cast %parallel_loop3A_1355 : vector<1x16xf32> to vector<16xf32>
        %parallel_loop3A_1357 = vector.shape_cast %parallel_loop3A_1352 : vector<16xf32> to vector<1x16xf32>
        tpu.vector_store %arg9[%parallel_loop3A_1353, %parallel_loop3A_1354], %parallel_loop3A_1357 {add = true, strides = array<i32>} : memref<16x1024xf32, #tpu.memory_space<vmem>>, vector<1x16xf32>,
      } {sc.loop_unroll_factor = 16 : i64, sc.parallel_access}
    } {sc.loop_unroll_factor = 1 : i64, sc.parallel_access}
    %add3A_828 = arith.constant 64 : i32
    %add3A_829 = arith.addi %mul3A_2, %add3A_828 : i32
    %dma_start3A_830 = arith.constant 3 : i32
    %dma_start3A_831 = arith.constant 0 : i32
    %dma_start3A_832 = tpu.memref_slice %arg4[%dma_start3A_830, %add3A_829, %dma_start3A_831] : memref<4x4096x1024xf32, #tpu.memory_space<hbm>> -> memref<1x16x1024xf32, #tpu.memory_space<hbm>>
    %dma_start3A_833 = tpu.memref_squeeze %dma_start3A_832 : memref<1x16x1024xf32, #tpu.memory_space<hbm>> -> memref<16x1024xf32, #tpu.memory_space<hbm>>
    %dma_start3A_834 = arith.constant 0 : i32
    %dma_start3A_835 = tpu.memref_slice %arg4[%dma_start3A_830, %add3A_829, %dma_start3A_834] : memref<4x4096x1024xf32, #tpu.memory_space<hbm>> -> memref<1x16x1024xf32, #tpu.memory_space<hbm>>
    %dma_start3A_836 = tpu.memref_squeeze %dma_start3A_835 : memref<1x16x1024xf32, #tpu.memory_space<hbm>> -> memref<16x1024xf32, #tpu.memory_space<hbm>>
    tpu.enqueue_dma source(%arg9 : memref<16x1024xf32, #tpu.memory_space<vmem>>) target(%dma_start3A_836 : memref<16x1024xf32, #tpu.memory_space<hbm>>) target_semaphore(%arg21 : memref<!tpu.dma_semaphore, #tpu.memory_space<semaphore_mem>>)
    %add3A_837 = arith.constant 64 : i32
    %add3A_838 = arith.addi %mul3A_2, %add3A_837 : i32
    %dma_wait3A_839 = arith.constant 1 : i32
    %dma_wait3A_840 = arith.constant 0 : i32
    %dma_wait3A_841 = tpu.memref_slice %arg4[%dma_wait3A_839, %add3A_838, %dma_wait3A_840] : memref<4x4096x1024xf32, #tpu.memory_space<hbm>> -> memref<1x16x1024xf32, #tpu.memory_space<hbm>>
    %dma_wait3A_842 = tpu.memref_squeeze %dma_wait3A_841 : memref<1x16x1024xf32, #tpu.memory_space<hbm>> -> memref<16x1024xf32, #tpu.memory_space<hbm>>
    %dma_wait3A_843 = arith.constant 0 : i32
    %dma_wait3A_844 = tpu.memref_slice %arg4[%dma_wait3A_839, %add3A_838, %dma_wait3A_843] : memref<4x4096x1024xf32, #tpu.memory_space<hbm>> -> memref<1x16x1024xf32, #tpu.memory_space<hbm>>
    %dma_wait3A_845 = tpu.memref_squeeze %dma_wait3A_844 : memref<1x16x1024xf32, #tpu.memory_space<hbm>> -> memref<16x1024xf32, #tpu.memory_space<hbm>>
    tpu.wait_dma2 semaphore(%arg19 : memref<!tpu.dma_semaphore, #tpu.memory_space<semaphore_mem>>) src(%arg7 : memref<16x1024xf32, #tpu.memory_space<vmem>>) dst(%dma_wait3A_845 : memref<16x1024xf32, #tpu.memory_space<hbm>>)
    %add3A_846 = arith.constant 80 : i32
    %add3A_847 = arith.addi %mul3A_2, %add3A_846 : i32
    %dma_start3A_848 = arith.constant 2 : i32
    %dma_start3A_849 = arith.constant 0 : i32
    %dma_start3A_850 = tpu.memref_slice %arg2[%dma_start3A_848, %add3A_847, %dma_start3A_849] : memref<4x4096x1024xf32, #tpu.memory_space<hbm>> -> memref<1x16x1024xf32, #tpu.memory_space<hbm>>
    %dma_start3A_851 = tpu.memref_squeeze %dma_start3A_850 : memref<1x16x1024xf32, #tpu.memory_space<hbm>> -> memref<16x1024xf32, #tpu.memory_space<hbm>>
    %dma_start3A_852 = arith.constant 0 : i32
    %dma_start3A_853 = tpu.memref_slice %arg2[%dma_start3A_848, %add3A_847, %dma_start3A_852] : memref<4x4096x1024xf32, #tpu.memory_space<hbm>> -> memref<1x16x1024xf32, #tpu.memory_space<hbm>>
    %dma_start3A_854 = tpu.memref_squeeze %dma_start3A_853 : memref<1x16x1024xf32, #tpu.memory_space<hbm>> -> memref<16x1024xf32, #tpu.memory_space<hbm>>
    tpu.enqueue_dma source(%dma_start3A_854 : memref<16x1024xf32, #tpu.memory_space<hbm>>) target(%arg7 : memref<16x1024xf32, #tpu.memory_space<vmem>>) target_semaphore(%arg14 : memref<!tpu.dma_semaphore, #tpu.memory_space<semaphore_mem>>)
    %add3A_855 = arith.constant 80 : i32
    %add3A_856 = arith.addi %mul3A_2, %add3A_855 : i32
    %dma_wait3A_857 = arith.constant 0 : i32
    %dma_wait3A_858 = tpu.memref_slice %arg3[%add3A_856, %dma_wait3A_857] : memref<4096x1024xf32, #tpu.memory_space<hbm>> -> memref<16x1024xf32, #tpu.memory_space<hbm>>
    %dma_wait3A_859 = arith.constant 0 : i32
    %dma_wait3A_860 = tpu.memref_slice %arg3[%add3A_856, %dma_wait3A_859] : memref<4096x1024xf32, #tpu.memory_space<hbm>> -> memref<16x1024xf32, #tpu.memory_space<hbm>>
    tpu.wait_dma2 semaphore(%arg23 : memref<!tpu.dma_semaphore, #tpu.memory_space<semaphore_mem>>) src(%dma_wait3A_860 : memref<16x1024xf32, #tpu.memory_space<hbm>>) dst(%arg11 : memref<16x1024xf32, #tpu.memory_space<vmem>>)
    %add3A_861 = arith.constant 96 : i32
    %add3A_862 = arith.addi %mul3A_2, %add3A_861 : i32
    %dma_start3A_863 = arith.constant 0 : i32
    %dma_start3A_864 = tpu.memref_slice %arg3[%add3A_862, %dma_start3A_863] : memref<4096x1024xf32, #tpu.memory_space<hbm>> -> memref<16x1024xf32, #tpu.memory_space<hbm>>
    %dma_start3A_865 = arith.constant 0 : i32
    %dma_start3A_866 = tpu.memref_slice %arg3[%add3A_862, %dma_start3A_865] : memref<4096x1024xf32, #tpu.memory_space<hbm>> -> memref<16x1024xf32, #tpu.memory_space<hbm>>
    tpu.enqueue_dma source(%dma_start3A_866 : memref<16x1024xf32, #tpu.memory_space<hbm>>) target(%arg10 : memref<16x1024xf32, #tpu.memory_space<vmem>>) target_semaphore(%arg22 : memref<!tpu.dma_semaphore, #tpu.memory_space<semaphore_mem>>)
    %add3A_867 = arith.constant 80 : i32
    %add3A_868 = arith.addi %mul3A_2, %add3A_867 : i32
    %dma_wait3A_869 = arith.constant 0 : i32
    %dma_wait3A_870 = arith.constant 0 : i32
    %dma_wait3A_871 = tpu.memref_slice %arg2[%dma_wait3A_869, %add3A_868, %dma_wait3A_870] : memref<4x4096x1024xf32, #tpu.memory_space<hbm>> -> memref<1x16x1024xf32, #tpu.memory_space<hbm>>
    %dma_wait3A_872 = tpu.memref_squeeze %dma_wait3A_871 : memref<1x16x1024xf32, #tpu.memory_space<hbm>> -> memref<16x1024xf32, #tpu.memory_space<hbm>>
    %dma_wait3A_873 = arith.constant 0 : i32
    %dma_wait3A_874 = tpu.memref_slice %arg2[%dma_wait3A_869, %add3A_868, %dma_wait3A_873] : memref<4x4096x1024xf32, #tpu.memory_space<hbm>> -> memref<1x16x1024xf32, #tpu.memory_space<hbm>>
    %dma_wait3A_875 = tpu.memref_squeeze %dma_wait3A_874 : memref<1x16x1024xf32, #tpu.memory_space<hbm>> -> memref<16x1024xf32, #tpu.memory_space<hbm>>
    tpu.wait_dma2 semaphore(%arg12 : memref<!tpu.dma_semaphore, #tpu.memory_space<semaphore_mem>>) src(%dma_wait3A_875 : memref<16x1024xf32, #tpu.memory_space<hbm>>) dst(%arg5 : memref<16x1024xf32, #tpu.memory_space<vmem>>)
    %parallel_loop3A_876 = arith.constant 0 : i32
    %parallel_loop3A_877 = arith.constant 16 : i32
    %parallel_loop3A_878 = arith.constant 1 : i32
    scf.for %parallel_loop3A_1344 = %parallel_loop3A_876 to %parallel_loop3A_877 step %parallel_loop3A_878  : i32 {
      %parallel_loop3A_1345 = arith.constant 0 : i32
      %parallel_loop3A_1346 = arith.constant 1024 : i32
      %parallel_loop3A_1347 = arith.constant 16 : i32
      scf.for %parallel_loop3A_1348 = %parallel_loop3A_1345 to %parallel_loop3A_1346 step %parallel_loop3A_1347  : i32 {
        %parallel_loop3A_1349 = arith.index_cast %parallel_loop3A_1344 : i32 to index
        %parallel_loop3A_1350 = arith.index_cast %parallel_loop3A_1348 : i32 to index
        %parallel_loop3A_1351 = tpu.vector_load %arg11[%parallel_loop3A_1349, %parallel_loop3A_1350] {strides = array<i32>} : memref<16x1024xf32, #tpu.memory_space<vmem>>, vector<1x16xf32>,
        %parallel_loop3A_1352 = vector.shape_cast %parallel_loop3A_1351 : vector<1x16xf32> to vector<16xf32>
        %parallel_loop3A_1353 = arith.index_cast %parallel_loop3A_1344 : i32 to index
        %parallel_loop3A_1354 = arith.index_cast %parallel_loop3A_1348 : i32 to index
        %parallel_loop3A_1355 = tpu.vector_load %arg5[%parallel_loop3A_1353, %parallel_loop3A_1354] {strides = array<i32>} : memref<16x1024xf32, #tpu.memory_space<vmem>>, vector<1x16xf32>,
        %parallel_loop3A_1356 = vector.shape_cast %parallel_loop3A_1355 : vector<1x16xf32> to vector<16xf32>
        %parallel_loop3A_1357 = vector.shape_cast %parallel_loop3A_1352 : vector<16xf32> to vector<1x16xf32>
        tpu.vector_store %arg5[%parallel_loop3A_1353, %parallel_loop3A_1354], %parallel_loop3A_1357 {add = true, strides = array<i32>} : memref<16x1024xf32, #tpu.memory_space<vmem>>, vector<1x16xf32>,
      } {sc.loop_unroll_factor = 16 : i64, sc.parallel_access}
    } {sc.loop_unroll_factor = 1 : i64, sc.parallel_access}
    %add3A_879 = arith.constant 80 : i32
    %add3A_880 = arith.addi %mul3A_2, %add3A_879 : i32
    %dma_start3A_881 = arith.constant 0 : i32
    %dma_start3A_882 = arith.constant 0 : i32
    %dma_start3A_883 = tpu.memref_slice %arg4[%dma_start3A_881, %add3A_880, %dma_start3A_882] : memref<4x4096x1024xf32, #tpu.memory_space<hbm>> -> memref<1x16x1024xf32, #tpu.memory_space<hbm>>
    %dma_start3A_884 = tpu.memref_squeeze %dma_start3A_883 : memref<1x16x1024xf32, #tpu.memory_space<hbm>> -> memref<16x1024xf32, #tpu.memory_space<hbm>>
    %dma_start3A_885 = arith.constant 0 : i32
    %dma_start3A_886 = tpu.memref_slice %arg4[%dma_start3A_881, %add3A_880, %dma_start3A_885] : memref<4x4096x1024xf32, #tpu.memory_space<hbm>> -> memref<1x16x1024xf32, #tpu.memory_space<hbm>>
    %dma_start3A_887 = tpu.memref_squeeze %dma_start3A_886 : memref<1x16x1024xf32, #tpu.memory_space<hbm>> -> memref<16x1024xf32, #tpu.memory_space<hbm>>
    tpu.enqueue_dma source(%arg5 : memref<16x1024xf32, #tpu.memory_space<vmem>>) target(%dma_start3A_887 : memref<16x1024xf32, #tpu.memory_space<hbm>>) target_semaphore(%arg17 : memref<!tpu.dma_semaphore, #tpu.memory_space<semaphore_mem>>)
    %add3A_888 = arith.constant 64 : i32
    %add3A_889 = arith.addi %mul3A_2, %add3A_888 : i32
    %dma_wait3A_890 = arith.constant 2 : i32
    %dma_wait3A_891 = arith.constant 0 : i32
    %dma_wait3A_892 = tpu.memref_slice %arg4[%dma_wait3A_890, %add3A_889, %dma_wait3A_891] : memref<4x4096x1024xf32, #tpu.memory_space<hbm>> -> memref<1x16x1024xf32, #tpu.memory_space<hbm>>
    %dma_wait3A_893 = tpu.memref_squeeze %dma_wait3A_892 : memref<1x16x1024xf32, #tpu.memory_space<hbm>> -> memref<16x1024xf32, #tpu.memory_space<hbm>>
    %dma_wait3A_894 = arith.constant 0 : i32
    %dma_wait3A_895 = tpu.memref_slice %arg4[%dma_wait3A_890, %add3A_889, %dma_wait3A_894] : memref<4x4096x1024xf32, #tpu.memory_space<hbm>> -> memref<1x16x1024xf32, #tpu.memory_space<hbm>>
    %dma_wait3A_896 = tpu.memref_squeeze %dma_wait3A_895 : memref<1x16x1024xf32, #tpu.memory_space<hbm>> -> memref<16x1024xf32, #tpu.memory_space<hbm>>
    tpu.wait_dma2 semaphore(%arg20 : memref<!tpu.dma_semaphore, #tpu.memory_space<semaphore_mem>>) src(%arg8 : memref<16x1024xf32, #tpu.memory_space<vmem>>) dst(%dma_wait3A_896 : memref<16x1024xf32, #tpu.memory_space<hbm>>)
    %add3A_897 = arith.constant 80 : i32
    %add3A_898 = arith.addi %mul3A_2, %add3A_897 : i32
    %dma_start3A_899 = arith.constant 3 : i32
    %dma_start3A_900 = arith.constant 0 : i32
    %dma_start3A_901 = tpu.memref_slice %arg2[%dma_start3A_899, %add3A_898, %dma_start3A_900] : memref<4x4096x1024xf32, #tpu.memory_space<hbm>> -> memref<1x16x1024xf32, #tpu.memory_space<hbm>>
    %dma_start3A_902 = tpu.memref_squeeze %dma_start3A_901 : memref<1x16x1024xf32, #tpu.memory_space<hbm>> -> memref<16x1024xf32, #tpu.memory_space<hbm>>
    %dma_start3A_903 = arith.constant 0 : i32
    %dma_start3A_904 = tpu.memref_slice %arg2[%dma_start3A_899, %add3A_898, %dma_start3A_903] : memref<4x4096x1024xf32, #tpu.memory_space<hbm>> -> memref<1x16x1024xf32, #tpu.memory_space<hbm>>
    %dma_start3A_905 = tpu.memref_squeeze %dma_start3A_904 : memref<1x16x1024xf32, #tpu.memory_space<hbm>> -> memref<16x1024xf32, #tpu.memory_space<hbm>>
    tpu.enqueue_dma source(%dma_start3A_905 : memref<16x1024xf32, #tpu.memory_space<hbm>>) target(%arg8 : memref<16x1024xf32, #tpu.memory_space<vmem>>) target_semaphore(%arg15 : memref<!tpu.dma_semaphore, #tpu.memory_space<semaphore_mem>>)
    %add3A_906 = arith.constant 80 : i32
    %add3A_907 = arith.addi %mul3A_2, %add3A_906 : i32
    %dma_wait3A_908 = arith.constant 1 : i32
    %dma_wait3A_909 = arith.constant 0 : i32
    %dma_wait3A_910 = tpu.memref_slice %arg2[%dma_wait3A_908, %add3A_907, %dma_wait3A_909] : memref<4x4096x1024xf32, #tpu.memory_space<hbm>> -> memref<1x16x1024xf32, #tpu.memory_space<hbm>>
    %dma_wait3A_911 = tpu.memref_squeeze %dma_wait3A_910 : memref<1x16x1024xf32, #tpu.memory_space<hbm>> -> memref<16x1024xf32, #tpu.memory_space<hbm>>
    %dma_wait3A_912 = arith.constant 0 : i32
    %dma_wait3A_913 = tpu.memref_slice %arg2[%dma_wait3A_908, %add3A_907, %dma_wait3A_912] : memref<4x4096x1024xf32, #tpu.memory_space<hbm>> -> memref<1x16x1024xf32, #tpu.memory_space<hbm>>
    %dma_wait3A_914 = tpu.memref_squeeze %dma_wait3A_913 : memref<1x16x1024xf32, #tpu.memory_space<hbm>> -> memref<16x1024xf32, #tpu.memory_space<hbm>>
    tpu.wait_dma2 semaphore(%arg13 : memref<!tpu.dma_semaphore, #tpu.memory_space<semaphore_mem>>) src(%dma_wait3A_914 : memref<16x1024xf32, #tpu.memory_space<hbm>>) dst(%arg6 : memref<16x1024xf32, #tpu.memory_space<vmem>>)
    %parallel_loop3A_915 = arith.constant 0 : i32
    %parallel_loop3A_916 = arith.constant 16 : i32
    %parallel_loop3A_917 = arith.constant 1 : i32
    scf.for %parallel_loop3A_1344 = %parallel_loop3A_915 to %parallel_loop3A_916 step %parallel_loop3A_917  : i32 {
      %parallel_loop3A_1345 = arith.constant 0 : i32
      %parallel_loop3A_1346 = arith.constant 1024 : i32
      %parallel_loop3A_1347 = arith.constant 16 : i32
      scf.for %parallel_loop3A_1348 = %parallel_loop3A_1345 to %parallel_loop3A_1346 step %parallel_loop3A_1347  : i32 {
        %parallel_loop3A_1349 = arith.index_cast %parallel_loop3A_1344 : i32 to index
        %parallel_loop3A_1350 = arith.index_cast %parallel_loop3A_1348 : i32 to index
        %parallel_loop3A_1351 = tpu.vector_load %arg11[%parallel_loop3A_1349, %parallel_loop3A_1350] {strides = array<i32>} : memref<16x1024xf32, #tpu.memory_space<vmem>>, vector<1x16xf32>,
        %parallel_loop3A_1352 = vector.shape_cast %parallel_loop3A_1351 : vector<1x16xf32> to vector<16xf32>
        %parallel_loop3A_1353 = arith.index_cast %parallel_loop3A_1344 : i32 to index
        %parallel_loop3A_1354 = arith.index_cast %parallel_loop3A_1348 : i32 to index
        %parallel_loop3A_1355 = tpu.vector_load %arg6[%parallel_loop3A_1353, %parallel_loop3A_1354] {strides = array<i32>} : memref<16x1024xf32, #tpu.memory_space<vmem>>, vector<1x16xf32>,
        %parallel_loop3A_1356 = vector.shape_cast %parallel_loop3A_1355 : vector<1x16xf32> to vector<16xf32>
        %parallel_loop3A_1357 = vector.shape_cast %parallel_loop3A_1352 : vector<16xf32> to vector<1x16xf32>
        tpu.vector_store %arg6[%parallel_loop3A_1353, %parallel_loop3A_1354], %parallel_loop3A_1357 {add = true, strides = array<i32>} : memref<16x1024xf32, #tpu.memory_space<vmem>>, vector<1x16xf32>,
      } {sc.loop_unroll_factor = 16 : i64, sc.parallel_access}
    } {sc.loop_unroll_factor = 1 : i64, sc.parallel_access}
    %add3A_918 = arith.constant 80 : i32
    %add3A_919 = arith.addi %mul3A_2, %add3A_918 : i32
    %dma_start3A_920 = arith.constant 1 : i32
    %dma_start3A_921 = arith.constant 0 : i32
    %dma_start3A_922 = tpu.memref_slice %arg4[%dma_start3A_920, %add3A_919, %dma_start3A_921] : memref<4x4096x1024xf32, #tpu.memory_space<hbm>> -> memref<1x16x1024xf32, #tpu.memory_space<hbm>>
    %dma_start3A_923 = tpu.memref_squeeze %dma_start3A_922 : memref<1x16x1024xf32, #tpu.memory_space<hbm>> -> memref<16x1024xf32, #tpu.memory_space<hbm>>
    %dma_start3A_924 = arith.constant 0 : i32
    %dma_start3A_925 = tpu.memref_slice %arg4[%dma_start3A_920, %add3A_919, %dma_start3A_924] : memref<4x4096x1024xf32, #tpu.memory_space<hbm>> -> memref<1x16x1024xf32, #tpu.memory_space<hbm>>
    %dma_start3A_926 = tpu.memref_squeeze %dma_start3A_925 : memref<1x16x1024xf32, #tpu.memory_space<hbm>> -> memref<16x1024xf32, #tpu.memory_space<hbm>>
    tpu.enqueue_dma source(%arg6 : memref<16x1024xf32, #tpu.memory_space<vmem>>) target(%dma_start3A_926 : memref<16x1024xf32, #tpu.memory_space<hbm>>) target_semaphore(%arg18 : memref<!tpu.dma_semaphore, #tpu.memory_space<semaphore_mem>>)
    %add3A_927 = arith.constant 64 : i32
    %add3A_928 = arith.addi %mul3A_2, %add3A_927 : i32
    %dma_wait3A_929 = arith.constant 3 : i32
    %dma_wait3A_930 = arith.constant 0 : i32
    %dma_wait3A_931 = tpu.memref_slice %arg4[%dma_wait3A_929, %add3A_928, %dma_wait3A_930] : memref<4x4096x1024xf32, #tpu.memory_space<hbm>> -> memref<1x16x1024xf32, #tpu.memory_space<hbm>>
    %dma_wait3A_932 = tpu.memref_squeeze %dma_wait3A_931 : memref<1x16x1024xf32, #tpu.memory_space<hbm>> -> memref<16x1024xf32, #tpu.memory_space<hbm>>
    %dma_wait3A_933 = arith.constant 0 : i32
    %dma_wait3A_934 = tpu.memref_slice %arg4[%dma_wait3A_929, %add3A_928, %dma_wait3A_933] : memref<4x4096x1024xf32, #tpu.memory_space<hbm>> -> memref<1x16x1024xf32, #tpu.memory_space<hbm>>
    %dma_wait3A_935 = tpu.memref_squeeze %dma_wait3A_934 : memref<1x16x1024xf32, #tpu.memory_space<hbm>> -> memref<16x1024xf32, #tpu.memory_space<hbm>>
    tpu.wait_dma2 semaphore(%arg21 : memref<!tpu.dma_semaphore, #tpu.memory_space<semaphore_mem>>) src(%arg9 : memref<16x1024xf32, #tpu.memory_space<vmem>>) dst(%dma_wait3A_935 : memref<16x1024xf32, #tpu.memory_space<hbm>>)
    %add3A_936 = arith.constant 96 : i32
    %add3A_937 = arith.addi %mul3A_2, %add3A_936 : i32
    %dma_start3A_938 = arith.constant 0 : i32
    %dma_start3A_939 = arith.constant 0 : i32
    %dma_start3A_940 = tpu.memref_slice %arg2[%dma_start3A_938, %add3A_937, %dma_start3A_939] : memref<4x4096x1024xf32, #tpu.memory_space<hbm>> -> memref<1x16x1024xf32, #tpu.memory_space<hbm>>
    %dma_start3A_941 = tpu.memref_squeeze %dma_start3A_940 : memref<1x16x1024xf32, #tpu.memory_space<hbm>> -> memref<16x1024xf32, #tpu.memory_space<hbm>>
    %dma_start3A_942 = arith.constant 0 : i32
    %dma_start3A_943 = tpu.memref_slice %arg2[%dma_start3A_938, %add3A_937, %dma_start3A_942] : memref<4x4096x1024xf32, #tpu.memory_space<hbm>> -> memref<1x16x1024xf32, #tpu.memory_space<hbm>>
    %dma_start3A_944 = tpu.memref_squeeze %dma_start3A_943 : memref<1x16x1024xf32, #tpu.memory_space<hbm>> -> memref<16x1024xf32, #tpu.memory_space<hbm>>
    tpu.enqueue_dma source(%dma_start3A_944 : memref<16x1024xf32, #tpu.memory_space<hbm>>) target(%arg9 : memref<16x1024xf32, #tpu.memory_space<vmem>>) target_semaphore(%arg16 : memref<!tpu.dma_semaphore, #tpu.memory_space<semaphore_mem>>)
    %add3A_945 = arith.constant 80 : i32
    %add3A_946 = arith.addi %mul3A_2, %add3A_945 : i32
    %dma_wait3A_947 = arith.constant 2 : i32
    %dma_wait3A_948 = arith.constant 0 : i32
    %dma_wait3A_949 = tpu.memref_slice %arg2[%dma_wait3A_947, %add3A_946, %dma_wait3A_948] : memref<4x4096x1024xf32, #tpu.memory_space<hbm>> -> memref<1x16x1024xf32, #tpu.memory_space<hbm>>
    %dma_wait3A_950 = tpu.memref_squeeze %dma_wait3A_949 : memref<1x16x1024xf32, #tpu.memory_space<hbm>> -> memref<16x1024xf32, #tpu.memory_space<hbm>>
    %dma_wait3A_951 = arith.constant 0 : i32
    %dma_wait3A_952 = tpu.memref_slice %arg2[%dma_wait3A_947, %add3A_946, %dma_wait3A_951] : memref<4x4096x1024xf32, #tpu.memory_space<hbm>> -> memref<1x16x1024xf32, #tpu.memory_space<hbm>>
    %dma_wait3A_953 = tpu.memref_squeeze %dma_wait3A_952 : memref<1x16x1024xf32, #tpu.memory_space<hbm>> -> memref<16x1024xf32, #tpu.memory_space<hbm>>
    tpu.wait_dma2 semaphore(%arg14 : memref<!tpu.dma_semaphore, #tpu.memory_space<semaphore_mem>>) src(%dma_wait3A_953 : memref<16x1024xf32, #tpu.memory_space<hbm>>) dst(%arg7 : memref<16x1024xf32, #tpu.memory_space<vmem>>)
    %parallel_loop3A_954 = arith.constant 0 : i32
    %parallel_loop3A_955 = arith.constant 16 : i32
    %parallel_loop3A_956 = arith.constant 1 : i32
    scf.for %parallel_loop3A_1344 = %parallel_loop3A_954 to %parallel_loop3A_955 step %parallel_loop3A_956  : i32 {
      %parallel_loop3A_1345 = arith.constant 0 : i32
      %parallel_loop3A_1346 = arith.constant 1024 : i32
      %parallel_loop3A_1347 = arith.constant 16 : i32
      scf.for %parallel_loop3A_1348 = %parallel_loop3A_1345 to %parallel_loop3A_1346 step %parallel_loop3A_1347  : i32 {
        %parallel_loop3A_1349 = arith.index_cast %parallel_loop3A_1344 : i32 to index
        %parallel_loop3A_1350 = arith.index_cast %parallel_loop3A_1348 : i32 to index
        %parallel_loop3A_1351 = tpu.vector_load %arg11[%parallel_loop3A_1349, %parallel_loop3A_1350] {strides = array<i32>} : memref<16x1024xf32, #tpu.memory_space<vmem>>, vector<1x16xf32>,
        %parallel_loop3A_1352 = vector.shape_cast %parallel_loop3A_1351 : vector<1x16xf32> to vector<16xf32>
        %parallel_loop3A_1353 = arith.index_cast %parallel_loop3A_1344 : i32 to index
        %parallel_loop3A_1354 = arith.index_cast %parallel_loop3A_1348 : i32 to index
        %parallel_loop3A_1355 = tpu.vector_load %arg7[%parallel_loop3A_1353, %parallel_loop3A_1354] {strides = array<i32>} : memref<16x1024xf32, #tpu.memory_space<vmem>>, vector<1x16xf32>,
        %parallel_loop3A_1356 = vector.shape_cast %parallel_loop3A_1355 : vector<1x16xf32> to vector<16xf32>
        %parallel_loop3A_1357 = vector.shape_cast %parallel_loop3A_1352 : vector<16xf32> to vector<1x16xf32>
        tpu.vector_store %arg7[%parallel_loop3A_1353, %parallel_loop3A_1354], %parallel_loop3A_1357 {add = true, strides = array<i32>} : memref<16x1024xf32, #tpu.memory_space<vmem>>, vector<1x16xf32>,
      } {sc.loop_unroll_factor = 16 : i64, sc.parallel_access}
    } {sc.loop_unroll_factor = 1 : i64, sc.parallel_access}
    %add3A_957 = arith.constant 80 : i32
    %add3A_958 = arith.addi %mul3A_2, %add3A_957 : i32
    %dma_start3A_959 = arith.constant 2 : i32
    %dma_start3A_960 = arith.constant 0 : i32
    %dma_start3A_961 = tpu.memref_slice %arg4[%dma_start3A_959, %add3A_958, %dma_start3A_960] : memref<4x4096x1024xf32, #tpu.memory_space<hbm>> -> memref<1x16x1024xf32, #tpu.memory_space<hbm>>
    %dma_start3A_962 = tpu.memref_squeeze %dma_start3A_961 : memref<1x16x1024xf32, #tpu.memory_space<hbm>> -> memref<16x1024xf32, #tpu.memory_space<hbm>>
    %dma_start3A_963 = arith.constant 0 : i32
    %dma_start3A_964 = tpu.memref_slice %arg4[%dma_start3A_959, %add3A_958, %dma_start3A_963] : memref<4x4096x1024xf32, #tpu.memory_space<hbm>> -> memref<1x16x1024xf32, #tpu.memory_space<hbm>>
    %dma_start3A_965 = tpu.memref_squeeze %dma_start3A_964 : memref<1x16x1024xf32, #tpu.memory_space<hbm>> -> memref<16x1024xf32, #tpu.memory_space<hbm>>
    tpu.enqueue_dma source(%arg7 : memref<16x1024xf32, #tpu.memory_space<vmem>>) target(%dma_start3A_965 : memref<16x1024xf32, #tpu.memory_space<hbm>>) target_semaphore(%arg19 : memref<!tpu.dma_semaphore, #tpu.memory_space<semaphore_mem>>)
    %add3A_966 = arith.constant 80 : i32
    %add3A_967 = arith.addi %mul3A_2, %add3A_966 : i32
    %dma_wait3A_968 = arith.constant 0 : i32
    %dma_wait3A_969 = arith.constant 0 : i32
    %dma_wait3A_970 = tpu.memref_slice %arg4[%dma_wait3A_968, %add3A_967, %dma_wait3A_969] : memref<4x4096x1024xf32, #tpu.memory_space<hbm>> -> memref<1x16x1024xf32, #tpu.memory_space<hbm>>
    %dma_wait3A_971 = tpu.memref_squeeze %dma_wait3A_970 : memref<1x16x1024xf32, #tpu.memory_space<hbm>> -> memref<16x1024xf32, #tpu.memory_space<hbm>>
    %dma_wait3A_972 = arith.constant 0 : i32
    %dma_wait3A_973 = tpu.memref_slice %arg4[%dma_wait3A_968, %add3A_967, %dma_wait3A_972] : memref<4x4096x1024xf32, #tpu.memory_space<hbm>> -> memref<1x16x1024xf32, #tpu.memory_space<hbm>>
    %dma_wait3A_974 = tpu.memref_squeeze %dma_wait3A_973 : memref<1x16x1024xf32, #tpu.memory_space<hbm>> -> memref<16x1024xf32, #tpu.memory_space<hbm>>
    tpu.wait_dma2 semaphore(%arg17 : memref<!tpu.dma_semaphore, #tpu.memory_space<semaphore_mem>>) src(%arg5 : memref<16x1024xf32, #tpu.memory_space<vmem>>) dst(%dma_wait3A_974 : memref<16x1024xf32, #tpu.memory_space<hbm>>)
    %add3A_975 = arith.constant 96 : i32
    %add3A_976 = arith.addi %mul3A_2, %add3A_975 : i32
    %dma_start3A_977 = arith.constant 1 : i32
    %dma_start3A_978 = arith.constant 0 : i32
    %dma_start3A_979 = tpu.memref_slice %arg2[%dma_start3A_977, %add3A_976, %dma_start3A_978] : memref<4x4096x1024xf32, #tpu.memory_space<hbm>> -> memref<1x16x1024xf32, #tpu.memory_space<hbm>>
    %dma_start3A_980 = tpu.memref_squeeze %dma_start3A_979 : memref<1x16x1024xf32, #tpu.memory_space<hbm>> -> memref<16x1024xf32, #tpu.memory_space<hbm>>
    %dma_start3A_981 = arith.constant 0 : i32
    %dma_start3A_982 = tpu.memref_slice %arg2[%dma_start3A_977, %add3A_976, %dma_start3A_981] : memref<4x4096x1024xf32, #tpu.memory_space<hbm>> -> memref<1x16x1024xf32, #tpu.memory_space<hbm>>
    %dma_start3A_983 = tpu.memref_squeeze %dma_start3A_982 : memref<1x16x1024xf32, #tpu.memory_space<hbm>> -> memref<16x1024xf32, #tpu.memory_space<hbm>>
    tpu.enqueue_dma source(%dma_start3A_983 : memref<16x1024xf32, #tpu.memory_space<hbm>>) target(%arg5 : memref<16x1024xf32, #tpu.memory_space<vmem>>) target_semaphore(%arg12 : memref<!tpu.dma_semaphore, #tpu.memory_space<semaphore_mem>>)
    %add3A_984 = arith.constant 80 : i32
    %add3A_985 = arith.addi %mul3A_2, %add3A_984 : i32
    %dma_wait3A_986 = arith.constant 3 : i32
    %dma_wait3A_987 = arith.constant 0 : i32
    %dma_wait3A_988 = tpu.memref_slice %arg2[%dma_wait3A_986, %add3A_985, %dma_wait3A_987] : memref<4x4096x1024xf32, #tpu.memory_space<hbm>> -> memref<1x16x1024xf32, #tpu.memory_space<hbm>>
    %dma_wait3A_989 = tpu.memref_squeeze %dma_wait3A_988 : memref<1x16x1024xf32, #tpu.memory_space<hbm>> -> memref<16x1024xf32, #tpu.memory_space<hbm>>
    %dma_wait3A_990 = arith.constant 0 : i32
    %dma_wait3A_991 = tpu.memref_slice %arg2[%dma_wait3A_986, %add3A_985, %dma_wait3A_990] : memref<4x4096x1024xf32, #tpu.memory_space<hbm>> -> memref<1x16x1024xf32, #tpu.memory_space<hbm>>
    %dma_wait3A_992 = tpu.memref_squeeze %dma_wait3A_991 : memref<1x16x1024xf32, #tpu.memory_space<hbm>> -> memref<16x1024xf32, #tpu.memory_space<hbm>>
    tpu.wait_dma2 semaphore(%arg15 : memref<!tpu.dma_semaphore, #tpu.memory_space<semaphore_mem>>) src(%dma_wait3A_992 : memref<16x1024xf32, #tpu.memory_space<hbm>>) dst(%arg8 : memref<16x1024xf32, #tpu.memory_space<vmem>>)
    %parallel_loop3A_993 = arith.constant 0 : i32
    %parallel_loop3A_994 = arith.constant 16 : i32
    %parallel_loop3A_995 = arith.constant 1 : i32
    scf.for %parallel_loop3A_1344 = %parallel_loop3A_993 to %parallel_loop3A_994 step %parallel_loop3A_995  : i32 {
      %parallel_loop3A_1345 = arith.constant 0 : i32
      %parallel_loop3A_1346 = arith.constant 1024 : i32
      %parallel_loop3A_1347 = arith.constant 16 : i32
      scf.for %parallel_loop3A_1348 = %parallel_loop3A_1345 to %parallel_loop3A_1346 step %parallel_loop3A_1347  : i32 {
        %parallel_loop3A_1349 = arith.index_cast %parallel_loop3A_1344 : i32 to index
        %parallel_loop3A_1350 = arith.index_cast %parallel_loop3A_1348 : i32 to index
        %parallel_loop3A_1351 = tpu.vector_load %arg11[%parallel_loop3A_1349, %parallel_loop3A_1350] {strides = array<i32>} : memref<16x1024xf32, #tpu.memory_space<vmem>>, vector<1x16xf32>,
        %parallel_loop3A_1352 = vector.shape_cast %parallel_loop3A_1351 : vector<1x16xf32> to vector<16xf32>
        %parallel_loop3A_1353 = arith.index_cast %parallel_loop3A_1344 : i32 to index
        %parallel_loop3A_1354 = arith.index_cast %parallel_loop3A_1348 : i32 to index
        %parallel_loop3A_1355 = tpu.vector_load %arg8[%parallel_loop3A_1353, %parallel_loop3A_1354] {strides = array<i32>} : memref<16x1024xf32, #tpu.memory_space<vmem>>, vector<1x16xf32>,
        %parallel_loop3A_1356 = vector.shape_cast %parallel_loop3A_1355 : vector<1x16xf32> to vector<16xf32>
        %parallel_loop3A_1357 = vector.shape_cast %parallel_loop3A_1352 : vector<16xf32> to vector<1x16xf32>
        tpu.vector_store %arg8[%parallel_loop3A_1353, %parallel_loop3A_1354], %parallel_loop3A_1357 {add = true, strides = array<i32>} : memref<16x1024xf32, #tpu.memory_space<vmem>>, vector<1x16xf32>,
      } {sc.loop_unroll_factor = 16 : i64, sc.parallel_access}
    } {sc.loop_unroll_factor = 1 : i64, sc.parallel_access}
    %add3A_996 = arith.constant 80 : i32
    %add3A_997 = arith.addi %mul3A_2, %add3A_996 : i32
    %dma_start3A_998 = arith.constant 3 : i32
    %dma_start3A_999 = arith.constant 0 : i32
    %dma_start3A_1000 = tpu.memref_slice %arg4[%dma_start3A_998, %add3A_997, %dma_start3A_999] : memref<4x4096x1024xf32, #tpu.memory_space<hbm>> -> memref<1x16x1024xf32, #tpu.memory_space<hbm>>
    %dma_start3A_1001 = tpu.memref_squeeze %dma_start3A_1000 : memref<1x16x1024xf32, #tpu.memory_space<hbm>> -> memref<16x1024xf32, #tpu.memory_space<hbm>>
    %dma_start3A_1002 = arith.constant 0 : i32
    %dma_start3A_1003 = tpu.memref_slice %arg4[%dma_start3A_998, %add3A_997, %dma_start3A_1002] : memref<4x4096x1024xf32, #tpu.memory_space<hbm>> -> memref<1x16x1024xf32, #tpu.memory_space<hbm>>
    %dma_start3A_1004 = tpu.memref_squeeze %dma_start3A_1003 : memref<1x16x1024xf32, #tpu.memory_space<hbm>> -> memref<16x1024xf32, #tpu.memory_space<hbm>>
    tpu.enqueue_dma source(%arg8 : memref<16x1024xf32, #tpu.memory_space<vmem>>) target(%dma_start3A_1004 : memref<16x1024xf32, #tpu.memory_space<hbm>>) target_semaphore(%arg20 : memref<!tpu.dma_semaphore, #tpu.memory_space<semaphore_mem>>)
    %add3A_1005 = arith.constant 80 : i32
    %add3A_1006 = arith.addi %mul3A_2, %add3A_1005 : i32
    %dma_wait3A_1007 = arith.constant 1 : i32
    %dma_wait3A_1008 = arith.constant 0 : i32
    %dma_wait3A_1009 = tpu.memref_slice %arg4[%dma_wait3A_1007, %add3A_1006, %dma_wait3A_1008] : memref<4x4096x1024xf32, #tpu.memory_space<hbm>> -> memref<1x16x1024xf32, #tpu.memory_space<hbm>>
    %dma_wait3A_1010 = tpu.memref_squeeze %dma_wait3A_1009 : memref<1x16x1024xf32, #tpu.memory_space<hbm>> -> memref<16x1024xf32, #tpu.memory_space<hbm>>
    %dma_wait3A_1011 = arith.constant 0 : i32
    %dma_wait3A_1012 = tpu.memref_slice %arg4[%dma_wait3A_1007, %add3A_1006, %dma_wait3A_1011] : memref<4x4096x1024xf32, #tpu.memory_space<hbm>> -> memref<1x16x1024xf32, #tpu.memory_space<hbm>>
    %dma_wait3A_1013 = tpu.memref_squeeze %dma_wait3A_1012 : memref<1x16x1024xf32, #tpu.memory_space<hbm>> -> memref<16x1024xf32, #tpu.memory_space<hbm>>
    tpu.wait_dma2 semaphore(%arg18 : memref<!tpu.dma_semaphore, #tpu.memory_space<semaphore_mem>>) src(%arg6 : memref<16x1024xf32, #tpu.memory_space<vmem>>) dst(%dma_wait3A_1013 : memref<16x1024xf32, #tpu.memory_space<hbm>>)
    %add3A_1014 = arith.constant 96 : i32
    %add3A_1015 = arith.addi %mul3A_2, %add3A_1014 : i32
    %dma_start3A_1016 = arith.constant 2 : i32
    %dma_start3A_1017 = arith.constant 0 : i32
    %dma_start3A_1018 = tpu.memref_slice %arg2[%dma_start3A_1016, %add3A_1015, %dma_start3A_1017] : memref<4x4096x1024xf32, #tpu.memory_space<hbm>> -> memref<1x16x1024xf32, #tpu.memory_space<hbm>>
    %dma_start3A_1019 = tpu.memref_squeeze %dma_start3A_1018 : memref<1x16x1024xf32, #tpu.memory_space<hbm>> -> memref<16x1024xf32, #tpu.memory_space<hbm>>
    %dma_start3A_1020 = arith.constant 0 : i32
    %dma_start3A_1021 = tpu.memref_slice %arg2[%dma_start3A_1016, %add3A_1015, %dma_start3A_1020] : memref<4x4096x1024xf32, #tpu.memory_space<hbm>> -> memref<1x16x1024xf32, #tpu.memory_space<hbm>>
    %dma_start3A_1022 = tpu.memref_squeeze %dma_start3A_1021 : memref<1x16x1024xf32, #tpu.memory_space<hbm>> -> memref<16x1024xf32, #tpu.memory_space<hbm>>
    tpu.enqueue_dma source(%dma_start3A_1022 : memref<16x1024xf32, #tpu.memory_space<hbm>>) target(%arg6 : memref<16x1024xf32, #tpu.memory_space<vmem>>) target_semaphore(%arg13 : memref<!tpu.dma_semaphore, #tpu.memory_space<semaphore_mem>>)
    %add3A_1023 = arith.constant 96 : i32
    %add3A_1024 = arith.addi %mul3A_2, %add3A_1023 : i32
    %dma_wait3A_1025 = arith.constant 0 : i32
    %dma_wait3A_1026 = tpu.memref_slice %arg3[%add3A_1024, %dma_wait3A_1025] : memref<4096x1024xf32, #tpu.memory_space<hbm>> -> memref<16x1024xf32, #tpu.memory_space<hbm>>
    %dma_wait3A_1027 = arith.constant 0 : i32
    %dma_wait3A_1028 = tpu.memref_slice %arg3[%add3A_1024, %dma_wait3A_1027] : memref<4096x1024xf32, #tpu.memory_space<hbm>> -> memref<16x1024xf32, #tpu.memory_space<hbm>>
    tpu.wait_dma2 semaphore(%arg22 : memref<!tpu.dma_semaphore, #tpu.memory_space<semaphore_mem>>) src(%dma_wait3A_1028 : memref<16x1024xf32, #tpu.memory_space<hbm>>) dst(%arg10 : memref<16x1024xf32, #tpu.memory_space<vmem>>)
    %add3A_1029 = arith.constant 112 : i32
    %add3A_1030 = arith.addi %mul3A_2, %add3A_1029 : i32
    %dma_start3A_1031 = arith.constant 0 : i32
    %dma_start3A_1032 = tpu.memref_slice %arg3[%add3A_1030, %dma_start3A_1031] : memref<4096x1024xf32, #tpu.memory_space<hbm>> -> memref<16x1024xf32, #tpu.memory_space<hbm>>
    %dma_start3A_1033 = arith.constant 0 : i32
    %dma_start3A_1034 = tpu.memref_slice %arg3[%add3A_1030, %dma_start3A_1033] : memref<4096x1024xf32, #tpu.memory_space<hbm>> -> memref<16x1024xf32, #tpu.memory_space<hbm>>
    tpu.enqueue_dma source(%dma_start3A_1034 : memref<16x1024xf32, #tpu.memory_space<hbm>>) target(%arg11 : memref<16x1024xf32, #tpu.memory_space<vmem>>) target_semaphore(%arg23 : memref<!tpu.dma_semaphore, #tpu.memory_space<semaphore_mem>>)
    %add3A_1035 = arith.constant 96 : i32
    %add3A_1036 = arith.addi %mul3A_2, %add3A_1035 : i32
    %dma_wait3A_1037 = arith.constant 0 : i32
    %dma_wait3A_1038 = arith.constant 0 : i32
    %dma_wait3A_1039 = tpu.memref_slice %arg2[%dma_wait3A_1037, %add3A_1036, %dma_wait3A_1038] : memref<4x4096x1024xf32, #tpu.memory_space<hbm>> -> memref<1x16x1024xf32, #tpu.memory_space<hbm>>
    %dma_wait3A_1040 = tpu.memref_squeeze %dma_wait3A_1039 : memref<1x16x1024xf32, #tpu.memory_space<hbm>> -> memref<16x1024xf32, #tpu.memory_space<hbm>>
    %dma_wait3A_1041 = arith.constant 0 : i32
    %dma_wait3A_1042 = tpu.memref_slice %arg2[%dma_wait3A_1037, %add3A_1036, %dma_wait3A_1041] : memref<4x4096x1024xf32, #tpu.memory_space<hbm>> -> memref<1x16x1024xf32, #tpu.memory_space<hbm>>
    %dma_wait3A_1043 = tpu.memref_squeeze %dma_wait3A_1042 : memref<1x16x1024xf32, #tpu.memory_space<hbm>> -> memref<16x1024xf32, #tpu.memory_space<hbm>>
    tpu.wait_dma2 semaphore(%arg16 : memref<!tpu.dma_semaphore, #tpu.memory_space<semaphore_mem>>) src(%dma_wait3A_1043 : memref<16x1024xf32, #tpu.memory_space<hbm>>) dst(%arg9 : memref<16x1024xf32, #tpu.memory_space<vmem>>)
    %parallel_loop3A_1044 = arith.constant 0 : i32
    %parallel_loop3A_1045 = arith.constant 16 : i32
    %parallel_loop3A_1046 = arith.constant 1 : i32
    scf.for %parallel_loop3A_1344 = %parallel_loop3A_1044 to %parallel_loop3A_1045 step %parallel_loop3A_1046  : i32 {
      %parallel_loop3A_1345 = arith.constant 0 : i32
      %parallel_loop3A_1346 = arith.constant 1024 : i32
      %parallel_loop3A_1347 = arith.constant 16 : i32
      scf.for %parallel_loop3A_1348 = %parallel_loop3A_1345 to %parallel_loop3A_1346 step %parallel_loop3A_1347  : i32 {
        %parallel_loop3A_1349 = arith.index_cast %parallel_loop3A_1344 : i32 to index
        %parallel_loop3A_1350 = arith.index_cast %parallel_loop3A_1348 : i32 to index
        %parallel_loop3A_1351 = tpu.vector_load %arg10[%parallel_loop3A_1349, %parallel_loop3A_1350] {strides = array<i32>} : memref<16x1024xf32, #tpu.memory_space<vmem>>, vector<1x16xf32>,
        %parallel_loop3A_1352 = vector.shape_cast %parallel_loop3A_1351 : vector<1x16xf32> to vector<16xf32>
        %parallel_loop3A_1353 = arith.index_cast %parallel_loop3A_1344 : i32 to index
        %parallel_loop3A_1354 = arith.index_cast %parallel_loop3A_1348 : i32 to index
        %parallel_loop3A_1355 = tpu.vector_load %arg9[%parallel_loop3A_1353, %parallel_loop3A_1354] {strides = array<i32>} : memref<16x1024xf32, #tpu.memory_space<vmem>>, vector<1x16xf32>,
        %parallel_loop3A_1356 = vector.shape_cast %parallel_loop3A_1355 : vector<1x16xf32> to vector<16xf32>
        %parallel_loop3A_1357 = vector.shape_cast %parallel_loop3A_1352 : vector<16xf32> to vector<1x16xf32>
        tpu.vector_store %arg9[%parallel_loop3A_1353, %parallel_loop3A_1354], %parallel_loop3A_1357 {add = true, strides = array<i32>} : memref<16x1024xf32, #tpu.memory_space<vmem>>, vector<1x16xf32>,
      } {sc.loop_unroll_factor = 16 : i64, sc.parallel_access}
    } {sc.loop_unroll_factor = 1 : i64, sc.parallel_access}
    %add3A_1047 = arith.constant 96 : i32
    %add3A_1048 = arith.addi %mul3A_2, %add3A_1047 : i32
    %dma_start3A_1049 = arith.constant 0 : i32
    %dma_start3A_1050 = arith.constant 0 : i32
    %dma_start3A_1051 = tpu.memref_slice %arg4[%dma_start3A_1049, %add3A_1048, %dma_start3A_1050] : memref<4x4096x1024xf32, #tpu.memory_space<hbm>> -> memref<1x16x1024xf32, #tpu.memory_space<hbm>>
    %dma_start3A_1052 = tpu.memref_squeeze %dma_start3A_1051 : memref<1x16x1024xf32, #tpu.memory_space<hbm>> -> memref<16x1024xf32, #tpu.memory_space<hbm>>
    %dma_start3A_1053 = arith.constant 0 : i32
    %dma_start3A_1054 = tpu.memref_slice %arg4[%dma_start3A_1049, %add3A_1048, %dma_start3A_1053] : memref<4x4096x1024xf32, #tpu.memory_space<hbm>> -> memref<1x16x1024xf32, #tpu.memory_space<hbm>>
    %dma_start3A_1055 = tpu.memref_squeeze %dma_start3A_1054 : memref<1x16x1024xf32, #tpu.memory_space<hbm>> -> memref<16x1024xf32, #tpu.memory_space<hbm>>
    tpu.enqueue_dma source(%arg9 : memref<16x1024xf32, #tpu.memory_space<vmem>>) target(%dma_start3A_1055 : memref<16x1024xf32, #tpu.memory_space<hbm>>) target_semaphore(%arg21 : memref<!tpu.dma_semaphore, #tpu.memory_space<semaphore_mem>>)
    %add3A_1056 = arith.constant 80 : i32
    %add3A_1057 = arith.addi %mul3A_2, %add3A_1056 : i32
    %dma_wait3A_1058 = arith.constant 2 : i32
    %dma_wait3A_1059 = arith.constant 0 : i32
    %dma_wait3A_1060 = tpu.memref_slice %arg4[%dma_wait3A_1058, %add3A_1057, %dma_wait3A_1059] : memref<4x4096x1024xf32, #tpu.memory_space<hbm>> -> memref<1x16x1024xf32, #tpu.memory_space<hbm>>
    %dma_wait3A_1061 = tpu.memref_squeeze %dma_wait3A_1060 : memref<1x16x1024xf32, #tpu.memory_space<hbm>> -> memref<16x1024xf32, #tpu.memory_space<hbm>>
    %dma_wait3A_1062 = arith.constant 0 : i32
    %dma_wait3A_1063 = tpu.memref_slice %arg4[%dma_wait3A_1058, %add3A_1057, %dma_wait3A_1062] : memref<4x4096x1024xf32, #tpu.memory_space<hbm>> -> memref<1x16x1024xf32, #tpu.memory_space<hbm>>
    %dma_wait3A_1064 = tpu.memref_squeeze %dma_wait3A_1063 : memref<1x16x1024xf32, #tpu.memory_space<hbm>> -> memref<16x1024xf32, #tpu.memory_space<hbm>>
    tpu.wait_dma2 semaphore(%arg19 : memref<!tpu.dma_semaphore, #tpu.memory_space<semaphore_mem>>) src(%arg7 : memref<16x1024xf32, #tpu.memory_space<vmem>>) dst(%dma_wait3A_1064 : memref<16x1024xf32, #tpu.memory_space<hbm>>)
    %add3A_1065 = arith.constant 96 : i32
    %add3A_1066 = arith.addi %mul3A_2, %add3A_1065 : i32
    %dma_start3A_1067 = arith.constant 3 : i32
    %dma_start3A_1068 = arith.constant 0 : i32
    %dma_start3A_1069 = tpu.memref_slice %arg2[%dma_start3A_1067, %add3A_1066, %dma_start3A_1068] : memref<4x4096x1024xf32, #tpu.memory_space<hbm>> -> memref<1x16x1024xf32, #tpu.memory_space<hbm>>
    %dma_start3A_1070 = tpu.memref_squeeze %dma_start3A_1069 : memref<1x16x1024xf32, #tpu.memory_space<hbm>> -> memref<16x1024xf32, #tpu.memory_space<hbm>>
    %dma_start3A_1071 = arith.constant 0 : i32
    %dma_start3A_1072 = tpu.memref_slice %arg2[%dma_start3A_1067, %add3A_1066, %dma_start3A_1071] : memref<4x4096x1024xf32, #tpu.memory_space<hbm>> -> memref<1x16x1024xf32, #tpu.memory_space<hbm>>
    %dma_start3A_1073 = tpu.memref_squeeze %dma_start3A_1072 : memref<1x16x1024xf32, #tpu.memory_space<hbm>> -> memref<16x1024xf32, #tpu.memory_space<hbm>>
    tpu.enqueue_dma source(%dma_start3A_1073 : memref<16x1024xf32, #tpu.memory_space<hbm>>) target(%arg7 : memref<16x1024xf32, #tpu.memory_space<vmem>>) target_semaphore(%arg14 : memref<!tpu.dma_semaphore, #tpu.memory_space<semaphore_mem>>)
    %add3A_1074 = arith.constant 96 : i32
    %add3A_1075 = arith.addi %mul3A_2, %add3A_1074 : i32
    %dma_wait3A_1076 = arith.constant 1 : i32
    %dma_wait3A_1077 = arith.constant 0 : i32
    %dma_wait3A_1078 = tpu.memref_slice %arg2[%dma_wait3A_1076, %add3A_1075, %dma_wait3A_1077] : memref<4x4096x1024xf32, #tpu.memory_space<hbm>> -> memref<1x16x1024xf32, #tpu.memory_space<hbm>>
    %dma_wait3A_1079 = tpu.memref_squeeze %dma_wait3A_1078 : memref<1x16x1024xf32, #tpu.memory_space<hbm>> -> memref<16x1024xf32, #tpu.memory_space<hbm>>
    %dma_wait3A_1080 = arith.constant 0 : i32
    %dma_wait3A_1081 = tpu.memref_slice %arg2[%dma_wait3A_1076, %add3A_1075, %dma_wait3A_1080] : memref<4x4096x1024xf32, #tpu.memory_space<hbm>> -> memref<1x16x1024xf32, #tpu.memory_space<hbm>>
    %dma_wait3A_1082 = tpu.memref_squeeze %dma_wait3A_1081 : memref<1x16x1024xf32, #tpu.memory_space<hbm>> -> memref<16x1024xf32, #tpu.memory_space<hbm>>
    tpu.wait_dma2 semaphore(%arg12 : memref<!tpu.dma_semaphore, #tpu.memory_space<semaphore_mem>>) src(%dma_wait3A_1082 : memref<16x1024xf32, #tpu.memory_space<hbm>>) dst(%arg5 : memref<16x1024xf32, #tpu.memory_space<vmem>>)
    %parallel_loop3A_1083 = arith.constant 0 : i32
    %parallel_loop3A_1084 = arith.constant 16 : i32
    %parallel_loop3A_1085 = arith.constant 1 : i32
    scf.for %parallel_loop3A_1344 = %parallel_loop3A_1083 to %parallel_loop3A_1084 step %parallel_loop3A_1085  : i32 {
      %parallel_loop3A_1345 = arith.constant 0 : i32
      %parallel_loop3A_1346 = arith.constant 1024 : i32
      %parallel_loop3A_1347 = arith.constant 16 : i32
      scf.for %parallel_loop3A_1348 = %parallel_loop3A_1345 to %parallel_loop3A_1346 step %parallel_loop3A_1347  : i32 {
        %parallel_loop3A_1349 = arith.index_cast %parallel_loop3A_1344 : i32 to index
        %parallel_loop3A_1350 = arith.index_cast %parallel_loop3A_1348 : i32 to index
        %parallel_loop3A_1351 = tpu.vector_load %arg10[%parallel_loop3A_1349, %parallel_loop3A_1350] {strides = array<i32>} : memref<16x1024xf32, #tpu.memory_space<vmem>>, vector<1x16xf32>,
        %parallel_loop3A_1352 = vector.shape_cast %parallel_loop3A_1351 : vector<1x16xf32> to vector<16xf32>
        %parallel_loop3A_1353 = arith.index_cast %parallel_loop3A_1344 : i32 to index
        %parallel_loop3A_1354 = arith.index_cast %parallel_loop3A_1348 : i32 to index
        %parallel_loop3A_1355 = tpu.vector_load %arg5[%parallel_loop3A_1353, %parallel_loop3A_1354] {strides = array<i32>} : memref<16x1024xf32, #tpu.memory_space<vmem>>, vector<1x16xf32>,
        %parallel_loop3A_1356 = vector.shape_cast %parallel_loop3A_1355 : vector<1x16xf32> to vector<16xf32>
        %parallel_loop3A_1357 = vector.shape_cast %parallel_loop3A_1352 : vector<16xf32> to vector<1x16xf32>
        tpu.vector_store %arg5[%parallel_loop3A_1353, %parallel_loop3A_1354], %parallel_loop3A_1357 {add = true, strides = array<i32>} : memref<16x1024xf32, #tpu.memory_space<vmem>>, vector<1x16xf32>,
      } {sc.loop_unroll_factor = 16 : i64, sc.parallel_access}
    } {sc.loop_unroll_factor = 1 : i64, sc.parallel_access}
    %add3A_1086 = arith.constant 96 : i32
    %add3A_1087 = arith.addi %mul3A_2, %add3A_1086 : i32
    %dma_start3A_1088 = arith.constant 1 : i32
    %dma_start3A_1089 = arith.constant 0 : i32
    %dma_start3A_1090 = tpu.memref_slice %arg4[%dma_start3A_1088, %add3A_1087, %dma_start3A_1089] : memref<4x4096x1024xf32, #tpu.memory_space<hbm>> -> memref<1x16x1024xf32, #tpu.memory_space<hbm>>
    %dma_start3A_1091 = tpu.memref_squeeze %dma_start3A_1090 : memref<1x16x1024xf32, #tpu.memory_space<hbm>> -> memref<16x1024xf32, #tpu.memory_space<hbm>>
    %dma_start3A_1092 = arith.constant 0 : i32
    %dma_start3A_1093 = tpu.memref_slice %arg4[%dma_start3A_1088, %add3A_1087, %dma_start3A_1092] : memref<4x4096x1024xf32, #tpu.memory_space<hbm>> -> memref<1x16x1024xf32, #tpu.memory_space<hbm>>
    %dma_start3A_1094 = tpu.memref_squeeze %dma_start3A_1093 : memref<1x16x1024xf32, #tpu.memory_space<hbm>> -> memref<16x1024xf32, #tpu.memory_space<hbm>>
    tpu.enqueue_dma source(%arg5 : memref<16x1024xf32, #tpu.memory_space<vmem>>) target(%dma_start3A_1094 : memref<16x1024xf32, #tpu.memory_space<hbm>>) target_semaphore(%arg17 : memref<!tpu.dma_semaphore, #tpu.memory_space<semaphore_mem>>)
    %add3A_1095 = arith.constant 80 : i32
    %add3A_1096 = arith.addi %mul3A_2, %add3A_1095 : i32
    %dma_wait3A_1097 = arith.constant 3 : i32
    %dma_wait3A_1098 = arith.constant 0 : i32
    %dma_wait3A_1099 = tpu.memref_slice %arg4[%dma_wait3A_1097, %add3A_1096, %dma_wait3A_1098] : memref<4x4096x1024xf32, #tpu.memory_space<hbm>> -> memref<1x16x1024xf32, #tpu.memory_space<hbm>>
    %dma_wait3A_1100 = tpu.memref_squeeze %dma_wait3A_1099 : memref<1x16x1024xf32, #tpu.memory_space<hbm>> -> memref<16x1024xf32, #tpu.memory_space<hbm>>
    %dma_wait3A_1101 = arith.constant 0 : i32
    %dma_wait3A_1102 = tpu.memref_slice %arg4[%dma_wait3A_1097, %add3A_1096, %dma_wait3A_1101] : memref<4x4096x1024xf32, #tpu.memory_space<hbm>> -> memref<1x16x1024xf32, #tpu.memory_space<hbm>>
    %dma_wait3A_1103 = tpu.memref_squeeze %dma_wait3A_1102 : memref<1x16x1024xf32, #tpu.memory_space<hbm>> -> memref<16x1024xf32, #tpu.memory_space<hbm>>
    tpu.wait_dma2 semaphore(%arg20 : memref<!tpu.dma_semaphore, #tpu.memory_space<semaphore_mem>>) src(%arg8 : memref<16x1024xf32, #tpu.memory_space<vmem>>) dst(%dma_wait3A_1103 : memref<16x1024xf32, #tpu.memory_space<hbm>>)
    %add3A_1104 = arith.constant 112 : i32
    %add3A_1105 = arith.addi %mul3A_2, %add3A_1104 : i32
    %dma_start3A_1106 = arith.constant 0 : i32
    %dma_start3A_1107 = arith.constant 0 : i32
    %dma_start3A_1108 = tpu.memref_slice %arg2[%dma_start3A_1106, %add3A_1105, %dma_start3A_1107] : memref<4x4096x1024xf32, #tpu.memory_space<hbm>> -> memref<1x16x1024xf32, #tpu.memory_space<hbm>>
    %dma_start3A_1109 = tpu.memref_squeeze %dma_start3A_1108 : memref<1x16x1024xf32, #tpu.memory_space<hbm>> -> memref<16x1024xf32, #tpu.memory_space<hbm>>
    %dma_start3A_1110 = arith.constant 0 : i32
    %dma_start3A_1111 = tpu.memref_slice %arg2[%dma_start3A_1106, %add3A_1105, %dma_start3A_1110] : memref<4x4096x1024xf32, #tpu.memory_space<hbm>> -> memref<1x16x1024xf32, #tpu.memory_space<hbm>>
    %dma_start3A_1112 = tpu.memref_squeeze %dma_start3A_1111 : memref<1x16x1024xf32, #tpu.memory_space<hbm>> -> memref<16x1024xf32, #tpu.memory_space<hbm>>
    tpu.enqueue_dma source(%dma_start3A_1112 : memref<16x1024xf32, #tpu.memory_space<hbm>>) target(%arg8 : memref<16x1024xf32, #tpu.memory_space<vmem>>) target_semaphore(%arg15 : memref<!tpu.dma_semaphore, #tpu.memory_space<semaphore_mem>>)
    %add3A_1113 = arith.constant 96 : i32
    %add3A_1114 = arith.addi %mul3A_2, %add3A_1113 : i32
    %dma_wait3A_1115 = arith.constant 2 : i32
    %dma_wait3A_1116 = arith.constant 0 : i32
    %dma_wait3A_1117 = tpu.memref_slice %arg2[%dma_wait3A_1115, %add3A_1114, %dma_wait3A_1116] : memref<4x4096x1024xf32, #tpu.memory_space<hbm>> -> memref<1x16x1024xf32, #tpu.memory_space<hbm>>
    %dma_wait3A_1118 = tpu.memref_squeeze %dma_wait3A_1117 : memref<1x16x1024xf32, #tpu.memory_space<hbm>> -> memref<16x1024xf32, #tpu.memory_space<hbm>>
    %dma_wait3A_1119 = arith.constant 0 : i32
    %dma_wait3A_1120 = tpu.memref_slice %arg2[%dma_wait3A_1115, %add3A_1114, %dma_wait3A_1119] : memref<4x4096x1024xf32, #tpu.memory_space<hbm>> -> memref<1x16x1024xf32, #tpu.memory_space<hbm>>
    %dma_wait3A_1121 = tpu.memref_squeeze %dma_wait3A_1120 : memref<1x16x1024xf32, #tpu.memory_space<hbm>> -> memref<16x1024xf32, #tpu.memory_space<hbm>>
    tpu.wait_dma2 semaphore(%arg13 : memref<!tpu.dma_semaphore, #tpu.memory_space<semaphore_mem>>) src(%dma_wait3A_1121 : memref<16x1024xf32, #tpu.memory_space<hbm>>) dst(%arg6 : memref<16x1024xf32, #tpu.memory_space<vmem>>)
    %parallel_loop3A_1122 = arith.constant 0 : i32
    %parallel_loop3A_1123 = arith.constant 16 : i32
    %parallel_loop3A_1124 = arith.constant 1 : i32
    scf.for %parallel_loop3A_1344 = %parallel_loop3A_1122 to %parallel_loop3A_1123 step %parallel_loop3A_1124  : i32 {
      %parallel_loop3A_1345 = arith.constant 0 : i32
      %parallel_loop3A_1346 = arith.constant 1024 : i32
      %parallel_loop3A_1347 = arith.constant 16 : i32
      scf.for %parallel_loop3A_1348 = %parallel_loop3A_1345 to %parallel_loop3A_1346 step %parallel_loop3A_1347  : i32 {
        %parallel_loop3A_1349 = arith.index_cast %parallel_loop3A_1344 : i32 to index
        %parallel_loop3A_1350 = arith.index_cast %parallel_loop3A_1348 : i32 to index
        %parallel_loop3A_1351 = tpu.vector_load %arg10[%parallel_loop3A_1349, %parallel_loop3A_1350] {strides = array<i32>} : memref<16x1024xf32, #tpu.memory_space<vmem>>, vector<1x16xf32>,
        %parallel_loop3A_1352 = vector.shape_cast %parallel_loop3A_1351 : vector<1x16xf32> to vector<16xf32>
        %parallel_loop3A_1353 = arith.index_cast %parallel_loop3A_1344 : i32 to index
        %parallel_loop3A_1354 = arith.index_cast %parallel_loop3A_1348 : i32 to index
        %parallel_loop3A_1355 = tpu.vector_load %arg6[%parallel_loop3A_1353, %parallel_loop3A_1354] {strides = array<i32>} : memref<16x1024xf32, #tpu.memory_space<vmem>>, vector<1x16xf32>,
        %parallel_loop3A_1356 = vector.shape_cast %parallel_loop3A_1355 : vector<1x16xf32> to vector<16xf32>
        %parallel_loop3A_1357 = vector.shape_cast %parallel_loop3A_1352 : vector<16xf32> to vector<1x16xf32>
        tpu.vector_store %arg6[%parallel_loop3A_1353, %parallel_loop3A_1354], %parallel_loop3A_1357 {add = true, strides = array<i32>} : memref<16x1024xf32, #tpu.memory_space<vmem>>, vector<1x16xf32>,
      } {sc.loop_unroll_factor = 16 : i64, sc.parallel_access}
    } {sc.loop_unroll_factor = 1 : i64, sc.parallel_access}
    %add3A_1125 = arith.constant 96 : i32
    %add3A_1126 = arith.addi %mul3A_2, %add3A_1125 : i32
    %dma_start3A_1127 = arith.constant 2 : i32
    %dma_start3A_1128 = arith.constant 0 : i32
    %dma_start3A_1129 = tpu.memref_slice %arg4[%dma_start3A_1127, %add3A_1126, %dma_start3A_1128] : memref<4x4096x1024xf32, #tpu.memory_space<hbm>> -> memref<1x16x1024xf32, #tpu.memory_space<hbm>>
    %dma_start3A_1130 = tpu.memref_squeeze %dma_start3A_1129 : memref<1x16x1024xf32, #tpu.memory_space<hbm>> -> memref<16x1024xf32, #tpu.memory_space<hbm>>
    %dma_start3A_1131 = arith.constant 0 : i32
    %dma_start3A_1132 = tpu.memref_slice %arg4[%dma_start3A_1127, %add3A_1126, %dma_start3A_1131] : memref<4x4096x1024xf32, #tpu.memory_space<hbm>> -> memref<1x16x1024xf32, #tpu.memory_space<hbm>>
    %dma_start3A_1133 = tpu.memref_squeeze %dma_start3A_1132 : memref<1x16x1024xf32, #tpu.memory_space<hbm>> -> memref<16x1024xf32, #tpu.memory_space<hbm>>
    tpu.enqueue_dma source(%arg6 : memref<16x1024xf32, #tpu.memory_space<vmem>>) target(%dma_start3A_1133 : memref<16x1024xf32, #tpu.memory_space<hbm>>) target_semaphore(%arg18 : memref<!tpu.dma_semaphore, #tpu.memory_space<semaphore_mem>>)
    %add3A_1134 = arith.constant 96 : i32
    %add3A_1135 = arith.addi %mul3A_2, %add3A_1134 : i32
    %dma_wait3A_1136 = arith.constant 0 : i32
    %dma_wait3A_1137 = arith.constant 0 : i32
    %dma_wait3A_1138 = tpu.memref_slice %arg4[%dma_wait3A_1136, %add3A_1135, %dma_wait3A_1137] : memref<4x4096x1024xf32, #tpu.memory_space<hbm>> -> memref<1x16x1024xf32, #tpu.memory_space<hbm>>
    %dma_wait3A_1139 = tpu.memref_squeeze %dma_wait3A_1138 : memref<1x16x1024xf32, #tpu.memory_space<hbm>> -> memref<16x1024xf32, #tpu.memory_space<hbm>>
    %dma_wait3A_1140 = arith.constant 0 : i32
    %dma_wait3A_1141 = tpu.memref_slice %arg4[%dma_wait3A_1136, %add3A_1135, %dma_wait3A_1140] : memref<4x4096x1024xf32, #tpu.memory_space<hbm>> -> memref<1x16x1024xf32, #tpu.memory_space<hbm>>
    %dma_wait3A_1142 = tpu.memref_squeeze %dma_wait3A_1141 : memref<1x16x1024xf32, #tpu.memory_space<hbm>> -> memref<16x1024xf32, #tpu.memory_space<hbm>>
    tpu.wait_dma2 semaphore(%arg21 : memref<!tpu.dma_semaphore, #tpu.memory_space<semaphore_mem>>) src(%arg9 : memref<16x1024xf32, #tpu.memory_space<vmem>>) dst(%dma_wait3A_1142 : memref<16x1024xf32, #tpu.memory_space<hbm>>)
    %add3A_1143 = arith.constant 112 : i32
    %add3A_1144 = arith.addi %mul3A_2, %add3A_1143 : i32
    %dma_start3A_1145 = arith.constant 1 : i32
    %dma_start3A_1146 = arith.constant 0 : i32
    %dma_start3A_1147 = tpu.memref_slice %arg2[%dma_start3A_1145, %add3A_1144, %dma_start3A_1146] : memref<4x4096x1024xf32, #tpu.memory_space<hbm>> -> memref<1x16x1024xf32, #tpu.memory_space<hbm>>
    %dma_start3A_1148 = tpu.memref_squeeze %dma_start3A_1147 : memref<1x16x1024xf32, #tpu.memory_space<hbm>> -> memref<16x1024xf32, #tpu.memory_space<hbm>>
    %dma_start3A_1149 = arith.constant 0 : i32
    %dma_start3A_1150 = tpu.memref_slice %arg2[%dma_start3A_1145, %add3A_1144, %dma_start3A_1149] : memref<4x4096x1024xf32, #tpu.memory_space<hbm>> -> memref<1x16x1024xf32, #tpu.memory_space<hbm>>
    %dma_start3A_1151 = tpu.memref_squeeze %dma_start3A_1150 : memref<1x16x1024xf32, #tpu.memory_space<hbm>> -> memref<16x1024xf32, #tpu.memory_space<hbm>>
    tpu.enqueue_dma source(%dma_start3A_1151 : memref<16x1024xf32, #tpu.memory_space<hbm>>) target(%arg9 : memref<16x1024xf32, #tpu.memory_space<vmem>>) target_semaphore(%arg16 : memref<!tpu.dma_semaphore, #tpu.memory_space<semaphore_mem>>)
    %add3A_1152 = arith.constant 96 : i32
    %add3A_1153 = arith.addi %mul3A_2, %add3A_1152 : i32
    %dma_wait3A_1154 = arith.constant 3 : i32
    %dma_wait3A_1155 = arith.constant 0 : i32
    %dma_wait3A_1156 = tpu.memref_slice %arg2[%dma_wait3A_1154, %add3A_1153, %dma_wait3A_1155] : memref<4x4096x1024xf32, #tpu.memory_space<hbm>> -> memref<1x16x1024xf32, #tpu.memory_space<hbm>>
    %dma_wait3A_1157 = tpu.memref_squeeze %dma_wait3A_1156 : memref<1x16x1024xf32, #tpu.memory_space<hbm>> -> memref<16x1024xf32, #tpu.memory_space<hbm>>
    %dma_wait3A_1158 = arith.constant 0 : i32
    %dma_wait3A_1159 = tpu.memref_slice %arg2[%dma_wait3A_1154, %add3A_1153, %dma_wait3A_1158] : memref<4x4096x1024xf32, #tpu.memory_space<hbm>> -> memref<1x16x1024xf32, #tpu.memory_space<hbm>>
    %dma_wait3A_1160 = tpu.memref_squeeze %dma_wait3A_1159 : memref<1x16x1024xf32, #tpu.memory_space<hbm>> -> memref<16x1024xf32, #tpu.memory_space<hbm>>
    tpu.wait_dma2 semaphore(%arg14 : memref<!tpu.dma_semaphore, #tpu.memory_space<semaphore_mem>>) src(%dma_wait3A_1160 : memref<16x1024xf32, #tpu.memory_space<hbm>>) dst(%arg7 : memref<16x1024xf32, #tpu.memory_space<vmem>>)
    %parallel_loop3A_1161 = arith.constant 0 : i32
    %parallel_loop3A_1162 = arith.constant 16 : i32
    %parallel_loop3A_1163 = arith.constant 1 : i32
    scf.for %parallel_loop3A_1344 = %parallel_loop3A_1161 to %parallel_loop3A_1162 step %parallel_loop3A_1163  : i32 {
      %parallel_loop3A_1345 = arith.constant 0 : i32
      %parallel_loop3A_1346 = arith.constant 1024 : i32
      %parallel_loop3A_1347 = arith.constant 16 : i32
      scf.for %parallel_loop3A_1348 = %parallel_loop3A_1345 to %parallel_loop3A_1346 step %parallel_loop3A_1347  : i32 {
        %parallel_loop3A_1349 = arith.index_cast %parallel_loop3A_1344 : i32 to index
        %parallel_loop3A_1350 = arith.index_cast %parallel_loop3A_1348 : i32 to index
        %parallel_loop3A_1351 = tpu.vector_load %arg10[%parallel_loop3A_1349, %parallel_loop3A_1350] {strides = array<i32>} : memref<16x1024xf32, #tpu.memory_space<vmem>>, vector<1x16xf32>,
        %parallel_loop3A_1352 = vector.shape_cast %parallel_loop3A_1351 : vector<1x16xf32> to vector<16xf32>
        %parallel_loop3A_1353 = arith.index_cast %parallel_loop3A_1344 : i32 to index
        %parallel_loop3A_1354 = arith.index_cast %parallel_loop3A_1348 : i32 to index
        %parallel_loop3A_1355 = tpu.vector_load %arg7[%parallel_loop3A_1353, %parallel_loop3A_1354] {strides = array<i32>} : memref<16x1024xf32, #tpu.memory_space<vmem>>, vector<1x16xf32>,
        %parallel_loop3A_1356 = vector.shape_cast %parallel_loop3A_1355 : vector<1x16xf32> to vector<16xf32>
        %parallel_loop3A_1357 = vector.shape_cast %parallel_loop3A_1352 : vector<16xf32> to vector<1x16xf32>
        tpu.vector_store %arg7[%parallel_loop3A_1353, %parallel_loop3A_1354], %parallel_loop3A_1357 {add = true, strides = array<i32>} : memref<16x1024xf32, #tpu.memory_space<vmem>>, vector<1x16xf32>,
      } {sc.loop_unroll_factor = 16 : i64, sc.parallel_access}
    } {sc.loop_unroll_factor = 1 : i64, sc.parallel_access}
    %add3A_1164 = arith.constant 96 : i32
    %add3A_1165 = arith.addi %mul3A_2, %add3A_1164 : i32
    %dma_start3A_1166 = arith.constant 3 : i32
    %dma_start3A_1167 = arith.constant 0 : i32
    %dma_start3A_1168 = tpu.memref_slice %arg4[%dma_start3A_1166, %add3A_1165, %dma_start3A_1167] : memref<4x4096x1024xf32, #tpu.memory_space<hbm>> -> memref<1x16x1024xf32, #tpu.memory_space<hbm>>
    %dma_start3A_1169 = tpu.memref_squeeze %dma_start3A_1168 : memref<1x16x1024xf32, #tpu.memory_space<hbm>> -> memref<16x1024xf32, #tpu.memory_space<hbm>>
    %dma_start3A_1170 = arith.constant 0 : i32
    %dma_start3A_1171 = tpu.memref_slice %arg4[%dma_start3A_1166, %add3A_1165, %dma_start3A_1170] : memref<4x4096x1024xf32, #tpu.memory_space<hbm>> -> memref<1x16x1024xf32, #tpu.memory_space<hbm>>
    %dma_start3A_1172 = tpu.memref_squeeze %dma_start3A_1171 : memref<1x16x1024xf32, #tpu.memory_space<hbm>> -> memref<16x1024xf32, #tpu.memory_space<hbm>>
    tpu.enqueue_dma source(%arg7 : memref<16x1024xf32, #tpu.memory_space<vmem>>) target(%dma_start3A_1172 : memref<16x1024xf32, #tpu.memory_space<hbm>>) target_semaphore(%arg19 : memref<!tpu.dma_semaphore, #tpu.memory_space<semaphore_mem>>)
    %add3A_1173 = arith.constant 96 : i32
    %add3A_1174 = arith.addi %mul3A_2, %add3A_1173 : i32
    %dma_wait3A_1175 = arith.constant 1 : i32
    %dma_wait3A_1176 = arith.constant 0 : i32
    %dma_wait3A_1177 = tpu.memref_slice %arg4[%dma_wait3A_1175, %add3A_1174, %dma_wait3A_1176] : memref<4x4096x1024xf32, #tpu.memory_space<hbm>> -> memref<1x16x1024xf32, #tpu.memory_space<hbm>>
    %dma_wait3A_1178 = tpu.memref_squeeze %dma_wait3A_1177 : memref<1x16x1024xf32, #tpu.memory_space<hbm>> -> memref<16x1024xf32, #tpu.memory_space<hbm>>
    %dma_wait3A_1179 = arith.constant 0 : i32
    %dma_wait3A_1180 = tpu.memref_slice %arg4[%dma_wait3A_1175, %add3A_1174, %dma_wait3A_1179] : memref<4x4096x1024xf32, #tpu.memory_space<hbm>> -> memref<1x16x1024xf32, #tpu.memory_space<hbm>>
    %dma_wait3A_1181 = tpu.memref_squeeze %dma_wait3A_1180 : memref<1x16x1024xf32, #tpu.memory_space<hbm>> -> memref<16x1024xf32, #tpu.memory_space<hbm>>
    tpu.wait_dma2 semaphore(%arg17 : memref<!tpu.dma_semaphore, #tpu.memory_space<semaphore_mem>>) src(%arg5 : memref<16x1024xf32, #tpu.memory_space<vmem>>) dst(%dma_wait3A_1181 : memref<16x1024xf32, #tpu.memory_space<hbm>>)
    %add3A_1182 = arith.constant 112 : i32
    %add3A_1183 = arith.addi %mul3A_2, %add3A_1182 : i32
    %dma_start3A_1184 = arith.constant 2 : i32
    %dma_start3A_1185 = arith.constant 0 : i32
    %dma_start3A_1186 = tpu.memref_slice %arg2[%dma_start3A_1184, %add3A_1183, %dma_start3A_1185] : memref<4x4096x1024xf32, #tpu.memory_space<hbm>> -> memref<1x16x1024xf32, #tpu.memory_space<hbm>>
    %dma_start3A_1187 = tpu.memref_squeeze %dma_start3A_1186 : memref<1x16x1024xf32, #tpu.memory_space<hbm>> -> memref<16x1024xf32, #tpu.memory_space<hbm>>
    %dma_start3A_1188 = arith.constant 0 : i32
    %dma_start3A_1189 = tpu.memref_slice %arg2[%dma_start3A_1184, %add3A_1183, %dma_start3A_1188] : memref<4x4096x1024xf32, #tpu.memory_space<hbm>> -> memref<1x16x1024xf32, #tpu.memory_space<hbm>>
    %dma_start3A_1190 = tpu.memref_squeeze %dma_start3A_1189 : memref<1x16x1024xf32, #tpu.memory_space<hbm>> -> memref<16x1024xf32, #tpu.memory_space<hbm>>
    tpu.enqueue_dma source(%dma_start3A_1190 : memref<16x1024xf32, #tpu.memory_space<hbm>>) target(%arg5 : memref<16x1024xf32, #tpu.memory_space<vmem>>) target_semaphore(%arg12 : memref<!tpu.dma_semaphore, #tpu.memory_space<semaphore_mem>>)
    %add3A_1191 = arith.constant 112 : i32
    %add3A_1192 = arith.addi %mul3A_2, %add3A_1191 : i32
    %dma_wait3A_1193 = arith.constant 0 : i32
    %dma_wait3A_1194 = tpu.memref_slice %arg3[%add3A_1192, %dma_wait3A_1193] : memref<4096x1024xf32, #tpu.memory_space<hbm>> -> memref<16x1024xf32, #tpu.memory_space<hbm>>
    %dma_wait3A_1195 = arith.constant 0 : i32
    %dma_wait3A_1196 = tpu.memref_slice %arg3[%add3A_1192, %dma_wait3A_1195] : memref<4096x1024xf32, #tpu.memory_space<hbm>> -> memref<16x1024xf32, #tpu.memory_space<hbm>>
    tpu.wait_dma2 semaphore(%arg23 : memref<!tpu.dma_semaphore, #tpu.memory_space<semaphore_mem>>) src(%dma_wait3A_1196 : memref<16x1024xf32, #tpu.memory_space<hbm>>) dst(%arg11 : memref<16x1024xf32, #tpu.memory_space<vmem>>)
    %add3A_1197 = arith.constant 112 : i32
    %add3A_1198 = arith.addi %mul3A_2, %add3A_1197 : i32
    %dma_wait3A_1199 = arith.constant 0 : i32
    %dma_wait3A_1200 = arith.constant 0 : i32
    %dma_wait3A_1201 = tpu.memref_slice %arg2[%dma_wait3A_1199, %add3A_1198, %dma_wait3A_1200] : memref<4x4096x1024xf32, #tpu.memory_space<hbm>> -> memref<1x16x1024xf32, #tpu.memory_space<hbm>>
    %dma_wait3A_1202 = tpu.memref_squeeze %dma_wait3A_1201 : memref<1x16x1024xf32, #tpu.memory_space<hbm>> -> memref<16x1024xf32, #tpu.memory_space<hbm>>
    %dma_wait3A_1203 = arith.constant 0 : i32
    %dma_wait3A_1204 = tpu.memref_slice %arg2[%dma_wait3A_1199, %add3A_1198, %dma_wait3A_1203] : memref<4x4096x1024xf32, #tpu.memory_space<hbm>> -> memref<1x16x1024xf32, #tpu.memory_space<hbm>>
    %dma_wait3A_1205 = tpu.memref_squeeze %dma_wait3A_1204 : memref<1x16x1024xf32, #tpu.memory_space<hbm>> -> memref<16x1024xf32, #tpu.memory_space<hbm>>
    tpu.wait_dma2 semaphore(%arg15 : memref<!tpu.dma_semaphore, #tpu.memory_space<semaphore_mem>>) src(%dma_wait3A_1205 : memref<16x1024xf32, #tpu.memory_space<hbm>>) dst(%arg8 : memref<16x1024xf32, #tpu.memory_space<vmem>>)
    %parallel_loop3A_1206 = arith.constant 0 : i32
    %parallel_loop3A_1207 = arith.constant 16 : i32
    %parallel_loop3A_1208 = arith.constant 1 : i32
    scf.for %parallel_loop3A_1344 = %parallel_loop3A_1206 to %parallel_loop3A_1207 step %parallel_loop3A_1208  : i32 {
      %parallel_loop3A_1345 = arith.constant 0 : i32
      %parallel_loop3A_1346 = arith.constant 1024 : i32
      %parallel_loop3A_1347 = arith.constant 16 : i32
      scf.for %parallel_loop3A_1348 = %parallel_loop3A_1345 to %parallel_loop3A_1346 step %parallel_loop3A_1347  : i32 {
        %parallel_loop3A_1349 = arith.index_cast %parallel_loop3A_1344 : i32 to index
        %parallel_loop3A_1350 = arith.index_cast %parallel_loop3A_1348 : i32 to index
        %parallel_loop3A_1351 = tpu.vector_load %arg11[%parallel_loop3A_1349, %parallel_loop3A_1350] {strides = array<i32>} : memref<16x1024xf32, #tpu.memory_space<vmem>>, vector<1x16xf32>,
        %parallel_loop3A_1352 = vector.shape_cast %parallel_loop3A_1351 : vector<1x16xf32> to vector<16xf32>
        %parallel_loop3A_1353 = arith.index_cast %parallel_loop3A_1344 : i32 to index
        %parallel_loop3A_1354 = arith.index_cast %parallel_loop3A_1348 : i32 to index
        %parallel_loop3A_1355 = tpu.vector_load %arg8[%parallel_loop3A_1353, %parallel_loop3A_1354] {strides = array<i32>} : memref<16x1024xf32, #tpu.memory_space<vmem>>, vector<1x16xf32>,
        %parallel_loop3A_1356 = vector.shape_cast %parallel_loop3A_1355 : vector<1x16xf32> to vector<16xf32>
        %parallel_loop3A_1357 = vector.shape_cast %parallel_loop3A_1352 : vector<16xf32> to vector<1x16xf32>
        tpu.vector_store %arg8[%parallel_loop3A_1353, %parallel_loop3A_1354], %parallel_loop3A_1357 {add = true, strides = array<i32>} : memref<16x1024xf32, #tpu.memory_space<vmem>>, vector<1x16xf32>,
      } {sc.loop_unroll_factor = 16 : i64, sc.parallel_access}
    } {sc.loop_unroll_factor = 1 : i64, sc.parallel_access}
    %add3A_1209 = arith.constant 112 : i32
    %add3A_1210 = arith.addi %mul3A_2, %add3A_1209 : i32
    %dma_start3A_1211 = arith.constant 0 : i32
    %dma_start3A_1212 = arith.constant 0 : i32
    %dma_start3A_1213 = tpu.memref_slice %arg4[%dma_start3A_1211, %add3A_1210, %dma_start3A_1212] : memref<4x4096x1024xf32, #tpu.memory_space<hbm>> -> memref<1x16x1024xf32, #tpu.memory_space<hbm>>
    %dma_start3A_1214 = tpu.memref_squeeze %dma_start3A_1213 : memref<1x16x1024xf32, #tpu.memory_space<hbm>> -> memref<16x1024xf32, #tpu.memory_space<hbm>>
    %dma_start3A_1215 = arith.constant 0 : i32
    %dma_start3A_1216 = tpu.memref_slice %arg4[%dma_start3A_1211, %add3A_1210, %dma_start3A_1215] : memref<4x4096x1024xf32, #tpu.memory_space<hbm>> -> memref<1x16x1024xf32, #tpu.memory_space<hbm>>
    %dma_start3A_1217 = tpu.memref_squeeze %dma_start3A_1216 : memref<1x16x1024xf32, #tpu.memory_space<hbm>> -> memref<16x1024xf32, #tpu.memory_space<hbm>>
    tpu.enqueue_dma source(%arg8 : memref<16x1024xf32, #tpu.memory_space<vmem>>) target(%dma_start3A_1217 : memref<16x1024xf32, #tpu.memory_space<hbm>>) target_semaphore(%arg20 : memref<!tpu.dma_semaphore, #tpu.memory_space<semaphore_mem>>)
    %add3A_1218 = arith.constant 96 : i32
    %add3A_1219 = arith.addi %mul3A_2, %add3A_1218 : i32
    %dma_wait3A_1220 = arith.constant 2 : i32
    %dma_wait3A_1221 = arith.constant 0 : i32
    %dma_wait3A_1222 = tpu.memref_slice %arg4[%dma_wait3A_1220, %add3A_1219, %dma_wait3A_1221] : memref<4x4096x1024xf32, #tpu.memory_space<hbm>> -> memref<1x16x1024xf32, #tpu.memory_space<hbm>>
    %dma_wait3A_1223 = tpu.memref_squeeze %dma_wait3A_1222 : memref<1x16x1024xf32, #tpu.memory_space<hbm>> -> memref<16x1024xf32, #tpu.memory_space<hbm>>
    %dma_wait3A_1224 = arith.constant 0 : i32
    %dma_wait3A_1225 = tpu.memref_slice %arg4[%dma_wait3A_1220, %add3A_1219, %dma_wait3A_1224] : memref<4x4096x1024xf32, #tpu.memory_space<hbm>> -> memref<1x16x1024xf32, #tpu.memory_space<hbm>>
    %dma_wait3A_1226 = tpu.memref_squeeze %dma_wait3A_1225 : memref<1x16x1024xf32, #tpu.memory_space<hbm>> -> memref<16x1024xf32, #tpu.memory_space<hbm>>
    tpu.wait_dma2 semaphore(%arg18 : memref<!tpu.dma_semaphore, #tpu.memory_space<semaphore_mem>>) src(%arg6 : memref<16x1024xf32, #tpu.memory_space<vmem>>) dst(%dma_wait3A_1226 : memref<16x1024xf32, #tpu.memory_space<hbm>>)
    %add3A_1227 = arith.constant 112 : i32
    %add3A_1228 = arith.addi %mul3A_2, %add3A_1227 : i32
    %dma_start3A_1229 = arith.constant 3 : i32
    %dma_start3A_1230 = arith.constant 0 : i32
    %dma_start3A_1231 = tpu.memref_slice %arg2[%dma_start3A_1229, %add3A_1228, %dma_start3A_1230] : memref<4x4096x1024xf32, #tpu.memory_space<hbm>> -> memref<1x16x1024xf32, #tpu.memory_space<hbm>>
    %dma_start3A_1232 = tpu.memref_squeeze %dma_start3A_1231 : memref<1x16x1024xf32, #tpu.memory_space<hbm>> -> memref<16x1024xf32, #tpu.memory_space<hbm>>
    %dma_start3A_1233 = arith.constant 0 : i32
    %dma_start3A_1234 = tpu.memref_slice %arg2[%dma_start3A_1229, %add3A_1228, %dma_start3A_1233] : memref<4x4096x1024xf32, #tpu.memory_space<hbm>> -> memref<1x16x1024xf32, #tpu.memory_space<hbm>>
    %dma_start3A_1235 = tpu.memref_squeeze %dma_start3A_1234 : memref<1x16x1024xf32, #tpu.memory_space<hbm>> -> memref<16x1024xf32, #tpu.memory_space<hbm>>
    tpu.enqueue_dma source(%dma_start3A_1235 : memref<16x1024xf32, #tpu.memory_space<hbm>>) target(%arg6 : memref<16x1024xf32, #tpu.memory_space<vmem>>) target_semaphore(%arg13 : memref<!tpu.dma_semaphore, #tpu.memory_space<semaphore_mem>>)
    %add3A_1236 = arith.constant 112 : i32
    %add3A_1237 = arith.addi %mul3A_2, %add3A_1236 : i32
    %dma_wait3A_1238 = arith.constant 1 : i32
    %dma_wait3A_1239 = arith.constant 0 : i32
    %dma_wait3A_1240 = tpu.memref_slice %arg2[%dma_wait3A_1238, %add3A_1237, %dma_wait3A_1239] : memref<4x4096x1024xf32, #tpu.memory_space<hbm>> -> memref<1x16x1024xf32, #tpu.memory_space<hbm>>
    %dma_wait3A_1241 = tpu.memref_squeeze %dma_wait3A_1240 : memref<1x16x1024xf32, #tpu.memory_space<hbm>> -> memref<16x1024xf32, #tpu.memory_space<hbm>>
    %dma_wait3A_1242 = arith.constant 0 : i32
    %dma_wait3A_1243 = tpu.memref_slice %arg2[%dma_wait3A_1238, %add3A_1237, %dma_wait3A_1242] : memref<4x4096x1024xf32, #tpu.memory_space<hbm>> -> memref<1x16x1024xf32, #tpu.memory_space<hbm>>
    %dma_wait3A_1244 = tpu.memref_squeeze %dma_wait3A_1243 : memref<1x16x1024xf32, #tpu.memory_space<hbm>> -> memref<16x1024xf32, #tpu.memory_space<hbm>>
    tpu.wait_dma2 semaphore(%arg16 : memref<!tpu.dma_semaphore, #tpu.memory_space<semaphore_mem>>) src(%dma_wait3A_1244 : memref<16x1024xf32, #tpu.memory_space<hbm>>) dst(%arg9 : memref<16x1024xf32, #tpu.memory_space<vmem>>)
    %parallel_loop3A_1245 = arith.constant 0 : i32
    %parallel_loop3A_1246 = arith.constant 16 : i32
    %parallel_loop3A_1247 = arith.constant 1 : i32
    scf.for %parallel_loop3A_1344 = %parallel_loop3A_1245 to %parallel_loop3A_1246 step %parallel_loop3A_1247  : i32 {
      %parallel_loop3A_1345 = arith.constant 0 : i32
      %parallel_loop3A_1346 = arith.constant 1024 : i32
      %parallel_loop3A_1347 = arith.constant 16 : i32
      scf.for %parallel_loop3A_1348 = %parallel_loop3A_1345 to %parallel_loop3A_1346 step %parallel_loop3A_1347  : i32 {
        %parallel_loop3A_1349 = arith.index_cast %parallel_loop3A_1344 : i32 to index
        %parallel_loop3A_1350 = arith.index_cast %parallel_loop3A_1348 : i32 to index
        %parallel_loop3A_1351 = tpu.vector_load %arg11[%parallel_loop3A_1349, %parallel_loop3A_1350] {strides = array<i32>} : memref<16x1024xf32, #tpu.memory_space<vmem>>, vector<1x16xf32>,
        %parallel_loop3A_1352 = vector.shape_cast %parallel_loop3A_1351 : vector<1x16xf32> to vector<16xf32>
        %parallel_loop3A_1353 = arith.index_cast %parallel_loop3A_1344 : i32 to index
        %parallel_loop3A_1354 = arith.index_cast %parallel_loop3A_1348 : i32 to index
        %parallel_loop3A_1355 = tpu.vector_load %arg9[%parallel_loop3A_1353, %parallel_loop3A_1354] {strides = array<i32>} : memref<16x1024xf32, #tpu.memory_space<vmem>>, vector<1x16xf32>,
        %parallel_loop3A_1356 = vector.shape_cast %parallel_loop3A_1355 : vector<1x16xf32> to vector<16xf32>
        %parallel_loop3A_1357 = vector.shape_cast %parallel_loop3A_1352 : vector<16xf32> to vector<1x16xf32>
        tpu.vector_store %arg9[%parallel_loop3A_1353, %parallel_loop3A_1354], %parallel_loop3A_1357 {add = true, strides = array<i32>} : memref<16x1024xf32, #tpu.memory_space<vmem>>, vector<1x16xf32>,
      } {sc.loop_unroll_factor = 16 : i64, sc.parallel_access}
    } {sc.loop_unroll_factor = 1 : i64, sc.parallel_access}
    %add3A_1248 = arith.constant 112 : i32
    %add3A_1249 = arith.addi %mul3A_2, %add3A_1248 : i32
    %dma_start3A_1250 = arith.constant 1 : i32
    %dma_start3A_1251 = arith.constant 0 : i32
    %dma_start3A_1252 = tpu.memref_slice %arg4[%dma_start3A_1250, %add3A_1249, %dma_start3A_1251] : memref<4x4096x1024xf32, #tpu.memory_space<hbm>> -> memref<1x16x1024xf32, #tpu.memory_space<hbm>>
    %dma_start3A_1253 = tpu.memref_squeeze %dma_start3A_1252 : memref<1x16x1024xf32, #tpu.memory_space<hbm>> -> memref<16x1024xf32, #tpu.memory_space<hbm>>
    %dma_start3A_1254 = arith.constant 0 : i32
    %dma_start3A_1255 = tpu.memref_slice %arg4[%dma_start3A_1250, %add3A_1249, %dma_start3A_1254] : memref<4x4096x1024xf32, #tpu.memory_space<hbm>> -> memref<1x16x1024xf32, #tpu.memory_space<hbm>>
    %dma_start3A_1256 = tpu.memref_squeeze %dma_start3A_1255 : memref<1x16x1024xf32, #tpu.memory_space<hbm>> -> memref<16x1024xf32, #tpu.memory_space<hbm>>
    tpu.enqueue_dma source(%arg9 : memref<16x1024xf32, #tpu.memory_space<vmem>>) target(%dma_start3A_1256 : memref<16x1024xf32, #tpu.memory_space<hbm>>) target_semaphore(%arg21 : memref<!tpu.dma_semaphore, #tpu.memory_space<semaphore_mem>>)
    %add3A_1257 = arith.constant 112 : i32
    %add3A_1258 = arith.addi %mul3A_2, %add3A_1257 : i32
    %dma_wait3A_1259 = arith.constant 2 : i32
    %dma_wait3A_1260 = arith.constant 0 : i32
    %dma_wait3A_1261 = tpu.memref_slice %arg2[%dma_wait3A_1259, %add3A_1258, %dma_wait3A_1260] : memref<4x4096x1024xf32, #tpu.memory_space<hbm>> -> memref<1x16x1024xf32, #tpu.memory_space<hbm>>
    %dma_wait3A_1262 = tpu.memref_squeeze %dma_wait3A_1261 : memref<1x16x1024xf32, #tpu.memory_space<hbm>> -> memref<16x1024xf32, #tpu.memory_space<hbm>>
    %dma_wait3A_1263 = arith.constant 0 : i32
    %dma_wait3A_1264 = tpu.memref_slice %arg2[%dma_wait3A_1259, %add3A_1258, %dma_wait3A_1263] : memref<4x4096x1024xf32, #tpu.memory_space<hbm>> -> memref<1x16x1024xf32, #tpu.memory_space<hbm>>
    %dma_wait3A_1265 = tpu.memref_squeeze %dma_wait3A_1264 : memref<1x16x1024xf32, #tpu.memory_space<hbm>> -> memref<16x1024xf32, #tpu.memory_space<hbm>>
    tpu.wait_dma2 semaphore(%arg12 : memref<!tpu.dma_semaphore, #tpu.memory_space<semaphore_mem>>) src(%dma_wait3A_1265 : memref<16x1024xf32, #tpu.memory_space<hbm>>) dst(%arg5 : memref<16x1024xf32, #tpu.memory_space<vmem>>)
    %parallel_loop3A_1266 = arith.constant 0 : i32
    %parallel_loop3A_1267 = arith.constant 16 : i32
    %parallel_loop3A_1268 = arith.constant 1 : i32
    scf.for %parallel_loop3A_1344 = %parallel_loop3A_1266 to %parallel_loop3A_1267 step %parallel_loop3A_1268  : i32 {
      %parallel_loop3A_1345 = arith.constant 0 : i32
      %parallel_loop3A_1346 = arith.constant 1024 : i32
      %parallel_loop3A_1347 = arith.constant 16 : i32
      scf.for %parallel_loop3A_1348 = %parallel_loop3A_1345 to %parallel_loop3A_1346 step %parallel_loop3A_1347  : i32 {
        %parallel_loop3A_1349 = arith.index_cast %parallel_loop3A_1344 : i32 to index
        %parallel_loop3A_1350 = arith.index_cast %parallel_loop3A_1348 : i32 to index
        %parallel_loop3A_1351 = tpu.vector_load %arg11[%parallel_loop3A_1349, %parallel_loop3A_1350] {strides = array<i32>} : memref<16x1024xf32, #tpu.memory_space<vmem>>, vector<1x16xf32>,
        %parallel_loop3A_1352 = vector.shape_cast %parallel_loop3A_1351 : vector<1x16xf32> to vector<16xf32>
        %parallel_loop3A_1353 = arith.index_cast %parallel_loop3A_1344 : i32 to index
        %parallel_loop3A_1354 = arith.index_cast %parallel_loop3A_1348 : i32 to index
        %parallel_loop3A_1355 = tpu.vector_load %arg5[%parallel_loop3A_1353, %parallel_loop3A_1354] {strides = array<i32>} : memref<16x1024xf32, #tpu.memory_space<vmem>>, vector<1x16xf32>,
        %parallel_loop3A_1356 = vector.shape_cast %parallel_loop3A_1355 : vector<1x16xf32> to vector<16xf32>
        %parallel_loop3A_1357 = vector.shape_cast %parallel_loop3A_1352 : vector<16xf32> to vector<1x16xf32>
        tpu.vector_store %arg5[%parallel_loop3A_1353, %parallel_loop3A_1354], %parallel_loop3A_1357 {add = true, strides = array<i32>} : memref<16x1024xf32, #tpu.memory_space<vmem>>, vector<1x16xf32>,
      } {sc.loop_unroll_factor = 16 : i64, sc.parallel_access}
    } {sc.loop_unroll_factor = 1 : i64, sc.parallel_access}
    %add3A_1269 = arith.constant 112 : i32
    %add3A_1270 = arith.addi %mul3A_2, %add3A_1269 : i32
    %dma_start3A_1271 = arith.constant 2 : i32
    %dma_start3A_1272 = arith.constant 0 : i32
    %dma_start3A_1273 = tpu.memref_slice %arg4[%dma_start3A_1271, %add3A_1270, %dma_start3A_1272] : memref<4x4096x1024xf32, #tpu.memory_space<hbm>> -> memref<1x16x1024xf32, #tpu.memory_space<hbm>>
    %dma_start3A_1274 = tpu.memref_squeeze %dma_start3A_1273 : memref<1x16x1024xf32, #tpu.memory_space<hbm>> -> memref<16x1024xf32, #tpu.memory_space<hbm>>
    %dma_start3A_1275 = arith.constant 0 : i32
    %dma_start3A_1276 = tpu.memref_slice %arg4[%dma_start3A_1271, %add3A_1270, %dma_start3A_1275] : memref<4x4096x1024xf32, #tpu.memory_space<hbm>> -> memref<1x16x1024xf32, #tpu.memory_space<hbm>>
    %dma_start3A_1277 = tpu.memref_squeeze %dma_start3A_1276 : memref<1x16x1024xf32, #tpu.memory_space<hbm>> -> memref<16x1024xf32, #tpu.memory_space<hbm>>
    tpu.enqueue_dma source(%arg5 : memref<16x1024xf32, #tpu.memory_space<vmem>>) target(%dma_start3A_1277 : memref<16x1024xf32, #tpu.memory_space<hbm>>) target_semaphore(%arg17 : memref<!tpu.dma_semaphore, #tpu.memory_space<semaphore_mem>>)
    %add3A_1278 = arith.constant 112 : i32
    %add3A_1279 = arith.addi %mul3A_2, %add3A_1278 : i32
    %dma_wait3A_1280 = arith.constant 3 : i32
    %dma_wait3A_1281 = arith.constant 0 : i32
    %dma_wait3A_1282 = tpu.memref_slice %arg2[%dma_wait3A_1280, %add3A_1279, %dma_wait3A_1281] : memref<4x4096x1024xf32, #tpu.memory_space<hbm>> -> memref<1x16x1024xf32, #tpu.memory_space<hbm>>
    %dma_wait3A_1283 = tpu.memref_squeeze %dma_wait3A_1282 : memref<1x16x1024xf32, #tpu.memory_space<hbm>> -> memref<16x1024xf32, #tpu.memory_space<hbm>>
    %dma_wait3A_1284 = arith.constant 0 : i32
    %dma_wait3A_1285 = tpu.memref_slice %arg2[%dma_wait3A_1280, %add3A_1279, %dma_wait3A_1284] : memref<4x4096x1024xf32, #tpu.memory_space<hbm>> -> memref<1x16x1024xf32, #tpu.memory_space<hbm>>
    %dma_wait3A_1286 = tpu.memref_squeeze %dma_wait3A_1285 : memref<1x16x1024xf32, #tpu.memory_space<hbm>> -> memref<16x1024xf32, #tpu.memory_space<hbm>>
    tpu.wait_dma2 semaphore(%arg13 : memref<!tpu.dma_semaphore, #tpu.memory_space<semaphore_mem>>) src(%dma_wait3A_1286 : memref<16x1024xf32, #tpu.memory_space<hbm>>) dst(%arg6 : memref<16x1024xf32, #tpu.memory_space<vmem>>)
    %parallel_loop3A_1287 = arith.constant 0 : i32
    %parallel_loop3A_1288 = arith.constant 16 : i32
    %parallel_loop3A_1289 = arith.constant 1 : i32
    scf.for %parallel_loop3A_1344 = %parallel_loop3A_1287 to %parallel_loop3A_1288 step %parallel_loop3A_1289  : i32 {
      %parallel_loop3A_1345 = arith.constant 0 : i32
      %parallel_loop3A_1346 = arith.constant 1024 : i32
      %parallel_loop3A_1347 = arith.constant 16 : i32
      scf.for %parallel_loop3A_1348 = %parallel_loop3A_1345 to %parallel_loop3A_1346 step %parallel_loop3A_1347  : i32 {
        %parallel_loop3A_1349 = arith.index_cast %parallel_loop3A_1344 : i32 to index
        %parallel_loop3A_1350 = arith.index_cast %parallel_loop3A_1348 : i32 to index
        %parallel_loop3A_1351 = tpu.vector_load %arg11[%parallel_loop3A_1349, %parallel_loop3A_1350] {strides = array<i32>} : memref<16x1024xf32, #tpu.memory_space<vmem>>, vector<1x16xf32>,
        %parallel_loop3A_1352 = vector.shape_cast %parallel_loop3A_1351 : vector<1x16xf32> to vector<16xf32>
        %parallel_loop3A_1353 = arith.index_cast %parallel_loop3A_1344 : i32 to index
        %parallel_loop3A_1354 = arith.index_cast %parallel_loop3A_1348 : i32 to index
        %parallel_loop3A_1355 = tpu.vector_load %arg6[%parallel_loop3A_1353, %parallel_loop3A_1354] {strides = array<i32>} : memref<16x1024xf32, #tpu.memory_space<vmem>>, vector<1x16xf32>,
        %parallel_loop3A_1356 = vector.shape_cast %parallel_loop3A_1355 : vector<1x16xf32> to vector<16xf32>
        %parallel_loop3A_1357 = vector.shape_cast %parallel_loop3A_1352 : vector<16xf32> to vector<1x16xf32>
        tpu.vector_store %arg6[%parallel_loop3A_1353, %parallel_loop3A_1354], %parallel_loop3A_1357 {add = true, strides = array<i32>} : memref<16x1024xf32, #tpu.memory_space<vmem>>, vector<1x16xf32>,
      } {sc.loop_unroll_factor = 16 : i64, sc.parallel_access}
    } {sc.loop_unroll_factor = 1 : i64, sc.parallel_access}
    %add3A_1290 = arith.constant 112 : i32
    %add3A_1291 = arith.addi %mul3A_2, %add3A_1290 : i32
    %dma_start3A_1292 = arith.constant 3 : i32
    %dma_start3A_1293 = arith.constant 0 : i32
    %dma_start3A_1294 = tpu.memref_slice %arg4[%dma_start3A_1292, %add3A_1291, %dma_start3A_1293] : memref<4x4096x1024xf32, #tpu.memory_space<hbm>> -> memref<1x16x1024xf32, #tpu.memory_space<hbm>>
    %dma_start3A_1295 = tpu.memref_squeeze %dma_start3A_1294 : memref<1x16x1024xf32, #tpu.memory_space<hbm>> -> memref<16x1024xf32, #tpu.memory_space<hbm>>
    %dma_start3A_1296 = arith.constant 0 : i32
    %dma_start3A_1297 = tpu.memref_slice %arg4[%dma_start3A_1292, %add3A_1291, %dma_start3A_1296] : memref<4x4096x1024xf32, #tpu.memory_space<hbm>> -> memref<1x16x1024xf32, #tpu.memory_space<hbm>>
    %dma_start3A_1298 = tpu.memref_squeeze %dma_start3A_1297 : memref<1x16x1024xf32, #tpu.memory_space<hbm>> -> memref<16x1024xf32, #tpu.memory_space<hbm>>
    tpu.enqueue_dma source(%arg6 : memref<16x1024xf32, #tpu.memory_space<vmem>>) target(%dma_start3A_1298 : memref<16x1024xf32, #tpu.memory_space<hbm>>) target_semaphore(%arg18 : memref<!tpu.dma_semaphore, #tpu.memory_space<semaphore_mem>>)
    %add3A_1299 = arith.constant 96 : i32
    %add3A_1300 = arith.addi %mul3A_2, %add3A_1299 : i32
    %dma_wait3A_1301 = arith.constant 3 : i32
    %dma_wait3A_1302 = arith.constant 0 : i32
    %dma_wait3A_1303 = tpu.memref_slice %arg4[%dma_wait3A_1301, %add3A_1300, %dma_wait3A_1302] : memref<4x4096x1024xf32, #tpu.memory_space<hbm>> -> memref<1x16x1024xf32, #tpu.memory_space<hbm>>
    %dma_wait3A_1304 = tpu.memref_squeeze %dma_wait3A_1303 : memref<1x16x1024xf32, #tpu.memory_space<hbm>> -> memref<16x1024xf32, #tpu.memory_space<hbm>>
    %dma_wait3A_1305 = arith.constant 0 : i32
    %dma_wait3A_1306 = tpu.memref_slice %arg4[%dma_wait3A_1301, %add3A_1300, %dma_wait3A_1305] : memref<4x4096x1024xf32, #tpu.memory_space<hbm>> -> memref<1x16x1024xf32, #tpu.memory_space<hbm>>
    %dma_wait3A_1307 = tpu.memref_squeeze %dma_wait3A_1306 : memref<1x16x1024xf32, #tpu.memory_space<hbm>> -> memref<16x1024xf32, #tpu.memory_space<hbm>>
    tpu.wait_dma2 semaphore(%arg19 : memref<!tpu.dma_semaphore, #tpu.memory_space<semaphore_mem>>) src(%arg7 : memref<16x1024xf32, #tpu.memory_space<vmem>>) dst(%dma_wait3A_1307 : memref<16x1024xf32, #tpu.memory_space<hbm>>)
    %add3A_1308 = arith.constant 112 : i32
    %add3A_1309 = arith.addi %mul3A_2, %add3A_1308 : i32
    %dma_wait3A_1310 = arith.constant 0 : i32
    %dma_wait3A_1311 = arith.constant 0 : i32
    %dma_wait3A_1312 = tpu.memref_slice %arg4[%dma_wait3A_1310, %add3A_1309, %dma_wait3A_1311] : memref<4x4096x1024xf32, #tpu.memory_space<hbm>> -> memref<1x16x1024xf32, #tpu.memory_space<hbm>>
    %dma_wait3A_1313 = tpu.memref_squeeze %dma_wait3A_1312 : memref<1x16x1024xf32, #tpu.memory_space<hbm>> -> memref<16x1024xf32, #tpu.memory_space<hbm>>
    %dma_wait3A_1314 = arith.constant 0 : i32
    %dma_wait3A_1315 = tpu.memref_slice %arg4[%dma_wait3A_1310, %add3A_1309, %dma_wait3A_1314] : memref<4x4096x1024xf32, #tpu.memory_space<hbm>> -> memref<1x16x1024xf32, #tpu.memory_space<hbm>>
    %dma_wait3A_1316 = tpu.memref_squeeze %dma_wait3A_1315 : memref<1x16x1024xf32, #tpu.memory_space<hbm>> -> memref<16x1024xf32, #tpu.memory_space<hbm>>
    tpu.wait_dma2 semaphore(%arg20 : memref<!tpu.dma_semaphore, #tpu.memory_space<semaphore_mem>>) src(%arg8 : memref<16x1024xf32, #tpu.memory_space<vmem>>) dst(%dma_wait3A_1316 : memref<16x1024xf32, #tpu.memory_space<hbm>>)
    %add3A_1317 = arith.constant 112 : i32
    %add3A_1318 = arith.addi %mul3A_2, %add3A_1317 : i32
    %dma_wait3A_1319 = arith.constant 1 : i32
    %dma_wait3A_1320 = arith.constant 0 : i32
    %dma_wait3A_1321 = tpu.memref_slice %arg4[%dma_wait3A_1319, %add3A_1318, %dma_wait3A_1320] : memref<4x4096x1024xf32, #tpu.memory_space<hbm>> -> memref<1x16x1024xf32, #tpu.memory_space<hbm>>
    %dma_wait3A_1322 = tpu.memref_squeeze %dma_wait3A_1321 : memref<1x16x1024xf32, #tpu.memory_space<hbm>> -> memref<16x1024xf32, #tpu.memory_space<hbm>>
    %dma_wait3A_1323 = arith.constant 0 : i32
    %dma_wait3A_1324 = tpu.memref_slice %arg4[%dma_wait3A_1319, %add3A_1318, %dma_wait3A_1323] : memref<4x4096x1024xf32, #tpu.memory_space<hbm>> -> memref<1x16x1024xf32, #tpu.memory_space<hbm>>
    %dma_wait3A_1325 = tpu.memref_squeeze %dma_wait3A_1324 : memref<1x16x1024xf32, #tpu.memory_space<hbm>> -> memref<16x1024xf32, #tpu.memory_space<hbm>>
    tpu.wait_dma2 semaphore(%arg21 : memref<!tpu.dma_semaphore, #tpu.memory_space<semaphore_mem>>) src(%arg9 : memref<16x1024xf32, #tpu.memory_space<vmem>>) dst(%dma_wait3A_1325 : memref<16x1024xf32, #tpu.memory_space<hbm>>)
    %add3A_1326 = arith.constant 112 : i32
    %add3A_1327 = arith.addi %mul3A_2, %add3A_1326 : i32
    %dma_wait3A_1328 = arith.constant 2 : i32
    %dma_wait3A_1329 = arith.constant 0 : i32
    %dma_wait3A_1330 = tpu.memref_slice %arg4[%dma_wait3A_1328, %add3A_1327, %dma_wait3A_1329] : memref<4x4096x1024xf32, #tpu.memory_space<hbm>> -> memref<1x16x1024xf32, #tpu.memory_space<hbm>>
    %dma_wait3A_1331 = tpu.memref_squeeze %dma_wait3A_1330 : memref<1x16x1024xf32, #tpu.memory_space<hbm>> -> memref<16x1024xf32, #tpu.memory_space<hbm>>
    %dma_wait3A_1332 = arith.constant 0 : i32
    %dma_wait3A_1333 = tpu.memref_slice %arg4[%dma_wait3A_1328, %add3A_1327, %dma_wait3A_1332] : memref<4x4096x1024xf32, #tpu.memory_space<hbm>> -> memref<1x16x1024xf32, #tpu.memory_space<hbm>>
    %dma_wait3A_1334 = tpu.memref_squeeze %dma_wait3A_1333 : memref<1x16x1024xf32, #tpu.memory_space<hbm>> -> memref<16x1024xf32, #tpu.memory_space<hbm>>
    tpu.wait_dma2 semaphore(%arg17 : memref<!tpu.dma_semaphore, #tpu.memory_space<semaphore_mem>>) src(%arg5 : memref<16x1024xf32, #tpu.memory_space<vmem>>) dst(%dma_wait3A_1334 : memref<16x1024xf32, #tpu.memory_space<hbm>>)
    %add3A_1335 = arith.constant 112 : i32
    %add3A_1336 = arith.addi %mul3A_2, %add3A_1335 : i32
    %dma_wait3A_1337 = arith.constant 3 : i32
    %dma_wait3A_1338 = arith.constant 0 : i32
    %dma_wait3A_1339 = tpu.memref_slice %arg4[%dma_wait3A_1337, %add3A_1336, %dma_wait3A_1338] : memref<4x4096x1024xf32, #tpu.memory_space<hbm>> -> memref<1x16x1024xf32, #tpu.memory_space<hbm>>
    %dma_wait3A_1340 = tpu.memref_squeeze %dma_wait3A_1339 : memref<1x16x1024xf32, #tpu.memory_space<hbm>> -> memref<16x1024xf32, #tpu.memory_space<hbm>>
    %dma_wait3A_1341 = arith.constant 0 : i32
    %dma_wait3A_1342 = tpu.memref_slice %arg4[%dma_wait3A_1337, %add3A_1336, %dma_wait3A_1341] : memref<4x4096x1024xf32, #tpu.memory_space<hbm>> -> memref<1x16x1024xf32, #tpu.memory_space<hbm>>
    %dma_wait3A_1343 = tpu.memref_squeeze %dma_wait3A_1342 : memref<1x16x1024xf32, #tpu.memory_space<hbm>> -> memref<16x1024xf32, #tpu.memory_space<hbm>>
    tpu.wait_dma2 semaphore(%arg18 : memref<!tpu.dma_semaphore, #tpu.memory_space<semaphore_mem>>) src(%arg6 : memref<16x1024xf32, #tpu.memory_space<vmem>>) dst(%dma_wait3A_1343 : memref<16x1024xf32, #tpu.memory_space<hbm>>)
    return
  }
}

</mosaic_0001>

<sc_bundles>
// kernel: kernel.3.cloned.1.call-start
scs
__scs_entry_jumppad:
0x0: {  	(pc) =	sbr.rel $0x88, $3  }
0x1: {  	(tag) =	ssettag $0x0;
	lr =	simm.s32 $0x1  }
0x2: {  	[smem:$0x3F9F] =	sst lr;
	_ =	strace $0xD0000000  }
0x3: {  	_ = 	snop  }
0x4: {  	_ = 	snop  }
0x5: {  	_ = 	snop  }
0x6: {  	_ = 	snop  }
0x7: {  	_ = 	snop  }
__scs_overlays_trampoline_lowered:
0x8: {  	[smem:$0x3FAE] =	sst s0  }
0x9: {  	[smem:$0x3FAF] =	sst s1  }
0xa: {  	[smem:$0x3FB0] =	sst s2  }
0xb: {  	[smem:$0x3FB1] =	sst s3  }
0xc: {  	[smem:$0x3FB2] =	sst s4  }
0xd: {  	[smem:$0x3FB3] =	sst s5  }
0xe: {  	[smem:$0x3FB4] =	sst s6  }
0xf: {  	[smem:$0x3FB5] =	sst s7  }
0x10: {  	[smem:$0x3FB6] =	sst s8  }
0x11: {  	[smem:$0x3FB7] =	sst s9;
	s0 =	simm.s32 @!p0 $0x0  }
0x12: {  	s1 =	sld [smem:$0x3F9D];
	s0 =	simm.s32 @p0 $0x1  }
0x13: {  	[smem:$0x3FB8] =	sst s0;
	s0 =	simm.s32 @!p1 $0x0  }
0x14: {  	s2 =	sld [smem:$0x3F9C];
	s0 =	simm.s32 @p1 $0x1  }
0x15: {  	[smem:$0x3FB9] =	sst s0;
	s0 =	simm.s32 @!p2 $0x0  }
0x16: {  	s3 =	sld [smem:$0x3FDB];
	s0 =	simm.s32 @p2 $0x1  }
0x17: {  	s4 =	simm.s32 $0x1BF5;
	[smem:$0x3FBB] =	sst s0  }
0x18: {  	s0 =	sld [smem:$0x3F9E];
	_ =	swait.ge [sflag:s4], $0x0  }
0x19: {  	s7 =	sld [smem:$0x3F9F]  }
0x1a: {  	s8 =	sadd.s32 $0xFFFFE003, lr  }
0x1b: {  	s9 =	sadd.s32 $0xFFFFFEF7, lr;
	s5 =	simm.s32 $0xFFFFFFFF;
	p2 =	slt.u32 s8, $0xFFFFF086  }
0x1c: {  	p1 =	slt.u32 s9, $0xF7A;
	s5 =	simm.s32 @!p2 $0x0  }
0x1d: {  	s5 =	simm.s32 @p1 $0x1;
	p0 =	seq.s32 s7, s2  }
0x1e: {  	s7 =	smul.u32 @!p0 $0xF7A, s2;
	p2 =	seq.s32 @!p0 s5, $0x0  }
0x1f: {  	s9 =	smul.u32 $0xF7A, s1;
	s8 =	simm.s32 @!p0 $0x1BF5;
	p2 =	por !p2, p0  }
0x20: {  	[sflag:s8] =	ssyncset.s32 @!p0 $0xFFFFF086;
	s6 =	sadd.s32 @!p0 s3, s7;
	s7 =	simm.s32 @!p0 $0x108  }
0x21: {  	s3 =	sadd.s32 s3, s9;
	s6 =	sadd.s32 @!p0 $0x88, s6;
	s7 =	simm.s32 @p2 $0x1082  }
0x22: {  	[simem:s7], [sflag:s8] =	dma.local @!p0 [hbm:s6], $0xF7A  }
0x23: {  	s9 =	sor.u32 $0xD0000000, s2;
	s6 =	simm.s32 $0x108;
	_ =	swait.ge @!p0 [sflag:s8], $0x0  }
0x24: {  	s3 =	sadd.s32 $0x88, s3;
	s6 =	simm.s32 @!p1 $0x1082;
	[sflag:s4] =	ssyncset.s32 $0xFFFFF086  }
0x25: {  	[simem:s6], [sflag:s4] =	dma.local [hbm:s3], $0xF7A  }
0x26: {  	[smem:$0x3F9F] =	sst s1;
	(tag) =	ssettag s2;
	_ =	strace s9  }
0x27: {  	s1 =	sld [smem:$0x3FAF]  }
0x28: {  	s2 =	sld [smem:$0x3FB0]  }
0x29: {  	s4 =	sld [smem:$0x3FB2]  }
0x2a: {  	p0 =	seq.s32 s5, $0x0;
	s5 =	sld [smem:$0x3FB3]  }
0x2b: {  	s6 =	sld [smem:$0x3FB4]  }
0x2c: {  	s7 =	sld [smem:$0x3FB5]  }
0x2d: {  	s3 =	simm.s32 $0x108;
	s8 =	sld [smem:$0x3FB6]  }
0x2e: {  	s3 =	simm.s32 @!p0 $0x1082;
	s9 =	sld [smem:$0x3FB7]  }
0x2f: {  	lr =	sadd.s32 s0, s3;
	s0 =	sld [smem:$0x3FAE]  }
0x30: {  	s3 =	sld [smem:$0x3FB1]  }
0x31: {  	[smem:$0x3FBA] =	sst s10  }
0x32: {  	s10 =	sld [smem:$0x3FB8];
	_ =	sdelay $0x3  }
0x33: {  	p0 =	seq.s32 s10, $0x1;
	s10 =	sld [smem:$0x3FBA];
	_ =	sdelay $0x3  }
0x34: {  	[smem:$0x3FBA] =	sst s10  }
0x35: {  	s10 =	sld [smem:$0x3FB9];
	_ =	sdelay $0x3  }
0x36: {  	p1 =	seq.s32 s10, $0x1;
	s10 =	sld [smem:$0x3FBA];
	_ =	sdelay $0x3  }
0x37: {  	[smem:$0x3FBA] =	sst s10  }
0x38: {  	s10 =	sld [smem:$0x3FBB]  }
0x39: {  	_ = 	snop;
	(pc) =	sbr.ind lr, $3  }
0x3a: {  	_ = 	snop  }
0x3b: {  	_ = 	snop  }
0x3c: {  	p2 =	seq.s32 s10, $0x1;
	s10 =	sld [smem:$0x3FBA]  }
0x3d: {  	_ =	shalt  }
0x3e: {  	_ =	shalt  }
0x3f: {  	_ =	shalt  }
0x40: {  	_ =	shalt  }
0x41: {  	_ =	shalt  }
0x42: {  	_ =	shalt  }
0x43: {  	_ =	shalt  }
0x44: {  	_ =	shalt  }
0x45: {  	_ =	shalt  }
0x46: {  	_ =	shalt  }
0x47: {  	_ =	shalt  }
0x48: {  	_ =	shalt  }
0x49: {  	_ =	shalt  }
0x4a: {  	_ =	shalt  }
0x4b: {  	_ =	shalt  }
0x4c: {  	_ =	shalt  }
0x4d: {  	_ =	shalt  }
0x4e: {  	_ =	shalt  }
0x4f: {  	_ =	shalt  }
0x50: {  	_ =	shalt  }
0x51: {  	_ =	shalt  }
0x52: {  	_ =	shalt  }
0x53: {  	_ =	shalt  }
0x54: {  	_ =	shalt  }
0x55: {  	_ =	shalt  }
0x56: {  	_ =	shalt  }
0x57: {  	_ =	shalt  }
0x58: {  	_ =	shalt  }
0x59: {  	_ =	shalt  }
0x5a: {  	_ =	shalt  }
0x5b: {  	_ =	shalt  }
0x5c: {  	_ =	shalt  }
0x5d: {  	_ =	shalt  }
0x5e: {  	_ =	shalt  }
0x5f: {  	_ =	shalt  }
0x60: {  	_ =	shalt  }
0x61: {  	_ =	shalt  }
0x62: {  	_ =	shalt  }
0x63: {  	_ =	shalt  }
0x64: {  	_ =	shalt  }
0x65: {  	_ =	shalt  }
0x66: {  	_ =	shalt  }
0x67: {  	_ =	shalt  }
0x68: {  	_ =	shalt  }
0x69: {  	_ =	shalt  }
0x6a: {  	_ =	shalt  }
0x6b: {  	_ =	shalt  }
0x6c: {  	_ =	shalt  }
0x6d: {  	_ =	shalt  }
0x6e: {  	_ =	shalt  }
0x6f: {  	_ =	shalt  }
0x70: {  	_ =	shalt  }
0x71: {  	_ =	shalt  }
0x72: {  	_ =	shalt  }
0x73: {  	_ =	shalt  }
0x74: {  	_ =	shalt  }
0x75: {  	_ =	shalt  }
0x76: {  	_ =	shalt  }
0x77: {  	_ =	shalt  }
0x78: {  	_ =	shalt  }
0x79: {  	_ =	shalt  }
0x7a: {  	_ =	shalt  }
0x7b: {  	_ =	shalt  }
0x7c: {  	_ =	shalt  }
0x7d: {  	_ =	shalt  }
0x7e: {  	_ =	shalt  }
0x7f: {  	_ =	shalt  }
0x80: {  	_ =	shalt  }
0x81: {  	_ =	shalt  }
0x82: {  	_ =	shalt  }
0x83: {  	_ =	shalt  }
0x84: {  	_ =	shalt  }
0x85: {  	_ =	shalt  }
0x86: {  	_ =	shalt  }
0x87: {  	_ =	shalt  }
.Lfunc_end0:
.L_simem_size_0:
called_computation_lowered:
.L_overlay_start_0:
0x88: {  	s2 =	sld [smem:$0x3FD9]  }
0x89: {  	s3 =	sld [smem:$0x3FFE];
	_ =	sdelay $0x1  }
0x8a: {  	s1 =	srdreg.scid  }
0x8b: {  	s0 =	sand.u32 $0x1, s1  }
0x8c: {  	s18 =	sshll.u32 s0, $0xA;
	s2 =	sadd.s32 s3, s2  }
0x8d: {  	s2 =	sadd.s32 s2, s18  }
0x8e: {  	[smem:$0x3FC6] =	sst s2  }
0x8f: {  	_ = 	snop  }
0x90: {  	s2 =	sld [smem:$0x3FC9]  }
0x91: {  	s19 =	sld [smem:$0x3FC8]  }
0x92: {  	s4 =	sld [smem:$0x3FD0];
	(tm) =	ssettm $0x1  }
0x93: {  	s5 =	sld [smem:$0x3FFB];
	_ =	sdelay $0x3  }
0x94: {  	_ =	strace s5  }
0x95: {  	s5 =	sld [smem:$0x3FFC];
	_ =	sdelay $0x3  }
0x96: {  	_ =	strace s5  }
0x97: {  	s5 =	sld [smem:$0x3FFD];
	_ =	sdelay $0x3  }
0x98: {  	_ =	strace s5  }
0x99: {  	_ =	strace $0x8FFFFFFF  }
0x9a: {  	s20 =	sld [smem:$0x3FDB];
	_ =	sdelay $0x1  }
0x9b: {  	s6 =	simm.s32 $_scs_section_size  }
0x9c: {  	s7 =	simm.s32 $_size__tile_overlayer_lowered;
	s8 =	simm.s32 $_tile_overlayer_lowered  }
0x9d: {  	s23 =	simm.s32 $0x1BFF;
	s22 =	sshll.u32 s8, $0x1;
	s5 =	sadd.s32 s6, s20  }
0x9e: {  	s9 =	simm.s32 $0x0;
	s21 =	sshll.u32 s7, $0x1;
	s7 =	sadd.s32 s22, s5  }
0x9f: {  	[timem:s9], [sflag:s23] =	dma.local [hbm:s7], s21  }
0xa0: {  	_ =	swait.ge [sflag:s23], s21  }
0xa1: {  	s6 =	ssub.s32 $0x0, s21;
	[sflag:s23] =	ssyncset.done $0x0  }
0xa2: {  	[sflag:s23] =	ssyncadd.s32 s6;
	_ =	sdelay $0x1  }
0xa3: {  	s24 =	simm.s32 $0x1B8B  }
0xa4: {  	_ =	swait.ge [sflag:s24], $0x1  }
0xa5: {  	[sflag:s24] =	ssyncset.done $0x0  }
0xa6: {  	s25 =	simm.s32 $0x1B8E;
	[sflag:s24] =	ssyncadd.s32 $0xFFFFFFFF  }
0xa7: {  	s26 =	simm.s32 $execute0_lowered;
	[smem:$0x3FD2] =	sst s25  }
0xa8: {  	s6 =	sshll.u32 s26, $0x1;
	_ =	strace $0x80000046;
	[dreg:$0x1] =	wrdreg $0xFFFFFFFF  }
0xa9: {  	s28 =	simm.s32 $_size_execute0_lowered;
	s5 =	sadd.s32 s5, s6;
	[dreg:$0x0] =	wrdreg $0x0  }
0xaa: {  	s6 =	sshll.u32 s28, $0x1;
	[dreg:$0x2] =	wrdreg s5  }
0xab: {  	[dreg:$0x3] =	wrdreg s6  }
0xac: {  	[dreg:$0x4] =	wrdreg $0xC0  }
0xad: {  	_ =	task [dreg:s9], $0x5FFFF  }
0xae: {  	[dreg:$0x1] =	wrdreg $0xFFFFFFFF  }
0xaf: {  	[dreg:$0x0] =	wrdreg $0x60  }
0xb0: {  	[dreg:$0x2] =	wrdreg s2  }
0xb1: {  	[dreg:$0x3] =	wrdreg s19  }
0xb2: {  	[dreg:$0x4] =	wrdreg s4  }
0xb3: {  	[dreg:$0x5] =	wrdreg $0x9  }
0xb4: {  	_ =	task.clear_ibuf [dreg:s9], $0x6FFFF;
	_ =	strace $0x90000046  }
0xb5: {  	s29 =	simm.s32 $0x9;
	_ =	strace $0x80000048  }
0xb6: {  	_ =	swait.ge [sflag:s29], $0x1  }
0xb7: {  	[sflag:s29] =	ssyncadd.s32 $0xFFFFFFFF  }
0xb8: {  	_ =	strace $0x90000048  }
0xb9: {  	_ =	sfence  }
0xba: {  	s30 =	sld [smem:$0x0];
	_ =	sdelay $0x2  }
0xbb: {  	s31 =	sshll.u32 s1, $0xD;
	s1 =	sshrl.u32 s1, $0x2  }
0xbc: {  	s3 =	sand.u32 $0x4000, s31;
	s1 =	sadd.s32 s1, s30  }
0xbd: {  	s0 =	sor.u32 s3, s0;
	s1 =	sshll.u32 s1, $0x11  }
0xbe: {  	s0 =	sor.u32 s1, s0  }
0xbf: {  	s0 =	sadd.s32 $0x8F2B, s0  }
0xc0: {  	[sflag:s0] =	ssyncadd.remote.s32 $0x1  }
0xc1: {  	_ =	sfence.sel $0xFFFF  }
0xc2: {  	[dreg:$0x0] =	wrdreg $0xFFFFFFFF;
	(pc) =	sbr.abs _section_cstart, $3  }
0xc3: {  	[dreg:$0x1] =	wrdreg $0xFFFFFFFF  }
0xc4: {  	_ =	task.clear_ibuf [dreg:s9], $0x2FFFF;
	_ =	strace $0x9FFFFFFF  }
0xc5: {  	(tm) =	ssettm $0x7FFFFFFF  }
tec
execute0_lowered:
.L_overlay_start_1:
0x0: {  	(tag) =	ssettag $0x1  }
0x1: {  	s1 =	srdreg.scid;
	s0 =	rddreg [dreg:$0x0]  }
0x2: {  	s2 =	stileid.u32;
	s5 =	rddreg [dreg:$0x1];
	s1 =	sand.u32 $0x1, s1  }
0x3: {  	s3 =	sshll.u32 s2, $0xF;
	s2 =	rddreg [dreg:$0x2];
	s4 =	sshll.u32 s1, $0xE  }
0x4: {  	s6 =	ssub.s32 $0x2, s1;
	s1 =	simm.s32 $0x0;
	s4 =	sor.u32 s4, s3  }
0x5: {  	s9 =	sshrl.u32 s6, $0x1;
	[smem:$0x7FF] =	sst s1;
	s7 =	sor.u32 $0x80000, s4  }
0x6: {  	s3 =	ssub.s32 s6, s9;
	s8 =	sor.u32 $0x800, s4;
	s10 =	sadd.s32 s0, s7  }
0x7: {  	s9 =	sor.u32 $0x180000, s4;
	s12 =	sadd.s32 s5, s8;
	[dreg:$0x4] =	wrdreg s10  }
0x8: {  	s13 =	sadd.s32 s0, s9;
	[dreg:$0x6] =	wrdreg s12  }
0x9: {  	s7 =	sadd.s32 s2, s7;
	[dreg:$0x7] =	wrdreg s13  }
0xa: {  	s11 =	sor.u32 $0x100000, s4;
	s14 =	sadd.s32 s0, s8;
	[dreg:$0x8] =	wrdreg s7  }
0xb: {  	s15 =	sor.u32 $0x80800, s4;
	s6 =	sadd.s32 s2, s11;
	[dreg:$0x9] =	wrdreg s14  }
0xc: {  	s16 =	sadd.s32 s0, s15;
	[dreg:$0xa] =	wrdreg s6  }
0xd: {  	s17 =	sor.u32 $0x100800, s4;
	s9 =	sadd.s32 s2, s9;
	[dreg:$0xb] =	wrdreg s16  }
0xe: {  	s19 =	sor.u32 $0x1000, s4;
	s18 =	sadd.s32 s0, s17;
	[dreg:$0xc] =	wrdreg s9  }
0xf: {  	s20 =	sadd.s32 s5, s19;
	[dreg:$0xd] =	wrdreg s18  }
0x10: {  	s21 =	sor.u32 $0x180800, s4;
	s8 =	sadd.s32 s2, s8;
	[dreg:$0xe] =	wrdreg s20  }
0x11: {  	s22 =	sadd.s32 s0, s21;
	[dreg:$0xf] =	wrdreg s8  }
0x12: {  	s23 =	sadd.s32 s0, s19;
	[dreg:$0x10] =	wrdreg s22  }
0x13: {  	s25 =	sadd.s32 s2, s21;
	[dreg:$0x12] =	wrdreg s23  }
0x14: {  	s26 =	sadd.s32 s2, s19;
	[dreg:$0x14] =	wrdreg s25  }
0x15: {  	s10 =	sadd.s32 s0, s11;
	[dreg:$0x15] =	wrdreg s26  }
0x16: {  	s7 =	sadd.s32 s2, s15;
	[dreg:$0x5] =	wrdreg s10  }
0x17: {  	s24 =	sor.u32 $0x81000, s4;
	s6 =	sadd.s32 s2, s17;
	[dreg:$0x11] =	wrdreg s7  }
0x18: {  	s8 =	sadd.s32 s0, s24;
	[dreg:$0x13] =	wrdreg s6  }
0x19: {  	s9 =	sor.u32 $0x101000, s4;
	[dreg:$0x16] =	wrdreg s8;
	s6 =	sadd.s32 s2, s24  }
0x1a: {  	s10 =	sadd.s32 s0, s9;
	[dreg:$0x17] =	wrdreg s6  }
0x1b: {  	s11 =	sor.u32 $0x181000, s4;
	s7 =	sadd.s32 s2, s9;
	[dreg:$0x18] =	wrdreg s10  }
0x1c: {  	s12 =	sor.u32 $0x1800, s4;
	s13 =	sadd.s32 s0, s11;
	[dreg:$0x19] =	wrdreg s7  }
0x1d: {  	s14 =	sadd.s32 s5, s12;
	[dreg:$0x1a] =	wrdreg s13  }
0x1e: {  	s15 =	sadd.s32 s0, s12;
	[dreg:$0x1c] =	wrdreg s14  }
0x1f: {  	s17 =	sor.u32 $0x81800, s4;
	s16 =	sadd.s32 s2, s12;
	[dreg:$0x1d] =	wrdreg s15  }
0x20: {  	s18 =	sor.u32 $0x101800, s4;
	s19 =	sadd.s32 s0, s17;
	[dreg:$0x1e] =	wrdreg s16  }
0x21: {  	s20 =	sadd.s32 s0, s18;
	[dreg:$0x1f] =	wrdreg s19  }
0x22: {  	s23 =	sor.u32 $0x181800, s4;
	s21 =	sadd.s32 s2, s18;
	[smem:$0x7D5] =	sst s20  }
0x23: {  	s22 =	sor.u32 $0x2000, s4;
	s24 =	sadd.s32 s0, s23;
	[smem:$0x7D6] =	sst s21  }
0x24: {  	s25 =	sadd.s32 s5, s22;
	[smem:$0x7D7] =	sst s24  }
0x25: {  	s26 =	sadd.s32 s0, s22;
	[smem:$0x7D9] =	sst s25  }
0x26: {  	s6 =	sadd.s32 s2, s11;
	[smem:$0x7DA] =	sst s26  }
0x27: {  	s8 =	sor.u32 $0x82000, s4;
	s7 =	sadd.s32 s2, s23;
	[dreg:$0x1b] =	wrdreg s6  }
0x28: {  	s12 =	sor.u32 $0x182000, s4;
	s9 =	sadd.s32 s0, s8;
	[smem:$0x7D8] =	sst s7  }
0x29: {  	s13 =	sadd.s32 s0, s12;
	[smem:$0x7DC] =	sst s9  }
0x2a: {  	s24 =	sadd.s32 s5, s4;
	[smem:$0x7E0] =	sst s13  }
0x2b: {  	s10 =	sor.u32 $0x102000, s4;
	s6 =	sadd.s32 s2, s17;
	[smem:$0x7EB] =	sst s24  }
0x2c: {  	s14 =	sor.u32 $0x2800, s4;
	s11 =	sadd.s32 s0, s10;
	[smem:$0x7D4] =	sst s6  }
0x2d: {  	s15 =	sadd.s32 s5, s14;
	[smem:$0x7DE] =	sst s11  }
0x2e: {  	s19 =	sor.u32 $0x102800, s4;
	s16 =	sadd.s32 s0, s14;
	[smem:$0x7E2] =	sst s15  }
0x2f: {  	s21 =	sor.u32 $0x182800, s4;
	s20 =	sadd.s32 s0, s19;
	[smem:$0x7E3] =	sst s16  }
0x30: {  	s25 =	sor.u32 $0x3000, s4;
	s23 =	sadd.s32 s2, s21;
	[smem:$0x7E7] =	sst s20  }
0x31: {  	s26 =	sor.u32 $0x3800, s4;
	s9 =	sadd.s32 s5, s25;
	[smem:$0x7EA] =	sst s23  }
0x32: {  	s5 =	sadd.s32 s5, s26;
	[smem:$0x7EC] =	sst s9  }
0x33: {  	s17 =	sor.u32 $0x82800, s4;
	s6 =	sadd.s32 s2, s22;
	[smem:$0x7ED] =	sst s5  }
0x34: {  	s28 =	simm.s32 $0x7;
	s18 =	sadd.s32 s0, s17;
	[smem:$0x7DB] =	sst s6  }
0x35: {  	s29 =	simm.s32 $0xC;
	s7 =	sadd.s32 s2, s17;
	[smem:$0x7E5] =	sst s18  }
0x36: {  	s30 =	simm.s32 $0x5;
	s22 =	sadd.s32 s0, s21;
	[smem:$0x7E6] =	sst s7  }
0x37: {  	s13 =	sor.u32 $0x103000, s4;
	s11 =	sadd.s32 s0, s25;
	[smem:$0x7E9] =	sst s22  }
0x38: {  	s31 =	simm.s32 $0x8;
	s15 =	sadd.s32 s0, s13;
	[smem:$0x7EE] =	sst s11  }
0x39: {  	s20 =	sadd.s32 s0, s4;
	s21 =	sadd.s32 s2, s4;
	[smem:$0x7F2] =	sst s15  }
0x3a: {  	s23 =	sor.u32 $0x103800, s4;
	s6 =	sadd.s32 s2, s8;
	[smem:$0x7F8] =	sst s20  }
0x3b: {  	s18 =	sadd.s32 s0, s26;
	[smem:$0x7F9] =	sst s21;
	s22 =	sor.u32 $0x83800, s4  }
0x3c: {  	s15 =	simm.s32 $0x14000;
	s20 =	simm.s32 $0x1;
	[smem:$0x7DD] =	sst s6  }
0x3d: {  	s21 =	simm.s32 $0xC000;
	s6 =	sadd.s32 s2, s10;
	[smem:$0x7F6] =	sst s18  }
0x3e: {  	s10 =	sor.u32 $0x83000, s4;
	s24 =	sadd.s32 s0, s22;
	[smem:$0x7DF] =	sst s6  }
0x3f: {  	s18 =	simm.s32 $0xB;
	s6 =	sadd.s32 s2, s12;
	[smem:$0x7FA] =	sst s24  }
0x40: {  	s12 =	sadd.s32 s0, s10;
	s5 =	sadd.s32 s2, s10;
	[smem:$0x7E1] =	sst s6  }
0x41: {  	s24 =	simm.s32 $0x3;
	s6 =	sadd.s32 s2, s14;
	[smem:$0x7F0] =	sst s12  }
0x42: {  	[smem:$0x7F1] =	sst s5;
	s14 =	sor.u32 $0x183000, s4;
	s5 =	sadd.s32 s2, s13  }
0x43: {  	s4 =	sor.u32 $0x183800, s4;
	s12 =	sadd.s32 s2, s23;
	[smem:$0x7E4] =	sst s6  }
0x44: {  	s6 =	sadd.s32 s2, s19;
	[smem:$0x7F3] =	sst s5;
	s16 =	sadd.s32 s0, s14  }
0x45: {  	s17 =	sadd.s32 s2, s14;
	s19 =	sadd.s32 s2, s26;
	[smem:$0x7E8] =	sst s6  }
0x46: {  	s26 =	sadd.s32 s2, s22;
	s13 =	sadd.s32 s2, s4;
	[smem:$0x7F4] =	sst s16  }
0x47: {  	s14 =	smax.u32 s3, $0x1;
	s22 =	simm.s32 $0x2;
	[smem:$0x7F5] =	sst s17  }
0x48: {  	s3 =	simm.s32 $0x0;
	s6 =	sadd.s32 s2, s25;
	[smem:$0x7F7] =	sst s19  }
0x49: {  	s25 =	sadd.s32 s0, s23;
	s0 =	sadd.s32 s0, s4;
	[smem:$0x7FD] =	sst s26  }
0x4a: {  	s16 =	simm.s32 $0x4000;
	s17 =	simm.s32 $0x8000;
	[smem:$0x7EF] =	sst s6  }
0x4b: {  	s19 =	simm.s32 $0x18000;
	s23 =	simm.s32 $0x10000;
	[smem:$0x7FB] =	sst s25  }
0x4c: {  	s26 =	simm.s32 $0x4;
	s2 =	simm.s32 $0xA;
	[smem:$0x7FC] =	sst s0  }
0x4d: {  	s25 =	simm.s32 $0x6;
	s0 =	simm.s32 $0x9;
	_ =	strace $0x80000047  }
.LBB2_1:
0x4e: {  	s4 =	sld [smem:$0x7EB];
	_ =	sdelay $0x1  }
0x4f: {  	s8 =	sld [smem:$0x7F8]  }
0x50: {  	[tilespmem:s15], [sflag:$0xB] =	stream.linear.gather [hbm4b:s4+s1], $0x4000, $0x38;
	[tilespmem:$0x1C000] =	vst v63  }
0x51: {  	_ = 	snop  }
0x52: {  	[tilespmem:s1], [sflag:$0x1] =	stream.linear.gather [hbm4b:s8+s1], $0x4000, $0x38;
	[tilespmem:$0x1C000] =	vst v63  }
0x53: {  	s9 =	rddreg [dreg:$0x4]  }
0x54: {  	[tilespmem:s16], [sflag:$0x2] =	stream.linear.gather [hbm4b:s9+s1], $0x4000, $0x38;
	[tilespmem:$0x1C000] =	vst v63  }
0x55: {  	s10 =	rddreg [dreg:$0x5]  }
0x56: {  	[tilespmem:s17], [sflag:$0x3] =	stream.linear.gather [hbm4b:s10+s1], $0x4000, $0x38;
	[tilespmem:$0x1C000] =	vst v63  }
0x57: {  	_ =	swait.ge [sflag:s18], $0x4000  }
0x58: {  	[sflag:s18] =	ssyncset.done $0x0  }
0x59: {  	s11 =	rddreg [dreg:$0x6];
	[sflag:s18] =	ssyncadd.s32 $0xFFFFC000  }
0x5a: {  	[tilespmem:s19], [sflag:$0xC] =	stream.linear.gather [hbm4b:s11+s1], $0x4000, $0x38;
	[tilespmem:$0x1C000] =	vst v63  }
0x5b: {  	_ =	swait.ge [sflag:s20], $0x4000  }
0x5c: {  	s5 =	simm.s32 $0x0;
	[sflag:s20] =	ssyncset.done $0x0  }
0x5d: {  	s6 =	simm.s32 $0x0;
	s4 =	simm.s32 $0x0;
	[sflag:s20] =	ssyncadd.s32 $0xFFFFC000  }
.LBB2_2:
0x5e: {  	s7 =	sand.u32 $0x7, s5  }
0x5f: {  	s7 =	sshll.u32 s7, $0x9  }
0x60: {  	s7 =	sshrl.u32 s7, $0x2  }
0x61: {  	v0 =	vmov s7;
	_ =	sdelay $0x2  }
0x62: {  	s8 =	sand.u32 $0x3FFFE000, s4  }
0x63: {  	s10 =	sadd.s32 $0x14470, s8  }
0x64: {  	v1 =	vld.idx.msk [tilespmem:v0+s10+$0x0 ss:$0x1], $0xffff  }
0x65: {  	v2 =	vld.idx.msk [tilespmem:v0+s10+$0xFFFFFBA0 ss:$0x1], $0xffff  }
0x66: {  	v3 =	vld.idx.msk [tilespmem:v0+s10+$0xFFFFFBB0 ss:$0x1], $0xffff  }
0x67: {  	v4 =	vld.idx.msk [tilespmem:v0+s10+$0xFFFFFBC0 ss:$0x1], $0xffff  }
0x68: {  	v5 =	vld.idx.msk [tilespmem:v0+s10+$0xFFFFFBD0 ss:$0x1], $0xffff  }
0x69: {  	v6 =	vld.idx.msk [tilespmem:v0+s10+$0xFFFFFBE0 ss:$0x1], $0xffff  }
0x6a: {  	v7 =	vld.idx.msk [tilespmem:v0+s10+$0xFFFFFC00 ss:$0x1], $0xffff  }
0x6b: {  	v8 =	vld.idx.msk [tilespmem:v0+s10+$0xFFFFFF90 ss:$0x1], $0xffff  }
0x6c: {  	v9 =	vld.idx.msk [tilespmem:v0+s10+$0xFFFFFFA0 ss:$0x1], $0xffff  }
0x6d: {  	v10 =	vld.idx.msk [tilespmem:v0+s10+$0xFFFFFFB0 ss:$0x1], $0xffff  }
0x6e: {  	v11 =	vld.idx.msk [tilespmem:v0+s10+$0xFFFFFFC0 ss:$0x1], $0xffff  }
0x6f: {  	v12 =	vld.idx.msk [tilespmem:v0+s10+$0xFFFFFFD0 ss:$0x1], $0xffff  }
0x70: {  	v13 =	vld.idx.msk [tilespmem:v0+s10+$0xFFFFFFE0 ss:$0x1], $0xffff  }
0x71: {  	v14 =	vld.idx.msk [tilespmem:v0+s10+$0xFFFFFFF0 ss:$0x1], $0xffff  }
0x72: {  	s11 =	sadd.s32 s7, s8;
	v15 =	vld.idx.msk [tilespmem:v0+s10+$0xFFFFFB90 ss:$0x1], $0xffff  }
0x73: {  	[tilespmem:s11+$0x470] =	vst.add.f32.msk $0xffff, v1  }
0x74: {  	v1 =	vld.idx.msk [tilespmem:v0+s10+$0xFFFFFBF0 ss:$0x1], $0xffff  }
0x75: {  	[tilespmem:s11+$0x10] =	vst.add.f32.msk $0xffff, v2  }
0x76: {  	[tilespmem:s11+$0x20] =	vst.add.f32.msk $0xffff, v3  }
0x77: {  	[tilespmem:s11+$0x30] =	vst.add.f32.msk $0xffff, v4  }
0x78: {  	[tilespmem:s11+$0x40] =	vst.add.f32.msk $0xffff, v5  }
0x79: {  	[tilespmem:s11+$0x50] =	vst.add.f32.msk $0xffff, v6  }
0x7a: {  	[tilespmem:s11+$0x0] =	vst.add.f32.msk $0xffff, v15  }
0x7b: {  	[tilespmem:s11+$0x70] =	vst.add.f32.msk $0xffff, v7  }
0x7c: {  	[tilespmem:s11+$0x400] =	vst.add.f32.msk $0xffff, v8  }
0x7d: {  	[tilespmem:s11+$0x410] =	vst.add.f32.msk $0xffff, v9  }
0x7e: {  	[tilespmem:s11+$0x420] =	vst.add.f32.msk $0xffff, v10  }
0x7f: {  	[tilespmem:s11+$0x430] =	vst.add.f32.msk $0xffff, v11  }
0x80: {  	[tilespmem:s11+$0x440] =	vst.add.f32.msk $0xffff, v12  }
0x81: {  	[tilespmem:s11+$0x450] =	vst.add.f32.msk $0xffff, v13  }
0x82: {  	[tilespmem:s11+$0x460] =	vst.add.f32.msk $0xffff, v14  }
0x83: {  	s9 =	simm.s32 $0x0;
	s10 =	sadd.s32 $0x800, s10;
	[tilespmem:s11+$0x60] =	vst.add.f32.msk $0xffff, v1  }
.LBB2_3:
0x84: {  	v1 =	vld.idx.msk [tilespmem:v0+s10+$0x0 ss:$0x1], $0xffff;
	s9 =	sadd.s32 $0x100, s9  }
0x85: {  	v2 =	vld.idx.msk [tilespmem:v0+s10+$0xFFFFFBA0 ss:$0x1], $0xffff;
	p0 =	slt.u32 s9, $0x300  }
0x86: {  	v3 =	vld.idx.msk [tilespmem:v0+s10+$0xFFFFFBB0 ss:$0x1], $0xffff  }
0x87: {  	v4 =	vld.idx.msk [tilespmem:v0+s10+$0xFFFFFBC0 ss:$0x1], $0xffff  }
0x88: {  	s8 =	sadd.s32 $0x800, s8;
	v5 =	vld.idx.msk [tilespmem:v0+s10+$0xFFFFFBD0 ss:$0x1], $0xffff  }
0x89: {  	s11 =	sadd.s32 s7, s8;
	v6 =	vld.idx.msk [tilespmem:v0+s10+$0xFFFFFBE0 ss:$0x1], $0xffff  }
0x8a: {  	[tilespmem:s11+$0x470] =	vst.add.f32.msk $0xffff, v1  }
0x8b: {  	v1 =	vld.idx.msk [tilespmem:v0+s10+$0xFFFFFBF0 ss:$0x1], $0xffff  }
0x8c: {  	v7 =	vld.idx.msk [tilespmem:v0+s10+$0xFFFFFC00 ss:$0x1], $0xffff  }
0x8d: {  	v8 =	vld.idx.msk [tilespmem:v0+s10+$0xFFFFFF90 ss:$0x1], $0xffff  }
0x8e: {  	v9 =	vld.idx.msk [tilespmem:v0+s10+$0xFFFFFFA0 ss:$0x1], $0xffff  }
0x8f: {  	v10 =	vld.idx.msk [tilespmem:v0+s10+$0xFFFFFFB0 ss:$0x1], $0xffff  }
0x90: {  	v11 =	vld.idx.msk [tilespmem:v0+s10+$0xFFFFFFC0 ss:$0x1], $0xffff  }
0x91: {  	v12 =	vld.idx.msk [tilespmem:v0+s10+$0xFFFFFFD0 ss:$0x1], $0xffff  }
0x92: {  	v13 =	vld.idx.msk [tilespmem:v0+s10+$0xFFFFFFE0 ss:$0x1], $0xffff  }
0x93: {  	v14 =	vld.idx.msk [tilespmem:v0+s10+$0xFFFFFFF0 ss:$0x1], $0xffff  }
0x94: {  	v15 =	vld.idx.msk [tilespmem:v0+s10+$0xFFFFFB90 ss:$0x1], $0xffff  }
0x95: {  	[tilespmem:s11+$0x10] =	vst.add.f32.msk $0xffff, v2  }
0x96: {  	[tilespmem:s11+$0x20] =	vst.add.f32.msk $0xffff, v3  }
0x97: {  	[tilespmem:s11+$0x30] =	vst.add.f32.msk $0xffff, v4  }
0x98: {  	[tilespmem:s11+$0x40] =	vst.add.f32.msk $0xffff, v5  }
0x99: {  	[tilespmem:s11+$0x50] =	vst.add.f32.msk $0xffff, v6  }
0x9a: {  	[tilespmem:s11+$0x0] =	vst.add.f32.msk $0xffff, v15  }
0x9b: {  	[tilespmem:s11+$0x60] =	vst.add.f32.msk $0xffff, v1  }
0x9c: {  	[tilespmem:s11+$0x70] =	vst.add.f32.msk $0xffff, v7  }
0x9d: {  	[tilespmem:s11+$0x400] =	vst.add.f32.msk $0xffff, v8  }
0x9e: {  	[tilespmem:s11+$0x410] =	vst.add.f32.msk $0xffff, v9  }
.Ltmp0:
0x9f: {  	[tilespmem:s11+$0x420] =	vst.add.f32.msk $0xffff, v10;
	(pc) =	sbr.rel @p0 .LBB2_3-.Ltmp0, $4  }
0xa0: {  	[tilespmem:s11+$0x430] =	vst.add.f32.msk $0xffff, v11  }
0xa1: {  	[tilespmem:s11+$0x440] =	vst.add.f32.msk $0xffff, v12  }
0xa2: {  	[tilespmem:s11+$0x450] =	vst.add.f32.msk $0xffff, v13  }
0xa3: {  	s10 =	sadd.s32 $0x800, s10;
	[tilespmem:s11+$0x460] =	vst.add.f32.msk $0xffff, v14  }
0xa4: {  	s6 =	sadd.s32 $0x1, s6  }
0xa5: {  	p0 =	sne.s32 s6, $0x10  }
.Ltmp1:
0xa6: {  	_ = 	snop;
	(pc) =	sbr.rel @p0 .LBB2_2-.Ltmp1, $2  }
0xa7: {  	_ =	sdelay $0x2  }
0xa8: {  	s5 =	sadd.s32 $0x1, s5;
	s4 =	sadd.s32 $0x400, s4  }
0xa9: {  	s5 =	sld [smem:$0x7F9];
	_ =	sdelay $0x1  }
0xaa: {  	s4 =	simm.s32 $0x0  }
0xab: {  	[hbm4b:s5+s4] =	stream.linear.scatter [tilespmem:s4], [sflag:$0x6], $0x4000, $0x38;
	[tilespmem:$0x1C000] =	vst v63  }
0xac: {  	s11 =	rddreg [dreg:$0x7]  }
0xad: {  	[tilespmem:s21], [sflag:$0x4] =	stream.linear.gather [hbm4b:s11+s4], $0x4000, $0x38;
	[tilespmem:$0x1C000] =	vst v63  }
0xae: {  	_ =	swait.ge [sflag:s22], $0x4000  }
0xaf: {  	[sflag:s22] =	ssyncset.done $0x0  }
0xb0: {  	s6 =	simm.s32 $0x0;
	s5 =	simm.s32 $0x0;
	[sflag:s22] =	ssyncadd.s32 $0xFFFFC000  }
.LBB2_6:
0xb1: {  	s7 =	sand.u32 $0x7, s5  }
0xb2: {  	s7 =	sshll.u32 s7, $0x9  }
0xb3: {  	s7 =	sshrl.u32 s7, $0x2  }
0xb4: {  	v0 =	vmov s7;
	_ =	sdelay $0x2  }
0xb5: {  	s8 =	sand.u32 $0x3FFFE000, s4  }
0xb6: {  	s10 =	sadd.s32 $0x14470, s8  }
0xb7: {  	v1 =	vld.idx.msk [tilespmem:v0+s10+$0x0 ss:$0x1], $0xffff  }
0xb8: {  	v2 =	vld.idx.msk [tilespmem:v0+s10+$0xFFFFFBA0 ss:$0x1], $0xffff  }
0xb9: {  	v3 =	vld.idx.msk [tilespmem:v0+s10+$0xFFFFFBB0 ss:$0x1], $0xffff  }
0xba: {  	v4 =	vld.idx.msk [tilespmem:v0+s10+$0xFFFFFBC0 ss:$0x1], $0xffff  }
0xbb: {  	v5 =	vld.idx.msk [tilespmem:v0+s10+$0xFFFFFBD0 ss:$0x1], $0xffff  }
0xbc: {  	v6 =	vld.idx.msk [tilespmem:v0+s10+$0xFFFFFBE0 ss:$0x1], $0xffff  }
0xbd: {  	v7 =	vld.idx.msk [tilespmem:v0+s10+$0xFFFFFC00 ss:$0x1], $0xffff  }
0xbe: {  	v8 =	vld.idx.msk [tilespmem:v0+s10+$0xFFFFFF90 ss:$0x1], $0xffff  }
0xbf: {  	v9 =	vld.idx.msk [tilespmem:v0+s10+$0xFFFFFFA0 ss:$0x1], $0xffff  }
0xc0: {  	v10 =	vld.idx.msk [tilespmem:v0+s10+$0xFFFFFFB0 ss:$0x1], $0xffff  }
0xc1: {  	v11 =	vld.idx.msk [tilespmem:v0+s10+$0xFFFFFFC0 ss:$0x1], $0xffff  }
0xc2: {  	v12 =	vld.idx.msk [tilespmem:v0+s10+$0xFFFFFFD0 ss:$0x1], $0xffff  }
0xc3: {  	v13 =	vld.idx.msk [tilespmem:v0+s10+$0xFFFFFFE0 ss:$0x1], $0xffff  }
0xc4: {  	s8 =	sadd.s32 $0x4000, s8;
	v14 =	vld.idx.msk [tilespmem:v0+s10+$0xFFFFFFF0 ss:$0x1], $0xffff  }
0xc5: {  	s11 =	sadd.s32 s7, s8;
	v15 =	vld.idx.msk [tilespmem:v0+s10+$0xFFFFFB90 ss:$0x1], $0xffff  }
0xc6: {  	[tilespmem:s11+$0x470] =	vst.add.f32.msk $0xffff, v1  }
0xc7: {  	v1 =	vld.idx.msk [tilespmem:v0+s10+$0xFFFFFBF0 ss:$0x1], $0xffff  }
0xc8: {  	[tilespmem:s11+$0x10] =	vst.add.f32.msk $0xffff, v2  }
0xc9: {  	[tilespmem:s11+$0x20] =	vst.add.f32.msk $0xffff, v3  }
0xca: {  	[tilespmem:s11+$0x30] =	vst.add.f32.msk $0xffff, v4  }
0xcb: {  	[tilespmem:s11+$0x40] =	vst.add.f32.msk $0xffff, v5  }
0xcc: {  	[tilespmem:s11+$0x50] =	vst.add.f32.msk $0xffff, v6  }
0xcd: {  	[tilespmem:s11+$0x0] =	vst.add.f32.msk $0xffff, v15  }
0xce: {  	[tilespmem:s11+$0x70] =	vst.add.f32.msk $0xffff, v7  }
0xcf: {  	[tilespmem:s11+$0x400] =	vst.add.f32.msk $0xffff, v8  }
0xd0: {  	[tilespmem:s11+$0x410] =	vst.add.f32.msk $0xffff, v9  }
0xd1: {  	[tilespmem:s11+$0x420] =	vst.add.f32.msk $0xffff, v10  }
0xd2: {  	[tilespmem:s11+$0x430] =	vst.add.f32.msk $0xffff, v11  }
0xd3: {  	[tilespmem:s11+$0x440] =	vst.add.f32.msk $0xffff, v12  }
0xd4: {  	[tilespmem:s11+$0x450] =	vst.add.f32.msk $0xffff, v13  }
0xd5: {  	[tilespmem:s11+$0x460] =	vst.add.f32.msk $0xffff, v14  }
0xd6: {  	s9 =	simm.s32 $0x0;
	s10 =	sadd.s32 $0x800, s10;
	[tilespmem:s11+$0x60] =	vst.add.f32.msk $0xffff, v1  }
.LBB2_7:
0xd7: {  	v1 =	vld.idx.msk [tilespmem:v0+s10+$0x0 ss:$0x1], $0xffff;
	s9 =	sadd.s32 $0x100, s9  }
0xd8: {  	v2 =	vld.idx.msk [tilespmem:v0+s10+$0xFFFFFBA0 ss:$0x1], $0xffff;
	p0 =	slt.u32 s9, $0x300  }
0xd9: {  	v3 =	vld.idx.msk [tilespmem:v0+s10+$0xFFFFFBB0 ss:$0x1], $0xffff  }
0xda: {  	v4 =	vld.idx.msk [tilespmem:v0+s10+$0xFFFFFBC0 ss:$0x1], $0xffff  }
0xdb: {  	s8 =	sadd.s32 $0x800, s8;
	v5 =	vld.idx.msk [tilespmem:v0+s10+$0xFFFFFBD0 ss:$0x1], $0xffff  }
0xdc: {  	s11 =	sadd.s32 s7, s8;
	v6 =	vld.idx.msk [tilespmem:v0+s10+$0xFFFFFBE0 ss:$0x1], $0xffff  }
0xdd: {  	[tilespmem:s11+$0x470] =	vst.add.f32.msk $0xffff, v1  }
0xde: {  	v1 =	vld.idx.msk [tilespmem:v0+s10+$0xFFFFFBF0 ss:$0x1], $0xffff  }
0xdf: {  	v7 =	vld.idx.msk [tilespmem:v0+s10+$0xFFFFFC00 ss:$0x1], $0xffff  }
0xe0: {  	v8 =	vld.idx.msk [tilespmem:v0+s10+$0xFFFFFF90 ss:$0x1], $0xffff  }
0xe1: {  	v9 =	vld.idx.msk [tilespmem:v0+s10+$0xFFFFFFA0 ss:$0x1], $0xffff  }
0xe2: {  	v10 =	vld.idx.msk [tilespmem:v0+s10+$0xFFFFFFB0 ss:$0x1], $0xffff  }
0xe3: {  	v11 =	vld.idx.msk [tilespmem:v0+s10+$0xFFFFFFC0 ss:$0x1], $0xffff  }
0xe4: {  	v12 =	vld.idx.msk [tilespmem:v0+s10+$0xFFFFFFD0 ss:$0x1], $0xffff  }
0xe5: {  	v13 =	vld.idx.msk [tilespmem:v0+s10+$0xFFFFFFE0 ss:$0x1], $0xffff  }
0xe6: {  	v14 =	vld.idx.msk [tilespmem:v0+s10+$0xFFFFFFF0 ss:$0x1], $0xffff  }
0xe7: {  	v15 =	vld.idx.msk [tilespmem:v0+s10+$0xFFFFFB90 ss:$0x1], $0xffff  }
0xe8: {  	[tilespmem:s11+$0x10] =	vst.add.f32.msk $0xffff, v2  }
0xe9: {  	[tilespmem:s11+$0x20] =	vst.add.f32.msk $0xffff, v3  }
0xea: {  	[tilespmem:s11+$0x30] =	vst.add.f32.msk $0xffff, v4  }
0xeb: {  	[tilespmem:s11+$0x40] =	vst.add.f32.msk $0xffff, v5  }
0xec: {  	[tilespmem:s11+$0x50] =	vst.add.f32.msk $0xffff, v6  }
0xed: {  	[tilespmem:s11+$0x0] =	vst.add.f32.msk $0xffff, v15  }
0xee: {  	[tilespmem:s11+$0x60] =	vst.add.f32.msk $0xffff, v1  }
0xef: {  	[tilespmem:s11+$0x70] =	vst.add.f32.msk $0xffff, v7  }
0xf0: {  	[tilespmem:s11+$0x400] =	vst.add.f32.msk $0xffff, v8  }
0xf1: {  	[tilespmem:s11+$0x410] =	vst.add.f32.msk $0xffff, v9  }
.Ltmp2:
0xf2: {  	[tilespmem:s11+$0x420] =	vst.add.f32.msk $0xffff, v10;
	(pc) =	sbr.rel @p0 .LBB2_7-.Ltmp2, $4  }
0xf3: {  	[tilespmem:s11+$0x430] =	vst.add.f32.msk $0xffff, v11  }
0xf4: {  	[tilespmem:s11+$0x440] =	vst.add.f32.msk $0xffff, v12  }
0xf5: {  	[tilespmem:s11+$0x450] =	vst.add.f32.msk $0xffff, v13  }
0xf6: {  	s10 =	sadd.s32 $0x800, s10;
	[tilespmem:s11+$0x460] =	vst.add.f32.msk $0xffff, v14  }
0xf7: {  	s6 =	sadd.s32 $0x1, s6  }
0xf8: {  	p0 =	sne.s32 s6, $0x10  }
.Ltmp3:
0xf9: {  	_ = 	snop;
	(pc) =	sbr.rel @p0 .LBB2_6-.Ltmp3, $2  }
0xfa: {  	_ =	sdelay $0x2  }
0xfb: {  	s5 =	sadd.s32 $0x1, s5;
	s4 =	sadd.s32 $0x400, s4  }
0xfc: {  	s4 =	simm.s32 $0x0;
	s5 =	rddreg [dreg:$0x8]  }
0xfd: {  	[hbm4b:s5+s4] =	stream.linear.scatter [tilespmem:s16], [sflag:$0x7], $0x4000, $0x38;
	[tilespmem:$0x1C000] =	vst v63  }
0xfe: {  	s11 =	rddreg [dreg:$0x9]  }
0xff: {  	[tilespmem:s23], [sflag:$0x5] =	stream.linear.gather [hbm4b:s11+s4], $0x4000, $0x38;
	[tilespmem:$0x1C000] =	vst v63  }
0x100: {  	_ =	swait.ge [sflag:s24], $0x4000  }
0x101: {  	[sflag:s24] =	ssyncset.done $0x0  }
0x102: {  	s6 =	simm.s32 $0x0;
	s5 =	simm.s32 $0x0;
	[sflag:s24] =	ssyncadd.s32 $0xFFFFC000  }
.LBB2_10:
0x103: {  	s7 =	sand.u32 $0x7, s5  }
0x104: {  	s7 =	sshll.u32 s7, $0x9  }
0x105: {  	s7 =	sshrl.u32 s7, $0x2  }
0x106: {  	v0 =	vmov s7;
	_ =	sdelay $0x2  }
0x107: {  	s8 =	sand.u32 $0x3FFFE000, s4  }
0x108: {  	s10 =	sadd.s32 $0x14470, s8  }
0x109: {  	v1 =	vld.idx.msk [tilespmem:v0+s10+$0x0 ss:$0x1], $0xffff  }
0x10a: {  	v2 =	vld.idx.msk [tilespmem:v0+s10+$0xFFFFFBA0 ss:$0x1], $0xffff  }
0x10b: {  	v3 =	vld.idx.msk [tilespmem:v0+s10+$0xFFFFFBB0 ss:$0x1], $0xffff  }
0x10c: {  	v4 =	vld.idx.msk [tilespmem:v0+s10+$0xFFFFFBC0 ss:$0x1], $0xffff  }
0x10d: {  	v5 =	vld.idx.msk [tilespmem:v0+s10+$0xFFFFFBD0 ss:$0x1], $0xffff  }
0x10e: {  	v6 =	vld.idx.msk [tilespmem:v0+s10+$0xFFFFFBE0 ss:$0x1], $0xffff  }
0x10f: {  	v7 =	vld.idx.msk [tilespmem:v0+s10+$0xFFFFFC00 ss:$0x1], $0xffff  }
0x110: {  	v8 =	vld.idx.msk [tilespmem:v0+s10+$0xFFFFFF90 ss:$0x1], $0xffff  }
0x111: {  	v9 =	vld.idx.msk [tilespmem:v0+s10+$0xFFFFFFA0 ss:$0x1], $0xffff  }
0x112: {  	v10 =	vld.idx.msk [tilespmem:v0+s10+$0xFFFFFFB0 ss:$0x1], $0xffff  }
0x113: {  	v11 =	vld.idx.msk [tilespmem:v0+s10+$0xFFFFFFC0 ss:$0x1], $0xffff  }
0x114: {  	v12 =	vld.idx.msk [tilespmem:v0+s10+$0xFFFFFFD0 ss:$0x1], $0xffff  }
0x115: {  	v13 =	vld.idx.msk [tilespmem:v0+s10+$0xFFFFFFE0 ss:$0x1], $0xffff  }
0x116: {  	s8 =	sadd.s32 $0x8000, s8;
	v14 =	vld.idx.msk [tilespmem:v0+s10+$0xFFFFFFF0 ss:$0x1], $0xffff  }
0x117: {  	s11 =	sadd.s32 s7, s8;
	v15 =	vld.idx.msk [tilespmem:v0+s10+$0xFFFFFB90 ss:$0x1], $0xffff  }
0x118: {  	[tilespmem:s11+$0x470] =	vst.add.f32.msk $0xffff, v1  }
0x119: {  	v1 =	vld.idx.msk [tilespmem:v0+s10+$0xFFFFFBF0 ss:$0x1], $0xffff  }
0x11a: {  	[tilespmem:s11+$0x10] =	vst.add.f32.msk $0xffff, v2  }
0x11b: {  	[tilespmem:s11+$0x20] =	vst.add.f32.msk $0xffff, v3  }
0x11c: {  	[tilespmem:s11+$0x30] =	vst.add.f32.msk $0xffff, v4  }
0x11d: {  	[tilespmem:s11+$0x40] =	vst.add.f32.msk $0xffff, v5  }
0x11e: {  	[tilespmem:s11+$0x50] =	vst.add.f32.msk $0xffff, v6  }
0x11f: {  	[tilespmem:s11+$0x0] =	vst.add.f32.msk $0xffff, v15  }
0x120: {  	[tilespmem:s11+$0x70] =	vst.add.f32.msk $0xffff, v7  }
0x121: {  	[tilespmem:s11+$0x400] =	vst.add.f32.msk $0xffff, v8  }
0x122: {  	[tilespmem:s11+$0x410] =	vst.add.f32.msk $0xffff, v9  }
0x123: {  	[tilespmem:s11+$0x420] =	vst.add.f32.msk $0xffff, v10  }
0x124: {  	[tilespmem:s11+$0x430] =	vst.add.f32.msk $0xffff, v11  }
0x125: {  	[tilespmem:s11+$0x440] =	vst.add.f32.msk $0xffff, v12  }
0x126: {  	[tilespmem:s11+$0x450] =	vst.add.f32.msk $0xffff, v13  }
0x127: {  	[tilespmem:s11+$0x460] =	vst.add.f32.msk $0xffff, v14  }
0x128: {  	s9 =	simm.s32 $0x0;
	s10 =	sadd.s32 $0x800, s10;
	[tilespmem:s11+$0x60] =	vst.add.f32.msk $0xffff, v1  }
.LBB2_11:
0x129: {  	v1 =	vld.idx.msk [tilespmem:v0+s10+$0x0 ss:$0x1], $0xffff;
	s9 =	sadd.s32 $0x100, s9  }
0x12a: {  	v2 =	vld.idx.msk [tilespmem:v0+s10+$0xFFFFFBA0 ss:$0x1], $0xffff;
	p0 =	slt.u32 s9, $0x300  }
0x12b: {  	v3 =	vld.idx.msk [tilespmem:v0+s10+$0xFFFFFBB0 ss:$0x1], $0xffff  }
0x12c: {  	v4 =	vld.idx.msk [tilespmem:v0+s10+$0xFFFFFBC0 ss:$0x1], $0xffff  }
0x12d: {  	s8 =	sadd.s32 $0x800, s8;
	v5 =	vld.idx.msk [tilespmem:v0+s10+$0xFFFFFBD0 ss:$0x1], $0xffff  }
0x12e: {  	s11 =	sadd.s32 s7, s8;
	v6 =	vld.idx.msk [tilespmem:v0+s10+$0xFFFFFBE0 ss:$0x1], $0xffff  }
0x12f: {  	[tilespmem:s11+$0x470] =	vst.add.f32.msk $0xffff, v1  }
0x130: {  	v1 =	vld.idx.msk [tilespmem:v0+s10+$0xFFFFFBF0 ss:$0x1], $0xffff  }
0x131: {  	v7 =	vld.idx.msk [tilespmem:v0+s10+$0xFFFFFC00 ss:$0x1], $0xffff  }
0x132: {  	v8 =	vld.idx.msk [tilespmem:v0+s10+$0xFFFFFF90 ss:$0x1], $0xffff  }
0x133: {  	v9 =	vld.idx.msk [tilespmem:v0+s10+$0xFFFFFFA0 ss:$0x1], $0xffff  }
0x134: {  	v10 =	vld.idx.msk [tilespmem:v0+s10+$0xFFFFFFB0 ss:$0x1], $0xffff  }
0x135: {  	v11 =	vld.idx.msk [tilespmem:v0+s10+$0xFFFFFFC0 ss:$0x1], $0xffff  }
0x136: {  	v12 =	vld.idx.msk [tilespmem:v0+s10+$0xFFFFFFD0 ss:$0x1], $0xffff  }
0x137: {  	v13 =	vld.idx.msk [tilespmem:v0+s10+$0xFFFFFFE0 ss:$0x1], $0xffff  }
0x138: {  	v14 =	vld.idx.msk [tilespmem:v0+s10+$0xFFFFFFF0 ss:$0x1], $0xffff  }
0x139: {  	v15 =	vld.idx.msk [tilespmem:v0+s10+$0xFFFFFB90 ss:$0x1], $0xffff  }
0x13a: {  	[tilespmem:s11+$0x10] =	vst.add.f32.msk $0xffff, v2  }
0x13b: {  	[tilespmem:s11+$0x20] =	vst.add.f32.msk $0xffff, v3  }
0x13c: {  	[tilespmem:s11+$0x30] =	vst.add.f32.msk $0xffff, v4  }
0x13d: {  	[tilespmem:s11+$0x40] =	vst.add.f32.msk $0xffff, v5  }
0x13e: {  	[tilespmem:s11+$0x50] =	vst.add.f32.msk $0xffff, v6  }
0x13f: {  	[tilespmem:s11+$0x0] =	vst.add.f32.msk $0xffff, v15  }
0x140: {  	[tilespmem:s11+$0x60] =	vst.add.f32.msk $0xffff, v1  }
0x141: {  	[tilespmem:s11+$0x70] =	vst.add.f32.msk $0xffff, v7  }
0x142: {  	[tilespmem:s11+$0x400] =	vst.add.f32.msk $0xffff, v8  }
0x143: {  	[tilespmem:s11+$0x410] =	vst.add.f32.msk $0xffff, v9  }
.Ltmp4:
0x144: {  	[tilespmem:s11+$0x420] =	vst.add.f32.msk $0xffff, v10;
	(pc) =	sbr.rel @p0 .LBB2_11-.Ltmp4, $4  }
0x145: {  	[tilespmem:s11+$0x430] =	vst.add.f32.msk $0xffff, v11  }
0x146: {  	[tilespmem:s11+$0x440] =	vst.add.f32.msk $0xffff, v12  }
0x147: {  	[tilespmem:s11+$0x450] =	vst.add.f32.msk $0xffff, v13  }
0x148: {  	s10 =	sadd.s32 $0x800, s10;
	[tilespmem:s11+$0x460] =	vst.add.f32.msk $0xffff, v14  }
0x149: {  	s6 =	sadd.s32 $0x1, s6  }
0x14a: {  	p0 =	sne.s32 s6, $0x10  }
.Ltmp5:
0x14b: {  	_ = 	snop;
	(pc) =	sbr.rel @p0 .LBB2_10-.Ltmp5, $2  }
0x14c: {  	_ =	sdelay $0x2  }
0x14d: {  	s5 =	sadd.s32 $0x1, s5;
	s4 =	sadd.s32 $0x400, s4  }
0x14e: {  	s4 =	simm.s32 $0x0;
	s5 =	rddreg [dreg:$0xa]  }
0x14f: {  	[hbm4b:s5+s4] =	stream.linear.scatter [tilespmem:s17], [sflag:$0x8], $0x4000, $0x38;
	[tilespmem:$0x1C000] =	vst v63  }
0x150: {  	_ =	swait.ge [sflag:s25], $0x4000  }
0x151: {  	[sflag:s25] =	ssyncset.done $0x0  }
0x152: {  	s11 =	rddreg [dreg:$0xb];
	[sflag:s25] =	ssyncadd.s32 $0xFFFFC000  }
0x153: {  	[tilespmem:s4], [sflag:$0x1] =	stream.linear.gather [hbm4b:s11+s4], $0x4000, $0x38;
	[tilespmem:$0x1C000] =	vst v63  }
0x154: {  	_ =	swait.ge [sflag:s26], $0x4000  }
0x155: {  	[sflag:s26] =	ssyncset.done $0x0  }
0x156: {  	s6 =	simm.s32 $0x0;
	s5 =	simm.s32 $0x0;
	[sflag:s26] =	ssyncadd.s32 $0xFFFFC000  }
.LBB2_14:
0x157: {  	s7 =	sand.u32 $0x7, s5  }
0x158: {  	s7 =	sshll.u32 s7, $0x9  }
0x159: {  	s7 =	sshrl.u32 s7, $0x2  }
0x15a: {  	v0 =	vmov s7;
	_ =	sdelay $0x2  }
0x15b: {  	s8 =	sand.u32 $0x3FFFE000, s4  }
0x15c: {  	s10 =	sadd.s32 $0x14470, s8  }
0x15d: {  	v1 =	vld.idx.msk [tilespmem:v0+s10+$0x0 ss:$0x1], $0xffff  }
0x15e: {  	v2 =	vld.idx.msk [tilespmem:v0+s10+$0xFFFFFBA0 ss:$0x1], $0xffff  }
0x15f: {  	v3 =	vld.idx.msk [tilespmem:v0+s10+$0xFFFFFBB0 ss:$0x1], $0xffff  }
0x160: {  	v4 =	vld.idx.msk [tilespmem:v0+s10+$0xFFFFFBC0 ss:$0x1], $0xffff  }
0x161: {  	v5 =	vld.idx.msk [tilespmem:v0+s10+$0xFFFFFBD0 ss:$0x1], $0xffff  }
0x162: {  	v6 =	vld.idx.msk [tilespmem:v0+s10+$0xFFFFFBE0 ss:$0x1], $0xffff  }
0x163: {  	v7 =	vld.idx.msk [tilespmem:v0+s10+$0xFFFFFC00 ss:$0x1], $0xffff  }
0x164: {  	v8 =	vld.idx.msk [tilespmem:v0+s10+$0xFFFFFF90 ss:$0x1], $0xffff  }
0x165: {  	v9 =	vld.idx.msk [tilespmem:v0+s10+$0xFFFFFFA0 ss:$0x1], $0xffff  }
0x166: {  	v10 =	vld.idx.msk [tilespmem:v0+s10+$0xFFFFFFB0 ss:$0x1], $0xffff  }
0x167: {  	v11 =	vld.idx.msk [tilespmem:v0+s10+$0xFFFFFFC0 ss:$0x1], $0xffff  }
0x168: {  	v12 =	vld.idx.msk [tilespmem:v0+s10+$0xFFFFFFD0 ss:$0x1], $0xffff  }
0x169: {  	v13 =	vld.idx.msk [tilespmem:v0+s10+$0xFFFFFFE0 ss:$0x1], $0xffff  }
0x16a: {  	s8 =	sadd.s32 $0xC000, s8;
	v14 =	vld.idx.msk [tilespmem:v0+s10+$0xFFFFFFF0 ss:$0x1], $0xffff  }
0x16b: {  	s11 =	sadd.s32 s7, s8;
	v15 =	vld.idx.msk [tilespmem:v0+s10+$0xFFFFFB90 ss:$0x1], $0xffff  }
0x16c: {  	[tilespmem:s11+$0x470] =	vst.add.f32.msk $0xffff, v1  }
0x16d: {  	v1 =	vld.idx.msk [tilespmem:v0+s10+$0xFFFFFBF0 ss:$0x1], $0xffff  }
0x16e: {  	[tilespmem:s11+$0x10] =	vst.add.f32.msk $0xffff, v2  }
0x16f: {  	[tilespmem:s11+$0x20] =	vst.add.f32.msk $0xffff, v3  }
0x170: {  	[tilespmem:s11+$0x30] =	vst.add.f32.msk $0xffff, v4  }
0x171: {  	[tilespmem:s11+$0x40] =	vst.add.f32.msk $0xffff, v5  }
0x172: {  	[tilespmem:s11+$0x50] =	vst.add.f32.msk $0xffff, v6  }
0x173: {  	[tilespmem:s11+$0x0] =	vst.add.f32.msk $0xffff, v15  }
0x174: {  	[tilespmem:s11+$0x70] =	vst.add.f32.msk $0xffff, v7  }
0x175: {  	[tilespmem:s11+$0x400] =	vst.add.f32.msk $0xffff, v8  }
0x176: {  	[tilespmem:s11+$0x410] =	vst.add.f32.msk $0xffff, v9  }
0x177: {  	[tilespmem:s11+$0x420] =	vst.add.f32.msk $0xffff, v10  }
0x178: {  	[tilespmem:s11+$0x430] =	vst.add.f32.msk $0xffff, v11  }
0x179: {  	[tilespmem:s11+$0x440] =	vst.add.f32.msk $0xffff, v12  }
0x17a: {  	[tilespmem:s11+$0x450] =	vst.add.f32.msk $0xffff, v13  }
0x17b: {  	[tilespmem:s11+$0x460] =	vst.add.f32.msk $0xffff, v14  }
0x17c: {  	s9 =	simm.s32 $0x0;
	s10 =	sadd.s32 $0x800, s10;
	[tilespmem:s11+$0x60] =	vst.add.f32.msk $0xffff, v1  }
.LBB2_15:
0x17d: {  	v1 =	vld.idx.msk [tilespmem:v0+s10+$0x0 ss:$0x1], $0xffff;
	s9 =	sadd.s32 $0x100, s9  }
0x17e: {  	v2 =	vld.idx.msk [tilespmem:v0+s10+$0xFFFFFBA0 ss:$0x1], $0xffff;
	p0 =	slt.u32 s9, $0x300  }
0x17f: {  	v3 =	vld.idx.msk [tilespmem:v0+s10+$0xFFFFFBB0 ss:$0x1], $0xffff  }
0x180: {  	v4 =	vld.idx.msk [tilespmem:v0+s10+$0xFFFFFBC0 ss:$0x1], $0xffff  }
0x181: {  	s8 =	sadd.s32 $0x800, s8;
	v5 =	vld.idx.msk [tilespmem:v0+s10+$0xFFFFFBD0 ss:$0x1], $0xffff  }
0x182: {  	s11 =	sadd.s32 s7, s8;
	v6 =	vld.idx.msk [tilespmem:v0+s10+$0xFFFFFBE0 ss:$0x1], $0xffff  }
0x183: {  	[tilespmem:s11+$0x470] =	vst.add.f32.msk $0xffff, v1  }
0x184: {  	v1 =	vld.idx.msk [tilespmem:v0+s10+$0xFFFFFBF0 ss:$0x1], $0xffff  }
0x185: {  	v7 =	vld.idx.msk [tilespmem:v0+s10+$0xFFFFFC00 ss:$0x1], $0xffff  }
0x186: {  	v8 =	vld.idx.msk [tilespmem:v0+s10+$0xFFFFFF90 ss:$0x1], $0xffff  }
0x187: {  	v9 =	vld.idx.msk [tilespmem:v0+s10+$0xFFFFFFA0 ss:$0x1], $0xffff  }
0x188: {  	v10 =	vld.idx.msk [tilespmem:v0+s10+$0xFFFFFFB0 ss:$0x1], $0xffff  }
0x189: {  	v11 =	vld.idx.msk [tilespmem:v0+s10+$0xFFFFFFC0 ss:$0x1], $0xffff  }
0x18a: {  	v12 =	vld.idx.msk [tilespmem:v0+s10+$0xFFFFFFD0 ss:$0x1], $0xffff  }
0x18b: {  	v13 =	vld.idx.msk [tilespmem:v0+s10+$0xFFFFFFE0 ss:$0x1], $0xffff  }
0x18c: {  	v14 =	vld.idx.msk [tilespmem:v0+s10+$0xFFFFFFF0 ss:$0x1], $0xffff  }
0x18d: {  	v15 =	vld.idx.msk [tilespmem:v0+s10+$0xFFFFFB90 ss:$0x1], $0xffff  }
0x18e: {  	[tilespmem:s11+$0x10] =	vst.add.f32.msk $0xffff, v2  }
0x18f: {  	[tilespmem:s11+$0x20] =	vst.add.f32.msk $0xffff, v3  }
0x190: {  	[tilespmem:s11+$0x30] =	vst.add.f32.msk $0xffff, v4  }
0x191: {  	[tilespmem:s11+$0x40] =	vst.add.f32.msk $0xffff, v5  }
0x192: {  	[tilespmem:s11+$0x50] =	vst.add.f32.msk $0xffff, v6  }
0x193: {  	[tilespmem:s11+$0x0] =	vst.add.f32.msk $0xffff, v15  }
0x194: {  	[tilespmem:s11+$0x60] =	vst.add.f32.msk $0xffff, v1  }
0x195: {  	[tilespmem:s11+$0x70] =	vst.add.f32.msk $0xffff, v7  }
0x196: {  	[tilespmem:s11+$0x400] =	vst.add.f32.msk $0xffff, v8  }
0x197: {  	[tilespmem:s11+$0x410] =	vst.add.f32.msk $0xffff, v9  }
.Ltmp6:
0x198: {  	[tilespmem:s11+$0x420] =	vst.add.f32.msk $0xffff, v10;
	(pc) =	sbr.rel @p0 .LBB2_15-.Ltmp6, $4  }
0x199: {  	[tilespmem:s11+$0x430] =	vst.add.f32.msk $0xffff, v11  }
0x19a: {  	[tilespmem:s11+$0x440] =	vst.add.f32.msk $0xffff, v12  }
0x19b: {  	[tilespmem:s11+$0x450] =	vst.add.f32.msk $0xffff, v13  }
0x19c: {  	s10 =	sadd.s32 $0x800, s10;
	[tilespmem:s11+$0x460] =	vst.add.f32.msk $0xffff, v14  }
0x19d: {  	s6 =	sadd.s32 $0x1, s6  }
0x19e: {  	p0 =	sne.s32 s6, $0x10  }
.Ltmp7:
0x19f: {  	_ = 	snop;
	(pc) =	sbr.rel @p0 .LBB2_14-.Ltmp7, $2  }
0x1a0: {  	_ =	sdelay $0x2  }
0x1a1: {  	s5 =	sadd.s32 $0x1, s5;
	s4 =	sadd.s32 $0x400, s4  }
0x1a2: {  	s4 =	simm.s32 $0x0;
	s5 =	rddreg [dreg:$0xc]  }
0x1a3: {  	[hbm4b:s5+s4] =	stream.linear.scatter [tilespmem:s21], [sflag:$0x9], $0x4000, $0x38;
	[tilespmem:$0x1C000] =	vst v63  }
0x1a4: {  	_ =	swait.ge [sflag:s28], $0x4000  }
0x1a5: {  	[sflag:s28] =	ssyncset.done $0x0  }
0x1a6: {  	s10 =	rddreg [dreg:$0xd];
	[sflag:s28] =	ssyncadd.s32 $0xFFFFC000  }
0x1a7: {  	[tilespmem:s16], [sflag:$0x2] =	stream.linear.gather [hbm4b:s10+s4], $0x4000, $0x38;
	[tilespmem:$0x1C000] =	vst v63  }
0x1a8: {  	_ =	swait.ge [sflag:s29], $0x4000  }
0x1a9: {  	[sflag:s29] =	ssyncset.done $0x0  }
0x1aa: {  	s11 =	rddreg [dreg:$0xe];
	[sflag:s29] =	ssyncadd.s32 $0xFFFFC000  }
0x1ab: {  	[tilespmem:s15], [sflag:$0xB] =	stream.linear.gather [hbm4b:s11+s4], $0x4000, $0x38;
	[tilespmem:$0x1C000] =	vst v63  }
0x1ac: {  	_ =	swait.ge [sflag:s30], $0x4000  }
0x1ad: {  	[sflag:s30] =	ssyncset.done $0x0  }
0x1ae: {  	s6 =	simm.s32 $0x0;
	s5 =	simm.s32 $0x0;
	[sflag:s30] =	ssyncadd.s32 $0xFFFFC000  }
.LBB2_18:
0x1af: {  	s7 =	sand.u32 $0x7, s5  }
0x1b0: {  	s7 =	sshll.u32 s7, $0x9  }
0x1b1: {  	s7 =	sshrl.u32 s7, $0x2  }
0x1b2: {  	v0 =	vmov s7;
	_ =	sdelay $0x2  }
0x1b3: {  	s8 =	sand.u32 $0x3FFFE000, s4  }
0x1b4: {  	s10 =	sadd.s32 $0x18470, s8  }
0x1b5: {  	v1 =	vld.idx.msk [tilespmem:v0+s10+$0x0 ss:$0x1], $0xffff  }
0x1b6: {  	v2 =	vld.idx.msk [tilespmem:v0+s10+$0xFFFFFBA0 ss:$0x1], $0xffff  }
0x1b7: {  	v3 =	vld.idx.msk [tilespmem:v0+s10+$0xFFFFFBB0 ss:$0x1], $0xffff  }
0x1b8: {  	v4 =	vld.idx.msk [tilespmem:v0+s10+$0xFFFFFBC0 ss:$0x1], $0xffff  }
0x1b9: {  	v5 =	vld.idx.msk [tilespmem:v0+s10+$0xFFFFFBD0 ss:$0x1], $0xffff  }
0x1ba: {  	v6 =	vld.idx.msk [tilespmem:v0+s10+$0xFFFFFBE0 ss:$0x1], $0xffff  }
0x1bb: {  	v7 =	vld.idx.msk [tilespmem:v0+s10+$0xFFFFFC00 ss:$0x1], $0xffff  }
0x1bc: {  	v8 =	vld.idx.msk [tilespmem:v0+s10+$0xFFFFFF90 ss:$0x1], $0xffff  }
0x1bd: {  	v9 =	vld.idx.msk [tilespmem:v0+s10+$0xFFFFFFA0 ss:$0x1], $0xffff  }
0x1be: {  	v10 =	vld.idx.msk [tilespmem:v0+s10+$0xFFFFFFB0 ss:$0x1], $0xffff  }
0x1bf: {  	v11 =	vld.idx.msk [tilespmem:v0+s10+$0xFFFFFFC0 ss:$0x1], $0xffff  }
0x1c0: {  	v12 =	vld.idx.msk [tilespmem:v0+s10+$0xFFFFFFD0 ss:$0x1], $0xffff  }
0x1c1: {  	v13 =	vld.idx.msk [tilespmem:v0+s10+$0xFFFFFFE0 ss:$0x1], $0xffff  }
0x1c2: {  	s8 =	sadd.s32 $0x10000, s8;
	v14 =	vld.idx.msk [tilespmem:v0+s10+$0xFFFFFFF0 ss:$0x1], $0xffff  }
0x1c3: {  	s11 =	sadd.s32 s7, s8;
	v15 =	vld.idx.msk [tilespmem:v0+s10+$0xFFFFFB90 ss:$0x1], $0xffff  }
0x1c4: {  	[tilespmem:s11+$0x470] =	vst.add.f32.msk $0xffff, v1  }
0x1c5: {  	v1 =	vld.idx.msk [tilespmem:v0+s10+$0xFFFFFBF0 ss:$0x1], $0xffff  }
0x1c6: {  	[tilespmem:s11+$0x10] =	vst.add.f32.msk $0xffff, v2  }
0x1c7: {  	[tilespmem:s11+$0x20] =	vst.add.f32.msk $0xffff, v3  }
0x1c8: {  	[tilespmem:s11+$0x30] =	vst.add.f32.msk $0xffff, v4  }
0x1c9: {  	[tilespmem:s11+$0x40] =	vst.add.f32.msk $0xffff, v5  }
0x1ca: {  	[tilespmem:s11+$0x50] =	vst.add.f32.msk $0xffff, v6  }
0x1cb: {  	[tilespmem:s11+$0x0] =	vst.add.f32.msk $0xffff, v15  }
0x1cc: {  	[tilespmem:s11+$0x70] =	vst.add.f32.msk $0xffff, v7  }
0x1cd: {  	[tilespmem:s11+$0x400] =	vst.add.f32.msk $0xffff, v8  }
0x1ce: {  	[tilespmem:s11+$0x410] =	vst.add.f32.msk $0xffff, v9  }
0x1cf: {  	[tilespmem:s11+$0x420] =	vst.add.f32.msk $0xffff, v10  }
0x1d0: {  	[tilespmem:s11+$0x430] =	vst.add.f32.msk $0xffff, v11  }
0x1d1: {  	[tilespmem:s11+$0x440] =	vst.add.f32.msk $0xffff, v12  }
0x1d2: {  	[tilespmem:s11+$0x450] =	vst.add.f32.msk $0xffff, v13  }
0x1d3: {  	[tilespmem:s11+$0x460] =	vst.add.f32.msk $0xffff, v14  }
0x1d4: {  	s9 =	simm.s32 $0x0;
	s10 =	sadd.s32 $0x800, s10;
	[tilespmem:s11+$0x60] =	vst.add.f32.msk $0xffff, v1  }
.LBB2_19:
0x1d5: {  	v1 =	vld.idx.msk [tilespmem:v0+s10+$0x0 ss:$0x1], $0xffff;
	s9 =	sadd.s32 $0x100, s9  }
0x1d6: {  	v2 =	vld.idx.msk [tilespmem:v0+s10+$0xFFFFFBA0 ss:$0x1], $0xffff;
	p0 =	slt.u32 s9, $0x300  }
0x1d7: {  	v3 =	vld.idx.msk [tilespmem:v0+s10+$0xFFFFFBB0 ss:$0x1], $0xffff  }
0x1d8: {  	v4 =	vld.idx.msk [tilespmem:v0+s10+$0xFFFFFBC0 ss:$0x1], $0xffff  }
0x1d9: {  	s8 =	sadd.s32 $0x800, s8;
	v5 =	vld.idx.msk [tilespmem:v0+s10+$0xFFFFFBD0 ss:$0x1], $0xffff  }
0x1da: {  	s11 =	sadd.s32 s7, s8;
	v6 =	vld.idx.msk [tilespmem:v0+s10+$0xFFFFFBE0 ss:$0x1], $0xffff  }
0x1db: {  	[tilespmem:s11+$0x470] =	vst.add.f32.msk $0xffff, v1  }
0x1dc: {  	v1 =	vld.idx.msk [tilespmem:v0+s10+$0xFFFFFBF0 ss:$0x1], $0xffff  }
0x1dd: {  	v7 =	vld.idx.msk [tilespmem:v0+s10+$0xFFFFFC00 ss:$0x1], $0xffff  }
0x1de: {  	v8 =	vld.idx.msk [tilespmem:v0+s10+$0xFFFFFF90 ss:$0x1], $0xffff  }
0x1df: {  	v9 =	vld.idx.msk [tilespmem:v0+s10+$0xFFFFFFA0 ss:$0x1], $0xffff  }
0x1e0: {  	v10 =	vld.idx.msk [tilespmem:v0+s10+$0xFFFFFFB0 ss:$0x1], $0xffff  }
0x1e1: {  	v11 =	vld.idx.msk [tilespmem:v0+s10+$0xFFFFFFC0 ss:$0x1], $0xffff  }
0x1e2: {  	v12 =	vld.idx.msk [tilespmem:v0+s10+$0xFFFFFFD0 ss:$0x1], $0xffff  }
0x1e3: {  	v13 =	vld.idx.msk [tilespmem:v0+s10+$0xFFFFFFE0 ss:$0x1], $0xffff  }
0x1e4: {  	v14 =	vld.idx.msk [tilespmem:v0+s10+$0xFFFFFFF0 ss:$0x1], $0xffff  }
0x1e5: {  	v15 =	vld.idx.msk [tilespmem:v0+s10+$0xFFFFFB90 ss:$0x1], $0xffff  }
0x1e6: {  	[tilespmem:s11+$0x10] =	vst.add.f32.msk $0xffff, v2  }
0x1e7: {  	[tilespmem:s11+$0x20] =	vst.add.f32.msk $0xffff, v3  }
0x1e8: {  	[tilespmem:s11+$0x30] =	vst.add.f32.msk $0xffff, v4  }
0x1e9: {  	[tilespmem:s11+$0x40] =	vst.add.f32.msk $0xffff, v5  }
0x1ea: {  	[tilespmem:s11+$0x50] =	vst.add.f32.msk $0xffff, v6  }
0x1eb: {  	[tilespmem:s11+$0x0] =	vst.add.f32.msk $0xffff, v15  }
0x1ec: {  	[tilespmem:s11+$0x60] =	vst.add.f32.msk $0xffff, v1  }
0x1ed: {  	[tilespmem:s11+$0x70] =	vst.add.f32.msk $0xffff, v7  }
0x1ee: {  	[tilespmem:s11+$0x400] =	vst.add.f32.msk $0xffff, v8  }
0x1ef: {  	[tilespmem:s11+$0x410] =	vst.add.f32.msk $0xffff, v9  }
.Ltmp8:
0x1f0: {  	[tilespmem:s11+$0x420] =	vst.add.f32.msk $0xffff, v10;
	(pc) =	sbr.rel @p0 .LBB2_19-.Ltmp8, $4  }
0x1f1: {  	[tilespmem:s11+$0x430] =	vst.add.f32.msk $0xffff, v11  }
0x1f2: {  	[tilespmem:s11+$0x440] =	vst.add.f32.msk $0xffff, v12  }
0x1f3: {  	[tilespmem:s11+$0x450] =	vst.add.f32.msk $0xffff, v13  }
0x1f4: {  	s10 =	sadd.s32 $0x800, s10;
	[tilespmem:s11+$0x460] =	vst.add.f32.msk $0xffff, v14  }
0x1f5: {  	s6 =	sadd.s32 $0x1, s6  }
0x1f6: {  	p0 =	sne.s32 s6, $0x10  }
.Ltmp9:
0x1f7: {  	_ = 	snop;
	(pc) =	sbr.rel @p0 .LBB2_18-.Ltmp9, $2  }
0x1f8: {  	_ =	sdelay $0x2  }
0x1f9: {  	s5 =	sadd.s32 $0x1, s5;
	s4 =	sadd.s32 $0x400, s4  }
0x1fa: {  	s4 =	simm.s32 $0x0;
	s5 =	rddreg [dreg:$0xf]  }
0x1fb: {  	[hbm4b:s5+s4] =	stream.linear.scatter [tilespmem:s23], [sflag:$0xA], $0x4000, $0x38;
	[tilespmem:$0x1C000] =	vst v63  }
0x1fc: {  	_ =	swait.ge [sflag:s31], $0x4000  }
0x1fd: {  	[sflag:s31] =	ssyncset.done $0x0  }
0x1fe: {  	s11 =	rddreg [dreg:$0x10];
	[sflag:s31] =	ssyncadd.s32 $0xFFFFC000  }
0x1ff: {  	[tilespmem:s17], [sflag:$0x3] =	stream.linear.gather [hbm4b:s11+s4], $0x4000, $0x38;
	[tilespmem:$0x1C000] =	vst v63  }
0x200: {  	_ =	swait.ge [sflag:s20], $0x4000  }
0x201: {  	[sflag:s20] =	ssyncset.done $0x0  }
0x202: {  	s6 =	simm.s32 $0x0;
	s5 =	simm.s32 $0x0;
	[sflag:s20] =	ssyncadd.s32 $0xFFFFC000  }
.LBB2_22:
0x203: {  	s7 =	sand.u32 $0x7, s5  }
0x204: {  	s7 =	sshll.u32 s7, $0x9  }
0x205: {  	s7 =	sshrl.u32 s7, $0x2  }
0x206: {  	v0 =	vmov s7;
	_ =	sdelay $0x2  }
0x207: {  	s8 =	sand.u32 $0x3FFFE000, s4  }
0x208: {  	s10 =	sadd.s32 $0x18470, s8  }
0x209: {  	v1 =	vld.idx.msk [tilespmem:v0+s10+$0x0 ss:$0x1], $0xffff  }
0x20a: {  	v2 =	vld.idx.msk [tilespmem:v0+s10+$0xFFFFFBA0 ss:$0x1], $0xffff  }
0x20b: {  	v3 =	vld.idx.msk [tilespmem:v0+s10+$0xFFFFFBB0 ss:$0x1], $0xffff  }
0x20c: {  	v4 =	vld.idx.msk [tilespmem:v0+s10+$0xFFFFFBC0 ss:$0x1], $0xffff  }
0x20d: {  	v5 =	vld.idx.msk [tilespmem:v0+s10+$0xFFFFFBD0 ss:$0x1], $0xffff  }
0x20e: {  	v6 =	vld.idx.msk [tilespmem:v0+s10+$0xFFFFFBE0 ss:$0x1], $0xffff  }
0x20f: {  	v7 =	vld.idx.msk [tilespmem:v0+s10+$0xFFFFFC00 ss:$0x1], $0xffff  }
0x210: {  	v8 =	vld.idx.msk [tilespmem:v0+s10+$0xFFFFFF90 ss:$0x1], $0xffff  }
0x211: {  	v9 =	vld.idx.msk [tilespmem:v0+s10+$0xFFFFFFA0 ss:$0x1], $0xffff  }
0x212: {  	v10 =	vld.idx.msk [tilespmem:v0+s10+$0xFFFFFFB0 ss:$0x1], $0xffff  }
0x213: {  	v11 =	vld.idx.msk [tilespmem:v0+s10+$0xFFFFFFC0 ss:$0x1], $0xffff  }
0x214: {  	v12 =	vld.idx.msk [tilespmem:v0+s10+$0xFFFFFFD0 ss:$0x1], $0xffff  }
0x215: {  	v13 =	vld.idx.msk [tilespmem:v0+s10+$0xFFFFFFE0 ss:$0x1], $0xffff  }
0x216: {  	v14 =	vld.idx.msk [tilespmem:v0+s10+$0xFFFFFFF0 ss:$0x1], $0xffff  }
0x217: {  	s11 =	sadd.s32 s7, s8;
	v15 =	vld.idx.msk [tilespmem:v0+s10+$0xFFFFFB90 ss:$0x1], $0xffff  }
0x218: {  	[tilespmem:s11+$0x470] =	vst.add.f32.msk $0xffff, v1  }
0x219: {  	v1 =	vld.idx.msk [tilespmem:v0+s10+$0xFFFFFBF0 ss:$0x1], $0xffff  }
0x21a: {  	[tilespmem:s11+$0x10] =	vst.add.f32.msk $0xffff, v2  }
0x21b: {  	[tilespmem:s11+$0x20] =	vst.add.f32.msk $0xffff, v3  }
0x21c: {  	[tilespmem:s11+$0x30] =	vst.add.f32.msk $0xffff, v4  }
0x21d: {  	[tilespmem:s11+$0x40] =	vst.add.f32.msk $0xffff, v5  }
0x21e: {  	[tilespmem:s11+$0x50] =	vst.add.f32.msk $0xffff, v6  }
0x21f: {  	[tilespmem:s11+$0x0] =	vst.add.f32.msk $0xffff, v15  }
0x220: {  	[tilespmem:s11+$0x70] =	vst.add.f32.msk $0xffff, v7  }
0x221: {  	[tilespmem:s11+$0x400] =	vst.add.f32.msk $0xffff, v8  }
0x222: {  	[tilespmem:s11+$0x410] =	vst.add.f32.msk $0xffff, v9  }
0x223: {  	[tilespmem:s11+$0x420] =	vst.add.f32.msk $0xffff, v10  }
0x224: {  	[tilespmem:s11+$0x430] =	vst.add.f32.msk $0xffff, v11  }
0x225: {  	[tilespmem:s11+$0x440] =	vst.add.f32.msk $0xffff, v12  }
0x226: {  	[tilespmem:s11+$0x450] =	vst.add.f32.msk $0xffff, v13  }
0x227: {  	[tilespmem:s11+$0x460] =	vst.add.f32.msk $0xffff, v14  }
0x228: {  	s9 =	simm.s32 $0x0;
	s10 =	sadd.s32 $0x800, s10;
	[tilespmem:s11+$0x60] =	vst.add.f32.msk $0xffff, v1  }
.LBB2_23:
0x229: {  	v1 =	vld.idx.msk [tilespmem:v0+s10+$0x0 ss:$0x1], $0xffff;
	s9 =	sadd.s32 $0x100, s9  }
0x22a: {  	v2 =	vld.idx.msk [tilespmem:v0+s10+$0xFFFFFBA0 ss:$0x1], $0xffff;
	p0 =	slt.u32 s9, $0x300  }
0x22b: {  	v3 =	vld.idx.msk [tilespmem:v0+s10+$0xFFFFFBB0 ss:$0x1], $0xffff  }
0x22c: {  	v4 =	vld.idx.msk [tilespmem:v0+s10+$0xFFFFFBC0 ss:$0x1], $0xffff  }
0x22d: {  	s8 =	sadd.s32 $0x800, s8;
	v5 =	vld.idx.msk [tilespmem:v0+s10+$0xFFFFFBD0 ss:$0x1], $0xffff  }
0x22e: {  	s11 =	sadd.s32 s7, s8;
	v6 =	vld.idx.msk [tilespmem:v0+s10+$0xFFFFFBE0 ss:$0x1], $0xffff  }
0x22f: {  	[tilespmem:s11+$0x470] =	vst.add.f32.msk $0xffff, v1  }
0x230: {  	v1 =	vld.idx.msk [tilespmem:v0+s10+$0xFFFFFBF0 ss:$0x1], $0xffff  }
0x231: {  	v7 =	vld.idx.msk [tilespmem:v0+s10+$0xFFFFFC00 ss:$0x1], $0xffff  }
0x232: {  	v8 =	vld.idx.msk [tilespmem:v0+s10+$0xFFFFFF90 ss:$0x1], $0xffff  }
0x233: {  	v9 =	vld.idx.msk [tilespmem:v0+s10+$0xFFFFFFA0 ss:$0x1], $0xffff  }
0x234: {  	v10 =	vld.idx.msk [tilespmem:v0+s10+$0xFFFFFFB0 ss:$0x1], $0xffff  }
0x235: {  	v11 =	vld.idx.msk [tilespmem:v0+s10+$0xFFFFFFC0 ss:$0x1], $0xffff  }
0x236: {  	v12 =	vld.idx.msk [tilespmem:v0+s10+$0xFFFFFFD0 ss:$0x1], $0xffff  }
0x237: {  	v13 =	vld.idx.msk [tilespmem:v0+s10+$0xFFFFFFE0 ss:$0x1], $0xffff  }
0x238: {  	v14 =	vld.idx.msk [tilespmem:v0+s10+$0xFFFFFFF0 ss:$0x1], $0xffff  }
0x239: {  	v15 =	vld.idx.msk [tilespmem:v0+s10+$0xFFFFFB90 ss:$0x1], $0xffff  }
0x23a: {  	[tilespmem:s11+$0x10] =	vst.add.f32.msk $0xffff, v2  }
0x23b: {  	[tilespmem:s11+$0x20] =	vst.add.f32.msk $0xffff, v3  }
0x23c: {  	[tilespmem:s11+$0x30] =	vst.add.f32.msk $0xffff, v4  }
0x23d: {  	[tilespmem:s11+$0x40] =	vst.add.f32.msk $0xffff, v5  }
0x23e: {  	[tilespmem:s11+$0x50] =	vst.add.f32.msk $0xffff, v6  }
0x23f: {  	[tilespmem:s11+$0x0] =	vst.add.f32.msk $0xffff, v15  }
0x240: {  	[tilespmem:s11+$0x60] =	vst.add.f32.msk $0xffff, v1  }
0x241: {  	[tilespmem:s11+$0x70] =	vst.add.f32.msk $0xffff, v7  }
0x242: {  	[tilespmem:s11+$0x400] =	vst.add.f32.msk $0xffff, v8  }
0x243: {  	[tilespmem:s11+$0x410] =	vst.add.f32.msk $0xffff, v9  }
.Ltmp10:
0x244: {  	[tilespmem:s11+$0x420] =	vst.add.f32.msk $0xffff, v10;
	(pc) =	sbr.rel @p0 .LBB2_23-.Ltmp10, $4  }
0x245: {  	[tilespmem:s11+$0x430] =	vst.add.f32.msk $0xffff, v11  }
0x246: {  	[tilespmem:s11+$0x440] =	vst.add.f32.msk $0xffff, v12  }
0x247: {  	[tilespmem:s11+$0x450] =	vst.add.f32.msk $0xffff, v13  }
0x248: {  	s10 =	sadd.s32 $0x800, s10;
	[tilespmem:s11+$0x460] =	vst.add.f32.msk $0xffff, v14  }
0x249: {  	s6 =	sadd.s32 $0x1, s6  }
0x24a: {  	p0 =	sne.s32 s6, $0x10  }
.Ltmp11:
0x24b: {  	_ = 	snop;
	(pc) =	sbr.rel @p0 .LBB2_22-.Ltmp11, $2  }
0x24c: {  	_ =	sdelay $0x2  }
0x24d: {  	s5 =	sadd.s32 $0x1, s5;
	s4 =	sadd.s32 $0x400, s4  }
0x24e: {  	s4 =	simm.s32 $0x0;
	s5 =	rddreg [dreg:$0x11]  }
0x24f: {  	[hbm4b:s5+s4] =	stream.linear.scatter [tilespmem:s4], [sflag:$0x6], $0x4000, $0x38;
	[tilespmem:$0x1C000] =	vst v63  }
0x250: {  	_ =	swait.ge [sflag:s0], $0x4000  }
0x251: {  	[sflag:s0] =	ssyncset.done $0x0  }
0x252: {  	s11 =	rddreg [dreg:$0x12];
	[sflag:s0] =	ssyncadd.s32 $0xFFFFC000  }
0x253: {  	[tilespmem:s21], [sflag:$0x4] =	stream.linear.gather [hbm4b:s11+s4], $0x4000, $0x38;
	[tilespmem:$0x1C000] =	vst v63  }
0x254: {  	_ =	swait.ge [sflag:s22], $0x4000  }
0x255: {  	[sflag:s22] =	ssyncset.done $0x0  }
0x256: {  	s6 =	simm.s32 $0x0;
	s5 =	simm.s32 $0x0;
	[sflag:s22] =	ssyncadd.s32 $0xFFFFC000  }
.LBB2_26:
0x257: {  	s7 =	sand.u32 $0x7, s5  }
0x258: {  	s7 =	sshll.u32 s7, $0x9  }
0x259: {  	s7 =	sshrl.u32 s7, $0x2  }
0x25a: {  	v0 =	vmov s7;
	_ =	sdelay $0x2  }
0x25b: {  	s8 =	sand.u32 $0x3FFFE000, s4  }
0x25c: {  	s10 =	sadd.s32 $0x18470, s8  }
0x25d: {  	v1 =	vld.idx.msk [tilespmem:v0+s10+$0x0 ss:$0x1], $0xffff  }
0x25e: {  	v2 =	vld.idx.msk [tilespmem:v0+s10+$0xFFFFFBA0 ss:$0x1], $0xffff  }
0x25f: {  	v3 =	vld.idx.msk [tilespmem:v0+s10+$0xFFFFFBB0 ss:$0x1], $0xffff  }
0x260: {  	v4 =	vld.idx.msk [tilespmem:v0+s10+$0xFFFFFBC0 ss:$0x1], $0xffff  }
0x261: {  	v5 =	vld.idx.msk [tilespmem:v0+s10+$0xFFFFFBD0 ss:$0x1], $0xffff  }
0x262: {  	v6 =	vld.idx.msk [tilespmem:v0+s10+$0xFFFFFBE0 ss:$0x1], $0xffff  }
0x263: {  	v7 =	vld.idx.msk [tilespmem:v0+s10+$0xFFFFFC00 ss:$0x1], $0xffff  }
0x264: {  	v8 =	vld.idx.msk [tilespmem:v0+s10+$0xFFFFFF90 ss:$0x1], $0xffff  }
0x265: {  	v9 =	vld.idx.msk [tilespmem:v0+s10+$0xFFFFFFA0 ss:$0x1], $0xffff  }
0x266: {  	v10 =	vld.idx.msk [tilespmem:v0+s10+$0xFFFFFFB0 ss:$0x1], $0xffff  }
0x267: {  	v11 =	vld.idx.msk [tilespmem:v0+s10+$0xFFFFFFC0 ss:$0x1], $0xffff  }
0x268: {  	v12 =	vld.idx.msk [tilespmem:v0+s10+$0xFFFFFFD0 ss:$0x1], $0xffff  }
0x269: {  	v13 =	vld.idx.msk [tilespmem:v0+s10+$0xFFFFFFE0 ss:$0x1], $0xffff  }
0x26a: {  	s8 =	sadd.s32 $0x4000, s8;
	v14 =	vld.idx.msk [tilespmem:v0+s10+$0xFFFFFFF0 ss:$0x1], $0xffff  }
0x26b: {  	s11 =	sadd.s32 s7, s8;
	v15 =	vld.idx.msk [tilespmem:v0+s10+$0xFFFFFB90 ss:$0x1], $0xffff  }
0x26c: {  	[tilespmem:s11+$0x470] =	vst.add.f32.msk $0xffff, v1  }
0x26d: {  	v1 =	vld.idx.msk [tilespmem:v0+s10+$0xFFFFFBF0 ss:$0x1], $0xffff  }
0x26e: {  	[tilespmem:s11+$0x10] =	vst.add.f32.msk $0xffff, v2  }
0x26f: {  	[tilespmem:s11+$0x20] =	vst.add.f32.msk $0xffff, v3  }
0x270: {  	[tilespmem:s11+$0x30] =	vst.add.f32.msk $0xffff, v4  }
0x271: {  	[tilespmem:s11+$0x40] =	vst.add.f32.msk $0xffff, v5  }
0x272: {  	[tilespmem:s11+$0x50] =	vst.add.f32.msk $0xffff, v6  }
0x273: {  	[tilespmem:s11+$0x0] =	vst.add.f32.msk $0xffff, v15  }
0x274: {  	[tilespmem:s11+$0x70] =	vst.add.f32.msk $0xffff, v7  }
0x275: {  	[tilespmem:s11+$0x400] =	vst.add.f32.msk $0xffff, v8  }
0x276: {  	[tilespmem:s11+$0x410] =	vst.add.f32.msk $0xffff, v9  }
0x277: {  	[tilespmem:s11+$0x420] =	vst.add.f32.msk $0xffff, v10  }
0x278: {  	[tilespmem:s11+$0x430] =	vst.add.f32.msk $0xffff, v11  }
0x279: {  	[tilespmem:s11+$0x440] =	vst.add.f32.msk $0xffff, v12  }
0x27a: {  	[tilespmem:s11+$0x450] =	vst.add.f32.msk $0xffff, v13  }
0x27b: {  	[tilespmem:s11+$0x460] =	vst.add.f32.msk $0xffff, v14  }
0x27c: {  	s9 =	simm.s32 $0x0;
	s10 =	sadd.s32 $0x800, s10;
	[tilespmem:s11+$0x60] =	vst.add.f32.msk $0xffff, v1  }
.LBB2_27:
0x27d: {  	v1 =	vld.idx.msk [tilespmem:v0+s10+$0x0 ss:$0x1], $0xffff;
	s9 =	sadd.s32 $0x100, s9  }
0x27e: {  	v2 =	vld.idx.msk [tilespmem:v0+s10+$0xFFFFFBA0 ss:$0x1], $0xffff;
	p0 =	slt.u32 s9, $0x300  }
0x27f: {  	v3 =	vld.idx.msk [tilespmem:v0+s10+$0xFFFFFBB0 ss:$0x1], $0xffff  }
0x280: {  	v4 =	vld.idx.msk [tilespmem:v0+s10+$0xFFFFFBC0 ss:$0x1], $0xffff  }
0x281: {  	s8 =	sadd.s32 $0x800, s8;
	v5 =	vld.idx.msk [tilespmem:v0+s10+$0xFFFFFBD0 ss:$0x1], $0xffff  }
0x282: {  	s11 =	sadd.s32 s7, s8;
	v6 =	vld.idx.msk [tilespmem:v0+s10+$0xFFFFFBE0 ss:$0x1], $0xffff  }
0x283: {  	[tilespmem:s11+$0x470] =	vst.add.f32.msk $0xffff, v1  }
0x284: {  	v1 =	vld.idx.msk [tilespmem:v0+s10+$0xFFFFFBF0 ss:$0x1], $0xffff  }
0x285: {  	v7 =	vld.idx.msk [tilespmem:v0+s10+$0xFFFFFC00 ss:$0x1], $0xffff  }
0x286: {  	v8 =	vld.idx.msk [tilespmem:v0+s10+$0xFFFFFF90 ss:$0x1], $0xffff  }
0x287: {  	v9 =	vld.idx.msk [tilespmem:v0+s10+$0xFFFFFFA0 ss:$0x1], $0xffff  }
0x288: {  	v10 =	vld.idx.msk [tilespmem:v0+s10+$0xFFFFFFB0 ss:$0x1], $0xffff  }
0x289: {  	v11 =	vld.idx.msk [tilespmem:v0+s10+$0xFFFFFFC0 ss:$0x1], $0xffff  }
0x28a: {  	v12 =	vld.idx.msk [tilespmem:v0+s10+$0xFFFFFFD0 ss:$0x1], $0xffff  }
0x28b: {  	v13 =	vld.idx.msk [tilespmem:v0+s10+$0xFFFFFFE0 ss:$0x1], $0xffff  }
0x28c: {  	v14 =	vld.idx.msk [tilespmem:v0+s10+$0xFFFFFFF0 ss:$0x1], $0xffff  }
0x28d: {  	v15 =	vld.idx.msk [tilespmem:v0+s10+$0xFFFFFB90 ss:$0x1], $0xffff  }
0x28e: {  	[tilespmem:s11+$0x10] =	vst.add.f32.msk $0xffff, v2  }
0x28f: {  	[tilespmem:s11+$0x20] =	vst.add.f32.msk $0xffff, v3  }
0x290: {  	[tilespmem:s11+$0x30] =	vst.add.f32.msk $0xffff, v4  }
0x291: {  	[tilespmem:s11+$0x40] =	vst.add.f32.msk $0xffff, v5  }
0x292: {  	[tilespmem:s11+$0x50] =	vst.add.f32.msk $0xffff, v6  }
0x293: {  	[tilespmem:s11+$0x0] =	vst.add.f32.msk $0xffff, v15  }
0x294: {  	[tilespmem:s11+$0x60] =	vst.add.f32.msk $0xffff, v1  }
0x295: {  	[tilespmem:s11+$0x70] =	vst.add.f32.msk $0xffff, v7  }
0x296: {  	[tilespmem:s11+$0x400] =	vst.add.f32.msk $0xffff, v8  }
0x297: {  	[tilespmem:s11+$0x410] =	vst.add.f32.msk $0xffff, v9  }
.Ltmp12:
0x298: {  	[tilespmem:s11+$0x420] =	vst.add.f32.msk $0xffff, v10;
	(pc) =	sbr.rel @p0 .LBB2_27-.Ltmp12, $4  }
0x299: {  	[tilespmem:s11+$0x430] =	vst.add.f32.msk $0xffff, v11  }
0x29a: {  	[tilespmem:s11+$0x440] =	vst.add.f32.msk $0xffff, v12  }
0x29b: {  	[tilespmem:s11+$0x450] =	vst.add.f32.msk $0xffff, v13  }
0x29c: {  	s10 =	sadd.s32 $0x800, s10;
	[tilespmem:s11+$0x460] =	vst.add.f32.msk $0xffff, v14  }
0x29d: {  	s6 =	sadd.s32 $0x1, s6  }
0x29e: {  	p0 =	sne.s32 s6, $0x10  }
.Ltmp13:
0x29f: {  	_ = 	snop;
	(pc) =	sbr.rel @p0 .LBB2_26-.Ltmp13, $2  }
0x2a0: {  	_ =	sdelay $0x2  }
0x2a1: {  	s5 =	sadd.s32 $0x1, s5;
	s4 =	sadd.s32 $0x400, s4  }
0x2a2: {  	s4 =	simm.s32 $0x0;
	s5 =	rddreg [dreg:$0x13]  }
0x2a3: {  	[hbm4b:s5+s4] =	stream.linear.scatter [tilespmem:s16], [sflag:$0x7], $0x4000, $0x38;
	[tilespmem:$0x1C000] =	vst v63  }
0x2a4: {  	_ =	swait.ge [sflag:s2], $0x4000  }
0x2a5: {  	[sflag:s2] =	ssyncset.done $0x0  }
0x2a6: {  	s11 =	rddreg [dreg:$0x16];
	[sflag:s2] =	ssyncadd.s32 $0xFFFFC000  }
0x2a7: {  	[tilespmem:s23], [sflag:$0x5] =	stream.linear.gather [hbm4b:s11+s4], $0x4000, $0x38;
	[tilespmem:$0x1C000] =	vst v63  }
0x2a8: {  	_ =	swait.ge [sflag:s24], $0x4000  }
0x2a9: {  	[sflag:s24] =	ssyncset.done $0x0  }
0x2aa: {  	s6 =	simm.s32 $0x0;
	s5 =	simm.s32 $0x0;
	[sflag:s24] =	ssyncadd.s32 $0xFFFFC000  }
.LBB2_30:
0x2ab: {  	s7 =	sand.u32 $0x7, s5  }
0x2ac: {  	s7 =	sshll.u32 s7, $0x9  }
0x2ad: {  	s7 =	sshrl.u32 s7, $0x2  }
0x2ae: {  	v0 =	vmov s7;
	_ =	sdelay $0x2  }
0x2af: {  	s8 =	sand.u32 $0x3FFFE000, s4  }
0x2b0: {  	s10 =	sadd.s32 $0x18470, s8  }
0x2b1: {  	v1 =	vld.idx.msk [tilespmem:v0+s10+$0x0 ss:$0x1], $0xffff  }
0x2b2: {  	v2 =	vld.idx.msk [tilespmem:v0+s10+$0xFFFFFBA0 ss:$0x1], $0xffff  }
0x2b3: {  	v3 =	vld.idx.msk [tilespmem:v0+s10+$0xFFFFFBB0 ss:$0x1], $0xffff  }
0x2b4: {  	v4 =	vld.idx.msk [tilespmem:v0+s10+$0xFFFFFBC0 ss:$0x1], $0xffff  }
0x2b5: {  	v5 =	vld.idx.msk [tilespmem:v0+s10+$0xFFFFFBD0 ss:$0x1], $0xffff  }
0x2b6: {  	v6 =	vld.idx.msk [tilespmem:v0+s10+$0xFFFFFBE0 ss:$0x1], $0xffff  }
0x2b7: {  	v7 =	vld.idx.msk [tilespmem:v0+s10+$0xFFFFFC00 ss:$0x1], $0xffff  }
0x2b8: {  	v8 =	vld.idx.msk [tilespmem:v0+s10+$0xFFFFFF90 ss:$0x1], $0xffff  }
0x2b9: {  	v9 =	vld.idx.msk [tilespmem:v0+s10+$0xFFFFFFA0 ss:$0x1], $0xffff  }
0x2ba: {  	v10 =	vld.idx.msk [tilespmem:v0+s10+$0xFFFFFFB0 ss:$0x1], $0xffff  }
0x2bb: {  	v11 =	vld.idx.msk [tilespmem:v0+s10+$0xFFFFFFC0 ss:$0x1], $0xffff  }
0x2bc: {  	v12 =	vld.idx.msk [tilespmem:v0+s10+$0xFFFFFFD0 ss:$0x1], $0xffff  }
0x2bd: {  	v13 =	vld.idx.msk [tilespmem:v0+s10+$0xFFFFFFE0 ss:$0x1], $0xffff  }
0x2be: {  	s8 =	sadd.s32 $0x8000, s8;
	v14 =	vld.idx.msk [tilespmem:v0+s10+$0xFFFFFFF0 ss:$0x1], $0xffff  }
0x2bf: {  	s11 =	sadd.s32 s7, s8;
	v15 =	vld.idx.msk [tilespmem:v0+s10+$0xFFFFFB90 ss:$0x1], $0xffff  }
0x2c0: {  	[tilespmem:s11+$0x470] =	vst.add.f32.msk $0xffff, v1  }
0x2c1: {  	v1 =	vld.idx.msk [tilespmem:v0+s10+$0xFFFFFBF0 ss:$0x1], $0xffff  }
0x2c2: {  	[tilespmem:s11+$0x10] =	vst.add.f32.msk $0xffff, v2  }
0x2c3: {  	[tilespmem:s11+$0x20] =	vst.add.f32.msk $0xffff, v3  }
0x2c4: {  	[tilespmem:s11+$0x30] =	vst.add.f32.msk $0xffff, v4  }
0x2c5: {  	[tilespmem:s11+$0x40] =	vst.add.f32.msk $0xffff, v5  }
0x2c6: {  	[tilespmem:s11+$0x50] =	vst.add.f32.msk $0xffff, v6  }
0x2c7: {  	[tilespmem:s11+$0x0] =	vst.add.f32.msk $0xffff, v15  }
0x2c8: {  	[tilespmem:s11+$0x70] =	vst.add.f32.msk $0xffff, v7  }
0x2c9: {  	[tilespmem:s11+$0x400] =	vst.add.f32.msk $0xffff, v8  }
0x2ca: {  	[tilespmem:s11+$0x410] =	vst.add.f32.msk $0xffff, v9  }
0x2cb: {  	[tilespmem:s11+$0x420] =	vst.add.f32.msk $0xffff, v10  }
0x2cc: {  	[tilespmem:s11+$0x430] =	vst.add.f32.msk $0xffff, v11  }
0x2cd: {  	[tilespmem:s11+$0x440] =	vst.add.f32.msk $0xffff, v12  }
0x2ce: {  	[tilespmem:s11+$0x450] =	vst.add.f32.msk $0xffff, v13  }
0x2cf: {  	[tilespmem:s11+$0x460] =	vst.add.f32.msk $0xffff, v14  }
0x2d0: {  	s9 =	simm.s32 $0x0;
	s10 =	sadd.s32 $0x800, s10;
	[tilespmem:s11+$0x60] =	vst.add.f32.msk $0xffff, v1  }
.LBB2_31:
0x2d1: {  	v1 =	vld.idx.msk [tilespmem:v0+s10+$0x0 ss:$0x1], $0xffff;
	s9 =	sadd.s32 $0x100, s9  }
0x2d2: {  	v2 =	vld.idx.msk [tilespmem:v0+s10+$0xFFFFFBA0 ss:$0x1], $0xffff;
	p0 =	slt.u32 s9, $0x300  }
0x2d3: {  	v3 =	vld.idx.msk [tilespmem:v0+s10+$0xFFFFFBB0 ss:$0x1], $0xffff  }
0x2d4: {  	v4 =	vld.idx.msk [tilespmem:v0+s10+$0xFFFFFBC0 ss:$0x1], $0xffff  }
0x2d5: {  	s8 =	sadd.s32 $0x800, s8;
	v5 =	vld.idx.msk [tilespmem:v0+s10+$0xFFFFFBD0 ss:$0x1], $0xffff  }
0x2d6: {  	s11 =	sadd.s32 s7, s8;
	v6 =	vld.idx.msk [tilespmem:v0+s10+$0xFFFFFBE0 ss:$0x1], $0xffff  }
0x2d7: {  	[tilespmem:s11+$0x470] =	vst.add.f32.msk $0xffff, v1  }
0x2d8: {  	v1 =	vld.idx.msk [tilespmem:v0+s10+$0xFFFFFBF0 ss:$0x1], $0xffff  }
0x2d9: {  	v7 =	vld.idx.msk [tilespmem:v0+s10+$0xFFFFFC00 ss:$0x1], $0xffff  }
0x2da: {  	v8 =	vld.idx.msk [tilespmem:v0+s10+$0xFFFFFF90 ss:$0x1], $0xffff  }
0x2db: {  	v9 =	vld.idx.msk [tilespmem:v0+s10+$0xFFFFFFA0 ss:$0x1], $0xffff  }
0x2dc: {  	v10 =	vld.idx.msk [tilespmem:v0+s10+$0xFFFFFFB0 ss:$0x1], $0xffff  }
0x2dd: {  	v11 =	vld.idx.msk [tilespmem:v0+s10+$0xFFFFFFC0 ss:$0x1], $0xffff  }
0x2de: {  	v12 =	vld.idx.msk [tilespmem:v0+s10+$0xFFFFFFD0 ss:$0x1], $0xffff  }
0x2df: {  	v13 =	vld.idx.msk [tilespmem:v0+s10+$0xFFFFFFE0 ss:$0x1], $0xffff  }
0x2e0: {  	v14 =	vld.idx.msk [tilespmem:v0+s10+$0xFFFFFFF0 ss:$0x1], $0xffff  }
0x2e1: {  	v15 =	vld.idx.msk [tilespmem:v0+s10+$0xFFFFFB90 ss:$0x1], $0xffff  }
0x2e2: {  	[tilespmem:s11+$0x10] =	vst.add.f32.msk $0xffff, v2  }
0x2e3: {  	[tilespmem:s11+$0x20] =	vst.add.f32.msk $0xffff, v3  }
0x2e4: {  	[tilespmem:s11+$0x30] =	vst.add.f32.msk $0xffff, v4  }
0x2e5: {  	[tilespmem:s11+$0x40] =	vst.add.f32.msk $0xffff, v5  }
0x2e6: {  	[tilespmem:s11+$0x50] =	vst.add.f32.msk $0xffff, v6  }
0x2e7: {  	[tilespmem:s11+$0x0] =	vst.add.f32.msk $0xffff, v15  }
0x2e8: {  	[tilespmem:s11+$0x60] =	vst.add.f32.msk $0xffff, v1  }
0x2e9: {  	[tilespmem:s11+$0x70] =	vst.add.f32.msk $0xffff, v7  }
0x2ea: {  	[tilespmem:s11+$0x400] =	vst.add.f32.msk $0xffff, v8  }
0x2eb: {  	[tilespmem:s11+$0x410] =	vst.add.f32.msk $0xffff, v9  }
.Ltmp14:
0x2ec: {  	[tilespmem:s11+$0x420] =	vst.add.f32.msk $0xffff, v10;
	(pc) =	sbr.rel @p0 .LBB2_31-.Ltmp14, $4  }
0x2ed: {  	[tilespmem:s11+$0x430] =	vst.add.f32.msk $0xffff, v11  }
0x2ee: {  	[tilespmem:s11+$0x440] =	vst.add.f32.msk $0xffff, v12  }
0x2ef: {  	[tilespmem:s11+$0x450] =	vst.add.f32.msk $0xffff, v13  }
0x2f0: {  	s10 =	sadd.s32 $0x800, s10;
	[tilespmem:s11+$0x460] =	vst.add.f32.msk $0xffff, v14  }
0x2f1: {  	s6 =	sadd.s32 $0x1, s6  }
0x2f2: {  	p0 =	sne.s32 s6, $0x10  }
.Ltmp15:
0x2f3: {  	_ = 	snop;
	(pc) =	sbr.rel @p0 .LBB2_30-.Ltmp15, $2  }
0x2f4: {  	_ =	sdelay $0x2  }
0x2f5: {  	s5 =	sadd.s32 $0x1, s5;
	s4 =	sadd.s32 $0x400, s4  }
0x2f6: {  	s4 =	simm.s32 $0x0;
	s5 =	rddreg [dreg:$0x14]  }
0x2f7: {  	[hbm4b:s5+s4] =	stream.linear.scatter [tilespmem:s17], [sflag:$0x8], $0x4000, $0x38;
	[tilespmem:$0x1C000] =	vst v63  }
0x2f8: {  	_ =	swait.ge [sflag:s25], $0x4000  }
0x2f9: {  	[sflag:s25] =	ssyncset.done $0x0  }
0x2fa: {  	s10 =	rddreg [dreg:$0x18];
	[sflag:s25] =	ssyncadd.s32 $0xFFFFC000  }
0x2fb: {  	[tilespmem:s4], [sflag:$0x1] =	stream.linear.gather [hbm4b:s10+s4], $0x4000, $0x38;
	[tilespmem:$0x1C000] =	vst v63  }
0x2fc: {  	_ =	swait.ge [sflag:s18], $0x4000  }
0x2fd: {  	[sflag:s18] =	ssyncset.done $0x0  }
0x2fe: {  	s11 =	rddreg [dreg:$0x1c];
	[sflag:s18] =	ssyncadd.s32 $0xFFFFC000  }
0x2ff: {  	[tilespmem:s19], [sflag:$0xC] =	stream.linear.gather [hbm4b:s11+s4], $0x4000, $0x38;
	[tilespmem:$0x1C000] =	vst v63  }
0x300: {  	_ =	swait.ge [sflag:s26], $0x4000  }
0x301: {  	[sflag:s26] =	ssyncset.done $0x0  }
0x302: {  	s6 =	simm.s32 $0x0;
	s5 =	simm.s32 $0x0;
	[sflag:s26] =	ssyncadd.s32 $0xFFFFC000  }
.LBB2_34:
0x303: {  	s7 =	sand.u32 $0x7, s5  }
0x304: {  	s7 =	sshll.u32 s7, $0x9  }
0x305: {  	s7 =	sshrl.u32 s7, $0x2  }
0x306: {  	v0 =	vmov s7;
	_ =	sdelay $0x2  }
0x307: {  	s8 =	sand.u32 $0x3FFFE000, s4  }
0x308: {  	s10 =	sadd.s32 $0x14470, s8  }
0x309: {  	v1 =	vld.idx.msk [tilespmem:v0+s10+$0x0 ss:$0x1], $0xffff  }
0x30a: {  	v2 =	vld.idx.msk [tilespmem:v0+s10+$0xFFFFFBA0 ss:$0x1], $0xffff  }
0x30b: {  	v3 =	vld.idx.msk [tilespmem:v0+s10+$0xFFFFFBB0 ss:$0x1], $0xffff  }
0x30c: {  	v4 =	vld.idx.msk [tilespmem:v0+s10+$0xFFFFFBC0 ss:$0x1], $0xffff  }
0x30d: {  	v5 =	vld.idx.msk [tilespmem:v0+s10+$0xFFFFFBD0 ss:$0x1], $0xffff  }
0x30e: {  	v6 =	vld.idx.msk [tilespmem:v0+s10+$0xFFFFFBE0 ss:$0x1], $0xffff  }
0x30f: {  	v7 =	vld.idx.msk [tilespmem:v0+s10+$0xFFFFFC00 ss:$0x1], $0xffff  }
0x310: {  	v8 =	vld.idx.msk [tilespmem:v0+s10+$0xFFFFFF90 ss:$0x1], $0xffff  }
0x311: {  	v9 =	vld.idx.msk [tilespmem:v0+s10+$0xFFFFFFA0 ss:$0x1], $0xffff  }
0x312: {  	v10 =	vld.idx.msk [tilespmem:v0+s10+$0xFFFFFFB0 ss:$0x1], $0xffff  }
0x313: {  	v11 =	vld.idx.msk [tilespmem:v0+s10+$0xFFFFFFC0 ss:$0x1], $0xffff  }
0x314: {  	v12 =	vld.idx.msk [tilespmem:v0+s10+$0xFFFFFFD0 ss:$0x1], $0xffff  }
0x315: {  	v13 =	vld.idx.msk [tilespmem:v0+s10+$0xFFFFFFE0 ss:$0x1], $0xffff  }
0x316: {  	s8 =	sadd.s32 $0xC000, s8;
	v14 =	vld.idx.msk [tilespmem:v0+s10+$0xFFFFFFF0 ss:$0x1], $0xffff  }
0x317: {  	s11 =	sadd.s32 s7, s8;
	v15 =	vld.idx.msk [tilespmem:v0+s10+$0xFFFFFB90 ss:$0x1], $0xffff  }
0x318: {  	[tilespmem:s11+$0x470] =	vst.add.f32.msk $0xffff, v1  }
0x319: {  	v1 =	vld.idx.msk [tilespmem:v0+s10+$0xFFFFFBF0 ss:$0x1], $0xffff  }
0x31a: {  	[tilespmem:s11+$0x10] =	vst.add.f32.msk $0xffff, v2  }
0x31b: {  	[tilespmem:s11+$0x20] =	vst.add.f32.msk $0xffff, v3  }
0x31c: {  	[tilespmem:s11+$0x30] =	vst.add.f32.msk $0xffff, v4  }
0x31d: {  	[tilespmem:s11+$0x40] =	vst.add.f32.msk $0xffff, v5  }
0x31e: {  	[tilespmem:s11+$0x50] =	vst.add.f32.msk $0xffff, v6  }
0x31f: {  	[tilespmem:s11+$0x0] =	vst.add.f32.msk $0xffff, v15  }
0x320: {  	[tilespmem:s11+$0x70] =	vst.add.f32.msk $0xffff, v7  }
0x321: {  	[tilespmem:s11+$0x400] =	vst.add.f32.msk $0xffff, v8  }
0x322: {  	[tilespmem:s11+$0x410] =	vst.add.f32.msk $0xffff, v9  }
0x323: {  	[tilespmem:s11+$0x420] =	vst.add.f32.msk $0xffff, v10  }
0x324: {  	[tilespmem:s11+$0x430] =	vst.add.f32.msk $0xffff, v11  }
0x325: {  	[tilespmem:s11+$0x440] =	vst.add.f32.msk $0xffff, v12  }
0x326: {  	[tilespmem:s11+$0x450] =	vst.add.f32.msk $0xffff, v13  }
0x327: {  	[tilespmem:s11+$0x460] =	vst.add.f32.msk $0xffff, v14  }
0x328: {  	s9 =	simm.s32 $0x0;
	s10 =	sadd.s32 $0x800, s10;
	[tilespmem:s11+$0x60] =	vst.add.f32.msk $0xffff, v1  }
.LBB2_35:
0x329: {  	v1 =	vld.idx.msk [tilespmem:v0+s10+$0x0 ss:$0x1], $0xffff;
	s9 =	sadd.s32 $0x100, s9  }
0x32a: {  	v2 =	vld.idx.msk [tilespmem:v0+s10+$0xFFFFFBA0 ss:$0x1], $0xffff;
	p0 =	slt.u32 s9, $0x300  }
0x32b: {  	v3 =	vld.idx.msk [tilespmem:v0+s10+$0xFFFFFBB0 ss:$0x1], $0xffff  }
0x32c: {  	v4 =	vld.idx.msk [tilespmem:v0+s10+$0xFFFFFBC0 ss:$0x1], $0xffff  }
0x32d: {  	s8 =	sadd.s32 $0x800, s8;
	v5 =	vld.idx.msk [tilespmem:v0+s10+$0xFFFFFBD0 ss:$0x1], $0xffff  }
0x32e: {  	s11 =	sadd.s32 s7, s8;
	v6 =	vld.idx.msk [tilespmem:v0+s10+$0xFFFFFBE0 ss:$0x1], $0xffff  }
0x32f: {  	[tilespmem:s11+$0x470] =	vst.add.f32.msk $0xffff, v1  }
0x330: {  	v1 =	vld.idx.msk [tilespmem:v0+s10+$0xFFFFFBF0 ss:$0x1], $0xffff  }
0x331: {  	v7 =	vld.idx.msk [tilespmem:v0+s10+$0xFFFFFC00 ss:$0x1], $0xffff  }
0x332: {  	v8 =	vld.idx.msk [tilespmem:v0+s10+$0xFFFFFF90 ss:$0x1], $0xffff  }
0x333: {  	v9 =	vld.idx.msk [tilespmem:v0+s10+$0xFFFFFFA0 ss:$0x1], $0xffff  }
0x334: {  	v10 =	vld.idx.msk [tilespmem:v0+s10+$0xFFFFFFB0 ss:$0x1], $0xffff  }
0x335: {  	v11 =	vld.idx.msk [tilespmem:v0+s10+$0xFFFFFFC0 ss:$0x1], $0xffff  }
0x336: {  	v12 =	vld.idx.msk [tilespmem:v0+s10+$0xFFFFFFD0 ss:$0x1], $0xffff  }
0x337: {  	v13 =	vld.idx.msk [tilespmem:v0+s10+$0xFFFFFFE0 ss:$0x1], $0xffff  }
0x338: {  	v14 =	vld.idx.msk [tilespmem:v0+s10+$0xFFFFFFF0 ss:$0x1], $0xffff  }
0x339: {  	v15 =	vld.idx.msk [tilespmem:v0+s10+$0xFFFFFB90 ss:$0x1], $0xffff  }
0x33a: {  	[tilespmem:s11+$0x10] =	vst.add.f32.msk $0xffff, v2  }
0x33b: {  	[tilespmem:s11+$0x20] =	vst.add.f32.msk $0xffff, v3  }
0x33c: {  	[tilespmem:s11+$0x30] =	vst.add.f32.msk $0xffff, v4  }
0x33d: {  	[tilespmem:s11+$0x40] =	vst.add.f32.msk $0xffff, v5  }
0x33e: {  	[tilespmem:s11+$0x50] =	vst.add.f32.msk $0xffff, v6  }
0x33f: {  	[tilespmem:s11+$0x0] =	vst.add.f32.msk $0xffff, v15  }
0x340: {  	[tilespmem:s11+$0x60] =	vst.add.f32.msk $0xffff, v1  }
0x341: {  	[tilespmem:s11+$0x70] =	vst.add.f32.msk $0xffff, v7  }
0x342: {  	[tilespmem:s11+$0x400] =	vst.add.f32.msk $0xffff, v8  }
0x343: {  	[tilespmem:s11+$0x410] =	vst.add.f32.msk $0xffff, v9  }
.Ltmp16:
0x344: {  	[tilespmem:s11+$0x420] =	vst.add.f32.msk $0xffff, v10;
	(pc) =	sbr.rel @p0 .LBB2_35-.Ltmp16, $4  }
0x345: {  	[tilespmem:s11+$0x430] =	vst.add.f32.msk $0xffff, v11  }
0x346: {  	[tilespmem:s11+$0x440] =	vst.add.f32.msk $0xffff, v12  }
0x347: {  	[tilespmem:s11+$0x450] =	vst.add.f32.msk $0xffff, v13  }
0x348: {  	s10 =	sadd.s32 $0x800, s10;
	[tilespmem:s11+$0x460] =	vst.add.f32.msk $0xffff, v14  }
0x349: {  	s6 =	sadd.s32 $0x1, s6  }
0x34a: {  	p0 =	sne.s32 s6, $0x10  }
.Ltmp17:
0x34b: {  	_ = 	snop;
	(pc) =	sbr.rel @p0 .LBB2_34-.Ltmp17, $2  }
0x34c: {  	_ =	sdelay $0x2  }
0x34d: {  	s5 =	sadd.s32 $0x1, s5;
	s4 =	sadd.s32 $0x400, s4  }
0x34e: {  	s4 =	simm.s32 $0x0;
	s5 =	rddreg [dreg:$0x15]  }
0x34f: {  	[hbm4b:s5+s4] =	stream.linear.scatter [tilespmem:s21], [sflag:$0x9], $0x4000, $0x38;
	[tilespmem:$0x1C000] =	vst v63  }
0x350: {  	_ =	swait.ge [sflag:s28], $0x4000  }
0x351: {  	[sflag:s28] =	ssyncset.done $0x0  }
0x352: {  	s11 =	rddreg [dreg:$0x1a];
	[sflag:s28] =	ssyncadd.s32 $0xFFFFC000  }
0x353: {  	[tilespmem:s16], [sflag:$0x2] =	stream.linear.gather [hbm4b:s11+s4], $0x4000, $0x38;
	[tilespmem:$0x1C000] =	vst v63  }
0x354: {  	_ =	swait.ge [sflag:s30], $0x4000  }
0x355: {  	[sflag:s30] =	ssyncset.done $0x0  }
0x356: {  	s6 =	simm.s32 $0x0;
	s5 =	simm.s32 $0x0;
	[sflag:s30] =	ssyncadd.s32 $0xFFFFC000  }
.LBB2_38:
0x357: {  	s7 =	sand.u32 $0x7, s5  }
0x358: {  	s7 =	sshll.u32 s7, $0x9  }
0x359: {  	s7 =	sshrl.u32 s7, $0x2  }
0x35a: {  	v0 =	vmov s7;
	_ =	sdelay $0x2  }
0x35b: {  	s8 =	sand.u32 $0x3FFFE000, s4  }
0x35c: {  	s10 =	sadd.s32 $0x14470, s8  }
0x35d: {  	v1 =	vld.idx.msk [tilespmem:v0+s10+$0x0 ss:$0x1], $0xffff  }
0x35e: {  	v2 =	vld.idx.msk [tilespmem:v0+s10+$0xFFFFFBA0 ss:$0x1], $0xffff  }
0x35f: {  	v3 =	vld.idx.msk [tilespmem:v0+s10+$0xFFFFFBB0 ss:$0x1], $0xffff  }
0x360: {  	v4 =	vld.idx.msk [tilespmem:v0+s10+$0xFFFFFBC0 ss:$0x1], $0xffff  }
0x361: {  	v5 =	vld.idx.msk [tilespmem:v0+s10+$0xFFFFFBD0 ss:$0x1], $0xffff  }
0x362: {  	v6 =	vld.idx.msk [tilespmem:v0+s10+$0xFFFFFBE0 ss:$0x1], $0xffff  }
0x363: {  	v7 =	vld.idx.msk [tilespmem:v0+s10+$0xFFFFFC00 ss:$0x1], $0xffff  }
0x364: {  	v8 =	vld.idx.msk [tilespmem:v0+s10+$0xFFFFFF90 ss:$0x1], $0xffff  }
0x365: {  	v9 =	vld.idx.msk [tilespmem:v0+s10+$0xFFFFFFA0 ss:$0x1], $0xffff  }
0x366: {  	v10 =	vld.idx.msk [tilespmem:v0+s10+$0xFFFFFFB0 ss:$0x1], $0xffff  }
0x367: {  	v11 =	vld.idx.msk [tilespmem:v0+s10+$0xFFFFFFC0 ss:$0x1], $0xffff  }
0x368: {  	v12 =	vld.idx.msk [tilespmem:v0+s10+$0xFFFFFFD0 ss:$0x1], $0xffff  }
0x369: {  	v13 =	vld.idx.msk [tilespmem:v0+s10+$0xFFFFFFE0 ss:$0x1], $0xffff  }
0x36a: {  	s8 =	sadd.s32 $0x10000, s8;
	v14 =	vld.idx.msk [tilespmem:v0+s10+$0xFFFFFFF0 ss:$0x1], $0xffff  }
0x36b: {  	s11 =	sadd.s32 s7, s8;
	v15 =	vld.idx.msk [tilespmem:v0+s10+$0xFFFFFB90 ss:$0x1], $0xffff  }
0x36c: {  	[tilespmem:s11+$0x470] =	vst.add.f32.msk $0xffff, v1  }
0x36d: {  	v1 =	vld.idx.msk [tilespmem:v0+s10+$0xFFFFFBF0 ss:$0x1], $0xffff  }
0x36e: {  	[tilespmem:s11+$0x10] =	vst.add.f32.msk $0xffff, v2  }
0x36f: {  	[tilespmem:s11+$0x20] =	vst.add.f32.msk $0xffff, v3  }
0x370: {  	[tilespmem:s11+$0x30] =	vst.add.f32.msk $0xffff, v4  }
0x371: {  	[tilespmem:s11+$0x40] =	vst.add.f32.msk $0xffff, v5  }
0x372: {  	[tilespmem:s11+$0x50] =	vst.add.f32.msk $0xffff, v6  }
0x373: {  	[tilespmem:s11+$0x0] =	vst.add.f32.msk $0xffff, v15  }
0x374: {  	[tilespmem:s11+$0x70] =	vst.add.f32.msk $0xffff, v7  }
0x375: {  	[tilespmem:s11+$0x400] =	vst.add.f32.msk $0xffff, v8  }
0x376: {  	[tilespmem:s11+$0x410] =	vst.add.f32.msk $0xffff, v9  }
0x377: {  	[tilespmem:s11+$0x420] =	vst.add.f32.msk $0xffff, v10  }
0x378: {  	[tilespmem:s11+$0x430] =	vst.add.f32.msk $0xffff, v11  }
0x379: {  	[tilespmem:s11+$0x440] =	vst.add.f32.msk $0xffff, v12  }
0x37a: {  	[tilespmem:s11+$0x450] =	vst.add.f32.msk $0xffff, v13  }
0x37b: {  	[tilespmem:s11+$0x460] =	vst.add.f32.msk $0xffff, v14  }
0x37c: {  	s9 =	simm.s32 $0x0;
	s10 =	sadd.s32 $0x800, s10;
	[tilespmem:s11+$0x60] =	vst.add.f32.msk $0xffff, v1  }
.LBB2_39:
0x37d: {  	v1 =	vld.idx.msk [tilespmem:v0+s10+$0x0 ss:$0x1], $0xffff;
	s9 =	sadd.s32 $0x100, s9  }
0x37e: {  	v2 =	vld.idx.msk [tilespmem:v0+s10+$0xFFFFFBA0 ss:$0x1], $0xffff;
	p0 =	slt.u32 s9, $0x300  }
0x37f: {  	v3 =	vld.idx.msk [tilespmem:v0+s10+$0xFFFFFBB0 ss:$0x1], $0xffff  }
0x380: {  	v4 =	vld.idx.msk [tilespmem:v0+s10+$0xFFFFFBC0 ss:$0x1], $0xffff  }
0x381: {  	s8 =	sadd.s32 $0x800, s8;
	v5 =	vld.idx.msk [tilespmem:v0+s10+$0xFFFFFBD0 ss:$0x1], $0xffff  }
0x382: {  	s11 =	sadd.s32 s7, s8;
	v6 =	vld.idx.msk [tilespmem:v0+s10+$0xFFFFFBE0 ss:$0x1], $0xffff  }
0x383: {  	[tilespmem:s11+$0x470] =	vst.add.f32.msk $0xffff, v1  }
0x384: {  	v1 =	vld.idx.msk [tilespmem:v0+s10+$0xFFFFFBF0 ss:$0x1], $0xffff  }
0x385: {  	v7 =	vld.idx.msk [tilespmem:v0+s10+$0xFFFFFC00 ss:$0x1], $0xffff  }
0x386: {  	v8 =	vld.idx.msk [tilespmem:v0+s10+$0xFFFFFF90 ss:$0x1], $0xffff  }
0x387: {  	v9 =	vld.idx.msk [tilespmem:v0+s10+$0xFFFFFFA0 ss:$0x1], $0xffff  }
0x388: {  	v10 =	vld.idx.msk [tilespmem:v0+s10+$0xFFFFFFB0 ss:$0x1], $0xffff  }
0x389: {  	v11 =	vld.idx.msk [tilespmem:v0+s10+$0xFFFFFFC0 ss:$0x1], $0xffff  }
0x38a: {  	v12 =	vld.idx.msk [tilespmem:v0+s10+$0xFFFFFFD0 ss:$0x1], $0xffff  }
0x38b: {  	v13 =	vld.idx.msk [tilespmem:v0+s10+$0xFFFFFFE0 ss:$0x1], $0xffff  }
0x38c: {  	v14 =	vld.idx.msk [tilespmem:v0+s10+$0xFFFFFFF0 ss:$0x1], $0xffff  }
0x38d: {  	v15 =	vld.idx.msk [tilespmem:v0+s10+$0xFFFFFB90 ss:$0x1], $0xffff  }
0x38e: {  	[tilespmem:s11+$0x10] =	vst.add.f32.msk $0xffff, v2  }
0x38f: {  	[tilespmem:s11+$0x20] =	vst.add.f32.msk $0xffff, v3  }
0x390: {  	[tilespmem:s11+$0x30] =	vst.add.f32.msk $0xffff, v4  }
0x391: {  	[tilespmem:s11+$0x40] =	vst.add.f32.msk $0xffff, v5  }
0x392: {  	[tilespmem:s11+$0x50] =	vst.add.f32.msk $0xffff, v6  }
0x393: {  	[tilespmem:s11+$0x0] =	vst.add.f32.msk $0xffff, v15  }
0x394: {  	[tilespmem:s11+$0x60] =	vst.add.f32.msk $0xffff, v1  }
0x395: {  	[tilespmem:s11+$0x70] =	vst.add.f32.msk $0xffff, v7  }
0x396: {  	[tilespmem:s11+$0x400] =	vst.add.f32.msk $0xffff, v8  }
0x397: {  	[tilespmem:s11+$0x410] =	vst.add.f32.msk $0xffff, v9  }
.Ltmp18:
0x398: {  	[tilespmem:s11+$0x420] =	vst.add.f32.msk $0xffff, v10;
	(pc) =	sbr.rel @p0 .LBB2_39-.Ltmp18, $4  }
0x399: {  	[tilespmem:s11+$0x430] =	vst.add.f32.msk $0xffff, v11  }
0x39a: {  	[tilespmem:s11+$0x440] =	vst.add.f32.msk $0xffff, v12  }
0x39b: {  	[tilespmem:s11+$0x450] =	vst.add.f32.msk $0xffff, v13  }
0x39c: {  	s10 =	sadd.s32 $0x800, s10;
	[tilespmem:s11+$0x460] =	vst.add.f32.msk $0xffff, v14  }
0x39d: {  	s6 =	sadd.s32 $0x1, s6  }
0x39e: {  	p0 =	sne.s32 s6, $0x10  }
.Ltmp19:
0x39f: {  	_ = 	snop;
	(pc) =	sbr.rel @p0 .LBB2_38-.Ltmp19, $2  }
0x3a0: {  	_ =	sdelay $0x2  }
0x3a1: {  	s5 =	sadd.s32 $0x1, s5;
	s4 =	sadd.s32 $0x400, s4  }
0x3a2: {  	s4 =	simm.s32 $0x0;
	s5 =	rddreg [dreg:$0x17]  }
0x3a3: {  	[hbm4b:s5+s4] =	stream.linear.scatter [tilespmem:s23], [sflag:$0xA], $0x4000, $0x38;
	[tilespmem:$0x1C000] =	vst v63  }
0x3a4: {  	_ =	swait.ge [sflag:s31], $0x4000  }
0x3a5: {  	[sflag:s31] =	ssyncset.done $0x0  }
0x3a6: {  	s11 =	rddreg [dreg:$0x1d];
	[sflag:s31] =	ssyncadd.s32 $0xFFFFC000  }
0x3a7: {  	[tilespmem:s17], [sflag:$0x3] =	stream.linear.gather [hbm4b:s11+s4], $0x4000, $0x38;
	[tilespmem:$0x1C000] =	vst v63  }
0x3a8: {  	_ =	swait.ge [sflag:s20], $0x4000  }
0x3a9: {  	[sflag:s20] =	ssyncset.done $0x0  }
0x3aa: {  	s6 =	simm.s32 $0x0;
	s5 =	simm.s32 $0x0;
	[sflag:s20] =	ssyncadd.s32 $0xFFFFC000  }
.LBB2_42:
0x3ab: {  	s7 =	sand.u32 $0x7, s5  }
0x3ac: {  	s7 =	sshll.u32 s7, $0x9  }
0x3ad: {  	s7 =	sshrl.u32 s7, $0x2  }
0x3ae: {  	v0 =	vmov s7;
	_ =	sdelay $0x2  }
0x3af: {  	s8 =	sand.u32 $0x3FFFE000, s4  }
0x3b0: {  	s10 =	sadd.s32 $0x14470, s8  }
0x3b1: {  	v1 =	vld.idx.msk [tilespmem:v0+s10+$0x0 ss:$0x1], $0xffff  }
0x3b2: {  	v2 =	vld.idx.msk [tilespmem:v0+s10+$0xFFFFFBA0 ss:$0x1], $0xffff  }
0x3b3: {  	v3 =	vld.idx.msk [tilespmem:v0+s10+$0xFFFFFBB0 ss:$0x1], $0xffff  }
0x3b4: {  	v4 =	vld.idx.msk [tilespmem:v0+s10+$0xFFFFFBC0 ss:$0x1], $0xffff  }
0x3b5: {  	v5 =	vld.idx.msk [tilespmem:v0+s10+$0xFFFFFBD0 ss:$0x1], $0xffff  }
0x3b6: {  	v6 =	vld.idx.msk [tilespmem:v0+s10+$0xFFFFFBE0 ss:$0x1], $0xffff  }
0x3b7: {  	v7 =	vld.idx.msk [tilespmem:v0+s10+$0xFFFFFC00 ss:$0x1], $0xffff  }
0x3b8: {  	v8 =	vld.idx.msk [tilespmem:v0+s10+$0xFFFFFF90 ss:$0x1], $0xffff  }
0x3b9: {  	v9 =	vld.idx.msk [tilespmem:v0+s10+$0xFFFFFFA0 ss:$0x1], $0xffff  }
0x3ba: {  	v10 =	vld.idx.msk [tilespmem:v0+s10+$0xFFFFFFB0 ss:$0x1], $0xffff  }
0x3bb: {  	v11 =	vld.idx.msk [tilespmem:v0+s10+$0xFFFFFFC0 ss:$0x1], $0xffff  }
0x3bc: {  	v12 =	vld.idx.msk [tilespmem:v0+s10+$0xFFFFFFD0 ss:$0x1], $0xffff  }
0x3bd: {  	v13 =	vld.idx.msk [tilespmem:v0+s10+$0xFFFFFFE0 ss:$0x1], $0xffff  }
0x3be: {  	v14 =	vld.idx.msk [tilespmem:v0+s10+$0xFFFFFFF0 ss:$0x1], $0xffff  }
0x3bf: {  	s11 =	sadd.s32 s7, s8;
	v15 =	vld.idx.msk [tilespmem:v0+s10+$0xFFFFFB90 ss:$0x1], $0xffff  }
0x3c0: {  	[tilespmem:s11+$0x470] =	vst.add.f32.msk $0xffff, v1  }
0x3c1: {  	v1 =	vld.idx.msk [tilespmem:v0+s10+$0xFFFFFBF0 ss:$0x1], $0xffff  }
0x3c2: {  	[tilespmem:s11+$0x10] =	vst.add.f32.msk $0xffff, v2  }
0x3c3: {  	[tilespmem:s11+$0x20] =	vst.add.f32.msk $0xffff, v3  }
0x3c4: {  	[tilespmem:s11+$0x30] =	vst.add.f32.msk $0xffff, v4  }
0x3c5: {  	[tilespmem:s11+$0x40] =	vst.add.f32.msk $0xffff, v5  }
0x3c6: {  	[tilespmem:s11+$0x50] =	vst.add.f32.msk $0xffff, v6  }
0x3c7: {  	[tilespmem:s11+$0x0] =	vst.add.f32.msk $0xffff, v15  }
0x3c8: {  	[tilespmem:s11+$0x70] =	vst.add.f32.msk $0xffff, v7  }
0x3c9: {  	[tilespmem:s11+$0x400] =	vst.add.f32.msk $0xffff, v8  }
0x3ca: {  	[tilespmem:s11+$0x410] =	vst.add.f32.msk $0xffff, v9  }
0x3cb: {  	[tilespmem:s11+$0x420] =	vst.add.f32.msk $0xffff, v10  }
0x3cc: {  	[tilespmem:s11+$0x430] =	vst.add.f32.msk $0xffff, v11  }
0x3cd: {  	[tilespmem:s11+$0x440] =	vst.add.f32.msk $0xffff, v12  }
0x3ce: {  	[tilespmem:s11+$0x450] =	vst.add.f32.msk $0xffff, v13  }
0x3cf: {  	[tilespmem:s11+$0x460] =	vst.add.f32.msk $0xffff, v14  }
0x3d0: {  	s9 =	simm.s32 $0x0;
	s10 =	sadd.s32 $0x800, s10;
	[tilespmem:s11+$0x60] =	vst.add.f32.msk $0xffff, v1  }
.LBB2_43:
0x3d1: {  	v1 =	vld.idx.msk [tilespmem:v0+s10+$0x0 ss:$0x1], $0xffff;
	s9 =	sadd.s32 $0x100, s9  }
0x3d2: {  	v2 =	vld.idx.msk [tilespmem:v0+s10+$0xFFFFFBA0 ss:$0x1], $0xffff;
	p0 =	slt.u32 s9, $0x300  }
0x3d3: {  	v3 =	vld.idx.msk [tilespmem:v0+s10+$0xFFFFFBB0 ss:$0x1], $0xffff  }
0x3d4: {  	v4 =	vld.idx.msk [tilespmem:v0+s10+$0xFFFFFBC0 ss:$0x1], $0xffff  }
0x3d5: {  	s8 =	sadd.s32 $0x800, s8;
	v5 =	vld.idx.msk [tilespmem:v0+s10+$0xFFFFFBD0 ss:$0x1], $0xffff  }
0x3d6: {  	s11 =	sadd.s32 s7, s8;
	v6 =	vld.idx.msk [tilespmem:v0+s10+$0xFFFFFBE0 ss:$0x1], $0xffff  }
0x3d7: {  	[tilespmem:s11+$0x470] =	vst.add.f32.msk $0xffff, v1  }
0x3d8: {  	v1 =	vld.idx.msk [tilespmem:v0+s10+$0xFFFFFBF0 ss:$0x1], $0xffff  }
0x3d9: {  	v7 =	vld.idx.msk [tilespmem:v0+s10+$0xFFFFFC00 ss:$0x1], $0xffff  }
0x3da: {  	v8 =	vld.idx.msk [tilespmem:v0+s10+$0xFFFFFF90 ss:$0x1], $0xffff  }
0x3db: {  	v9 =	vld.idx.msk [tilespmem:v0+s10+$0xFFFFFFA0 ss:$0x1], $0xffff  }
0x3dc: {  	v10 =	vld.idx.msk [tilespmem:v0+s10+$0xFFFFFFB0 ss:$0x1], $0xffff  }
0x3dd: {  	v11 =	vld.idx.msk [tilespmem:v0+s10+$0xFFFFFFC0 ss:$0x1], $0xffff  }
0x3de: {  	v12 =	vld.idx.msk [tilespmem:v0+s10+$0xFFFFFFD0 ss:$0x1], $0xffff  }
0x3df: {  	v13 =	vld.idx.msk [tilespmem:v0+s10+$0xFFFFFFE0 ss:$0x1], $0xffff  }
0x3e0: {  	v14 =	vld.idx.msk [tilespmem:v0+s10+$0xFFFFFFF0 ss:$0x1], $0xffff  }
0x3e1: {  	v15 =	vld.idx.msk [tilespmem:v0+s10+$0xFFFFFB90 ss:$0x1], $0xffff  }
0x3e2: {  	[tilespmem:s11+$0x10] =	vst.add.f32.msk $0xffff, v2  }
0x3e3: {  	[tilespmem:s11+$0x20] =	vst.add.f32.msk $0xffff, v3  }
0x3e4: {  	[tilespmem:s11+$0x30] =	vst.add.f32.msk $0xffff, v4  }
0x3e5: {  	[tilespmem:s11+$0x40] =	vst.add.f32.msk $0xffff, v5  }
0x3e6: {  	[tilespmem:s11+$0x50] =	vst.add.f32.msk $0xffff, v6  }
0x3e7: {  	[tilespmem:s11+$0x0] =	vst.add.f32.msk $0xffff, v15  }
0x3e8: {  	[tilespmem:s11+$0x60] =	vst.add.f32.msk $0xffff, v1  }
0x3e9: {  	[tilespmem:s11+$0x70] =	vst.add.f32.msk $0xffff, v7  }
0x3ea: {  	[tilespmem:s11+$0x400] =	vst.add.f32.msk $0xffff, v8  }
0x3eb: {  	[tilespmem:s11+$0x410] =	vst.add.f32.msk $0xffff, v9  }
.Ltmp20:
0x3ec: {  	[tilespmem:s11+$0x420] =	vst.add.f32.msk $0xffff, v10;
	(pc) =	sbr.rel @p0 .LBB2_43-.Ltmp20, $4  }
0x3ed: {  	[tilespmem:s11+$0x430] =	vst.add.f32.msk $0xffff, v11  }
0x3ee: {  	[tilespmem:s11+$0x440] =	vst.add.f32.msk $0xffff, v12  }
0x3ef: {  	[tilespmem:s11+$0x450] =	vst.add.f32.msk $0xffff, v13  }
0x3f0: {  	s10 =	sadd.s32 $0x800, s10;
	[tilespmem:s11+$0x460] =	vst.add.f32.msk $0xffff, v14  }
0x3f1: {  	s6 =	sadd.s32 $0x1, s6  }
0x3f2: {  	p0 =	sne.s32 s6, $0x10  }
.Ltmp21:
0x3f3: {  	_ = 	snop;
	(pc) =	sbr.rel @p0 .LBB2_42-.Ltmp21, $2  }
0x3f4: {  	_ =	sdelay $0x2  }
0x3f5: {  	s5 =	sadd.s32 $0x1, s5;
	s4 =	sadd.s32 $0x400, s4  }
0x3f6: {  	s4 =	simm.s32 $0x0;
	s5 =	rddreg [dreg:$0x19]  }
0x3f7: {  	[hbm4b:s5+s4] =	stream.linear.scatter [tilespmem:s4], [sflag:$0x6], $0x4000, $0x38;
	[tilespmem:$0x1C000] =	vst v63  }
0x3f8: {  	_ =	swait.ge [sflag:s0], $0x4000  }
0x3f9: {  	[sflag:s0] =	ssyncset.done $0x0  }
0x3fa: {  	s11 =	rddreg [dreg:$0x1f];
	[sflag:s0] =	ssyncadd.s32 $0xFFFFC000  }
0x3fb: {  	[tilespmem:s21], [sflag:$0x4] =	stream.linear.gather [hbm4b:s11+s4], $0x4000, $0x38;
	[tilespmem:$0x1C000] =	vst v63  }
0x3fc: {  	_ =	swait.ge [sflag:s22], $0x4000  }
0x3fd: {  	[sflag:s22] =	ssyncset.done $0x0  }
0x3fe: {  	s6 =	simm.s32 $0x0;
	s5 =	simm.s32 $0x0;
	[sflag:s22] =	ssyncadd.s32 $0xFFFFC000  }
.LBB2_46:
0x3ff: {  	s7 =	sand.u32 $0x7, s5  }
0x400: {  	s7 =	sshll.u32 s7, $0x9  }
0x401: {  	s7 =	sshrl.u32 s7, $0x2  }
0x402: {  	v0 =	vmov s7;
	_ =	sdelay $0x2  }
0x403: {  	s8 =	sand.u32 $0x3FFFE000, s4  }
0x404: {  	s10 =	sadd.s32 $0x14470, s8  }
0x405: {  	v1 =	vld.idx.msk [tilespmem:v0+s10+$0x0 ss:$0x1], $0xffff  }
0x406: {  	v2 =	vld.idx.msk [tilespmem:v0+s10+$0xFFFFFBA0 ss:$0x1], $0xffff  }
0x407: {  	v3 =	vld.idx.msk [tilespmem:v0+s10+$0xFFFFFBB0 ss:$0x1], $0xffff  }
0x408: {  	v4 =	vld.idx.msk [tilespmem:v0+s10+$0xFFFFFBC0 ss:$0x1], $0xffff  }
0x409: {  	v5 =	vld.idx.msk [tilespmem:v0+s10+$0xFFFFFBD0 ss:$0x1], $0xffff  }
0x40a: {  	v6 =	vld.idx.msk [tilespmem:v0+s10+$0xFFFFFBE0 ss:$0x1], $0xffff  }
0x40b: {  	v7 =	vld.idx.msk [tilespmem:v0+s10+$0xFFFFFC00 ss:$0x1], $0xffff  }
0x40c: {  	v8 =	vld.idx.msk [tilespmem:v0+s10+$0xFFFFFF90 ss:$0x1], $0xffff  }
0x40d: {  	v9 =	vld.idx.msk [tilespmem:v0+s10+$0xFFFFFFA0 ss:$0x1], $0xffff  }
0x40e: {  	v10 =	vld.idx.msk [tilespmem:v0+s10+$0xFFFFFFB0 ss:$0x1], $0xffff  }
0x40f: {  	v11 =	vld.idx.msk [tilespmem:v0+s10+$0xFFFFFFC0 ss:$0x1], $0xffff  }
0x410: {  	v12 =	vld.idx.msk [tilespmem:v0+s10+$0xFFFFFFD0 ss:$0x1], $0xffff  }
0x411: {  	v13 =	vld.idx.msk [tilespmem:v0+s10+$0xFFFFFFE0 ss:$0x1], $0xffff  }
0x412: {  	s8 =	sadd.s32 $0x4000, s8;
	v14 =	vld.idx.msk [tilespmem:v0+s10+$0xFFFFFFF0 ss:$0x1], $0xffff  }
0x413: {  	s11 =	sadd.s32 s7, s8;
	v15 =	vld.idx.msk [tilespmem:v0+s10+$0xFFFFFB90 ss:$0x1], $0xffff  }
0x414: {  	[tilespmem:s11+$0x470] =	vst.add.f32.msk $0xffff, v1  }
0x415: {  	v1 =	vld.idx.msk [tilespmem:v0+s10+$0xFFFFFBF0 ss:$0x1], $0xffff  }
0x416: {  	[tilespmem:s11+$0x10] =	vst.add.f32.msk $0xffff, v2  }
0x417: {  	[tilespmem:s11+$0x20] =	vst.add.f32.msk $0xffff, v3  }
0x418: {  	[tilespmem:s11+$0x30] =	vst.add.f32.msk $0xffff, v4  }
0x419: {  	[tilespmem:s11+$0x40] =	vst.add.f32.msk $0xffff, v5  }
0x41a: {  	[tilespmem:s11+$0x50] =	vst.add.f32.msk $0xffff, v6  }
0x41b: {  	[tilespmem:s11+$0x0] =	vst.add.f32.msk $0xffff, v15  }
0x41c: {  	[tilespmem:s11+$0x70] =	vst.add.f32.msk $0xffff, v7  }
0x41d: {  	[tilespmem:s11+$0x400] =	vst.add.f32.msk $0xffff, v8  }
0x41e: {  	[tilespmem:s11+$0x410] =	vst.add.f32.msk $0xffff, v9  }
0x41f: {  	[tilespmem:s11+$0x420] =	vst.add.f32.msk $0xffff, v10  }
0x420: {  	[tilespmem:s11+$0x430] =	vst.add.f32.msk $0xffff, v11  }
0x421: {  	[tilespmem:s11+$0x440] =	vst.add.f32.msk $0xffff, v12  }
0x422: {  	[tilespmem:s11+$0x450] =	vst.add.f32.msk $0xffff, v13  }
0x423: {  	[tilespmem:s11+$0x460] =	vst.add.f32.msk $0xffff, v14  }
0x424: {  	s9 =	simm.s32 $0x0;
	s10 =	sadd.s32 $0x800, s10;
	[tilespmem:s11+$0x60] =	vst.add.f32.msk $0xffff, v1  }
.LBB2_47:
0x425: {  	v1 =	vld.idx.msk [tilespmem:v0+s10+$0x0 ss:$0x1], $0xffff;
	s9 =	sadd.s32 $0x100, s9  }
0x426: {  	v2 =	vld.idx.msk [tilespmem:v0+s10+$0xFFFFFBA0 ss:$0x1], $0xffff;
	p0 =	slt.u32 s9, $0x300  }
0x427: {  	v3 =	vld.idx.msk [tilespmem:v0+s10+$0xFFFFFBB0 ss:$0x1], $0xffff  }
0x428: {  	v4 =	vld.idx.msk [tilespmem:v0+s10+$0xFFFFFBC0 ss:$0x1], $0xffff  }
0x429: {  	s8 =	sadd.s32 $0x800, s8;
	v5 =	vld.idx.msk [tilespmem:v0+s10+$0xFFFFFBD0 ss:$0x1], $0xffff  }
0x42a: {  	s11 =	sadd.s32 s7, s8;
	v6 =	vld.idx.msk [tilespmem:v0+s10+$0xFFFFFBE0 ss:$0x1], $0xffff  }
0x42b: {  	[tilespmem:s11+$0x470] =	vst.add.f32.msk $0xffff, v1  }
0x42c: {  	v1 =	vld.idx.msk [tilespmem:v0+s10+$0xFFFFFBF0 ss:$0x1], $0xffff  }
0x42d: {  	v7 =	vld.idx.msk [tilespmem:v0+s10+$0xFFFFFC00 ss:$0x1], $0xffff  }
0x42e: {  	v8 =	vld.idx.msk [tilespmem:v0+s10+$0xFFFFFF90 ss:$0x1], $0xffff  }
0x42f: {  	v9 =	vld.idx.msk [tilespmem:v0+s10+$0xFFFFFFA0 ss:$0x1], $0xffff  }
0x430: {  	v10 =	vld.idx.msk [tilespmem:v0+s10+$0xFFFFFFB0 ss:$0x1], $0xffff  }
0x431: {  	v11 =	vld.idx.msk [tilespmem:v0+s10+$0xFFFFFFC0 ss:$0x1], $0xffff  }
0x432: {  	v12 =	vld.idx.msk [tilespmem:v0+s10+$0xFFFFFFD0 ss:$0x1], $0xffff  }
0x433: {  	v13 =	vld.idx.msk [tilespmem:v0+s10+$0xFFFFFFE0 ss:$0x1], $0xffff  }
0x434: {  	v14 =	vld.idx.msk [tilespmem:v0+s10+$0xFFFFFFF0 ss:$0x1], $0xffff  }
0x435: {  	v15 =	vld.idx.msk [tilespmem:v0+s10+$0xFFFFFB90 ss:$0x1], $0xffff  }
0x436: {  	[tilespmem:s11+$0x10] =	vst.add.f32.msk $0xffff, v2  }
0x437: {  	[tilespmem:s11+$0x20] =	vst.add.f32.msk $0xffff, v3  }
0x438: {  	[tilespmem:s11+$0x30] =	vst.add.f32.msk $0xffff, v4  }
0x439: {  	[tilespmem:s11+$0x40] =	vst.add.f32.msk $0xffff, v5  }
0x43a: {  	[tilespmem:s11+$0x50] =	vst.add.f32.msk $0xffff, v6  }
0x43b: {  	[tilespmem:s11+$0x0] =	vst.add.f32.msk $0xffff, v15  }
0x43c: {  	[tilespmem:s11+$0x60] =	vst.add.f32.msk $0xffff, v1  }
0x43d: {  	[tilespmem:s11+$0x70] =	vst.add.f32.msk $0xffff, v7  }
0x43e: {  	[tilespmem:s11+$0x400] =	vst.add.f32.msk $0xffff, v8  }
0x43f: {  	[tilespmem:s11+$0x410] =	vst.add.f32.msk $0xffff, v9  }
.Ltmp22:
0x440: {  	[tilespmem:s11+$0x420] =	vst.add.f32.msk $0xffff, v10;
	(pc) =	sbr.rel @p0 .LBB2_47-.Ltmp22, $4  }
0x441: {  	[tilespmem:s11+$0x430] =	vst.add.f32.msk $0xffff, v11  }
0x442: {  	[tilespmem:s11+$0x440] =	vst.add.f32.msk $0xffff, v12  }
0x443: {  	[tilespmem:s11+$0x450] =	vst.add.f32.msk $0xffff, v13  }
0x444: {  	s10 =	sadd.s32 $0x800, s10;
	[tilespmem:s11+$0x460] =	vst.add.f32.msk $0xffff, v14  }
0x445: {  	s6 =	sadd.s32 $0x1, s6  }
0x446: {  	p0 =	sne.s32 s6, $0x10  }
.Ltmp23:
0x447: {  	_ = 	snop;
	(pc) =	sbr.rel @p0 .LBB2_46-.Ltmp23, $2  }
0x448: {  	_ =	sdelay $0x2  }
0x449: {  	s5 =	sadd.s32 $0x1, s5;
	s4 =	sadd.s32 $0x400, s4  }
0x44a: {  	s4 =	simm.s32 $0x0;
	s5 =	rddreg [dreg:$0x1b]  }
0x44b: {  	[hbm4b:s5+s4] =	stream.linear.scatter [tilespmem:s16], [sflag:$0x7], $0x4000, $0x38;
	[tilespmem:$0x1C000] =	vst v63  }
0x44c: {  	_ =	swait.ge [sflag:s2], $0x4000  }
0x44d: {  	s10 =	sld [smem:$0x7D5]  }
0x44e: {  	[sflag:s2] =	ssyncset.done $0x0  }
0x44f: {  	[sflag:s2] =	ssyncadd.s32 $0xFFFFC000  }
0x450: {  	[tilespmem:s23], [sflag:$0x5] =	stream.linear.gather [hbm4b:s10+s4], $0x4000, $0x38;
	[tilespmem:$0x1C000] =	vst v63  }
0x451: {  	_ =	swait.ge [sflag:s29], $0x4000  }
0x452: {  	s11 =	sld [smem:$0x7D9]  }
0x453: {  	[sflag:s29] =	ssyncset.done $0x0  }
0x454: {  	[sflag:s29] =	ssyncadd.s32 $0xFFFFC000  }
0x455: {  	[tilespmem:s15], [sflag:$0xB] =	stream.linear.gather [hbm4b:s11+s4], $0x4000, $0x38;
	[tilespmem:$0x1C000] =	vst v63  }
0x456: {  	_ =	swait.ge [sflag:s24], $0x4000  }
0x457: {  	[sflag:s24] =	ssyncset.done $0x0  }
0x458: {  	s6 =	simm.s32 $0x0;
	s5 =	simm.s32 $0x0;
	[sflag:s24] =	ssyncadd.s32 $0xFFFFC000  }
.LBB2_50:
0x459: {  	s7 =	sand.u32 $0x7, s5  }
0x45a: {  	s7 =	sshll.u32 s7, $0x9  }
0x45b: {  	s7 =	sshrl.u32 s7, $0x2  }
0x45c: {  	v0 =	vmov s7;
	_ =	sdelay $0x2  }
0x45d: {  	s8 =	sand.u32 $0x3FFFE000, s4  }
0x45e: {  	s10 =	sadd.s32 $0x18470, s8  }
0x45f: {  	v1 =	vld.idx.msk [tilespmem:v0+s10+$0x0 ss:$0x1], $0xffff  }
0x460: {  	v2 =	vld.idx.msk [tilespmem:v0+s10+$0xFFFFFBA0 ss:$0x1], $0xffff  }
0x461: {  	v3 =	vld.idx.msk [tilespmem:v0+s10+$0xFFFFFBB0 ss:$0x1], $0xffff  }
0x462: {  	v4 =	vld.idx.msk [tilespmem:v0+s10+$0xFFFFFBC0 ss:$0x1], $0xffff  }
0x463: {  	v5 =	vld.idx.msk [tilespmem:v0+s10+$0xFFFFFBD0 ss:$0x1], $0xffff  }
0x464: {  	v6 =	vld.idx.msk [tilespmem:v0+s10+$0xFFFFFBE0 ss:$0x1], $0xffff  }
0x465: {  	v7 =	vld.idx.msk [tilespmem:v0+s10+$0xFFFFFC00 ss:$0x1], $0xffff  }
0x466: {  	v8 =	vld.idx.msk [tilespmem:v0+s10+$0xFFFFFF90 ss:$0x1], $0xffff  }
0x467: {  	v9 =	vld.idx.msk [tilespmem:v0+s10+$0xFFFFFFA0 ss:$0x1], $0xffff  }
0x468: {  	v10 =	vld.idx.msk [tilespmem:v0+s10+$0xFFFFFFB0 ss:$0x1], $0xffff  }
0x469: {  	v11 =	vld.idx.msk [tilespmem:v0+s10+$0xFFFFFFC0 ss:$0x1], $0xffff  }
0x46a: {  	v12 =	vld.idx.msk [tilespmem:v0+s10+$0xFFFFFFD0 ss:$0x1], $0xffff  }
0x46b: {  	v13 =	vld.idx.msk [tilespmem:v0+s10+$0xFFFFFFE0 ss:$0x1], $0xffff  }
0x46c: {  	s8 =	sadd.s32 $0x8000, s8;
	v14 =	vld.idx.msk [tilespmem:v0+s10+$0xFFFFFFF0 ss:$0x1], $0xffff  }
0x46d: {  	s11 =	sadd.s32 s7, s8;
	v15 =	vld.idx.msk [tilespmem:v0+s10+$0xFFFFFB90 ss:$0x1], $0xffff  }
0x46e: {  	[tilespmem:s11+$0x470] =	vst.add.f32.msk $0xffff, v1  }
0x46f: {  	v1 =	vld.idx.msk [tilespmem:v0+s10+$0xFFFFFBF0 ss:$0x1], $0xffff  }
0x470: {  	[tilespmem:s11+$0x10] =	vst.add.f32.msk $0xffff, v2  }
0x471: {  	[tilespmem:s11+$0x20] =	vst.add.f32.msk $0xffff, v3  }
0x472: {  	[tilespmem:s11+$0x30] =	vst.add.f32.msk $0xffff, v4  }
0x473: {  	[tilespmem:s11+$0x40] =	vst.add.f32.msk $0xffff, v5  }
0x474: {  	[tilespmem:s11+$0x50] =	vst.add.f32.msk $0xffff, v6  }
0x475: {  	[tilespmem:s11+$0x0] =	vst.add.f32.msk $0xffff, v15  }
0x476: {  	[tilespmem:s11+$0x70] =	vst.add.f32.msk $0xffff, v7  }
0x477: {  	[tilespmem:s11+$0x400] =	vst.add.f32.msk $0xffff, v8  }
0x478: {  	[tilespmem:s11+$0x410] =	vst.add.f32.msk $0xffff, v9  }
0x479: {  	[tilespmem:s11+$0x420] =	vst.add.f32.msk $0xffff, v10  }
0x47a: {  	[tilespmem:s11+$0x430] =	vst.add.f32.msk $0xffff, v11  }
0x47b: {  	[tilespmem:s11+$0x440] =	vst.add.f32.msk $0xffff, v12  }
0x47c: {  	[tilespmem:s11+$0x450] =	vst.add.f32.msk $0xffff, v13  }
0x47d: {  	[tilespmem:s11+$0x460] =	vst.add.f32.msk $0xffff, v14  }
0x47e: {  	s9 =	simm.s32 $0x0;
	s10 =	sadd.s32 $0x800, s10;
	[tilespmem:s11+$0x60] =	vst.add.f32.msk $0xffff, v1  }
.LBB2_51:
0x47f: {  	v1 =	vld.idx.msk [tilespmem:v0+s10+$0x0 ss:$0x1], $0xffff;
	s9 =	sadd.s32 $0x100, s9  }
0x480: {  	v2 =	vld.idx.msk [tilespmem:v0+s10+$0xFFFFFBA0 ss:$0x1], $0xffff;
	p0 =	slt.u32 s9, $0x300  }
0x481: {  	v3 =	vld.idx.msk [tilespmem:v0+s10+$0xFFFFFBB0 ss:$0x1], $0xffff  }
0x482: {  	v4 =	vld.idx.msk [tilespmem:v0+s10+$0xFFFFFBC0 ss:$0x1], $0xffff  }
0x483: {  	s8 =	sadd.s32 $0x800, s8;
	v5 =	vld.idx.msk [tilespmem:v0+s10+$0xFFFFFBD0 ss:$0x1], $0xffff  }
0x484: {  	s11 =	sadd.s32 s7, s8;
	v6 =	vld.idx.msk [tilespmem:v0+s10+$0xFFFFFBE0 ss:$0x1], $0xffff  }
0x485: {  	[tilespmem:s11+$0x470] =	vst.add.f32.msk $0xffff, v1  }
0x486: {  	v1 =	vld.idx.msk [tilespmem:v0+s10+$0xFFFFFBF0 ss:$0x1], $0xffff  }
0x487: {  	v7 =	vld.idx.msk [tilespmem:v0+s10+$0xFFFFFC00 ss:$0x1], $0xffff  }
0x488: {  	v8 =	vld.idx.msk [tilespmem:v0+s10+$0xFFFFFF90 ss:$0x1], $0xffff  }
0x489: {  	v9 =	vld.idx.msk [tilespmem:v0+s10+$0xFFFFFFA0 ss:$0x1], $0xffff  }
0x48a: {  	v10 =	vld.idx.msk [tilespmem:v0+s10+$0xFFFFFFB0 ss:$0x1], $0xffff  }
0x48b: {  	v11 =	vld.idx.msk [tilespmem:v0+s10+$0xFFFFFFC0 ss:$0x1], $0xffff  }
0x48c: {  	v12 =	vld.idx.msk [tilespmem:v0+s10+$0xFFFFFFD0 ss:$0x1], $0xffff  }
0x48d: {  	v13 =	vld.idx.msk [tilespmem:v0+s10+$0xFFFFFFE0 ss:$0x1], $0xffff  }
0x48e: {  	v14 =	vld.idx.msk [tilespmem:v0+s10+$0xFFFFFFF0 ss:$0x1], $0xffff  }
0x48f: {  	v15 =	vld.idx.msk [tilespmem:v0+s10+$0xFFFFFB90 ss:$0x1], $0xffff  }
0x490: {  	[tilespmem:s11+$0x10] =	vst.add.f32.msk $0xffff, v2  }
0x491: {  	[tilespmem:s11+$0x20] =	vst.add.f32.msk $0xffff, v3  }
0x492: {  	[tilespmem:s11+$0x30] =	vst.add.f32.msk $0xffff, v4  }
0x493: {  	[tilespmem:s11+$0x40] =	vst.add.f32.msk $0xffff, v5  }
0x494: {  	[tilespmem:s11+$0x50] =	vst.add.f32.msk $0xffff, v6  }
0x495: {  	[tilespmem:s11+$0x0] =	vst.add.f32.msk $0xffff, v15  }
0x496: {  	[tilespmem:s11+$0x60] =	vst.add.f32.msk $0xffff, v1  }
0x497: {  	[tilespmem:s11+$0x70] =	vst.add.f32.msk $0xffff, v7  }
0x498: {  	[tilespmem:s11+$0x400] =	vst.add.f32.msk $0xffff, v8  }
0x499: {  	[tilespmem:s11+$0x410] =	vst.add.f32.msk $0xffff, v9  }
.Ltmp24:
0x49a: {  	[tilespmem:s11+$0x420] =	vst.add.f32.msk $0xffff, v10;
	(pc) =	sbr.rel @p0 .LBB2_51-.Ltmp24, $4  }
0x49b: {  	[tilespmem:s11+$0x430] =	vst.add.f32.msk $0xffff, v11  }
0x49c: {  	[tilespmem:s11+$0x440] =	vst.add.f32.msk $0xffff, v12  }
0x49d: {  	[tilespmem:s11+$0x450] =	vst.add.f32.msk $0xffff, v13  }
0x49e: {  	s10 =	sadd.s32 $0x800, s10;
	[tilespmem:s11+$0x460] =	vst.add.f32.msk $0xffff, v14  }
0x49f: {  	s6 =	sadd.s32 $0x1, s6  }
0x4a0: {  	p0 =	sne.s32 s6, $0x10  }
.Ltmp25:
0x4a1: {  	_ = 	snop;
	(pc) =	sbr.rel @p0 .LBB2_50-.Ltmp25, $2  }
0x4a2: {  	_ =	sdelay $0x2  }
0x4a3: {  	s5 =	sadd.s32 $0x1, s5;
	s4 =	sadd.s32 $0x400, s4  }
0x4a4: {  	s4 =	simm.s32 $0x0;
	s5 =	rddreg [dreg:$0x1e]  }
0x4a5: {  	[hbm4b:s5+s4] =	stream.linear.scatter [tilespmem:s17], [sflag:$0x8], $0x4000, $0x38;
	[tilespmem:$0x1C000] =	vst v63  }
0x4a6: {  	_ =	swait.ge [sflag:s25], $0x4000  }
0x4a7: {  	s11 =	sld [smem:$0x7D7]  }
0x4a8: {  	[sflag:s25] =	ssyncset.done $0x0  }
0x4a9: {  	[sflag:s25] =	ssyncadd.s32 $0xFFFFC000  }
0x4aa: {  	[tilespmem:s4], [sflag:$0x1] =	stream.linear.gather [hbm4b:s11+s4], $0x4000, $0x38;
	[tilespmem:$0x1C000] =	vst v63  }
0x4ab: {  	_ =	swait.ge [sflag:s26], $0x4000  }
0x4ac: {  	[sflag:s26] =	ssyncset.done $0x0  }
0x4ad: {  	s6 =	simm.s32 $0x0;
	s5 =	simm.s32 $0x0;
	[sflag:s26] =	ssyncadd.s32 $0xFFFFC000  }
.LBB2_54:
0x4ae: {  	s7 =	sand.u32 $0x7, s5  }
0x4af: {  	s7 =	sshll.u32 s7, $0x9  }
0x4b0: {  	s7 =	sshrl.u32 s7, $0x2  }
0x4b1: {  	v0 =	vmov s7;
	_ =	sdelay $0x2  }
0x4b2: {  	s8 =	sand.u32 $0x3FFFE000, s4  }
0x4b3: {  	s10 =	sadd.s32 $0x18470, s8  }
0x4b4: {  	v1 =	vld.idx.msk [tilespmem:v0+s10+$0x0 ss:$0x1], $0xffff  }
0x4b5: {  	v2 =	vld.idx.msk [tilespmem:v0+s10+$0xFFFFFBA0 ss:$0x1], $0xffff  }
0x4b6: {  	v3 =	vld.idx.msk [tilespmem:v0+s10+$0xFFFFFBB0 ss:$0x1], $0xffff  }
0x4b7: {  	v4 =	vld.idx.msk [tilespmem:v0+s10+$0xFFFFFBC0 ss:$0x1], $0xffff  }
0x4b8: {  	v5 =	vld.idx.msk [tilespmem:v0+s10+$0xFFFFFBD0 ss:$0x1], $0xffff  }
0x4b9: {  	v6 =	vld.idx.msk [tilespmem:v0+s10+$0xFFFFFBE0 ss:$0x1], $0xffff  }
0x4ba: {  	v7 =	vld.idx.msk [tilespmem:v0+s10+$0xFFFFFC00 ss:$0x1], $0xffff  }
0x4bb: {  	v8 =	vld.idx.msk [tilespmem:v0+s10+$0xFFFFFF90 ss:$0x1], $0xffff  }
0x4bc: {  	v9 =	vld.idx.msk [tilespmem:v0+s10+$0xFFFFFFA0 ss:$0x1], $0xffff  }
0x4bd: {  	v10 =	vld.idx.msk [tilespmem:v0+s10+$0xFFFFFFB0 ss:$0x1], $0xffff  }
0x4be: {  	v11 =	vld.idx.msk [tilespmem:v0+s10+$0xFFFFFFC0 ss:$0x1], $0xffff  }
0x4bf: {  	v12 =	vld.idx.msk [tilespmem:v0+s10+$0xFFFFFFD0 ss:$0x1], $0xffff  }
0x4c0: {  	v13 =	vld.idx.msk [tilespmem:v0+s10+$0xFFFFFFE0 ss:$0x1], $0xffff  }
0x4c1: {  	s8 =	sadd.s32 $0xC000, s8;
	v14 =	vld.idx.msk [tilespmem:v0+s10+$0xFFFFFFF0 ss:$0x1], $0xffff  }
0x4c2: {  	s11 =	sadd.s32 s7, s8;
	v15 =	vld.idx.msk [tilespmem:v0+s10+$0xFFFFFB90 ss:$0x1], $0xffff  }
0x4c3: {  	[tilespmem:s11+$0x470] =	vst.add.f32.msk $0xffff, v1  }
0x4c4: {  	v1 =	vld.idx.msk [tilespmem:v0+s10+$0xFFFFFBF0 ss:$0x1], $0xffff  }
0x4c5: {  	[tilespmem:s11+$0x10] =	vst.add.f32.msk $0xffff, v2  }
0x4c6: {  	[tilespmem:s11+$0x20] =	vst.add.f32.msk $0xffff, v3  }
0x4c7: {  	[tilespmem:s11+$0x30] =	vst.add.f32.msk $0xffff, v4  }
0x4c8: {  	[tilespmem:s11+$0x40] =	vst.add.f32.msk $0xffff, v5  }
0x4c9: {  	[tilespmem:s11+$0x50] =	vst.add.f32.msk $0xffff, v6  }
0x4ca: {  	[tilespmem:s11+$0x0] =	vst.add.f32.msk $0xffff, v15  }
0x4cb: {  	[tilespmem:s11+$0x70] =	vst.add.f32.msk $0xffff, v7  }
0x4cc: {  	[tilespmem:s11+$0x400] =	vst.add.f32.msk $0xffff, v8  }
0x4cd: {  	[tilespmem:s11+$0x410] =	vst.add.f32.msk $0xffff, v9  }
0x4ce: {  	[tilespmem:s11+$0x420] =	vst.add.f32.msk $0xffff, v10  }
0x4cf: {  	[tilespmem:s11+$0x430] =	vst.add.f32.msk $0xffff, v11  }
0x4d0: {  	[tilespmem:s11+$0x440] =	vst.add.f32.msk $0xffff, v12  }
0x4d1: {  	[tilespmem:s11+$0x450] =	vst.add.f32.msk $0xffff, v13  }
0x4d2: {  	[tilespmem:s11+$0x460] =	vst.add.f32.msk $0xffff, v14  }
0x4d3: {  	s9 =	simm.s32 $0x0;
	s10 =	sadd.s32 $0x800, s10;
	[tilespmem:s11+$0x60] =	vst.add.f32.msk $0xffff, v1  }
.LBB2_55:
0x4d4: {  	v1 =	vld.idx.msk [tilespmem:v0+s10+$0x0 ss:$0x1], $0xffff;
	s9 =	sadd.s32 $0x100, s9  }
0x4d5: {  	v2 =	vld.idx.msk [tilespmem:v0+s10+$0xFFFFFBA0 ss:$0x1], $0xffff;
	p0 =	slt.u32 s9, $0x300  }
0x4d6: {  	v3 =	vld.idx.msk [tilespmem:v0+s10+$0xFFFFFBB0 ss:$0x1], $0xffff  }
0x4d7: {  	v4 =	vld.idx.msk [tilespmem:v0+s10+$0xFFFFFBC0 ss:$0x1], $0xffff  }
0x4d8: {  	s8 =	sadd.s32 $0x800, s8;
	v5 =	vld.idx.msk [tilespmem:v0+s10+$0xFFFFFBD0 ss:$0x1], $0xffff  }
0x4d9: {  	s11 =	sadd.s32 s7, s8;
	v6 =	vld.idx.msk [tilespmem:v0+s10+$0xFFFFFBE0 ss:$0x1], $0xffff  }
0x4da: {  	[tilespmem:s11+$0x470] =	vst.add.f32.msk $0xffff, v1  }
0x4db: {  	v1 =	vld.idx.msk [tilespmem:v0+s10+$0xFFFFFBF0 ss:$0x1], $0xffff  }
0x4dc: {  	v7 =	vld.idx.msk [tilespmem:v0+s10+$0xFFFFFC00 ss:$0x1], $0xffff  }
0x4dd: {  	v8 =	vld.idx.msk [tilespmem:v0+s10+$0xFFFFFF90 ss:$0x1], $0xffff  }
0x4de: {  	v9 =	vld.idx.msk [tilespmem:v0+s10+$0xFFFFFFA0 ss:$0x1], $0xffff  }
0x4df: {  	v10 =	vld.idx.msk [tilespmem:v0+s10+$0xFFFFFFB0 ss:$0x1], $0xffff  }
0x4e0: {  	v11 =	vld.idx.msk [tilespmem:v0+s10+$0xFFFFFFC0 ss:$0x1], $0xffff  }
0x4e1: {  	v12 =	vld.idx.msk [tilespmem:v0+s10+$0xFFFFFFD0 ss:$0x1], $0xffff  }
0x4e2: {  	v13 =	vld.idx.msk [tilespmem:v0+s10+$0xFFFFFFE0 ss:$0x1], $0xffff  }
0x4e3: {  	v14 =	vld.idx.msk [tilespmem:v0+s10+$0xFFFFFFF0 ss:$0x1], $0xffff  }
0x4e4: {  	v15 =	vld.idx.msk [tilespmem:v0+s10+$0xFFFFFB90 ss:$0x1], $0xffff  }
0x4e5: {  	[tilespmem:s11+$0x10] =	vst.add.f32.msk $0xffff, v2  }
0x4e6: {  	[tilespmem:s11+$0x20] =	vst.add.f32.msk $0xffff, v3  }
0x4e7: {  	[tilespmem:s11+$0x30] =	vst.add.f32.msk $0xffff, v4  }
0x4e8: {  	[tilespmem:s11+$0x40] =	vst.add.f32.msk $0xffff, v5  }
0x4e9: {  	[tilespmem:s11+$0x50] =	vst.add.f32.msk $0xffff, v6  }
0x4ea: {  	[tilespmem:s11+$0x0] =	vst.add.f32.msk $0xffff, v15  }
0x4eb: {  	[tilespmem:s11+$0x60] =	vst.add.f32.msk $0xffff, v1  }
0x4ec: {  	[tilespmem:s11+$0x70] =	vst.add.f32.msk $0xffff, v7  }
0x4ed: {  	[tilespmem:s11+$0x400] =	vst.add.f32.msk $0xffff, v8  }
0x4ee: {  	[tilespmem:s11+$0x410] =	vst.add.f32.msk $0xffff, v9  }
.Ltmp26:
0x4ef: {  	[tilespmem:s11+$0x420] =	vst.add.f32.msk $0xffff, v10;
	(pc) =	sbr.rel @p0 .LBB2_55-.Ltmp26, $4  }
0x4f0: {  	[tilespmem:s11+$0x430] =	vst.add.f32.msk $0xffff, v11  }
0x4f1: {  	[tilespmem:s11+$0x440] =	vst.add.f32.msk $0xffff, v12  }
0x4f2: {  	[tilespmem:s11+$0x450] =	vst.add.f32.msk $0xffff, v13  }
0x4f3: {  	s10 =	sadd.s32 $0x800, s10;
	[tilespmem:s11+$0x460] =	vst.add.f32.msk $0xffff, v14  }
0x4f4: {  	s6 =	sadd.s32 $0x1, s6  }
0x4f5: {  	p0 =	sne.s32 s6, $0x10  }
.Ltmp27:
0x4f6: {  	_ = 	snop;
	(pc) =	sbr.rel @p0 .LBB2_54-.Ltmp27, $2  }
0x4f7: {  	_ =	sdelay $0x2  }
0x4f8: {  	s5 =	sadd.s32 $0x1, s5;
	s4 =	sadd.s32 $0x400, s4  }
0x4f9: {  	s5 =	sld [smem:$0x7D4];
	_ =	sdelay $0x1  }
0x4fa: {  	s4 =	simm.s32 $0x0  }
0x4fb: {  	[hbm4b:s5+s4] =	stream.linear.scatter [tilespmem:s21], [sflag:$0x9], $0x4000, $0x38;
	[tilespmem:$0x1C000] =	vst v63  }
0x4fc: {  	_ =	swait.ge [sflag:s28], $0x4000  }
0x4fd: {  	s11 =	sld [smem:$0x7DA]  }
0x4fe: {  	[sflag:s28] =	ssyncset.done $0x0  }
0x4ff: {  	[sflag:s28] =	ssyncadd.s32 $0xFFFFC000  }
0x500: {  	[tilespmem:s16], [sflag:$0x2] =	stream.linear.gather [hbm4b:s11+s4], $0x4000, $0x38;
	[tilespmem:$0x1C000] =	vst v63  }
0x501: {  	_ =	swait.ge [sflag:s30], $0x4000  }
0x502: {  	[sflag:s30] =	ssyncset.done $0x0  }
0x503: {  	s6 =	simm.s32 $0x0;
	s5 =	simm.s32 $0x0;
	[sflag:s30] =	ssyncadd.s32 $0xFFFFC000  }
.LBB2_58:
0x504: {  	s7 =	sand.u32 $0x7, s5  }
0x505: {  	s7 =	sshll.u32 s7, $0x9  }
0x506: {  	s7 =	sshrl.u32 s7, $0x2  }
0x507: {  	v0 =	vmov s7;
	_ =	sdelay $0x2  }
0x508: {  	s8 =	sand.u32 $0x3FFFE000, s4  }
0x509: {  	s10 =	sadd.s32 $0x18470, s8  }
0x50a: {  	v1 =	vld.idx.msk [tilespmem:v0+s10+$0x0 ss:$0x1], $0xffff  }
0x50b: {  	v2 =	vld.idx.msk [tilespmem:v0+s10+$0xFFFFFBA0 ss:$0x1], $0xffff  }
0x50c: {  	v3 =	vld.idx.msk [tilespmem:v0+s10+$0xFFFFFBB0 ss:$0x1], $0xffff  }
0x50d: {  	v4 =	vld.idx.msk [tilespmem:v0+s10+$0xFFFFFBC0 ss:$0x1], $0xffff  }
0x50e: {  	v5 =	vld.idx.msk [tilespmem:v0+s10+$0xFFFFFBD0 ss:$0x1], $0xffff  }
0x50f: {  	v6 =	vld.idx.msk [tilespmem:v0+s10+$0xFFFFFBE0 ss:$0x1], $0xffff  }
0x510: {  	v7 =	vld.idx.msk [tilespmem:v0+s10+$0xFFFFFC00 ss:$0x1], $0xffff  }
0x511: {  	v8 =	vld.idx.msk [tilespmem:v0+s10+$0xFFFFFF90 ss:$0x1], $0xffff  }
0x512: {  	v9 =	vld.idx.msk [tilespmem:v0+s10+$0xFFFFFFA0 ss:$0x1], $0xffff  }
0x513: {  	v10 =	vld.idx.msk [tilespmem:v0+s10+$0xFFFFFFB0 ss:$0x1], $0xffff  }
0x514: {  	v11 =	vld.idx.msk [tilespmem:v0+s10+$0xFFFFFFC0 ss:$0x1], $0xffff  }
0x515: {  	v12 =	vld.idx.msk [tilespmem:v0+s10+$0xFFFFFFD0 ss:$0x1], $0xffff  }
0x516: {  	v13 =	vld.idx.msk [tilespmem:v0+s10+$0xFFFFFFE0 ss:$0x1], $0xffff  }
0x517: {  	s8 =	sadd.s32 $0x10000, s8;
	v14 =	vld.idx.msk [tilespmem:v0+s10+$0xFFFFFFF0 ss:$0x1], $0xffff  }
0x518: {  	s11 =	sadd.s32 s7, s8;
	v15 =	vld.idx.msk [tilespmem:v0+s10+$0xFFFFFB90 ss:$0x1], $0xffff  }
0x519: {  	[tilespmem:s11+$0x470] =	vst.add.f32.msk $0xffff, v1  }
0x51a: {  	v1 =	vld.idx.msk [tilespmem:v0+s10+$0xFFFFFBF0 ss:$0x1], $0xffff  }
0x51b: {  	[tilespmem:s11+$0x10] =	vst.add.f32.msk $0xffff, v2  }
0x51c: {  	[tilespmem:s11+$0x20] =	vst.add.f32.msk $0xffff, v3  }
0x51d: {  	[tilespmem:s11+$0x30] =	vst.add.f32.msk $0xffff, v4  }
0x51e: {  	[tilespmem:s11+$0x40] =	vst.add.f32.msk $0xffff, v5  }
0x51f: {  	[tilespmem:s11+$0x50] =	vst.add.f32.msk $0xffff, v6  }
0x520: {  	[tilespmem:s11+$0x0] =	vst.add.f32.msk $0xffff, v15  }
0x521: {  	[tilespmem:s11+$0x70] =	vst.add.f32.msk $0xffff, v7  }
0x522: {  	[tilespmem:s11+$0x400] =	vst.add.f32.msk $0xffff, v8  }
0x523: {  	[tilespmem:s11+$0x410] =	vst.add.f32.msk $0xffff, v9  }
0x524: {  	[tilespmem:s11+$0x420] =	vst.add.f32.msk $0xffff, v10  }
0x525: {  	[tilespmem:s11+$0x430] =	vst.add.f32.msk $0xffff, v11  }
0x526: {  	[tilespmem:s11+$0x440] =	vst.add.f32.msk $0xffff, v12  }
0x527: {  	[tilespmem:s11+$0x450] =	vst.add.f32.msk $0xffff, v13  }
0x528: {  	[tilespmem:s11+$0x460] =	vst.add.f32.msk $0xffff, v14  }
0x529: {  	s9 =	simm.s32 $0x0;
	s10 =	sadd.s32 $0x800, s10;
	[tilespmem:s11+$0x60] =	vst.add.f32.msk $0xffff, v1  }
.LBB2_59:
0x52a: {  	v1 =	vld.idx.msk [tilespmem:v0+s10+$0x0 ss:$0x1], $0xffff;
	s9 =	sadd.s32 $0x100, s9  }
0x52b: {  	v2 =	vld.idx.msk [tilespmem:v0+s10+$0xFFFFFBA0 ss:$0x1], $0xffff;
	p0 =	slt.u32 s9, $0x300  }
0x52c: {  	v3 =	vld.idx.msk [tilespmem:v0+s10+$0xFFFFFBB0 ss:$0x1], $0xffff  }
0x52d: {  	v4 =	vld.idx.msk [tilespmem:v0+s10+$0xFFFFFBC0 ss:$0x1], $0xffff  }
0x52e: {  	s8 =	sadd.s32 $0x800, s8;
	v5 =	vld.idx.msk [tilespmem:v0+s10+$0xFFFFFBD0 ss:$0x1], $0xffff  }
0x52f: {  	s11 =	sadd.s32 s7, s8;
	v6 =	vld.idx.msk [tilespmem:v0+s10+$0xFFFFFBE0 ss:$0x1], $0xffff  }
0x530: {  	[tilespmem:s11+$0x470] =	vst.add.f32.msk $0xffff, v1  }
0x531: {  	v1 =	vld.idx.msk [tilespmem:v0+s10+$0xFFFFFBF0 ss:$0x1], $0xffff  }
0x532: {  	v7 =	vld.idx.msk [tilespmem:v0+s10+$0xFFFFFC00 ss:$0x1], $0xffff  }
0x533: {  	v8 =	vld.idx.msk [tilespmem:v0+s10+$0xFFFFFF90 ss:$0x1], $0xffff  }
0x534: {  	v9 =	vld.idx.msk [tilespmem:v0+s10+$0xFFFFFFA0 ss:$0x1], $0xffff  }
0x535: {  	v10 =	vld.idx.msk [tilespmem:v0+s10+$0xFFFFFFB0 ss:$0x1], $0xffff  }
0x536: {  	v11 =	vld.idx.msk [tilespmem:v0+s10+$0xFFFFFFC0 ss:$0x1], $0xffff  }
0x537: {  	v12 =	vld.idx.msk [tilespmem:v0+s10+$0xFFFFFFD0 ss:$0x1], $0xffff  }
0x538: {  	v13 =	vld.idx.msk [tilespmem:v0+s10+$0xFFFFFFE0 ss:$0x1], $0xffff  }
0x539: {  	v14 =	vld.idx.msk [tilespmem:v0+s10+$0xFFFFFFF0 ss:$0x1], $0xffff  }
0x53a: {  	v15 =	vld.idx.msk [tilespmem:v0+s10+$0xFFFFFB90 ss:$0x1], $0xffff  }
0x53b: {  	[tilespmem:s11+$0x10] =	vst.add.f32.msk $0xffff, v2  }
0x53c: {  	[tilespmem:s11+$0x20] =	vst.add.f32.msk $0xffff, v3  }
0x53d: {  	[tilespmem:s11+$0x30] =	vst.add.f32.msk $0xffff, v4  }
0x53e: {  	[tilespmem:s11+$0x40] =	vst.add.f32.msk $0xffff, v5  }
0x53f: {  	[tilespmem:s11+$0x50] =	vst.add.f32.msk $0xffff, v6  }
0x540: {  	[tilespmem:s11+$0x0] =	vst.add.f32.msk $0xffff, v15  }
0x541: {  	[tilespmem:s11+$0x60] =	vst.add.f32.msk $0xffff, v1  }
0x542: {  	[tilespmem:s11+$0x70] =	vst.add.f32.msk $0xffff, v7  }
0x543: {  	[tilespmem:s11+$0x400] =	vst.add.f32.msk $0xffff, v8  }
0x544: {  	[tilespmem:s11+$0x410] =	vst.add.f32.msk $0xffff, v9  }
.Ltmp28:
0x545: {  	[tilespmem:s11+$0x420] =	vst.add.f32.msk $0xffff, v10;
	(pc) =	sbr.rel @p0 .LBB2_59-.Ltmp28, $4  }
0x546: {  	[tilespmem:s11+$0x430] =	vst.add.f32.msk $0xffff, v11  }
0x547: {  	[tilespmem:s11+$0x440] =	vst.add.f32.msk $0xffff, v12  }
0x548: {  	[tilespmem:s11+$0x450] =	vst.add.f32.msk $0xffff, v13  }
0x549: {  	s10 =	sadd.s32 $0x800, s10;
	[tilespmem:s11+$0x460] =	vst.add.f32.msk $0xffff, v14  }
0x54a: {  	s6 =	sadd.s32 $0x1, s6  }
0x54b: {  	p0 =	sne.s32 s6, $0x10  }
.Ltmp29:
0x54c: {  	_ = 	snop;
	(pc) =	sbr.rel @p0 .LBB2_58-.Ltmp29, $2  }
0x54d: {  	_ =	sdelay $0x2  }
0x54e: {  	s5 =	sadd.s32 $0x1, s5;
	s4 =	sadd.s32 $0x400, s4  }
0x54f: {  	s5 =	sld [smem:$0x7D6];
	_ =	sdelay $0x1  }
0x550: {  	s4 =	simm.s32 $0x0  }
0x551: {  	[hbm4b:s5+s4] =	stream.linear.scatter [tilespmem:s23], [sflag:$0xA], $0x4000, $0x38;
	[tilespmem:$0x1C000] =	vst v63  }
0x552: {  	_ =	swait.ge [sflag:s31], $0x4000  }
0x553: {  	s11 =	sld [smem:$0x7DC]  }
0x554: {  	[sflag:s31] =	ssyncset.done $0x0  }
0x555: {  	[sflag:s31] =	ssyncadd.s32 $0xFFFFC000  }
0x556: {  	[tilespmem:s17], [sflag:$0x3] =	stream.linear.gather [hbm4b:s11+s4], $0x4000, $0x38;
	[tilespmem:$0x1C000] =	vst v63  }
0x557: {  	_ =	swait.ge [sflag:s20], $0x4000  }
0x558: {  	[sflag:s20] =	ssyncset.done $0x0  }
0x559: {  	s6 =	simm.s32 $0x0;
	s5 =	simm.s32 $0x0;
	[sflag:s20] =	ssyncadd.s32 $0xFFFFC000  }
.LBB2_62:
0x55a: {  	s7 =	sand.u32 $0x7, s5  }
0x55b: {  	s7 =	sshll.u32 s7, $0x9  }
0x55c: {  	s7 =	sshrl.u32 s7, $0x2  }
0x55d: {  	v0 =	vmov s7;
	_ =	sdelay $0x2  }
0x55e: {  	s8 =	sand.u32 $0x3FFFE000, s4  }
0x55f: {  	s10 =	sadd.s32 $0x18470, s8  }
0x560: {  	v1 =	vld.idx.msk [tilespmem:v0+s10+$0x0 ss:$0x1], $0xffff  }
0x561: {  	v2 =	vld.idx.msk [tilespmem:v0+s10+$0xFFFFFBA0 ss:$0x1], $0xffff  }
0x562: {  	v3 =	vld.idx.msk [tilespmem:v0+s10+$0xFFFFFBB0 ss:$0x1], $0xffff  }
0x563: {  	v4 =	vld.idx.msk [tilespmem:v0+s10+$0xFFFFFBC0 ss:$0x1], $0xffff  }
0x564: {  	v5 =	vld.idx.msk [tilespmem:v0+s10+$0xFFFFFBD0 ss:$0x1], $0xffff  }
0x565: {  	v6 =	vld.idx.msk [tilespmem:v0+s10+$0xFFFFFBE0 ss:$0x1], $0xffff  }
0x566: {  	v7 =	vld.idx.msk [tilespmem:v0+s10+$0xFFFFFC00 ss:$0x1], $0xffff  }
0x567: {  	v8 =	vld.idx.msk [tilespmem:v0+s10+$0xFFFFFF90 ss:$0x1], $0xffff  }
0x568: {  	v9 =	vld.idx.msk [tilespmem:v0+s10+$0xFFFFFFA0 ss:$0x1], $0xffff  }
0x569: {  	v10 =	vld.idx.msk [tilespmem:v0+s10+$0xFFFFFFB0 ss:$0x1], $0xffff  }
0x56a: {  	v11 =	vld.idx.msk [tilespmem:v0+s10+$0xFFFFFFC0 ss:$0x1], $0xffff  }
0x56b: {  	v12 =	vld.idx.msk [tilespmem:v0+s10+$0xFFFFFFD0 ss:$0x1], $0xffff  }
0x56c: {  	v13 =	vld.idx.msk [tilespmem:v0+s10+$0xFFFFFFE0 ss:$0x1], $0xffff  }
0x56d: {  	v14 =	vld.idx.msk [tilespmem:v0+s10+$0xFFFFFFF0 ss:$0x1], $0xffff  }
0x56e: {  	s11 =	sadd.s32 s7, s8;
	v15 =	vld.idx.msk [tilespmem:v0+s10+$0xFFFFFB90 ss:$0x1], $0xffff  }
0x56f: {  	[tilespmem:s11+$0x470] =	vst.add.f32.msk $0xffff, v1  }
0x570: {  	v1 =	vld.idx.msk [tilespmem:v0+s10+$0xFFFFFBF0 ss:$0x1], $0xffff  }
0x571: {  	[tilespmem:s11+$0x10] =	vst.add.f32.msk $0xffff, v2  }
0x572: {  	[tilespmem:s11+$0x20] =	vst.add.f32.msk $0xffff, v3  }
0x573: {  	[tilespmem:s11+$0x30] =	vst.add.f32.msk $0xffff, v4  }
0x574: {  	[tilespmem:s11+$0x40] =	vst.add.f32.msk $0xffff, v5  }
0x575: {  	[tilespmem:s11+$0x50] =	vst.add.f32.msk $0xffff, v6  }
0x576: {  	[tilespmem:s11+$0x0] =	vst.add.f32.msk $0xffff, v15  }
0x577: {  	[tilespmem:s11+$0x70] =	vst.add.f32.msk $0xffff, v7  }
0x578: {  	[tilespmem:s11+$0x400] =	vst.add.f32.msk $0xffff, v8  }
0x579: {  	[tilespmem:s11+$0x410] =	vst.add.f32.msk $0xffff, v9  }
0x57a: {  	[tilespmem:s11+$0x420] =	vst.add.f32.msk $0xffff, v10  }
0x57b: {  	[tilespmem:s11+$0x430] =	vst.add.f32.msk $0xffff, v11  }
0x57c: {  	[tilespmem:s11+$0x440] =	vst.add.f32.msk $0xffff, v12  }
0x57d: {  	[tilespmem:s11+$0x450] =	vst.add.f32.msk $0xffff, v13  }
0x57e: {  	[tilespmem:s11+$0x460] =	vst.add.f32.msk $0xffff, v14  }
0x57f: {  	s9 =	simm.s32 $0x0;
	s10 =	sadd.s32 $0x800, s10;
	[tilespmem:s11+$0x60] =	vst.add.f32.msk $0xffff, v1  }
.LBB2_63:
0x580: {  	v1 =	vld.idx.msk [tilespmem:v0+s10+$0x0 ss:$0x1], $0xffff;
	s9 =	sadd.s32 $0x100, s9  }
0x581: {  	v2 =	vld.idx.msk [tilespmem:v0+s10+$0xFFFFFBA0 ss:$0x1], $0xffff;
	p0 =	slt.u32 s9, $0x300  }
0x582: {  	v3 =	vld.idx.msk [tilespmem:v0+s10+$0xFFFFFBB0 ss:$0x1], $0xffff  }
0x583: {  	v4 =	vld.idx.msk [tilespmem:v0+s10+$0xFFFFFBC0 ss:$0x1], $0xffff  }
0x584: {  	s8 =	sadd.s32 $0x800, s8;
	v5 =	vld.idx.msk [tilespmem:v0+s10+$0xFFFFFBD0 ss:$0x1], $0xffff  }
0x585: {  	s11 =	sadd.s32 s7, s8;
	v6 =	vld.idx.msk [tilespmem:v0+s10+$0xFFFFFBE0 ss:$0x1], $0xffff  }
0x586: {  	[tilespmem:s11+$0x470] =	vst.add.f32.msk $0xffff, v1  }
0x587: {  	v1 =	vld.idx.msk [tilespmem:v0+s10+$0xFFFFFBF0 ss:$0x1], $0xffff  }
0x588: {  	v7 =	vld.idx.msk [tilespmem:v0+s10+$0xFFFFFC00 ss:$0x1], $0xffff  }
0x589: {  	v8 =	vld.idx.msk [tilespmem:v0+s10+$0xFFFFFF90 ss:$0x1], $0xffff  }
0x58a: {  	v9 =	vld.idx.msk [tilespmem:v0+s10+$0xFFFFFFA0 ss:$0x1], $0xffff  }
0x58b: {  	v10 =	vld.idx.msk [tilespmem:v0+s10+$0xFFFFFFB0 ss:$0x1], $0xffff  }
0x58c: {  	v11 =	vld.idx.msk [tilespmem:v0+s10+$0xFFFFFFC0 ss:$0x1], $0xffff  }
0x58d: {  	v12 =	vld.idx.msk [tilespmem:v0+s10+$0xFFFFFFD0 ss:$0x1], $0xffff  }
0x58e: {  	v13 =	vld.idx.msk [tilespmem:v0+s10+$0xFFFFFFE0 ss:$0x1], $0xffff  }
0x58f: {  	v14 =	vld.idx.msk [tilespmem:v0+s10+$0xFFFFFFF0 ss:$0x1], $0xffff  }
0x590: {  	v15 =	vld.idx.msk [tilespmem:v0+s10+$0xFFFFFB90 ss:$0x1], $0xffff  }
0x591: {  	[tilespmem:s11+$0x10] =	vst.add.f32.msk $0xffff, v2  }
0x592: {  	[tilespmem:s11+$0x20] =	vst.add.f32.msk $0xffff, v3  }
0x593: {  	[tilespmem:s11+$0x30] =	vst.add.f32.msk $0xffff, v4  }
0x594: {  	[tilespmem:s11+$0x40] =	vst.add.f32.msk $0xffff, v5  }
0x595: {  	[tilespmem:s11+$0x50] =	vst.add.f32.msk $0xffff, v6  }
0x596: {  	[tilespmem:s11+$0x0] =	vst.add.f32.msk $0xffff, v15  }
0x597: {  	[tilespmem:s11+$0x60] =	vst.add.f32.msk $0xffff, v1  }
0x598: {  	[tilespmem:s11+$0x70] =	vst.add.f32.msk $0xffff, v7  }
0x599: {  	[tilespmem:s11+$0x400] =	vst.add.f32.msk $0xffff, v8  }
0x59a: {  	[tilespmem:s11+$0x410] =	vst.add.f32.msk $0xffff, v9  }
.Ltmp30:
0x59b: {  	[tilespmem:s11+$0x420] =	vst.add.f32.msk $0xffff, v10;
	(pc) =	sbr.rel @p0 .LBB2_63-.Ltmp30, $4  }
0x59c: {  	[tilespmem:s11+$0x430] =	vst.add.f32.msk $0xffff, v11  }
0x59d: {  	[tilespmem:s11+$0x440] =	vst.add.f32.msk $0xffff, v12  }
0x59e: {  	[tilespmem:s11+$0x450] =	vst.add.f32.msk $0xffff, v13  }
0x59f: {  	s10 =	sadd.s32 $0x800, s10;
	[tilespmem:s11+$0x460] =	vst.add.f32.msk $0xffff, v14  }
0x5a0: {  	s6 =	sadd.s32 $0x1, s6  }
0x5a1: {  	p0 =	sne.s32 s6, $0x10  }
.Ltmp31:
0x5a2: {  	_ = 	snop;
	(pc) =	sbr.rel @p0 .LBB2_62-.Ltmp31, $2  }
0x5a3: {  	_ =	sdelay $0x2  }
0x5a4: {  	s5 =	sadd.s32 $0x1, s5;
	s4 =	sadd.s32 $0x400, s4  }
0x5a5: {  	s5 =	sld [smem:$0x7D8];
	_ =	sdelay $0x1  }
0x5a6: {  	s4 =	simm.s32 $0x0  }
0x5a7: {  	[hbm4b:s5+s4] =	stream.linear.scatter [tilespmem:s4], [sflag:$0x6], $0x4000, $0x38;
	[tilespmem:$0x1C000] =	vst v63  }
0x5a8: {  	_ =	swait.ge [sflag:s0], $0x4000  }
0x5a9: {  	s10 =	sld [smem:$0x7DE]  }
0x5aa: {  	[sflag:s0] =	ssyncset.done $0x0  }
0x5ab: {  	[sflag:s0] =	ssyncadd.s32 $0xFFFFC000  }
0x5ac: {  	[tilespmem:s21], [sflag:$0x4] =	stream.linear.gather [hbm4b:s10+s4], $0x4000, $0x38;
	[tilespmem:$0x1C000] =	vst v63  }
0x5ad: {  	_ =	swait.ge [sflag:s18], $0x4000  }
0x5ae: {  	s11 =	sld [smem:$0x7E2]  }
0x5af: {  	[sflag:s18] =	ssyncset.done $0x0  }
0x5b0: {  	[sflag:s18] =	ssyncadd.s32 $0xFFFFC000  }
0x5b1: {  	[tilespmem:s19], [sflag:$0xC] =	stream.linear.gather [hbm4b:s11+s4], $0x4000, $0x38;
	[tilespmem:$0x1C000] =	vst v63  }
0x5b2: {  	_ =	swait.ge [sflag:s22], $0x4000  }
0x5b3: {  	[sflag:s22] =	ssyncset.done $0x0  }
0x5b4: {  	s6 =	simm.s32 $0x0;
	s5 =	simm.s32 $0x0;
	[sflag:s22] =	ssyncadd.s32 $0xFFFFC000  }
.LBB2_66:
0x5b5: {  	s7 =	sand.u32 $0x7, s5  }
0x5b6: {  	s7 =	sshll.u32 s7, $0x9  }
0x5b7: {  	s7 =	sshrl.u32 s7, $0x2  }
0x5b8: {  	v0 =	vmov s7;
	_ =	sdelay $0x2  }
0x5b9: {  	s8 =	sand.u32 $0x3FFFE000, s4  }
0x5ba: {  	s10 =	sadd.s32 $0x14470, s8  }
0x5bb: {  	v1 =	vld.idx.msk [tilespmem:v0+s10+$0x0 ss:$0x1], $0xffff  }
0x5bc: {  	v2 =	vld.idx.msk [tilespmem:v0+s10+$0xFFFFFBA0 ss:$0x1], $0xffff  }
0x5bd: {  	v3 =	vld.idx.msk [tilespmem:v0+s10+$0xFFFFFBB0 ss:$0x1], $0xffff  }
0x5be: {  	v4 =	vld.idx.msk [tilespmem:v0+s10+$0xFFFFFBC0 ss:$0x1], $0xffff  }
0x5bf: {  	v5 =	vld.idx.msk [tilespmem:v0+s10+$0xFFFFFBD0 ss:$0x1], $0xffff  }
0x5c0: {  	v6 =	vld.idx.msk [tilespmem:v0+s10+$0xFFFFFBE0 ss:$0x1], $0xffff  }
0x5c1: {  	v7 =	vld.idx.msk [tilespmem:v0+s10+$0xFFFFFC00 ss:$0x1], $0xffff  }
0x5c2: {  	v8 =	vld.idx.msk [tilespmem:v0+s10+$0xFFFFFF90 ss:$0x1], $0xffff  }
0x5c3: {  	v9 =	vld.idx.msk [tilespmem:v0+s10+$0xFFFFFFA0 ss:$0x1], $0xffff  }
0x5c4: {  	v10 =	vld.idx.msk [tilespmem:v0+s10+$0xFFFFFFB0 ss:$0x1], $0xffff  }
0x5c5: {  	v11 =	vld.idx.msk [tilespmem:v0+s10+$0xFFFFFFC0 ss:$0x1], $0xffff  }
0x5c6: {  	v12 =	vld.idx.msk [tilespmem:v0+s10+$0xFFFFFFD0 ss:$0x1], $0xffff  }
0x5c7: {  	v13 =	vld.idx.msk [tilespmem:v0+s10+$0xFFFFFFE0 ss:$0x1], $0xffff  }
0x5c8: {  	s8 =	sadd.s32 $0x4000, s8;
	v14 =	vld.idx.msk [tilespmem:v0+s10+$0xFFFFFFF0 ss:$0x1], $0xffff  }
0x5c9: {  	s11 =	sadd.s32 s7, s8;
	v15 =	vld.idx.msk [tilespmem:v0+s10+$0xFFFFFB90 ss:$0x1], $0xffff  }
0x5ca: {  	[tilespmem:s11+$0x470] =	vst.add.f32.msk $0xffff, v1  }
0x5cb: {  	v1 =	vld.idx.msk [tilespmem:v0+s10+$0xFFFFFBF0 ss:$0x1], $0xffff  }
0x5cc: {  	[tilespmem:s11+$0x10] =	vst.add.f32.msk $0xffff, v2  }
0x5cd: {  	[tilespmem:s11+$0x20] =	vst.add.f32.msk $0xffff, v3  }
0x5ce: {  	[tilespmem:s11+$0x30] =	vst.add.f32.msk $0xffff, v4  }
0x5cf: {  	[tilespmem:s11+$0x40] =	vst.add.f32.msk $0xffff, v5  }
0x5d0: {  	[tilespmem:s11+$0x50] =	vst.add.f32.msk $0xffff, v6  }
0x5d1: {  	[tilespmem:s11+$0x0] =	vst.add.f32.msk $0xffff, v15  }
0x5d2: {  	[tilespmem:s11+$0x70] =	vst.add.f32.msk $0xffff, v7  }
0x5d3: {  	[tilespmem:s11+$0x400] =	vst.add.f32.msk $0xffff, v8  }
0x5d4: {  	[tilespmem:s11+$0x410] =	vst.add.f32.msk $0xffff, v9  }
0x5d5: {  	[tilespmem:s11+$0x420] =	vst.add.f32.msk $0xffff, v10  }
0x5d6: {  	[tilespmem:s11+$0x430] =	vst.add.f32.msk $0xffff, v11  }
0x5d7: {  	[tilespmem:s11+$0x440] =	vst.add.f32.msk $0xffff, v12  }
0x5d8: {  	[tilespmem:s11+$0x450] =	vst.add.f32.msk $0xffff, v13  }
0x5d9: {  	[tilespmem:s11+$0x460] =	vst.add.f32.msk $0xffff, v14  }
0x5da: {  	s9 =	simm.s32 $0x0;
	s10 =	sadd.s32 $0x800, s10;
	[tilespmem:s11+$0x60] =	vst.add.f32.msk $0xffff, v1  }
.LBB2_67:
0x5db: {  	v1 =	vld.idx.msk [tilespmem:v0+s10+$0x0 ss:$0x1], $0xffff;
	s9 =	sadd.s32 $0x100, s9  }
0x5dc: {  	v2 =	vld.idx.msk [tilespmem:v0+s10+$0xFFFFFBA0 ss:$0x1], $0xffff;
	p0 =	slt.u32 s9, $0x300  }
0x5dd: {  	v3 =	vld.idx.msk [tilespmem:v0+s10+$0xFFFFFBB0 ss:$0x1], $0xffff  }
0x5de: {  	v4 =	vld.idx.msk [tilespmem:v0+s10+$0xFFFFFBC0 ss:$0x1], $0xffff  }
0x5df: {  	s8 =	sadd.s32 $0x800, s8;
	v5 =	vld.idx.msk [tilespmem:v0+s10+$0xFFFFFBD0 ss:$0x1], $0xffff  }
0x5e0: {  	s11 =	sadd.s32 s7, s8;
	v6 =	vld.idx.msk [tilespmem:v0+s10+$0xFFFFFBE0 ss:$0x1], $0xffff  }
0x5e1: {  	[tilespmem:s11+$0x470] =	vst.add.f32.msk $0xffff, v1  }
0x5e2: {  	v1 =	vld.idx.msk [tilespmem:v0+s10+$0xFFFFFBF0 ss:$0x1], $0xffff  }
0x5e3: {  	v7 =	vld.idx.msk [tilespmem:v0+s10+$0xFFFFFC00 ss:$0x1], $0xffff  }
0x5e4: {  	v8 =	vld.idx.msk [tilespmem:v0+s10+$0xFFFFFF90 ss:$0x1], $0xffff  }
0x5e5: {  	v9 =	vld.idx.msk [tilespmem:v0+s10+$0xFFFFFFA0 ss:$0x1], $0xffff  }
0x5e6: {  	v10 =	vld.idx.msk [tilespmem:v0+s10+$0xFFFFFFB0 ss:$0x1], $0xffff  }
0x5e7: {  	v11 =	vld.idx.msk [tilespmem:v0+s10+$0xFFFFFFC0 ss:$0x1], $0xffff  }
0x5e8: {  	v12 =	vld.idx.msk [tilespmem:v0+s10+$0xFFFFFFD0 ss:$0x1], $0xffff  }
0x5e9: {  	v13 =	vld.idx.msk [tilespmem:v0+s10+$0xFFFFFFE0 ss:$0x1], $0xffff  }
0x5ea: {  	v14 =	vld.idx.msk [tilespmem:v0+s10+$0xFFFFFFF0 ss:$0x1], $0xffff  }
0x5eb: {  	v15 =	vld.idx.msk [tilespmem:v0+s10+$0xFFFFFB90 ss:$0x1], $0xffff  }
0x5ec: {  	[tilespmem:s11+$0x10] =	vst.add.f32.msk $0xffff, v2  }
0x5ed: {  	[tilespmem:s11+$0x20] =	vst.add.f32.msk $0xffff, v3  }
0x5ee: {  	[tilespmem:s11+$0x30] =	vst.add.f32.msk $0xffff, v4  }
0x5ef: {  	[tilespmem:s11+$0x40] =	vst.add.f32.msk $0xffff, v5  }
0x5f0: {  	[tilespmem:s11+$0x50] =	vst.add.f32.msk $0xffff, v6  }
0x5f1: {  	[tilespmem:s11+$0x0] =	vst.add.f32.msk $0xffff, v15  }
0x5f2: {  	[tilespmem:s11+$0x60] =	vst.add.f32.msk $0xffff, v1  }
0x5f3: {  	[tilespmem:s11+$0x70] =	vst.add.f32.msk $0xffff, v7  }
0x5f4: {  	[tilespmem:s11+$0x400] =	vst.add.f32.msk $0xffff, v8  }
0x5f5: {  	[tilespmem:s11+$0x410] =	vst.add.f32.msk $0xffff, v9  }
.Ltmp32:
0x5f6: {  	[tilespmem:s11+$0x420] =	vst.add.f32.msk $0xffff, v10;
	(pc) =	sbr.rel @p0 .LBB2_67-.Ltmp32, $4  }
0x5f7: {  	[tilespmem:s11+$0x430] =	vst.add.f32.msk $0xffff, v11  }
0x5f8: {  	[tilespmem:s11+$0x440] =	vst.add.f32.msk $0xffff, v12  }
0x5f9: {  	[tilespmem:s11+$0x450] =	vst.add.f32.msk $0xffff, v13  }
0x5fa: {  	s10 =	sadd.s32 $0x800, s10;
	[tilespmem:s11+$0x460] =	vst.add.f32.msk $0xffff, v14  }
0x5fb: {  	s6 =	sadd.s32 $0x1, s6  }
0x5fc: {  	p0 =	sne.s32 s6, $0x10  }
.Ltmp33:
0x5fd: {  	_ = 	snop;
	(pc) =	sbr.rel @p0 .LBB2_66-.Ltmp33, $2  }
0x5fe: {  	_ =	sdelay $0x2  }
0x5ff: {  	s5 =	sadd.s32 $0x1, s5;
	s4 =	sadd.s32 $0x400, s4  }
0x600: {  	s5 =	sld [smem:$0x7DB];
	_ =	sdelay $0x1  }
0x601: {  	s4 =	simm.s32 $0x0  }
0x602: {  	[hbm4b:s5+s4] =	stream.linear.scatter [tilespmem:s16], [sflag:$0x7], $0x4000, $0x38;
	[tilespmem:$0x1C000] =	vst v63  }
0x603: {  	_ =	swait.ge [sflag:s2], $0x4000  }
0x604: {  	s11 =	sld [smem:$0x7E0]  }
0x605: {  	[sflag:s2] =	ssyncset.done $0x0  }
0x606: {  	[sflag:s2] =	ssyncadd.s32 $0xFFFFC000  }
0x607: {  	[tilespmem:s23], [sflag:$0x5] =	stream.linear.gather [hbm4b:s11+s4], $0x4000, $0x38;
	[tilespmem:$0x1C000] =	vst v63  }
0x608: {  	_ =	swait.ge [sflag:s24], $0x4000  }
0x609: {  	[sflag:s24] =	ssyncset.done $0x0  }
0x60a: {  	s6 =	simm.s32 $0x0;
	s5 =	simm.s32 $0x0;
	[sflag:s24] =	ssyncadd.s32 $0xFFFFC000  }
.LBB2_70:
0x60b: {  	s7 =	sand.u32 $0x7, s5  }
0x60c: {  	s7 =	sshll.u32 s7, $0x9  }
0x60d: {  	s7 =	sshrl.u32 s7, $0x2  }
0x60e: {  	v0 =	vmov s7;
	_ =	sdelay $0x2  }
0x60f: {  	s8 =	sand.u32 $0x3FFFE000, s4  }
0x610: {  	s10 =	sadd.s32 $0x14470, s8  }
0x611: {  	v1 =	vld.idx.msk [tilespmem:v0+s10+$0x0 ss:$0x1], $0xffff  }
0x612: {  	v2 =	vld.idx.msk [tilespmem:v0+s10+$0xFFFFFBA0 ss:$0x1], $0xffff  }
0x613: {  	v3 =	vld.idx.msk [tilespmem:v0+s10+$0xFFFFFBB0 ss:$0x1], $0xffff  }
0x614: {  	v4 =	vld.idx.msk [tilespmem:v0+s10+$0xFFFFFBC0 ss:$0x1], $0xffff  }
0x615: {  	v5 =	vld.idx.msk [tilespmem:v0+s10+$0xFFFFFBD0 ss:$0x1], $0xffff  }
0x616: {  	v6 =	vld.idx.msk [tilespmem:v0+s10+$0xFFFFFBE0 ss:$0x1], $0xffff  }
0x617: {  	v7 =	vld.idx.msk [tilespmem:v0+s10+$0xFFFFFC00 ss:$0x1], $0xffff  }
0x618: {  	v8 =	vld.idx.msk [tilespmem:v0+s10+$0xFFFFFF90 ss:$0x1], $0xffff  }
0x619: {  	v9 =	vld.idx.msk [tilespmem:v0+s10+$0xFFFFFFA0 ss:$0x1], $0xffff  }
0x61a: {  	v10 =	vld.idx.msk [tilespmem:v0+s10+$0xFFFFFFB0 ss:$0x1], $0xffff  }
0x61b: {  	v11 =	vld.idx.msk [tilespmem:v0+s10+$0xFFFFFFC0 ss:$0x1], $0xffff  }
0x61c: {  	v12 =	vld.idx.msk [tilespmem:v0+s10+$0xFFFFFFD0 ss:$0x1], $0xffff  }
0x61d: {  	v13 =	vld.idx.msk [tilespmem:v0+s10+$0xFFFFFFE0 ss:$0x1], $0xffff  }
0x61e: {  	s8 =	sadd.s32 $0x8000, s8;
	v14 =	vld.idx.msk [tilespmem:v0+s10+$0xFFFFFFF0 ss:$0x1], $0xffff  }
0x61f: {  	s11 =	sadd.s32 s7, s8;
	v15 =	vld.idx.msk [tilespmem:v0+s10+$0xFFFFFB90 ss:$0x1], $0xffff  }
0x620: {  	[tilespmem:s11+$0x470] =	vst.add.f32.msk $0xffff, v1  }
0x621: {  	v1 =	vld.idx.msk [tilespmem:v0+s10+$0xFFFFFBF0 ss:$0x1], $0xffff  }
0x622: {  	[tilespmem:s11+$0x10] =	vst.add.f32.msk $0xffff, v2  }
0x623: {  	[tilespmem:s11+$0x20] =	vst.add.f32.msk $0xffff, v3  }
0x624: {  	[tilespmem:s11+$0x30] =	vst.add.f32.msk $0xffff, v4  }
0x625: {  	[tilespmem:s11+$0x40] =	vst.add.f32.msk $0xffff, v5  }
0x626: {  	[tilespmem:s11+$0x50] =	vst.add.f32.msk $0xffff, v6  }
0x627: {  	[tilespmem:s11+$0x0] =	vst.add.f32.msk $0xffff, v15  }
0x628: {  	[tilespmem:s11+$0x70] =	vst.add.f32.msk $0xffff, v7  }
0x629: {  	[tilespmem:s11+$0x400] =	vst.add.f32.msk $0xffff, v8  }
0x62a: {  	[tilespmem:s11+$0x410] =	vst.add.f32.msk $0xffff, v9  }
0x62b: {  	[tilespmem:s11+$0x420] =	vst.add.f32.msk $0xffff, v10  }
0x62c: {  	[tilespmem:s11+$0x430] =	vst.add.f32.msk $0xffff, v11  }
0x62d: {  	[tilespmem:s11+$0x440] =	vst.add.f32.msk $0xffff, v12  }
0x62e: {  	[tilespmem:s11+$0x450] =	vst.add.f32.msk $0xffff, v13  }
0x62f: {  	[tilespmem:s11+$0x460] =	vst.add.f32.msk $0xffff, v14  }
0x630: {  	s9 =	simm.s32 $0x0;
	s10 =	sadd.s32 $0x800, s10;
	[tilespmem:s11+$0x60] =	vst.add.f32.msk $0xffff, v1  }
.LBB2_71:
0x631: {  	v1 =	vld.idx.msk [tilespmem:v0+s10+$0x0 ss:$0x1], $0xffff;
	s9 =	sadd.s32 $0x100, s9  }
0x632: {  	v2 =	vld.idx.msk [tilespmem:v0+s10+$0xFFFFFBA0 ss:$0x1], $0xffff;
	p0 =	slt.u32 s9, $0x300  }
0x633: {  	v3 =	vld.idx.msk [tilespmem:v0+s10+$0xFFFFFBB0 ss:$0x1], $0xffff  }
0x634: {  	v4 =	vld.idx.msk [tilespmem:v0+s10+$0xFFFFFBC0 ss:$0x1], $0xffff  }
0x635: {  	s8 =	sadd.s32 $0x800, s8;
	v5 =	vld.idx.msk [tilespmem:v0+s10+$0xFFFFFBD0 ss:$0x1], $0xffff  }
0x636: {  	s11 =	sadd.s32 s7, s8;
	v6 =	vld.idx.msk [tilespmem:v0+s10+$0xFFFFFBE0 ss:$0x1], $0xffff  }
0x637: {  	[tilespmem:s11+$0x470] =	vst.add.f32.msk $0xffff, v1  }
0x638: {  	v1 =	vld.idx.msk [tilespmem:v0+s10+$0xFFFFFBF0 ss:$0x1], $0xffff  }
0x639: {  	v7 =	vld.idx.msk [tilespmem:v0+s10+$0xFFFFFC00 ss:$0x1], $0xffff  }
0x63a: {  	v8 =	vld.idx.msk [tilespmem:v0+s10+$0xFFFFFF90 ss:$0x1], $0xffff  }
0x63b: {  	v9 =	vld.idx.msk [tilespmem:v0+s10+$0xFFFFFFA0 ss:$0x1], $0xffff  }
0x63c: {  	v10 =	vld.idx.msk [tilespmem:v0+s10+$0xFFFFFFB0 ss:$0x1], $0xffff  }
0x63d: {  	v11 =	vld.idx.msk [tilespmem:v0+s10+$0xFFFFFFC0 ss:$0x1], $0xffff  }
0x63e: {  	v12 =	vld.idx.msk [tilespmem:v0+s10+$0xFFFFFFD0 ss:$0x1], $0xffff  }
0x63f: {  	v13 =	vld.idx.msk [tilespmem:v0+s10+$0xFFFFFFE0 ss:$0x1], $0xffff  }
0x640: {  	v14 =	vld.idx.msk [tilespmem:v0+s10+$0xFFFFFFF0 ss:$0x1], $0xffff  }
0x641: {  	v15 =	vld.idx.msk [tilespmem:v0+s10+$0xFFFFFB90 ss:$0x1], $0xffff  }
0x642: {  	[tilespmem:s11+$0x10] =	vst.add.f32.msk $0xffff, v2  }
0x643: {  	[tilespmem:s11+$0x20] =	vst.add.f32.msk $0xffff, v3  }
0x644: {  	[tilespmem:s11+$0x30] =	vst.add.f32.msk $0xffff, v4  }
0x645: {  	[tilespmem:s11+$0x40] =	vst.add.f32.msk $0xffff, v5  }
0x646: {  	[tilespmem:s11+$0x50] =	vst.add.f32.msk $0xffff, v6  }
0x647: {  	[tilespmem:s11+$0x0] =	vst.add.f32.msk $0xffff, v15  }
0x648: {  	[tilespmem:s11+$0x60] =	vst.add.f32.msk $0xffff, v1  }
0x649: {  	[tilespmem:s11+$0x70] =	vst.add.f32.msk $0xffff, v7  }
0x64a: {  	[tilespmem:s11+$0x400] =	vst.add.f32.msk $0xffff, v8  }
0x64b: {  	[tilespmem:s11+$0x410] =	vst.add.f32.msk $0xffff, v9  }
.Ltmp34:
0x64c: {  	[tilespmem:s11+$0x420] =	vst.add.f32.msk $0xffff, v10;
	(pc) =	sbr.rel @p0 .LBB2_71-.Ltmp34, $4  }
0x64d: {  	[tilespmem:s11+$0x430] =	vst.add.f32.msk $0xffff, v11  }
0x64e: {  	[tilespmem:s11+$0x440] =	vst.add.f32.msk $0xffff, v12  }
0x64f: {  	[tilespmem:s11+$0x450] =	vst.add.f32.msk $0xffff, v13  }
0x650: {  	s10 =	sadd.s32 $0x800, s10;
	[tilespmem:s11+$0x460] =	vst.add.f32.msk $0xffff, v14  }
0x651: {  	s6 =	sadd.s32 $0x1, s6  }
0x652: {  	p0 =	sne.s32 s6, $0x10  }
.Ltmp35:
0x653: {  	_ = 	snop;
	(pc) =	sbr.rel @p0 .LBB2_70-.Ltmp35, $2  }
0x654: {  	_ =	sdelay $0x2  }
0x655: {  	s5 =	sadd.s32 $0x1, s5;
	s4 =	sadd.s32 $0x400, s4  }
0x656: {  	s5 =	sld [smem:$0x7DD];
	_ =	sdelay $0x1  }
0x657: {  	s4 =	simm.s32 $0x0  }
0x658: {  	[hbm4b:s5+s4] =	stream.linear.scatter [tilespmem:s17], [sflag:$0x8], $0x4000, $0x38;
	[tilespmem:$0x1C000] =	vst v63  }
0x659: {  	_ =	swait.ge [sflag:s25], $0x4000  }
0x65a: {  	s11 =	sld [smem:$0x7E3]  }
0x65b: {  	[sflag:s25] =	ssyncset.done $0x0  }
0x65c: {  	[sflag:s25] =	ssyncadd.s32 $0xFFFFC000  }
0x65d: {  	[tilespmem:s4], [sflag:$0x1] =	stream.linear.gather [hbm4b:s11+s4], $0x4000, $0x38;
	[tilespmem:$0x1C000] =	vst v63  }
0x65e: {  	_ =	swait.ge [sflag:s26], $0x4000  }
0x65f: {  	[sflag:s26] =	ssyncset.done $0x0  }
0x660: {  	s6 =	simm.s32 $0x0;
	s5 =	simm.s32 $0x0;
	[sflag:s26] =	ssyncadd.s32 $0xFFFFC000  }
.LBB2_74:
0x661: {  	s7 =	sand.u32 $0x7, s5  }
0x662: {  	s7 =	sshll.u32 s7, $0x9  }
0x663: {  	s7 =	sshrl.u32 s7, $0x2  }
0x664: {  	v0 =	vmov s7;
	_ =	sdelay $0x2  }
0x665: {  	s8 =	sand.u32 $0x3FFFE000, s4  }
0x666: {  	s10 =	sadd.s32 $0x14470, s8  }
0x667: {  	v1 =	vld.idx.msk [tilespmem:v0+s10+$0x0 ss:$0x1], $0xffff  }
0x668: {  	v2 =	vld.idx.msk [tilespmem:v0+s10+$0xFFFFFBA0 ss:$0x1], $0xffff  }
0x669: {  	v3 =	vld.idx.msk [tilespmem:v0+s10+$0xFFFFFBB0 ss:$0x1], $0xffff  }
0x66a: {  	v4 =	vld.idx.msk [tilespmem:v0+s10+$0xFFFFFBC0 ss:$0x1], $0xffff  }
0x66b: {  	v5 =	vld.idx.msk [tilespmem:v0+s10+$0xFFFFFBD0 ss:$0x1], $0xffff  }
0x66c: {  	v6 =	vld.idx.msk [tilespmem:v0+s10+$0xFFFFFBE0 ss:$0x1], $0xffff  }
0x66d: {  	v7 =	vld.idx.msk [tilespmem:v0+s10+$0xFFFFFC00 ss:$0x1], $0xffff  }
0x66e: {  	v8 =	vld.idx.msk [tilespmem:v0+s10+$0xFFFFFF90 ss:$0x1], $0xffff  }
0x66f: {  	v9 =	vld.idx.msk [tilespmem:v0+s10+$0xFFFFFFA0 ss:$0x1], $0xffff  }
0x670: {  	v10 =	vld.idx.msk [tilespmem:v0+s10+$0xFFFFFFB0 ss:$0x1], $0xffff  }
0x671: {  	v11 =	vld.idx.msk [tilespmem:v0+s10+$0xFFFFFFC0 ss:$0x1], $0xffff  }
0x672: {  	v12 =	vld.idx.msk [tilespmem:v0+s10+$0xFFFFFFD0 ss:$0x1], $0xffff  }
0x673: {  	v13 =	vld.idx.msk [tilespmem:v0+s10+$0xFFFFFFE0 ss:$0x1], $0xffff  }
0x674: {  	s8 =	sadd.s32 $0xC000, s8;
	v14 =	vld.idx.msk [tilespmem:v0+s10+$0xFFFFFFF0 ss:$0x1], $0xffff  }
0x675: {  	s11 =	sadd.s32 s7, s8;
	v15 =	vld.idx.msk [tilespmem:v0+s10+$0xFFFFFB90 ss:$0x1], $0xffff  }
0x676: {  	[tilespmem:s11+$0x470] =	vst.add.f32.msk $0xffff, v1  }
0x677: {  	v1 =	vld.idx.msk [tilespmem:v0+s10+$0xFFFFFBF0 ss:$0x1], $0xffff  }
0x678: {  	[tilespmem:s11+$0x10] =	vst.add.f32.msk $0xffff, v2  }
0x679: {  	[tilespmem:s11+$0x20] =	vst.add.f32.msk $0xffff, v3  }
0x67a: {  	[tilespmem:s11+$0x30] =	vst.add.f32.msk $0xffff, v4  }
0x67b: {  	[tilespmem:s11+$0x40] =	vst.add.f32.msk $0xffff, v5  }
0x67c: {  	[tilespmem:s11+$0x50] =	vst.add.f32.msk $0xffff, v6  }
0x67d: {  	[tilespmem:s11+$0x0] =	vst.add.f32.msk $0xffff, v15  }
0x67e: {  	[tilespmem:s11+$0x70] =	vst.add.f32.msk $0xffff, v7  }
0x67f: {  	[tilespmem:s11+$0x400] =	vst.add.f32.msk $0xffff, v8  }
0x680: {  	[tilespmem:s11+$0x410] =	vst.add.f32.msk $0xffff, v9  }
0x681: {  	[tilespmem:s11+$0x420] =	vst.add.f32.msk $0xffff, v10  }
0x682: {  	[tilespmem:s11+$0x430] =	vst.add.f32.msk $0xffff, v11  }
0x683: {  	[tilespmem:s11+$0x440] =	vst.add.f32.msk $0xffff, v12  }
0x684: {  	[tilespmem:s11+$0x450] =	vst.add.f32.msk $0xffff, v13  }
0x685: {  	[tilespmem:s11+$0x460] =	vst.add.f32.msk $0xffff, v14  }
0x686: {  	s9 =	simm.s32 $0x0;
	s10 =	sadd.s32 $0x800, s10;
	[tilespmem:s11+$0x60] =	vst.add.f32.msk $0xffff, v1  }
.LBB2_75:
0x687: {  	v1 =	vld.idx.msk [tilespmem:v0+s10+$0x0 ss:$0x1], $0xffff;
	s9 =	sadd.s32 $0x100, s9  }
0x688: {  	v2 =	vld.idx.msk [tilespmem:v0+s10+$0xFFFFFBA0 ss:$0x1], $0xffff;
	p0 =	slt.u32 s9, $0x300  }
0x689: {  	v3 =	vld.idx.msk [tilespmem:v0+s10+$0xFFFFFBB0 ss:$0x1], $0xffff  }
0x68a: {  	v4 =	vld.idx.msk [tilespmem:v0+s10+$0xFFFFFBC0 ss:$0x1], $0xffff  }
0x68b: {  	s8 =	sadd.s32 $0x800, s8;
	v5 =	vld.idx.msk [tilespmem:v0+s10+$0xFFFFFBD0 ss:$0x1], $0xffff  }
0x68c: {  	s11 =	sadd.s32 s7, s8;
	v6 =	vld.idx.msk [tilespmem:v0+s10+$0xFFFFFBE0 ss:$0x1], $0xffff  }
0x68d: {  	[tilespmem:s11+$0x470] =	vst.add.f32.msk $0xffff, v1  }
0x68e: {  	v1 =	vld.idx.msk [tilespmem:v0+s10+$0xFFFFFBF0 ss:$0x1], $0xffff  }
0x68f: {  	v7 =	vld.idx.msk [tilespmem:v0+s10+$0xFFFFFC00 ss:$0x1], $0xffff  }
0x690: {  	v8 =	vld.idx.msk [tilespmem:v0+s10+$0xFFFFFF90 ss:$0x1], $0xffff  }
0x691: {  	v9 =	vld.idx.msk [tilespmem:v0+s10+$0xFFFFFFA0 ss:$0x1], $0xffff  }
0x692: {  	v10 =	vld.idx.msk [tilespmem:v0+s10+$0xFFFFFFB0 ss:$0x1], $0xffff  }
0x693: {  	v11 =	vld.idx.msk [tilespmem:v0+s10+$0xFFFFFFC0 ss:$0x1], $0xffff  }
0x694: {  	v12 =	vld.idx.msk [tilespmem:v0+s10+$0xFFFFFFD0 ss:$0x1], $0xffff  }
0x695: {  	v13 =	vld.idx.msk [tilespmem:v0+s10+$0xFFFFFFE0 ss:$0x1], $0xffff  }
0x696: {  	v14 =	vld.idx.msk [tilespmem:v0+s10+$0xFFFFFFF0 ss:$0x1], $0xffff  }
0x697: {  	v15 =	vld.idx.msk [tilespmem:v0+s10+$0xFFFFFB90 ss:$0x1], $0xffff  }
0x698: {  	[tilespmem:s11+$0x10] =	vst.add.f32.msk $0xffff, v2  }
0x699: {  	[tilespmem:s11+$0x20] =	vst.add.f32.msk $0xffff, v3  }
0x69a: {  	[tilespmem:s11+$0x30] =	vst.add.f32.msk $0xffff, v4  }
0x69b: {  	[tilespmem:s11+$0x40] =	vst.add.f32.msk $0xffff, v5  }
0x69c: {  	[tilespmem:s11+$0x50] =	vst.add.f32.msk $0xffff, v6  }
0x69d: {  	[tilespmem:s11+$0x0] =	vst.add.f32.msk $0xffff, v15  }
0x69e: {  	[tilespmem:s11+$0x60] =	vst.add.f32.msk $0xffff, v1  }
0x69f: {  	[tilespmem:s11+$0x70] =	vst.add.f32.msk $0xffff, v7  }
0x6a0: {  	[tilespmem:s11+$0x400] =	vst.add.f32.msk $0xffff, v8  }
0x6a1: {  	[tilespmem:s11+$0x410] =	vst.add.f32.msk $0xffff, v9  }
.Ltmp36:
0x6a2: {  	[tilespmem:s11+$0x420] =	vst.add.f32.msk $0xffff, v10;
	(pc) =	sbr.rel @p0 .LBB2_75-.Ltmp36, $4  }
0x6a3: {  	[tilespmem:s11+$0x430] =	vst.add.f32.msk $0xffff, v11  }
0x6a4: {  	[tilespmem:s11+$0x440] =	vst.add.f32.msk $0xffff, v12  }
0x6a5: {  	[tilespmem:s11+$0x450] =	vst.add.f32.msk $0xffff, v13  }
0x6a6: {  	s10 =	sadd.s32 $0x800, s10;
	[tilespmem:s11+$0x460] =	vst.add.f32.msk $0xffff, v14  }
0x6a7: {  	s6 =	sadd.s32 $0x1, s6  }
0x6a8: {  	p0 =	sne.s32 s6, $0x10  }
.Ltmp37:
0x6a9: {  	_ = 	snop;
	(pc) =	sbr.rel @p0 .LBB2_74-.Ltmp37, $2  }
0x6aa: {  	_ =	sdelay $0x2  }
0x6ab: {  	s5 =	sadd.s32 $0x1, s5;
	s4 =	sadd.s32 $0x400, s4  }
0x6ac: {  	s5 =	sld [smem:$0x7DF];
	_ =	sdelay $0x1  }
0x6ad: {  	s4 =	simm.s32 $0x0  }
0x6ae: {  	[hbm4b:s5+s4] =	stream.linear.scatter [tilespmem:s21], [sflag:$0x9], $0x4000, $0x38;
	[tilespmem:$0x1C000] =	vst v63  }
0x6af: {  	_ =	swait.ge [sflag:s28], $0x4000  }
0x6b0: {  	s11 =	sld [smem:$0x7E5]  }
0x6b1: {  	[sflag:s28] =	ssyncset.done $0x0  }
0x6b2: {  	[sflag:s28] =	ssyncadd.s32 $0xFFFFC000  }
0x6b3: {  	[tilespmem:s16], [sflag:$0x2] =	stream.linear.gather [hbm4b:s11+s4], $0x4000, $0x38;
	[tilespmem:$0x1C000] =	vst v63  }
0x6b4: {  	_ =	swait.ge [sflag:s30], $0x4000  }
0x6b5: {  	[sflag:s30] =	ssyncset.done $0x0  }
0x6b6: {  	s6 =	simm.s32 $0x0;
	s5 =	simm.s32 $0x0;
	[sflag:s30] =	ssyncadd.s32 $0xFFFFC000  }
.LBB2_78:
0x6b7: {  	s7 =	sand.u32 $0x7, s5  }
0x6b8: {  	s7 =	sshll.u32 s7, $0x9  }
0x6b9: {  	s7 =	sshrl.u32 s7, $0x2  }
0x6ba: {  	v0 =	vmov s7;
	_ =	sdelay $0x2  }
0x6bb: {  	s8 =	sand.u32 $0x3FFFE000, s4  }
0x6bc: {  	s10 =	sadd.s32 $0x14470, s8  }
0x6bd: {  	v1 =	vld.idx.msk [tilespmem:v0+s10+$0x0 ss:$0x1], $0xffff  }
0x6be: {  	v2 =	vld.idx.msk [tilespmem:v0+s10+$0xFFFFFBA0 ss:$0x1], $0xffff  }
0x6bf: {  	v3 =	vld.idx.msk [tilespmem:v0+s10+$0xFFFFFBB0 ss:$0x1], $0xffff  }
0x6c0: {  	v4 =	vld.idx.msk [tilespmem:v0+s10+$0xFFFFFBC0 ss:$0x1], $0xffff  }
0x6c1: {  	v5 =	vld.idx.msk [tilespmem:v0+s10+$0xFFFFFBD0 ss:$0x1], $0xffff  }
0x6c2: {  	v6 =	vld.idx.msk [tilespmem:v0+s10+$0xFFFFFBE0 ss:$0x1], $0xffff  }
0x6c3: {  	v7 =	vld.idx.msk [tilespmem:v0+s10+$0xFFFFFC00 ss:$0x1], $0xffff  }
0x6c4: {  	v8 =	vld.idx.msk [tilespmem:v0+s10+$0xFFFFFF90 ss:$0x1], $0xffff  }
0x6c5: {  	v9 =	vld.idx.msk [tilespmem:v0+s10+$0xFFFFFFA0 ss:$0x1], $0xffff  }
0x6c6: {  	v10 =	vld.idx.msk [tilespmem:v0+s10+$0xFFFFFFB0 ss:$0x1], $0xffff  }
0x6c7: {  	v11 =	vld.idx.msk [tilespmem:v0+s10+$0xFFFFFFC0 ss:$0x1], $0xffff  }
0x6c8: {  	v12 =	vld.idx.msk [tilespmem:v0+s10+$0xFFFFFFD0 ss:$0x1], $0xffff  }
0x6c9: {  	v13 =	vld.idx.msk [tilespmem:v0+s10+$0xFFFFFFE0 ss:$0x1], $0xffff  }
0x6ca: {  	s8 =	sadd.s32 $0x10000, s8;
	v14 =	vld.idx.msk [tilespmem:v0+s10+$0xFFFFFFF0 ss:$0x1], $0xffff  }
0x6cb: {  	s11 =	sadd.s32 s7, s8;
	v15 =	vld.idx.msk [tilespmem:v0+s10+$0xFFFFFB90 ss:$0x1], $0xffff  }
0x6cc: {  	[tilespmem:s11+$0x470] =	vst.add.f32.msk $0xffff, v1  }
0x6cd: {  	v1 =	vld.idx.msk [tilespmem:v0+s10+$0xFFFFFBF0 ss:$0x1], $0xffff  }
0x6ce: {  	[tilespmem:s11+$0x10] =	vst.add.f32.msk $0xffff, v2  }
0x6cf: {  	[tilespmem:s11+$0x20] =	vst.add.f32.msk $0xffff, v3  }
0x6d0: {  	[tilespmem:s11+$0x30] =	vst.add.f32.msk $0xffff, v4  }
0x6d1: {  	[tilespmem:s11+$0x40] =	vst.add.f32.msk $0xffff, v5  }
0x6d2: {  	[tilespmem:s11+$0x50] =	vst.add.f32.msk $0xffff, v6  }
0x6d3: {  	[tilespmem:s11+$0x0] =	vst.add.f32.msk $0xffff, v15  }
0x6d4: {  	[tilespmem:s11+$0x70] =	vst.add.f32.msk $0xffff, v7  }
0x6d5: {  	[tilespmem:s11+$0x400] =	vst.add.f32.msk $0xffff, v8  }
0x6d6: {  	[tilespmem:s11+$0x410] =	vst.add.f32.msk $0xffff, v9  }
0x6d7: {  	[tilespmem:s11+$0x420] =	vst.add.f32.msk $0xffff, v10  }
0x6d8: {  	[tilespmem:s11+$0x430] =	vst.add.f32.msk $0xffff, v11  }
0x6d9: {  	[tilespmem:s11+$0x440] =	vst.add.f32.msk $0xffff, v12  }
0x6da: {  	[tilespmem:s11+$0x450] =	vst.add.f32.msk $0xffff, v13  }
0x6db: {  	[tilespmem:s11+$0x460] =	vst.add.f32.msk $0xffff, v14  }
0x6dc: {  	s9 =	simm.s32 $0x0;
	s10 =	sadd.s32 $0x800, s10;
	[tilespmem:s11+$0x60] =	vst.add.f32.msk $0xffff, v1  }
.LBB2_79:
0x6dd: {  	v1 =	vld.idx.msk [tilespmem:v0+s10+$0x0 ss:$0x1], $0xffff;
	s9 =	sadd.s32 $0x100, s9  }
0x6de: {  	v2 =	vld.idx.msk [tilespmem:v0+s10+$0xFFFFFBA0 ss:$0x1], $0xffff;
	p0 =	slt.u32 s9, $0x300  }
0x6df: {  	v3 =	vld.idx.msk [tilespmem:v0+s10+$0xFFFFFBB0 ss:$0x1], $0xffff  }
0x6e0: {  	v4 =	vld.idx.msk [tilespmem:v0+s10+$0xFFFFFBC0 ss:$0x1], $0xffff  }
0x6e1: {  	s8 =	sadd.s32 $0x800, s8;
	v5 =	vld.idx.msk [tilespmem:v0+s10+$0xFFFFFBD0 ss:$0x1], $0xffff  }
0x6e2: {  	s11 =	sadd.s32 s7, s8;
	v6 =	vld.idx.msk [tilespmem:v0+s10+$0xFFFFFBE0 ss:$0x1], $0xffff  }
0x6e3: {  	[tilespmem:s11+$0x470] =	vst.add.f32.msk $0xffff, v1  }
0x6e4: {  	v1 =	vld.idx.msk [tilespmem:v0+s10+$0xFFFFFBF0 ss:$0x1], $0xffff  }
0x6e5: {  	v7 =	vld.idx.msk [tilespmem:v0+s10+$0xFFFFFC00 ss:$0x1], $0xffff  }
0x6e6: {  	v8 =	vld.idx.msk [tilespmem:v0+s10+$0xFFFFFF90 ss:$0x1], $0xffff  }
0x6e7: {  	v9 =	vld.idx.msk [tilespmem:v0+s10+$0xFFFFFFA0 ss:$0x1], $0xffff  }
0x6e8: {  	v10 =	vld.idx.msk [tilespmem:v0+s10+$0xFFFFFFB0 ss:$0x1], $0xffff  }
0x6e9: {  	v11 =	vld.idx.msk [tilespmem:v0+s10+$0xFFFFFFC0 ss:$0x1], $0xffff  }
0x6ea: {  	v12 =	vld.idx.msk [tilespmem:v0+s10+$0xFFFFFFD0 ss:$0x1], $0xffff  }
0x6eb: {  	v13 =	vld.idx.msk [tilespmem:v0+s10+$0xFFFFFFE0 ss:$0x1], $0xffff  }
0x6ec: {  	v14 =	vld.idx.msk [tilespmem:v0+s10+$0xFFFFFFF0 ss:$0x1], $0xffff  }
0x6ed: {  	v15 =	vld.idx.msk [tilespmem:v0+s10+$0xFFFFFB90 ss:$0x1], $0xffff  }
0x6ee: {  	[tilespmem:s11+$0x10] =	vst.add.f32.msk $0xffff, v2  }
0x6ef: {  	[tilespmem:s11+$0x20] =	vst.add.f32.msk $0xffff, v3  }
0x6f0: {  	[tilespmem:s11+$0x30] =	vst.add.f32.msk $0xffff, v4  }
0x6f1: {  	[tilespmem:s11+$0x40] =	vst.add.f32.msk $0xffff, v5  }
0x6f2: {  	[tilespmem:s11+$0x50] =	vst.add.f32.msk $0xffff, v6  }
0x6f3: {  	[tilespmem:s11+$0x0] =	vst.add.f32.msk $0xffff, v15  }
0x6f4: {  	[tilespmem:s11+$0x60] =	vst.add.f32.msk $0xffff, v1  }
0x6f5: {  	[tilespmem:s11+$0x70] =	vst.add.f32.msk $0xffff, v7  }
0x6f6: {  	[tilespmem:s11+$0x400] =	vst.add.f32.msk $0xffff, v8  }
0x6f7: {  	[tilespmem:s11+$0x410] =	vst.add.f32.msk $0xffff, v9  }
.Ltmp38:
0x6f8: {  	[tilespmem:s11+$0x420] =	vst.add.f32.msk $0xffff, v10;
	(pc) =	sbr.rel @p0 .LBB2_79-.Ltmp38, $4  }
0x6f9: {  	[tilespmem:s11+$0x430] =	vst.add.f32.msk $0xffff, v11  }
0x6fa: {  	[tilespmem:s11+$0x440] =	vst.add.f32.msk $0xffff, v12  }
0x6fb: {  	[tilespmem:s11+$0x450] =	vst.add.f32.msk $0xffff, v13  }
0x6fc: {  	s10 =	sadd.s32 $0x800, s10;
	[tilespmem:s11+$0x460] =	vst.add.f32.msk $0xffff, v14  }
0x6fd: {  	s6 =	sadd.s32 $0x1, s6  }
0x6fe: {  	p0 =	sne.s32 s6, $0x10  }
.Ltmp39:
0x6ff: {  	_ = 	snop;
	(pc) =	sbr.rel @p0 .LBB2_78-.Ltmp39, $2  }
0x700: {  	_ =	sdelay $0x2  }
0x701: {  	s5 =	sadd.s32 $0x1, s5;
	s4 =	sadd.s32 $0x400, s4  }
0x702: {  	s5 =	sld [smem:$0x7E1];
	_ =	sdelay $0x1  }
0x703: {  	s4 =	simm.s32 $0x0  }
0x704: {  	[hbm4b:s5+s4] =	stream.linear.scatter [tilespmem:s23], [sflag:$0xA], $0x4000, $0x38;
	[tilespmem:$0x1C000] =	vst v63  }
0x705: {  	_ =	swait.ge [sflag:s31], $0x4000  }
0x706: {  	s10 =	sld [smem:$0x7E7]  }
0x707: {  	[sflag:s31] =	ssyncset.done $0x0  }
0x708: {  	[sflag:s31] =	ssyncadd.s32 $0xFFFFC000  }
0x709: {  	[tilespmem:s17], [sflag:$0x3] =	stream.linear.gather [hbm4b:s10+s4], $0x4000, $0x38;
	[tilespmem:$0x1C000] =	vst v63  }
0x70a: {  	_ =	swait.ge [sflag:s29], $0x4000  }
0x70b: {  	s11 =	sld [smem:$0x7EC]  }
0x70c: {  	[sflag:s29] =	ssyncset.done $0x0  }
0x70d: {  	[sflag:s29] =	ssyncadd.s32 $0xFFFFC000  }
0x70e: {  	[tilespmem:s15], [sflag:$0xB] =	stream.linear.gather [hbm4b:s11+s4], $0x4000, $0x38;
	[tilespmem:$0x1C000] =	vst v63  }
0x70f: {  	_ =	swait.ge [sflag:s20], $0x4000  }
0x710: {  	[sflag:s20] =	ssyncset.done $0x0  }
0x711: {  	s6 =	simm.s32 $0x0;
	s5 =	simm.s32 $0x0;
	[sflag:s20] =	ssyncadd.s32 $0xFFFFC000  }
.LBB2_82:
0x712: {  	s7 =	sand.u32 $0x7, s5  }
0x713: {  	s7 =	sshll.u32 s7, $0x9  }
0x714: {  	s7 =	sshrl.u32 s7, $0x2  }
0x715: {  	v0 =	vmov s7;
	_ =	sdelay $0x2  }
0x716: {  	s8 =	sand.u32 $0x3FFFE000, s4  }
0x717: {  	s10 =	sadd.s32 $0x18470, s8  }
0x718: {  	v1 =	vld.idx.msk [tilespmem:v0+s10+$0x0 ss:$0x1], $0xffff  }
0x719: {  	v2 =	vld.idx.msk [tilespmem:v0+s10+$0xFFFFFBA0 ss:$0x1], $0xffff  }
0x71a: {  	v3 =	vld.idx.msk [tilespmem:v0+s10+$0xFFFFFBB0 ss:$0x1], $0xffff  }
0x71b: {  	v4 =	vld.idx.msk [tilespmem:v0+s10+$0xFFFFFBC0 ss:$0x1], $0xffff  }
0x71c: {  	v5 =	vld.idx.msk [tilespmem:v0+s10+$0xFFFFFBD0 ss:$0x1], $0xffff  }
0x71d: {  	v6 =	vld.idx.msk [tilespmem:v0+s10+$0xFFFFFBE0 ss:$0x1], $0xffff  }
0x71e: {  	v7 =	vld.idx.msk [tilespmem:v0+s10+$0xFFFFFC00 ss:$0x1], $0xffff  }
0x71f: {  	v8 =	vld.idx.msk [tilespmem:v0+s10+$0xFFFFFF90 ss:$0x1], $0xffff  }
0x720: {  	v9 =	vld.idx.msk [tilespmem:v0+s10+$0xFFFFFFA0 ss:$0x1], $0xffff  }
0x721: {  	v10 =	vld.idx.msk [tilespmem:v0+s10+$0xFFFFFFB0 ss:$0x1], $0xffff  }
0x722: {  	v11 =	vld.idx.msk [tilespmem:v0+s10+$0xFFFFFFC0 ss:$0x1], $0xffff  }
0x723: {  	v12 =	vld.idx.msk [tilespmem:v0+s10+$0xFFFFFFD0 ss:$0x1], $0xffff  }
0x724: {  	v13 =	vld.idx.msk [tilespmem:v0+s10+$0xFFFFFFE0 ss:$0x1], $0xffff  }
0x725: {  	v14 =	vld.idx.msk [tilespmem:v0+s10+$0xFFFFFFF0 ss:$0x1], $0xffff  }
0x726: {  	s11 =	sadd.s32 s7, s8;
	v15 =	vld.idx.msk [tilespmem:v0+s10+$0xFFFFFB90 ss:$0x1], $0xffff  }
0x727: {  	[tilespmem:s11+$0x470] =	vst.add.f32.msk $0xffff, v1  }
0x728: {  	v1 =	vld.idx.msk [tilespmem:v0+s10+$0xFFFFFBF0 ss:$0x1], $0xffff  }
0x729: {  	[tilespmem:s11+$0x10] =	vst.add.f32.msk $0xffff, v2  }
0x72a: {  	[tilespmem:s11+$0x20] =	vst.add.f32.msk $0xffff, v3  }
0x72b: {  	[tilespmem:s11+$0x30] =	vst.add.f32.msk $0xffff, v4  }
0x72c: {  	[tilespmem:s11+$0x40] =	vst.add.f32.msk $0xffff, v5  }
0x72d: {  	[tilespmem:s11+$0x50] =	vst.add.f32.msk $0xffff, v6  }
0x72e: {  	[tilespmem:s11+$0x0] =	vst.add.f32.msk $0xffff, v15  }
0x72f: {  	[tilespmem:s11+$0x70] =	vst.add.f32.msk $0xffff, v7  }
0x730: {  	[tilespmem:s11+$0x400] =	vst.add.f32.msk $0xffff, v8  }
0x731: {  	[tilespmem:s11+$0x410] =	vst.add.f32.msk $0xffff, v9  }
0x732: {  	[tilespmem:s11+$0x420] =	vst.add.f32.msk $0xffff, v10  }
0x733: {  	[tilespmem:s11+$0x430] =	vst.add.f32.msk $0xffff, v11  }
0x734: {  	[tilespmem:s11+$0x440] =	vst.add.f32.msk $0xffff, v12  }
0x735: {  	[tilespmem:s11+$0x450] =	vst.add.f32.msk $0xffff, v13  }
0x736: {  	[tilespmem:s11+$0x460] =	vst.add.f32.msk $0xffff, v14  }
0x737: {  	s9 =	simm.s32 $0x0;
	s10 =	sadd.s32 $0x800, s10;
	[tilespmem:s11+$0x60] =	vst.add.f32.msk $0xffff, v1  }
.LBB2_83:
0x738: {  	v1 =	vld.idx.msk [tilespmem:v0+s10+$0x0 ss:$0x1], $0xffff;
	s9 =	sadd.s32 $0x100, s9  }
0x739: {  	v2 =	vld.idx.msk [tilespmem:v0+s10+$0xFFFFFBA0 ss:$0x1], $0xffff;
	p0 =	slt.u32 s9, $0x300  }
0x73a: {  	v3 =	vld.idx.msk [tilespmem:v0+s10+$0xFFFFFBB0 ss:$0x1], $0xffff  }
0x73b: {  	v4 =	vld.idx.msk [tilespmem:v0+s10+$0xFFFFFBC0 ss:$0x1], $0xffff  }
0x73c: {  	s8 =	sadd.s32 $0x800, s8;
	v5 =	vld.idx.msk [tilespmem:v0+s10+$0xFFFFFBD0 ss:$0x1], $0xffff  }
0x73d: {  	s11 =	sadd.s32 s7, s8;
	v6 =	vld.idx.msk [tilespmem:v0+s10+$0xFFFFFBE0 ss:$0x1], $0xffff  }
0x73e: {  	[tilespmem:s11+$0x470] =	vst.add.f32.msk $0xffff, v1  }
0x73f: {  	v1 =	vld.idx.msk [tilespmem:v0+s10+$0xFFFFFBF0 ss:$0x1], $0xffff  }
0x740: {  	v7 =	vld.idx.msk [tilespmem:v0+s10+$0xFFFFFC00 ss:$0x1], $0xffff  }
0x741: {  	v8 =	vld.idx.msk [tilespmem:v0+s10+$0xFFFFFF90 ss:$0x1], $0xffff  }
0x742: {  	v9 =	vld.idx.msk [tilespmem:v0+s10+$0xFFFFFFA0 ss:$0x1], $0xffff  }
0x743: {  	v10 =	vld.idx.msk [tilespmem:v0+s10+$0xFFFFFFB0 ss:$0x1], $0xffff  }
0x744: {  	v11 =	vld.idx.msk [tilespmem:v0+s10+$0xFFFFFFC0 ss:$0x1], $0xffff  }
0x745: {  	v12 =	vld.idx.msk [tilespmem:v0+s10+$0xFFFFFFD0 ss:$0x1], $0xffff  }
0x746: {  	v13 =	vld.idx.msk [tilespmem:v0+s10+$0xFFFFFFE0 ss:$0x1], $0xffff  }
0x747: {  	v14 =	vld.idx.msk [tilespmem:v0+s10+$0xFFFFFFF0 ss:$0x1], $0xffff  }
0x748: {  	v15 =	vld.idx.msk [tilespmem:v0+s10+$0xFFFFFB90 ss:$0x1], $0xffff  }
0x749: {  	[tilespmem:s11+$0x10] =	vst.add.f32.msk $0xffff, v2  }
0x74a: {  	[tilespmem:s11+$0x20] =	vst.add.f32.msk $0xffff, v3  }
0x74b: {  	[tilespmem:s11+$0x30] =	vst.add.f32.msk $0xffff, v4  }
0x74c: {  	[tilespmem:s11+$0x40] =	vst.add.f32.msk $0xffff, v5  }
0x74d: {  	[tilespmem:s11+$0x50] =	vst.add.f32.msk $0xffff, v6  }
0x74e: {  	[tilespmem:s11+$0x0] =	vst.add.f32.msk $0xffff, v15  }
0x74f: {  	[tilespmem:s11+$0x60] =	vst.add.f32.msk $0xffff, v1  }
0x750: {  	[tilespmem:s11+$0x70] =	vst.add.f32.msk $0xffff, v7  }
0x751: {  	[tilespmem:s11+$0x400] =	vst.add.f32.msk $0xffff, v8  }
0x752: {  	[tilespmem:s11+$0x410] =	vst.add.f32.msk $0xffff, v9  }
.Ltmp40:
0x753: {  	[tilespmem:s11+$0x420] =	vst.add.f32.msk $0xffff, v10;
	(pc) =	sbr.rel @p0 .LBB2_83-.Ltmp40, $4  }
0x754: {  	[tilespmem:s11+$0x430] =	vst.add.f32.msk $0xffff, v11  }
0x755: {  	[tilespmem:s11+$0x440] =	vst.add.f32.msk $0xffff, v12  }
0x756: {  	[tilespmem:s11+$0x450] =	vst.add.f32.msk $0xffff, v13  }
0x757: {  	s10 =	sadd.s32 $0x800, s10;
	[tilespmem:s11+$0x460] =	vst.add.f32.msk $0xffff, v14  }
0x758: {  	s6 =	sadd.s32 $0x1, s6  }
0x759: {  	p0 =	sne.s32 s6, $0x10  }
.Ltmp41:
0x75a: {  	_ = 	snop;
	(pc) =	sbr.rel @p0 .LBB2_82-.Ltmp41, $2  }
0x75b: {  	_ =	sdelay $0x2  }
0x75c: {  	s5 =	sadd.s32 $0x1, s5;
	s4 =	sadd.s32 $0x400, s4  }
0x75d: {  	s5 =	sld [smem:$0x7E4];
	_ =	sdelay $0x1  }
0x75e: {  	s4 =	simm.s32 $0x0  }
0x75f: {  	[hbm4b:s5+s4] =	stream.linear.scatter [tilespmem:s4], [sflag:$0x6], $0x4000, $0x38;
	[tilespmem:$0x1C000] =	vst v63  }
0x760: {  	_ =	swait.ge [sflag:s0], $0x4000  }
0x761: {  	s11 =	sld [smem:$0x7E9]  }
0x762: {  	[sflag:s0] =	ssyncset.done $0x0  }
0x763: {  	[sflag:s0] =	ssyncadd.s32 $0xFFFFC000  }
0x764: {  	[tilespmem:s21], [sflag:$0x4] =	stream.linear.gather [hbm4b:s11+s4], $0x4000, $0x38;
	[tilespmem:$0x1C000] =	vst v63  }
0x765: {  	_ =	swait.ge [sflag:s22], $0x4000  }
0x766: {  	[sflag:s22] =	ssyncset.done $0x0  }
0x767: {  	s6 =	simm.s32 $0x0;
	s5 =	simm.s32 $0x0;
	[sflag:s22] =	ssyncadd.s32 $0xFFFFC000  }
.LBB2_86:
0x768: {  	s7 =	sand.u32 $0x7, s5  }
0x769: {  	s7 =	sshll.u32 s7, $0x9  }
0x76a: {  	s7 =	sshrl.u32 s7, $0x2  }
0x76b: {  	v0 =	vmov s7;
	_ =	sdelay $0x2  }
0x76c: {  	s8 =	sand.u32 $0x3FFFE000, s4  }
0x76d: {  	s10 =	sadd.s32 $0x18470, s8  }
0x76e: {  	v1 =	vld.idx.msk [tilespmem:v0+s10+$0x0 ss:$0x1], $0xffff  }
0x76f: {  	v2 =	vld.idx.msk [tilespmem:v0+s10+$0xFFFFFBA0 ss:$0x1], $0xffff  }
0x770: {  	v3 =	vld.idx.msk [tilespmem:v0+s10+$0xFFFFFBB0 ss:$0x1], $0xffff  }
0x771: {  	v4 =	vld.idx.msk [tilespmem:v0+s10+$0xFFFFFBC0 ss:$0x1], $0xffff  }
0x772: {  	v5 =	vld.idx.msk [tilespmem:v0+s10+$0xFFFFFBD0 ss:$0x1], $0xffff  }
0x773: {  	v6 =	vld.idx.msk [tilespmem:v0+s10+$0xFFFFFBE0 ss:$0x1], $0xffff  }
0x774: {  	v7 =	vld.idx.msk [tilespmem:v0+s10+$0xFFFFFC00 ss:$0x1], $0xffff  }
0x775: {  	v8 =	vld.idx.msk [tilespmem:v0+s10+$0xFFFFFF90 ss:$0x1], $0xffff  }
0x776: {  	v9 =	vld.idx.msk [tilespmem:v0+s10+$0xFFFFFFA0 ss:$0x1], $0xffff  }
0x777: {  	v10 =	vld.idx.msk [tilespmem:v0+s10+$0xFFFFFFB0 ss:$0x1], $0xffff  }
0x778: {  	v11 =	vld.idx.msk [tilespmem:v0+s10+$0xFFFFFFC0 ss:$0x1], $0xffff  }
0x779: {  	v12 =	vld.idx.msk [tilespmem:v0+s10+$0xFFFFFFD0 ss:$0x1], $0xffff  }
0x77a: {  	v13 =	vld.idx.msk [tilespmem:v0+s10+$0xFFFFFFE0 ss:$0x1], $0xffff  }
0x77b: {  	s8 =	sadd.s32 $0x4000, s8;
	v14 =	vld.idx.msk [tilespmem:v0+s10+$0xFFFFFFF0 ss:$0x1], $0xffff  }
0x77c: {  	s11 =	sadd.s32 s7, s8;
	v15 =	vld.idx.msk [tilespmem:v0+s10+$0xFFFFFB90 ss:$0x1], $0xffff  }
0x77d: {  	[tilespmem:s11+$0x470] =	vst.add.f32.msk $0xffff, v1  }
0x77e: {  	v1 =	vld.idx.msk [tilespmem:v0+s10+$0xFFFFFBF0 ss:$0x1], $0xffff  }
0x77f: {  	[tilespmem:s11+$0x10] =	vst.add.f32.msk $0xffff, v2  }
0x780: {  	[tilespmem:s11+$0x20] =	vst.add.f32.msk $0xffff, v3  }
0x781: {  	[tilespmem:s11+$0x30] =	vst.add.f32.msk $0xffff, v4  }
0x782: {  	[tilespmem:s11+$0x40] =	vst.add.f32.msk $0xffff, v5  }
0x783: {  	[tilespmem:s11+$0x50] =	vst.add.f32.msk $0xffff, v6  }
0x784: {  	[tilespmem:s11+$0x0] =	vst.add.f32.msk $0xffff, v15  }
0x785: {  	[tilespmem:s11+$0x70] =	vst.add.f32.msk $0xffff, v7  }
0x786: {  	[tilespmem:s11+$0x400] =	vst.add.f32.msk $0xffff, v8  }
0x787: {  	[tilespmem:s11+$0x410] =	vst.add.f32.msk $0xffff, v9  }
0x788: {  	[tilespmem:s11+$0x420] =	vst.add.f32.msk $0xffff, v10  }
0x789: {  	[tilespmem:s11+$0x430] =	vst.add.f32.msk $0xffff, v11  }
0x78a: {  	[tilespmem:s11+$0x440] =	vst.add.f32.msk $0xffff, v12  }
0x78b: {  	[tilespmem:s11+$0x450] =	vst.add.f32.msk $0xffff, v13  }
0x78c: {  	[tilespmem:s11+$0x460] =	vst.add.f32.msk $0xffff, v14  }
0x78d: {  	s9 =	simm.s32 $0x0;
	s10 =	sadd.s32 $0x800, s10;
	[tilespmem:s11+$0x60] =	vst.add.f32.msk $0xffff, v1  }
.LBB2_87:
0x78e: {  	v1 =	vld.idx.msk [tilespmem:v0+s10+$0x0 ss:$0x1], $0xffff;
	s9 =	sadd.s32 $0x100, s9  }
0x78f: {  	v2 =	vld.idx.msk [tilespmem:v0+s10+$0xFFFFFBA0 ss:$0x1], $0xffff;
	p0 =	slt.u32 s9, $0x300  }
0x790: {  	v3 =	vld.idx.msk [tilespmem:v0+s10+$0xFFFFFBB0 ss:$0x1], $0xffff  }
0x791: {  	v4 =	vld.idx.msk [tilespmem:v0+s10+$0xFFFFFBC0 ss:$0x1], $0xffff  }
0x792: {  	s8 =	sadd.s32 $0x800, s8;
	v5 =	vld.idx.msk [tilespmem:v0+s10+$0xFFFFFBD0 ss:$0x1], $0xffff  }
0x793: {  	s11 =	sadd.s32 s7, s8;
	v6 =	vld.idx.msk [tilespmem:v0+s10+$0xFFFFFBE0 ss:$0x1], $0xffff  }
0x794: {  	[tilespmem:s11+$0x470] =	vst.add.f32.msk $0xffff, v1  }
0x795: {  	v1 =	vld.idx.msk [tilespmem:v0+s10+$0xFFFFFBF0 ss:$0x1], $0xffff  }
0x796: {  	v7 =	vld.idx.msk [tilespmem:v0+s10+$0xFFFFFC00 ss:$0x1], $0xffff  }
0x797: {  	v8 =	vld.idx.msk [tilespmem:v0+s10+$0xFFFFFF90 ss:$0x1], $0xffff  }
0x798: {  	v9 =	vld.idx.msk [tilespmem:v0+s10+$0xFFFFFFA0 ss:$0x1], $0xffff  }
0x799: {  	v10 =	vld.idx.msk [tilespmem:v0+s10+$0xFFFFFFB0 ss:$0x1], $0xffff  }
0x79a: {  	v11 =	vld.idx.msk [tilespmem:v0+s10+$0xFFFFFFC0 ss:$0x1], $0xffff  }
0x79b: {  	v12 =	vld.idx.msk [tilespmem:v0+s10+$0xFFFFFFD0 ss:$0x1], $0xffff  }
0x79c: {  	v13 =	vld.idx.msk [tilespmem:v0+s10+$0xFFFFFFE0 ss:$0x1], $0xffff  }
0x79d: {  	v14 =	vld.idx.msk [tilespmem:v0+s10+$0xFFFFFFF0 ss:$0x1], $0xffff  }
0x79e: {  	v15 =	vld.idx.msk [tilespmem:v0+s10+$0xFFFFFB90 ss:$0x1], $0xffff  }
0x79f: {  	[tilespmem:s11+$0x10] =	vst.add.f32.msk $0xffff, v2  }
0x7a0: {  	[tilespmem:s11+$0x20] =	vst.add.f32.msk $0xffff, v3  }
0x7a1: {  	[tilespmem:s11+$0x30] =	vst.add.f32.msk $0xffff, v4  }
0x7a2: {  	[tilespmem:s11+$0x40] =	vst.add.f32.msk $0xffff, v5  }
0x7a3: {  	[tilespmem:s11+$0x50] =	vst.add.f32.msk $0xffff, v6  }
0x7a4: {  	[tilespmem:s11+$0x0] =	vst.add.f32.msk $0xffff, v15  }
0x7a5: {  	[tilespmem:s11+$0x60] =	vst.add.f32.msk $0xffff, v1  }
0x7a6: {  	[tilespmem:s11+$0x70] =	vst.add.f32.msk $0xffff, v7  }
0x7a7: {  	[tilespmem:s11+$0x400] =	vst.add.f32.msk $0xffff, v8  }
0x7a8: {  	[tilespmem:s11+$0x410] =	vst.add.f32.msk $0xffff, v9  }
.Ltmp42:
0x7a9: {  	[tilespmem:s11+$0x420] =	vst.add.f32.msk $0xffff, v10;
	(pc) =	sbr.rel @p0 .LBB2_87-.Ltmp42, $4  }
0x7aa: {  	[tilespmem:s11+$0x430] =	vst.add.f32.msk $0xffff, v11  }
0x7ab: {  	[tilespmem:s11+$0x440] =	vst.add.f32.msk $0xffff, v12  }
0x7ac: {  	[tilespmem:s11+$0x450] =	vst.add.f32.msk $0xffff, v13  }
0x7ad: {  	s10 =	sadd.s32 $0x800, s10;
	[tilespmem:s11+$0x460] =	vst.add.f32.msk $0xffff, v14  }
0x7ae: {  	s6 =	sadd.s32 $0x1, s6  }
0x7af: {  	p0 =	sne.s32 s6, $0x10  }
.Ltmp43:
0x7b0: {  	_ = 	snop;
	(pc) =	sbr.rel @p0 .LBB2_86-.Ltmp43, $2  }
0x7b1: {  	_ =	sdelay $0x2  }
0x7b2: {  	s5 =	sadd.s32 $0x1, s5;
	s4 =	sadd.s32 $0x400, s4  }
0x7b3: {  	s5 =	sld [smem:$0x7E6];
	_ =	sdelay $0x1  }
0x7b4: {  	s4 =	simm.s32 $0x0  }
0x7b5: {  	[hbm4b:s5+s4] =	stream.linear.scatter [tilespmem:s16], [sflag:$0x7], $0x4000, $0x38;
	[tilespmem:$0x1C000] =	vst v63  }
0x7b6: {  	_ =	swait.ge [sflag:s2], $0x4000  }
0x7b7: {  	s11 =	sld [smem:$0x7EE]  }
0x7b8: {  	[sflag:s2] =	ssyncset.done $0x0  }
0x7b9: {  	[sflag:s2] =	ssyncadd.s32 $0xFFFFC000  }
0x7ba: {  	[tilespmem:s23], [sflag:$0x5] =	stream.linear.gather [hbm4b:s11+s4], $0x4000, $0x38;
	[tilespmem:$0x1C000] =	vst v63  }
0x7bb: {  	_ =	swait.ge [sflag:s24], $0x4000  }
0x7bc: {  	[sflag:s24] =	ssyncset.done $0x0  }
0x7bd: {  	s6 =	simm.s32 $0x0;
	s5 =	simm.s32 $0x0;
	[sflag:s24] =	ssyncadd.s32 $0xFFFFC000  }
.LBB2_90:
0x7be: {  	s7 =	sand.u32 $0x7, s5  }
0x7bf: {  	s7 =	sshll.u32 s7, $0x9  }
0x7c0: {  	s7 =	sshrl.u32 s7, $0x2  }
0x7c1: {  	v0 =	vmov s7;
	_ =	sdelay $0x2  }
0x7c2: {  	s8 =	sand.u32 $0x3FFFE000, s4  }
0x7c3: {  	s10 =	sadd.s32 $0x18470, s8  }
0x7c4: {  	v1 =	vld.idx.msk [tilespmem:v0+s10+$0x0 ss:$0x1], $0xffff  }
0x7c5: {  	v2 =	vld.idx.msk [tilespmem:v0+s10+$0xFFFFFBA0 ss:$0x1], $0xffff  }
0x7c6: {  	v3 =	vld.idx.msk [tilespmem:v0+s10+$0xFFFFFBB0 ss:$0x1], $0xffff  }
0x7c7: {  	v4 =	vld.idx.msk [tilespmem:v0+s10+$0xFFFFFBC0 ss:$0x1], $0xffff  }
0x7c8: {  	v5 =	vld.idx.msk [tilespmem:v0+s10+$0xFFFFFBD0 ss:$0x1], $0xffff  }
0x7c9: {  	v6 =	vld.idx.msk [tilespmem:v0+s10+$0xFFFFFBE0 ss:$0x1], $0xffff  }
0x7ca: {  	v7 =	vld.idx.msk [tilespmem:v0+s10+$0xFFFFFC00 ss:$0x1], $0xffff  }
0x7cb: {  	v8 =	vld.idx.msk [tilespmem:v0+s10+$0xFFFFFF90 ss:$0x1], $0xffff  }
0x7cc: {  	v9 =	vld.idx.msk [tilespmem:v0+s10+$0xFFFFFFA0 ss:$0x1], $0xffff  }
0x7cd: {  	v10 =	vld.idx.msk [tilespmem:v0+s10+$0xFFFFFFB0 ss:$0x1], $0xffff  }
0x7ce: {  	v11 =	vld.idx.msk [tilespmem:v0+s10+$0xFFFFFFC0 ss:$0x1], $0xffff  }
0x7cf: {  	v12 =	vld.idx.msk [tilespmem:v0+s10+$0xFFFFFFD0 ss:$0x1], $0xffff  }
0x7d0: {  	v13 =	vld.idx.msk [tilespmem:v0+s10+$0xFFFFFFE0 ss:$0x1], $0xffff  }
0x7d1: {  	s8 =	sadd.s32 $0x8000, s8;
	v14 =	vld.idx.msk [tilespmem:v0+s10+$0xFFFFFFF0 ss:$0x1], $0xffff  }
0x7d2: {  	s11 =	sadd.s32 s7, s8;
	v15 =	vld.idx.msk [tilespmem:v0+s10+$0xFFFFFB90 ss:$0x1], $0xffff  }
0x7d3: {  	[tilespmem:s11+$0x470] =	vst.add.f32.msk $0xffff, v1  }
0x7d4: {  	v1 =	vld.idx.msk [tilespmem:v0+s10+$0xFFFFFBF0 ss:$0x1], $0xffff  }
0x7d5: {  	[tilespmem:s11+$0x10] =	vst.add.f32.msk $0xffff, v2  }
0x7d6: {  	[tilespmem:s11+$0x20] =	vst.add.f32.msk $0xffff, v3  }
0x7d7: {  	[tilespmem:s11+$0x30] =	vst.add.f32.msk $0xffff, v4  }
0x7d8: {  	[tilespmem:s11+$0x40] =	vst.add.f32.msk $0xffff, v5  }
0x7d9: {  	[tilespmem:s11+$0x50] =	vst.add.f32.msk $0xffff, v6  }
0x7da: {  	[tilespmem:s11+$0x0] =	vst.add.f32.msk $0xffff, v15  }
0x7db: {  	[tilespmem:s11+$0x70] =	vst.add.f32.msk $0xffff, v7  }
0x7dc: {  	[tilespmem:s11+$0x400] =	vst.add.f32.msk $0xffff, v8  }
0x7dd: {  	[tilespmem:s11+$0x410] =	vst.add.f32.msk $0xffff, v9  }
0x7de: {  	[tilespmem:s11+$0x420] =	vst.add.f32.msk $0xffff, v10  }
0x7df: {  	[tilespmem:s11+$0x430] =	vst.add.f32.msk $0xffff, v11  }
0x7e0: {  	[tilespmem:s11+$0x440] =	vst.add.f32.msk $0xffff, v12  }
0x7e1: {  	[tilespmem:s11+$0x450] =	vst.add.f32.msk $0xffff, v13  }
0x7e2: {  	[tilespmem:s11+$0x460] =	vst.add.f32.msk $0xffff, v14  }
0x7e3: {  	s9 =	simm.s32 $0x0;
	s10 =	sadd.s32 $0x800, s10;
	[tilespmem:s11+$0x60] =	vst.add.f32.msk $0xffff, v1  }
.LBB2_91:
0x7e4: {  	v1 =	vld.idx.msk [tilespmem:v0+s10+$0x0 ss:$0x1], $0xffff;
	s9 =	sadd.s32 $0x100, s9  }
0x7e5: {  	v2 =	vld.idx.msk [tilespmem:v0+s10+$0xFFFFFBA0 ss:$0x1], $0xffff;
	p0 =	slt.u32 s9, $0x300  }
0x7e6: {  	v3 =	vld.idx.msk [tilespmem:v0+s10+$0xFFFFFBB0 ss:$0x1], $0xffff  }
0x7e7: {  	v4 =	vld.idx.msk [tilespmem:v0+s10+$0xFFFFFBC0 ss:$0x1], $0xffff  }
0x7e8: {  	s8 =	sadd.s32 $0x800, s8;
	v5 =	vld.idx.msk [tilespmem:v0+s10+$0xFFFFFBD0 ss:$0x1], $0xffff  }
0x7e9: {  	s11 =	sadd.s32 s7, s8;
	v6 =	vld.idx.msk [tilespmem:v0+s10+$0xFFFFFBE0 ss:$0x1], $0xffff  }
0x7ea: {  	[tilespmem:s11+$0x470] =	vst.add.f32.msk $0xffff, v1  }
0x7eb: {  	v1 =	vld.idx.msk [tilespmem:v0+s10+$0xFFFFFBF0 ss:$0x1], $0xffff  }
0x7ec: {  	v7 =	vld.idx.msk [tilespmem:v0+s10+$0xFFFFFC00 ss:$0x1], $0xffff  }
0x7ed: {  	v8 =	vld.idx.msk [tilespmem:v0+s10+$0xFFFFFF90 ss:$0x1], $0xffff  }
0x7ee: {  	v9 =	vld.idx.msk [tilespmem:v0+s10+$0xFFFFFFA0 ss:$0x1], $0xffff  }
0x7ef: {  	v10 =	vld.idx.msk [tilespmem:v0+s10+$0xFFFFFFB0 ss:$0x1], $0xffff  }
0x7f0: {  	v11 =	vld.idx.msk [tilespmem:v0+s10+$0xFFFFFFC0 ss:$0x1], $0xffff  }
0x7f1: {  	v12 =	vld.idx.msk [tilespmem:v0+s10+$0xFFFFFFD0 ss:$0x1], $0xffff  }
0x7f2: {  	v13 =	vld.idx.msk [tilespmem:v0+s10+$0xFFFFFFE0 ss:$0x1], $0xffff  }
0x7f3: {  	v14 =	vld.idx.msk [tilespmem:v0+s10+$0xFFFFFFF0 ss:$0x1], $0xffff  }
0x7f4: {  	v15 =	vld.idx.msk [tilespmem:v0+s10+$0xFFFFFB90 ss:$0x1], $0xffff  }
0x7f5: {  	[tilespmem:s11+$0x10] =	vst.add.f32.msk $0xffff, v2  }
0x7f6: {  	[tilespmem:s11+$0x20] =	vst.add.f32.msk $0xffff, v3  }
0x7f7: {  	[tilespmem:s11+$0x30] =	vst.add.f32.msk $0xffff, v4  }
0x7f8: {  	[tilespmem:s11+$0x40] =	vst.add.f32.msk $0xffff, v5  }
0x7f9: {  	[tilespmem:s11+$0x50] =	vst.add.f32.msk $0xffff, v6  }
0x7fa: {  	[tilespmem:s11+$0x0] =	vst.add.f32.msk $0xffff, v15  }
0x7fb: {  	[tilespmem:s11+$0x60] =	vst.add.f32.msk $0xffff, v1  }
0x7fc: {  	[tilespmem:s11+$0x70] =	vst.add.f32.msk $0xffff, v7  }
0x7fd: {  	[tilespmem:s11+$0x400] =	vst.add.f32.msk $0xffff, v8  }
0x7fe: {  	[tilespmem:s11+$0x410] =	vst.add.f32.msk $0xffff, v9  }
.Ltmp44:
0x7ff: {  	[tilespmem:s11+$0x420] =	vst.add.f32.msk $0xffff, v10;
	(pc) =	sbr.rel @p0 .LBB2_91-.Ltmp44, $4  }
0x800: {  	[tilespmem:s11+$0x430] =	vst.add.f32.msk $0xffff, v11  }
0x801: {  	[tilespmem:s11+$0x440] =	vst.add.f32.msk $0xffff, v12  }
0x802: {  	[tilespmem:s11+$0x450] =	vst.add.f32.msk $0xffff, v13  }
0x803: {  	s10 =	sadd.s32 $0x800, s10;
	[tilespmem:s11+$0x460] =	vst.add.f32.msk $0xffff, v14  }
0x804: {  	s6 =	sadd.s32 $0x1, s6  }
0x805: {  	p0 =	sne.s32 s6, $0x10  }
.Ltmp45:
0x806: {  	_ = 	snop;
	(pc) =	sbr.rel @p0 .LBB2_90-.Ltmp45, $2  }
0x807: {  	_ =	sdelay $0x2  }
0x808: {  	s5 =	sadd.s32 $0x1, s5;
	s4 =	sadd.s32 $0x400, s4  }
0x809: {  	s5 =	sld [smem:$0x7E8];
	_ =	sdelay $0x1  }
0x80a: {  	s4 =	simm.s32 $0x0  }
0x80b: {  	[hbm4b:s5+s4] =	stream.linear.scatter [tilespmem:s17], [sflag:$0x8], $0x4000, $0x38;
	[tilespmem:$0x1C000] =	vst v63  }
0x80c: {  	_ =	swait.ge [sflag:s25], $0x4000  }
0x80d: {  	s11 =	sld [smem:$0x7F0]  }
0x80e: {  	[sflag:s25] =	ssyncset.done $0x0  }
0x80f: {  	[sflag:s25] =	ssyncadd.s32 $0xFFFFC000  }
0x810: {  	[tilespmem:s4], [sflag:$0x1] =	stream.linear.gather [hbm4b:s11+s4], $0x4000, $0x38;
	[tilespmem:$0x1C000] =	vst v63  }
0x811: {  	_ =	swait.ge [sflag:s26], $0x4000  }
0x812: {  	[sflag:s26] =	ssyncset.done $0x0  }
0x813: {  	s6 =	simm.s32 $0x0;
	s5 =	simm.s32 $0x0;
	[sflag:s26] =	ssyncadd.s32 $0xFFFFC000  }
.LBB2_94:
0x814: {  	s7 =	sand.u32 $0x7, s5  }
0x815: {  	s7 =	sshll.u32 s7, $0x9  }
0x816: {  	s7 =	sshrl.u32 s7, $0x2  }
0x817: {  	v0 =	vmov s7;
	_ =	sdelay $0x2  }
0x818: {  	s8 =	sand.u32 $0x3FFFE000, s4  }
0x819: {  	s10 =	sadd.s32 $0x18470, s8  }
0x81a: {  	v1 =	vld.idx.msk [tilespmem:v0+s10+$0x0 ss:$0x1], $0xffff  }
0x81b: {  	v2 =	vld.idx.msk [tilespmem:v0+s10+$0xFFFFFBA0 ss:$0x1], $0xffff  }
0x81c: {  	v3 =	vld.idx.msk [tilespmem:v0+s10+$0xFFFFFBB0 ss:$0x1], $0xffff  }
0x81d: {  	v4 =	vld.idx.msk [tilespmem:v0+s10+$0xFFFFFBC0 ss:$0x1], $0xffff  }
0x81e: {  	v5 =	vld.idx.msk [tilespmem:v0+s10+$0xFFFFFBD0 ss:$0x1], $0xffff  }
0x81f: {  	v6 =	vld.idx.msk [tilespmem:v0+s10+$0xFFFFFBE0 ss:$0x1], $0xffff  }
0x820: {  	v7 =	vld.idx.msk [tilespmem:v0+s10+$0xFFFFFC00 ss:$0x1], $0xffff  }
0x821: {  	v8 =	vld.idx.msk [tilespmem:v0+s10+$0xFFFFFF90 ss:$0x1], $0xffff  }
0x822: {  	v9 =	vld.idx.msk [tilespmem:v0+s10+$0xFFFFFFA0 ss:$0x1], $0xffff  }
0x823: {  	v10 =	vld.idx.msk [tilespmem:v0+s10+$0xFFFFFFB0 ss:$0x1], $0xffff  }
0x824: {  	v11 =	vld.idx.msk [tilespmem:v0+s10+$0xFFFFFFC0 ss:$0x1], $0xffff  }
0x825: {  	v12 =	vld.idx.msk [tilespmem:v0+s10+$0xFFFFFFD0 ss:$0x1], $0xffff  }
0x826: {  	v13 =	vld.idx.msk [tilespmem:v0+s10+$0xFFFFFFE0 ss:$0x1], $0xffff  }
0x827: {  	s8 =	sadd.s32 $0xC000, s8;
	v14 =	vld.idx.msk [tilespmem:v0+s10+$0xFFFFFFF0 ss:$0x1], $0xffff  }
0x828: {  	s11 =	sadd.s32 s7, s8;
	v15 =	vld.idx.msk [tilespmem:v0+s10+$0xFFFFFB90 ss:$0x1], $0xffff  }
0x829: {  	[tilespmem:s11+$0x470] =	vst.add.f32.msk $0xffff, v1  }
0x82a: {  	v1 =	vld.idx.msk [tilespmem:v0+s10+$0xFFFFFBF0 ss:$0x1], $0xffff  }
0x82b: {  	[tilespmem:s11+$0x10] =	vst.add.f32.msk $0xffff, v2  }
0x82c: {  	[tilespmem:s11+$0x20] =	vst.add.f32.msk $0xffff, v3  }
0x82d: {  	[tilespmem:s11+$0x30] =	vst.add.f32.msk $0xffff, v4  }
0x82e: {  	[tilespmem:s11+$0x40] =	vst.add.f32.msk $0xffff, v5  }
0x82f: {  	[tilespmem:s11+$0x50] =	vst.add.f32.msk $0xffff, v6  }
0x830: {  	[tilespmem:s11+$0x0] =	vst.add.f32.msk $0xffff, v15  }
0x831: {  	[tilespmem:s11+$0x70] =	vst.add.f32.msk $0xffff, v7  }
0x832: {  	[tilespmem:s11+$0x400] =	vst.add.f32.msk $0xffff, v8  }
0x833: {  	[tilespmem:s11+$0x410] =	vst.add.f32.msk $0xffff, v9  }
0x834: {  	[tilespmem:s11+$0x420] =	vst.add.f32.msk $0xffff, v10  }
0x835: {  	[tilespmem:s11+$0x430] =	vst.add.f32.msk $0xffff, v11  }
0x836: {  	[tilespmem:s11+$0x440] =	vst.add.f32.msk $0xffff, v12  }
0x837: {  	[tilespmem:s11+$0x450] =	vst.add.f32.msk $0xffff, v13  }
0x838: {  	[tilespmem:s11+$0x460] =	vst.add.f32.msk $0xffff, v14  }
0x839: {  	s9 =	simm.s32 $0x0;
	s10 =	sadd.s32 $0x800, s10;
	[tilespmem:s11+$0x60] =	vst.add.f32.msk $0xffff, v1  }
.LBB2_95:
0x83a: {  	v1 =	vld.idx.msk [tilespmem:v0+s10+$0x0 ss:$0x1], $0xffff;
	s9 =	sadd.s32 $0x100, s9  }
0x83b: {  	v2 =	vld.idx.msk [tilespmem:v0+s10+$0xFFFFFBA0 ss:$0x1], $0xffff;
	p0 =	slt.u32 s9, $0x300  }
0x83c: {  	v3 =	vld.idx.msk [tilespmem:v0+s10+$0xFFFFFBB0 ss:$0x1], $0xffff  }
0x83d: {  	v4 =	vld.idx.msk [tilespmem:v0+s10+$0xFFFFFBC0 ss:$0x1], $0xffff  }
0x83e: {  	s8 =	sadd.s32 $0x800, s8;
	v5 =	vld.idx.msk [tilespmem:v0+s10+$0xFFFFFBD0 ss:$0x1], $0xffff  }
0x83f: {  	s11 =	sadd.s32 s7, s8;
	v6 =	vld.idx.msk [tilespmem:v0+s10+$0xFFFFFBE0 ss:$0x1], $0xffff  }
0x840: {  	[tilespmem:s11+$0x470] =	vst.add.f32.msk $0xffff, v1  }
0x841: {  	v1 =	vld.idx.msk [tilespmem:v0+s10+$0xFFFFFBF0 ss:$0x1], $0xffff  }
0x842: {  	v7 =	vld.idx.msk [tilespmem:v0+s10+$0xFFFFFC00 ss:$0x1], $0xffff  }
0x843: {  	v8 =	vld.idx.msk [tilespmem:v0+s10+$0xFFFFFF90 ss:$0x1], $0xffff  }
0x844: {  	v9 =	vld.idx.msk [tilespmem:v0+s10+$0xFFFFFFA0 ss:$0x1], $0xffff  }
0x845: {  	v10 =	vld.idx.msk [tilespmem:v0+s10+$0xFFFFFFB0 ss:$0x1], $0xffff  }
0x846: {  	v11 =	vld.idx.msk [tilespmem:v0+s10+$0xFFFFFFC0 ss:$0x1], $0xffff  }
0x847: {  	v12 =	vld.idx.msk [tilespmem:v0+s10+$0xFFFFFFD0 ss:$0x1], $0xffff  }
0x848: {  	v13 =	vld.idx.msk [tilespmem:v0+s10+$0xFFFFFFE0 ss:$0x1], $0xffff  }
0x849: {  	v14 =	vld.idx.msk [tilespmem:v0+s10+$0xFFFFFFF0 ss:$0x1], $0xffff  }
0x84a: {  	v15 =	vld.idx.msk [tilespmem:v0+s10+$0xFFFFFB90 ss:$0x1], $0xffff  }
0x84b: {  	[tilespmem:s11+$0x10] =	vst.add.f32.msk $0xffff, v2  }
0x84c: {  	[tilespmem:s11+$0x20] =	vst.add.f32.msk $0xffff, v3  }
0x84d: {  	[tilespmem:s11+$0x30] =	vst.add.f32.msk $0xffff, v4  }
0x84e: {  	[tilespmem:s11+$0x40] =	vst.add.f32.msk $0xffff, v5  }
0x84f: {  	[tilespmem:s11+$0x50] =	vst.add.f32.msk $0xffff, v6  }
0x850: {  	[tilespmem:s11+$0x0] =	vst.add.f32.msk $0xffff, v15  }
0x851: {  	[tilespmem:s11+$0x60] =	vst.add.f32.msk $0xffff, v1  }
0x852: {  	[tilespmem:s11+$0x70] =	vst.add.f32.msk $0xffff, v7  }
0x853: {  	[tilespmem:s11+$0x400] =	vst.add.f32.msk $0xffff, v8  }
0x854: {  	[tilespmem:s11+$0x410] =	vst.add.f32.msk $0xffff, v9  }
.Ltmp46:
0x855: {  	[tilespmem:s11+$0x420] =	vst.add.f32.msk $0xffff, v10;
	(pc) =	sbr.rel @p0 .LBB2_95-.Ltmp46, $4  }
0x856: {  	[tilespmem:s11+$0x430] =	vst.add.f32.msk $0xffff, v11  }
0x857: {  	[tilespmem:s11+$0x440] =	vst.add.f32.msk $0xffff, v12  }
0x858: {  	[tilespmem:s11+$0x450] =	vst.add.f32.msk $0xffff, v13  }
0x859: {  	s10 =	sadd.s32 $0x800, s10;
	[tilespmem:s11+$0x460] =	vst.add.f32.msk $0xffff, v14  }
0x85a: {  	s6 =	sadd.s32 $0x1, s6  }
0x85b: {  	p0 =	sne.s32 s6, $0x10  }
.Ltmp47:
0x85c: {  	_ = 	snop;
	(pc) =	sbr.rel @p0 .LBB2_94-.Ltmp47, $2  }
0x85d: {  	_ =	sdelay $0x2  }
0x85e: {  	s5 =	sadd.s32 $0x1, s5;
	s4 =	sadd.s32 $0x400, s4  }
0x85f: {  	s5 =	sld [smem:$0x7EA];
	_ =	sdelay $0x1  }
0x860: {  	s4 =	simm.s32 $0x0  }
0x861: {  	[hbm4b:s5+s4] =	stream.linear.scatter [tilespmem:s21], [sflag:$0x9], $0x4000, $0x38;
	[tilespmem:$0x1C000] =	vst v63  }
0x862: {  	_ =	swait.ge [sflag:s28], $0x4000  }
0x863: {  	s10 =	sld [smem:$0x7F2]  }
0x864: {  	[sflag:s28] =	ssyncset.done $0x0  }
0x865: {  	[sflag:s28] =	ssyncadd.s32 $0xFFFFC000  }
0x866: {  	[tilespmem:s16], [sflag:$0x2] =	stream.linear.gather [hbm4b:s10+s4], $0x4000, $0x38;
	[tilespmem:$0x1C000] =	vst v63  }
0x867: {  	_ =	swait.ge [sflag:s18], $0x4000  }
0x868: {  	s11 =	sld [smem:$0x7ED]  }
0x869: {  	[sflag:s18] =	ssyncset.done $0x0  }
0x86a: {  	[sflag:s18] =	ssyncadd.s32 $0xFFFFC000  }
0x86b: {  	[tilespmem:s19], [sflag:$0xC] =	stream.linear.gather [hbm4b:s11+s4], $0x4000, $0x38;
	[tilespmem:$0x1C000] =	vst v63  }
0x86c: {  	_ =	swait.ge [sflag:s30], $0x4000  }
0x86d: {  	[sflag:s30] =	ssyncset.done $0x0  }
0x86e: {  	s6 =	simm.s32 $0x0;
	s5 =	simm.s32 $0x0;
	[sflag:s30] =	ssyncadd.s32 $0xFFFFC000  }
.LBB2_98:
0x86f: {  	s7 =	sand.u32 $0x7, s5  }
0x870: {  	s7 =	sshll.u32 s7, $0x9  }
0x871: {  	s7 =	sshrl.u32 s7, $0x2  }
0x872: {  	v0 =	vmov s7;
	_ =	sdelay $0x2  }
0x873: {  	s8 =	sand.u32 $0x3FFFE000, s4  }
0x874: {  	s10 =	sadd.s32 $0x14470, s8  }
0x875: {  	v1 =	vld.idx.msk [tilespmem:v0+s10+$0x0 ss:$0x1], $0xffff  }
0x876: {  	v2 =	vld.idx.msk [tilespmem:v0+s10+$0xFFFFFBA0 ss:$0x1], $0xffff  }
0x877: {  	v3 =	vld.idx.msk [tilespmem:v0+s10+$0xFFFFFBB0 ss:$0x1], $0xffff  }
0x878: {  	v4 =	vld.idx.msk [tilespmem:v0+s10+$0xFFFFFBC0 ss:$0x1], $0xffff  }
0x879: {  	v5 =	vld.idx.msk [tilespmem:v0+s10+$0xFFFFFBD0 ss:$0x1], $0xffff  }
0x87a: {  	v6 =	vld.idx.msk [tilespmem:v0+s10+$0xFFFFFBE0 ss:$0x1], $0xffff  }
0x87b: {  	v7 =	vld.idx.msk [tilespmem:v0+s10+$0xFFFFFC00 ss:$0x1], $0xffff  }
0x87c: {  	v8 =	vld.idx.msk [tilespmem:v0+s10+$0xFFFFFF90 ss:$0x1], $0xffff  }
0x87d: {  	v9 =	vld.idx.msk [tilespmem:v0+s10+$0xFFFFFFA0 ss:$0x1], $0xffff  }
0x87e: {  	v10 =	vld.idx.msk [tilespmem:v0+s10+$0xFFFFFFB0 ss:$0x1], $0xffff  }
0x87f: {  	v11 =	vld.idx.msk [tilespmem:v0+s10+$0xFFFFFFC0 ss:$0x1], $0xffff  }
0x880: {  	v12 =	vld.idx.msk [tilespmem:v0+s10+$0xFFFFFFD0 ss:$0x1], $0xffff  }
0x881: {  	v13 =	vld.idx.msk [tilespmem:v0+s10+$0xFFFFFFE0 ss:$0x1], $0xffff  }
0x882: {  	s8 =	sadd.s32 $0x10000, s8;
	v14 =	vld.idx.msk [tilespmem:v0+s10+$0xFFFFFFF0 ss:$0x1], $0xffff  }
0x883: {  	s11 =	sadd.s32 s7, s8;
	v15 =	vld.idx.msk [tilespmem:v0+s10+$0xFFFFFB90 ss:$0x1], $0xffff  }
0x884: {  	[tilespmem:s11+$0x470] =	vst.add.f32.msk $0xffff, v1  }
0x885: {  	v1 =	vld.idx.msk [tilespmem:v0+s10+$0xFFFFFBF0 ss:$0x1], $0xffff  }
0x886: {  	[tilespmem:s11+$0x10] =	vst.add.f32.msk $0xffff, v2  }
0x887: {  	[tilespmem:s11+$0x20] =	vst.add.f32.msk $0xffff, v3  }
0x888: {  	[tilespmem:s11+$0x30] =	vst.add.f32.msk $0xffff, v4  }
0x889: {  	[tilespmem:s11+$0x40] =	vst.add.f32.msk $0xffff, v5  }
0x88a: {  	[tilespmem:s11+$0x50] =	vst.add.f32.msk $0xffff, v6  }
0x88b: {  	[tilespmem:s11+$0x0] =	vst.add.f32.msk $0xffff, v15  }
0x88c: {  	[tilespmem:s11+$0x70] =	vst.add.f32.msk $0xffff, v7  }
0x88d: {  	[tilespmem:s11+$0x400] =	vst.add.f32.msk $0xffff, v8  }
0x88e: {  	[tilespmem:s11+$0x410] =	vst.add.f32.msk $0xffff, v9  }
0x88f: {  	[tilespmem:s11+$0x420] =	vst.add.f32.msk $0xffff, v10  }
0x890: {  	[tilespmem:s11+$0x430] =	vst.add.f32.msk $0xffff, v11  }
0x891: {  	[tilespmem:s11+$0x440] =	vst.add.f32.msk $0xffff, v12  }
0x892: {  	[tilespmem:s11+$0x450] =	vst.add.f32.msk $0xffff, v13  }
0x893: {  	[tilespmem:s11+$0x460] =	vst.add.f32.msk $0xffff, v14  }
0x894: {  	s9 =	simm.s32 $0x0;
	s10 =	sadd.s32 $0x800, s10;
	[tilespmem:s11+$0x60] =	vst.add.f32.msk $0xffff, v1  }
.LBB2_99:
0x895: {  	v1 =	vld.idx.msk [tilespmem:v0+s10+$0x0 ss:$0x1], $0xffff;
	s9 =	sadd.s32 $0x100, s9  }
0x896: {  	v2 =	vld.idx.msk [tilespmem:v0+s10+$0xFFFFFBA0 ss:$0x1], $0xffff;
	p0 =	slt.u32 s9, $0x300  }
0x897: {  	v3 =	vld.idx.msk [tilespmem:v0+s10+$0xFFFFFBB0 ss:$0x1], $0xffff  }
0x898: {  	v4 =	vld.idx.msk [tilespmem:v0+s10+$0xFFFFFBC0 ss:$0x1], $0xffff  }
0x899: {  	s8 =	sadd.s32 $0x800, s8;
	v5 =	vld.idx.msk [tilespmem:v0+s10+$0xFFFFFBD0 ss:$0x1], $0xffff  }
0x89a: {  	s11 =	sadd.s32 s7, s8;
	v6 =	vld.idx.msk [tilespmem:v0+s10+$0xFFFFFBE0 ss:$0x1], $0xffff  }
0x89b: {  	[tilespmem:s11+$0x470] =	vst.add.f32.msk $0xffff, v1  }
0x89c: {  	v1 =	vld.idx.msk [tilespmem:v0+s10+$0xFFFFFBF0 ss:$0x1], $0xffff  }
0x89d: {  	v7 =	vld.idx.msk [tilespmem:v0+s10+$0xFFFFFC00 ss:$0x1], $0xffff  }
0x89e: {  	v8 =	vld.idx.msk [tilespmem:v0+s10+$0xFFFFFF90 ss:$0x1], $0xffff  }
0x89f: {  	v9 =	vld.idx.msk [tilespmem:v0+s10+$0xFFFFFFA0 ss:$0x1], $0xffff  }
0x8a0: {  	v10 =	vld.idx.msk [tilespmem:v0+s10+$0xFFFFFFB0 ss:$0x1], $0xffff  }
0x8a1: {  	v11 =	vld.idx.msk [tilespmem:v0+s10+$0xFFFFFFC0 ss:$0x1], $0xffff  }
0x8a2: {  	v12 =	vld.idx.msk [tilespmem:v0+s10+$0xFFFFFFD0 ss:$0x1], $0xffff  }
0x8a3: {  	v13 =	vld.idx.msk [tilespmem:v0+s10+$0xFFFFFFE0 ss:$0x1], $0xffff  }
0x8a4: {  	v14 =	vld.idx.msk [tilespmem:v0+s10+$0xFFFFFFF0 ss:$0x1], $0xffff  }
0x8a5: {  	v15 =	vld.idx.msk [tilespmem:v0+s10+$0xFFFFFB90 ss:$0x1], $0xffff  }
0x8a6: {  	[tilespmem:s11+$0x10] =	vst.add.f32.msk $0xffff, v2  }
0x8a7: {  	[tilespmem:s11+$0x20] =	vst.add.f32.msk $0xffff, v3  }
0x8a8: {  	[tilespmem:s11+$0x30] =	vst.add.f32.msk $0xffff, v4  }
0x8a9: {  	[tilespmem:s11+$0x40] =	vst.add.f32.msk $0xffff, v5  }
0x8aa: {  	[tilespmem:s11+$0x50] =	vst.add.f32.msk $0xffff, v6  }
0x8ab: {  	[tilespmem:s11+$0x0] =	vst.add.f32.msk $0xffff, v15  }
0x8ac: {  	[tilespmem:s11+$0x60] =	vst.add.f32.msk $0xffff, v1  }
0x8ad: {  	[tilespmem:s11+$0x70] =	vst.add.f32.msk $0xffff, v7  }
0x8ae: {  	[tilespmem:s11+$0x400] =	vst.add.f32.msk $0xffff, v8  }
0x8af: {  	[tilespmem:s11+$0x410] =	vst.add.f32.msk $0xffff, v9  }
.Ltmp48:
0x8b0: {  	[tilespmem:s11+$0x420] =	vst.add.f32.msk $0xffff, v10;
	(pc) =	sbr.rel @p0 .LBB2_99-.Ltmp48, $4  }
0x8b1: {  	[tilespmem:s11+$0x430] =	vst.add.f32.msk $0xffff, v11  }
0x8b2: {  	[tilespmem:s11+$0x440] =	vst.add.f32.msk $0xffff, v12  }
0x8b3: {  	[tilespmem:s11+$0x450] =	vst.add.f32.msk $0xffff, v13  }
0x8b4: {  	s10 =	sadd.s32 $0x800, s10;
	[tilespmem:s11+$0x460] =	vst.add.f32.msk $0xffff, v14  }
0x8b5: {  	s6 =	sadd.s32 $0x1, s6  }
0x8b6: {  	p0 =	sne.s32 s6, $0x10  }
.Ltmp49:
0x8b7: {  	_ = 	snop;
	(pc) =	sbr.rel @p0 .LBB2_98-.Ltmp49, $2  }
0x8b8: {  	_ =	sdelay $0x2  }
0x8b9: {  	s5 =	sadd.s32 $0x1, s5;
	s4 =	sadd.s32 $0x400, s4  }
0x8ba: {  	s5 =	sld [smem:$0x7EF];
	_ =	sdelay $0x1  }
0x8bb: {  	s4 =	simm.s32 $0x0  }
0x8bc: {  	[hbm4b:s5+s4] =	stream.linear.scatter [tilespmem:s23], [sflag:$0xA], $0x4000, $0x38;
	[tilespmem:$0x1C000] =	vst v63  }
0x8bd: {  	_ =	swait.ge [sflag:s31], $0x4000  }
0x8be: {  	s11 =	sld [smem:$0x7F4]  }
0x8bf: {  	[sflag:s31] =	ssyncset.done $0x0  }
0x8c0: {  	[sflag:s31] =	ssyncadd.s32 $0xFFFFC000  }
0x8c1: {  	[tilespmem:s17], [sflag:$0x3] =	stream.linear.gather [hbm4b:s11+s4], $0x4000, $0x38;
	[tilespmem:$0x1C000] =	vst v63  }
0x8c2: {  	_ =	swait.ge [sflag:s20], $0x4000  }
0x8c3: {  	[sflag:s20] =	ssyncset.done $0x0  }
0x8c4: {  	s6 =	simm.s32 $0x0;
	s5 =	simm.s32 $0x0;
	[sflag:s20] =	ssyncadd.s32 $0xFFFFC000  }
.LBB2_102:
0x8c5: {  	s7 =	sand.u32 $0x7, s5  }
0x8c6: {  	s7 =	sshll.u32 s7, $0x9  }
0x8c7: {  	s7 =	sshrl.u32 s7, $0x2  }
0x8c8: {  	v0 =	vmov s7;
	_ =	sdelay $0x2  }
0x8c9: {  	s8 =	sand.u32 $0x3FFFE000, s4  }
0x8ca: {  	s10 =	sadd.s32 $0x14470, s8  }
0x8cb: {  	v1 =	vld.idx.msk [tilespmem:v0+s10+$0x0 ss:$0x1], $0xffff  }
0x8cc: {  	v2 =	vld.idx.msk [tilespmem:v0+s10+$0xFFFFFBA0 ss:$0x1], $0xffff  }
0x8cd: {  	v3 =	vld.idx.msk [tilespmem:v0+s10+$0xFFFFFBB0 ss:$0x1], $0xffff  }
0x8ce: {  	v4 =	vld.idx.msk [tilespmem:v0+s10+$0xFFFFFBC0 ss:$0x1], $0xffff  }
0x8cf: {  	v5 =	vld.idx.msk [tilespmem:v0+s10+$0xFFFFFBD0 ss:$0x1], $0xffff  }
0x8d0: {  	v6 =	vld.idx.msk [tilespmem:v0+s10+$0xFFFFFBE0 ss:$0x1], $0xffff  }
0x8d1: {  	v7 =	vld.idx.msk [tilespmem:v0+s10+$0xFFFFFC00 ss:$0x1], $0xffff  }
0x8d2: {  	v8 =	vld.idx.msk [tilespmem:v0+s10+$0xFFFFFF90 ss:$0x1], $0xffff  }
0x8d3: {  	v9 =	vld.idx.msk [tilespmem:v0+s10+$0xFFFFFFA0 ss:$0x1], $0xffff  }
0x8d4: {  	v10 =	vld.idx.msk [tilespmem:v0+s10+$0xFFFFFFB0 ss:$0x1], $0xffff  }
0x8d5: {  	v11 =	vld.idx.msk [tilespmem:v0+s10+$0xFFFFFFC0 ss:$0x1], $0xffff  }
0x8d6: {  	v12 =	vld.idx.msk [tilespmem:v0+s10+$0xFFFFFFD0 ss:$0x1], $0xffff  }
0x8d7: {  	v13 =	vld.idx.msk [tilespmem:v0+s10+$0xFFFFFFE0 ss:$0x1], $0xffff  }
0x8d8: {  	v14 =	vld.idx.msk [tilespmem:v0+s10+$0xFFFFFFF0 ss:$0x1], $0xffff  }
0x8d9: {  	s11 =	sadd.s32 s7, s8;
	v15 =	vld.idx.msk [tilespmem:v0+s10+$0xFFFFFB90 ss:$0x1], $0xffff  }
0x8da: {  	[tilespmem:s11+$0x470] =	vst.add.f32.msk $0xffff, v1  }
0x8db: {  	v1 =	vld.idx.msk [tilespmem:v0+s10+$0xFFFFFBF0 ss:$0x1], $0xffff  }
0x8dc: {  	[tilespmem:s11+$0x10] =	vst.add.f32.msk $0xffff, v2  }
0x8dd: {  	[tilespmem:s11+$0x20] =	vst.add.f32.msk $0xffff, v3  }
0x8de: {  	[tilespmem:s11+$0x30] =	vst.add.f32.msk $0xffff, v4  }
0x8df: {  	[tilespmem:s11+$0x40] =	vst.add.f32.msk $0xffff, v5  }
0x8e0: {  	[tilespmem:s11+$0x50] =	vst.add.f32.msk $0xffff, v6  }
0x8e1: {  	[tilespmem:s11+$0x0] =	vst.add.f32.msk $0xffff, v15  }
0x8e2: {  	[tilespmem:s11+$0x70] =	vst.add.f32.msk $0xffff, v7  }
0x8e3: {  	[tilespmem:s11+$0x400] =	vst.add.f32.msk $0xffff, v8  }
0x8e4: {  	[tilespmem:s11+$0x410] =	vst.add.f32.msk $0xffff, v9  }
0x8e5: {  	[tilespmem:s11+$0x420] =	vst.add.f32.msk $0xffff, v10  }
0x8e6: {  	[tilespmem:s11+$0x430] =	vst.add.f32.msk $0xffff, v11  }
0x8e7: {  	[tilespmem:s11+$0x440] =	vst.add.f32.msk $0xffff, v12  }
0x8e8: {  	[tilespmem:s11+$0x450] =	vst.add.f32.msk $0xffff, v13  }
0x8e9: {  	[tilespmem:s11+$0x460] =	vst.add.f32.msk $0xffff, v14  }
0x8ea: {  	s9 =	simm.s32 $0x0;
	s10 =	sadd.s32 $0x800, s10;
	[tilespmem:s11+$0x60] =	vst.add.f32.msk $0xffff, v1  }
.LBB2_103:
0x8eb: {  	v1 =	vld.idx.msk [tilespmem:v0+s10+$0x0 ss:$0x1], $0xffff;
	s9 =	sadd.s32 $0x100, s9  }
0x8ec: {  	v2 =	vld.idx.msk [tilespmem:v0+s10+$0xFFFFFBA0 ss:$0x1], $0xffff;
	p0 =	slt.u32 s9, $0x300  }
0x8ed: {  	v3 =	vld.idx.msk [tilespmem:v0+s10+$0xFFFFFBB0 ss:$0x1], $0xffff  }
0x8ee: {  	v4 =	vld.idx.msk [tilespmem:v0+s10+$0xFFFFFBC0 ss:$0x1], $0xffff  }
0x8ef: {  	s8 =	sadd.s32 $0x800, s8;
	v5 =	vld.idx.msk [tilespmem:v0+s10+$0xFFFFFBD0 ss:$0x1], $0xffff  }
0x8f0: {  	s11 =	sadd.s32 s7, s8;
	v6 =	vld.idx.msk [tilespmem:v0+s10+$0xFFFFFBE0 ss:$0x1], $0xffff  }
0x8f1: {  	[tilespmem:s11+$0x470] =	vst.add.f32.msk $0xffff, v1  }
0x8f2: {  	v1 =	vld.idx.msk [tilespmem:v0+s10+$0xFFFFFBF0 ss:$0x1], $0xffff  }
0x8f3: {  	v7 =	vld.idx.msk [tilespmem:v0+s10+$0xFFFFFC00 ss:$0x1], $0xffff  }
0x8f4: {  	v8 =	vld.idx.msk [tilespmem:v0+s10+$0xFFFFFF90 ss:$0x1], $0xffff  }
0x8f5: {  	v9 =	vld.idx.msk [tilespmem:v0+s10+$0xFFFFFFA0 ss:$0x1], $0xffff  }
0x8f6: {  	v10 =	vld.idx.msk [tilespmem:v0+s10+$0xFFFFFFB0 ss:$0x1], $0xffff  }
0x8f7: {  	v11 =	vld.idx.msk [tilespmem:v0+s10+$0xFFFFFFC0 ss:$0x1], $0xffff  }
0x8f8: {  	v12 =	vld.idx.msk [tilespmem:v0+s10+$0xFFFFFFD0 ss:$0x1], $0xffff  }
0x8f9: {  	v13 =	vld.idx.msk [tilespmem:v0+s10+$0xFFFFFFE0 ss:$0x1], $0xffff  }
0x8fa: {  	v14 =	vld.idx.msk [tilespmem:v0+s10+$0xFFFFFFF0 ss:$0x1], $0xffff  }
0x8fb: {  	v15 =	vld.idx.msk [tilespmem:v0+s10+$0xFFFFFB90 ss:$0x1], $0xffff  }
0x8fc: {  	[tilespmem:s11+$0x10] =	vst.add.f32.msk $0xffff, v2  }
0x8fd: {  	[tilespmem:s11+$0x20] =	vst.add.f32.msk $0xffff, v3  }
0x8fe: {  	[tilespmem:s11+$0x30] =	vst.add.f32.msk $0xffff, v4  }
0x8ff: {  	[tilespmem:s11+$0x40] =	vst.add.f32.msk $0xffff, v5  }
0x900: {  	[tilespmem:s11+$0x50] =	vst.add.f32.msk $0xffff, v6  }
0x901: {  	[tilespmem:s11+$0x0] =	vst.add.f32.msk $0xffff, v15  }
0x902: {  	[tilespmem:s11+$0x60] =	vst.add.f32.msk $0xffff, v1  }
0x903: {  	[tilespmem:s11+$0x70] =	vst.add.f32.msk $0xffff, v7  }
0x904: {  	[tilespmem:s11+$0x400] =	vst.add.f32.msk $0xffff, v8  }
0x905: {  	[tilespmem:s11+$0x410] =	vst.add.f32.msk $0xffff, v9  }
.Ltmp50:
0x906: {  	[tilespmem:s11+$0x420] =	vst.add.f32.msk $0xffff, v10;
	(pc) =	sbr.rel @p0 .LBB2_103-.Ltmp50, $4  }
0x907: {  	[tilespmem:s11+$0x430] =	vst.add.f32.msk $0xffff, v11  }
0x908: {  	[tilespmem:s11+$0x440] =	vst.add.f32.msk $0xffff, v12  }
0x909: {  	[tilespmem:s11+$0x450] =	vst.add.f32.msk $0xffff, v13  }
0x90a: {  	s10 =	sadd.s32 $0x800, s10;
	[tilespmem:s11+$0x460] =	vst.add.f32.msk $0xffff, v14  }
0x90b: {  	s6 =	sadd.s32 $0x1, s6  }
0x90c: {  	p0 =	sne.s32 s6, $0x10  }
.Ltmp51:
0x90d: {  	_ = 	snop;
	(pc) =	sbr.rel @p0 .LBB2_102-.Ltmp51, $2  }
0x90e: {  	_ =	sdelay $0x2  }
0x90f: {  	s5 =	sadd.s32 $0x1, s5;
	s4 =	sadd.s32 $0x400, s4  }
0x910: {  	s5 =	sld [smem:$0x7F1];
	_ =	sdelay $0x1  }
0x911: {  	s4 =	simm.s32 $0x0  }
0x912: {  	[hbm4b:s5+s4] =	stream.linear.scatter [tilespmem:s4], [sflag:$0x6], $0x4000, $0x38;
	[tilespmem:$0x1C000] =	vst v63  }
0x913: {  	_ =	swait.ge [sflag:s0], $0x4000  }
0x914: {  	s11 =	sld [smem:$0x7F6]  }
0x915: {  	[sflag:s0] =	ssyncset.done $0x0  }
0x916: {  	[sflag:s0] =	ssyncadd.s32 $0xFFFFC000  }
0x917: {  	[tilespmem:s21], [sflag:$0x4] =	stream.linear.gather [hbm4b:s11+s4], $0x4000, $0x38;
	[tilespmem:$0x1C000] =	vst v63  }
0x918: {  	_ =	swait.ge [sflag:s22], $0x4000  }
0x919: {  	[sflag:s22] =	ssyncset.done $0x0  }
0x91a: {  	s6 =	simm.s32 $0x0;
	s5 =	simm.s32 $0x0;
	[sflag:s22] =	ssyncadd.s32 $0xFFFFC000  }
.LBB2_106:
0x91b: {  	s7 =	sand.u32 $0x7, s5  }
0x91c: {  	s7 =	sshll.u32 s7, $0x9  }
0x91d: {  	s7 =	sshrl.u32 s7, $0x2  }
0x91e: {  	v0 =	vmov s7;
	_ =	sdelay $0x2  }
0x91f: {  	s8 =	sand.u32 $0x3FFFE000, s4  }
0x920: {  	s10 =	sadd.s32 $0x14470, s8  }
0x921: {  	v1 =	vld.idx.msk [tilespmem:v0+s10+$0x0 ss:$0x1], $0xffff  }
0x922: {  	v2 =	vld.idx.msk [tilespmem:v0+s10+$0xFFFFFBA0 ss:$0x1], $0xffff  }
0x923: {  	v3 =	vld.idx.msk [tilespmem:v0+s10+$0xFFFFFBB0 ss:$0x1], $0xffff  }
0x924: {  	v4 =	vld.idx.msk [tilespmem:v0+s10+$0xFFFFFBC0 ss:$0x1], $0xffff  }
0x925: {  	v5 =	vld.idx.msk [tilespmem:v0+s10+$0xFFFFFBD0 ss:$0x1], $0xffff  }
0x926: {  	v6 =	vld.idx.msk [tilespmem:v0+s10+$0xFFFFFBE0 ss:$0x1], $0xffff  }
0x927: {  	v7 =	vld.idx.msk [tilespmem:v0+s10+$0xFFFFFC00 ss:$0x1], $0xffff  }
0x928: {  	v8 =	vld.idx.msk [tilespmem:v0+s10+$0xFFFFFF90 ss:$0x1], $0xffff  }
0x929: {  	v9 =	vld.idx.msk [tilespmem:v0+s10+$0xFFFFFFA0 ss:$0x1], $0xffff  }
0x92a: {  	v10 =	vld.idx.msk [tilespmem:v0+s10+$0xFFFFFFB0 ss:$0x1], $0xffff  }
0x92b: {  	v11 =	vld.idx.msk [tilespmem:v0+s10+$0xFFFFFFC0 ss:$0x1], $0xffff  }
0x92c: {  	v12 =	vld.idx.msk [tilespmem:v0+s10+$0xFFFFFFD0 ss:$0x1], $0xffff  }
0x92d: {  	v13 =	vld.idx.msk [tilespmem:v0+s10+$0xFFFFFFE0 ss:$0x1], $0xffff  }
0x92e: {  	s8 =	sadd.s32 $0x4000, s8;
	v14 =	vld.idx.msk [tilespmem:v0+s10+$0xFFFFFFF0 ss:$0x1], $0xffff  }
0x92f: {  	s11 =	sadd.s32 s7, s8;
	v15 =	vld.idx.msk [tilespmem:v0+s10+$0xFFFFFB90 ss:$0x1], $0xffff  }
0x930: {  	[tilespmem:s11+$0x470] =	vst.add.f32.msk $0xffff, v1  }
0x931: {  	v1 =	vld.idx.msk [tilespmem:v0+s10+$0xFFFFFBF0 ss:$0x1], $0xffff  }
0x932: {  	[tilespmem:s11+$0x10] =	vst.add.f32.msk $0xffff, v2  }
0x933: {  	[tilespmem:s11+$0x20] =	vst.add.f32.msk $0xffff, v3  }
0x934: {  	[tilespmem:s11+$0x30] =	vst.add.f32.msk $0xffff, v4  }
0x935: {  	[tilespmem:s11+$0x40] =	vst.add.f32.msk $0xffff, v5  }
0x936: {  	[tilespmem:s11+$0x50] =	vst.add.f32.msk $0xffff, v6  }
0x937: {  	[tilespmem:s11+$0x0] =	vst.add.f32.msk $0xffff, v15  }
0x938: {  	[tilespmem:s11+$0x70] =	vst.add.f32.msk $0xffff, v7  }
0x939: {  	[tilespmem:s11+$0x400] =	vst.add.f32.msk $0xffff, v8  }
0x93a: {  	[tilespmem:s11+$0x410] =	vst.add.f32.msk $0xffff, v9  }
0x93b: {  	[tilespmem:s11+$0x420] =	vst.add.f32.msk $0xffff, v10  }
0x93c: {  	[tilespmem:s11+$0x430] =	vst.add.f32.msk $0xffff, v11  }
0x93d: {  	[tilespmem:s11+$0x440] =	vst.add.f32.msk $0xffff, v12  }
0x93e: {  	[tilespmem:s11+$0x450] =	vst.add.f32.msk $0xffff, v13  }
0x93f: {  	[tilespmem:s11+$0x460] =	vst.add.f32.msk $0xffff, v14  }
0x940: {  	s9 =	simm.s32 $0x0;
	s10 =	sadd.s32 $0x800, s10;
	[tilespmem:s11+$0x60] =	vst.add.f32.msk $0xffff, v1  }
.LBB2_107:
0x941: {  	v1 =	vld.idx.msk [tilespmem:v0+s10+$0x0 ss:$0x1], $0xffff;
	s9 =	sadd.s32 $0x100, s9  }
0x942: {  	v2 =	vld.idx.msk [tilespmem:v0+s10+$0xFFFFFBA0 ss:$0x1], $0xffff;
	p0 =	slt.u32 s9, $0x300  }
0x943: {  	v3 =	vld.idx.msk [tilespmem:v0+s10+$0xFFFFFBB0 ss:$0x1], $0xffff  }
0x944: {  	v4 =	vld.idx.msk [tilespmem:v0+s10+$0xFFFFFBC0 ss:$0x1], $0xffff  }
0x945: {  	s8 =	sadd.s32 $0x800, s8;
	v5 =	vld.idx.msk [tilespmem:v0+s10+$0xFFFFFBD0 ss:$0x1], $0xffff  }
0x946: {  	s11 =	sadd.s32 s7, s8;
	v6 =	vld.idx.msk [tilespmem:v0+s10+$0xFFFFFBE0 ss:$0x1], $0xffff  }
0x947: {  	[tilespmem:s11+$0x470] =	vst.add.f32.msk $0xffff, v1  }
0x948: {  	v1 =	vld.idx.msk [tilespmem:v0+s10+$0xFFFFFBF0 ss:$0x1], $0xffff  }
0x949: {  	v7 =	vld.idx.msk [tilespmem:v0+s10+$0xFFFFFC00 ss:$0x1], $0xffff  }
0x94a: {  	v8 =	vld.idx.msk [tilespmem:v0+s10+$0xFFFFFF90 ss:$0x1], $0xffff  }
0x94b: {  	v9 =	vld.idx.msk [tilespmem:v0+s10+$0xFFFFFFA0 ss:$0x1], $0xffff  }
0x94c: {  	v10 =	vld.idx.msk [tilespmem:v0+s10+$0xFFFFFFB0 ss:$0x1], $0xffff  }
0x94d: {  	v11 =	vld.idx.msk [tilespmem:v0+s10+$0xFFFFFFC0 ss:$0x1], $0xffff  }
0x94e: {  	v12 =	vld.idx.msk [tilespmem:v0+s10+$0xFFFFFFD0 ss:$0x1], $0xffff  }
0x94f: {  	v13 =	vld.idx.msk [tilespmem:v0+s10+$0xFFFFFFE0 ss:$0x1], $0xffff  }
0x950: {  	v14 =	vld.idx.msk [tilespmem:v0+s10+$0xFFFFFFF0 ss:$0x1], $0xffff  }
0x951: {  	v15 =	vld.idx.msk [tilespmem:v0+s10+$0xFFFFFB90 ss:$0x1], $0xffff  }
0x952: {  	[tilespmem:s11+$0x10] =	vst.add.f32.msk $0xffff, v2  }
0x953: {  	[tilespmem:s11+$0x20] =	vst.add.f32.msk $0xffff, v3  }
0x954: {  	[tilespmem:s11+$0x30] =	vst.add.f32.msk $0xffff, v4  }
0x955: {  	[tilespmem:s11+$0x40] =	vst.add.f32.msk $0xffff, v5  }
0x956: {  	[tilespmem:s11+$0x50] =	vst.add.f32.msk $0xffff, v6  }
0x957: {  	[tilespmem:s11+$0x0] =	vst.add.f32.msk $0xffff, v15  }
0x958: {  	[tilespmem:s11+$0x60] =	vst.add.f32.msk $0xffff, v1  }
0x959: {  	[tilespmem:s11+$0x70] =	vst.add.f32.msk $0xffff, v7  }
0x95a: {  	[tilespmem:s11+$0x400] =	vst.add.f32.msk $0xffff, v8  }
0x95b: {  	[tilespmem:s11+$0x410] =	vst.add.f32.msk $0xffff, v9  }
.Ltmp52:
0x95c: {  	[tilespmem:s11+$0x420] =	vst.add.f32.msk $0xffff, v10;
	(pc) =	sbr.rel @p0 .LBB2_107-.Ltmp52, $4  }
0x95d: {  	[tilespmem:s11+$0x430] =	vst.add.f32.msk $0xffff, v11  }
0x95e: {  	[tilespmem:s11+$0x440] =	vst.add.f32.msk $0xffff, v12  }
0x95f: {  	[tilespmem:s11+$0x450] =	vst.add.f32.msk $0xffff, v13  }
0x960: {  	s10 =	sadd.s32 $0x800, s10;
	[tilespmem:s11+$0x460] =	vst.add.f32.msk $0xffff, v14  }
0x961: {  	s6 =	sadd.s32 $0x1, s6  }
0x962: {  	p0 =	sne.s32 s6, $0x10  }
.Ltmp53:
0x963: {  	_ = 	snop;
	(pc) =	sbr.rel @p0 .LBB2_106-.Ltmp53, $2  }
0x964: {  	_ =	sdelay $0x2  }
0x965: {  	s5 =	sadd.s32 $0x1, s5;
	s4 =	sadd.s32 $0x400, s4  }
0x966: {  	s5 =	sld [smem:$0x7F3];
	_ =	sdelay $0x1  }
0x967: {  	s4 =	simm.s32 $0x0  }
0x968: {  	[hbm4b:s5+s4] =	stream.linear.scatter [tilespmem:s16], [sflag:$0x7], $0x4000, $0x38;
	[tilespmem:$0x1C000] =	vst v63  }
0x969: {  	_ =	swait.ge [sflag:s2], $0x4000  }
0x96a: {  	s11 =	sld [smem:$0x7FA]  }
0x96b: {  	[sflag:s2] =	ssyncset.done $0x0  }
0x96c: {  	[sflag:s2] =	ssyncadd.s32 $0xFFFFC000  }
0x96d: {  	[tilespmem:s23], [sflag:$0x5] =	stream.linear.gather [hbm4b:s11+s4], $0x4000, $0x38;
	[tilespmem:$0x1C000] =	vst v63  }
0x96e: {  	_ =	swait.ge [sflag:s24], $0x4000  }
0x96f: {  	[sflag:s24] =	ssyncset.done $0x0  }
0x970: {  	s6 =	simm.s32 $0x0;
	s5 =	simm.s32 $0x0;
	[sflag:s24] =	ssyncadd.s32 $0xFFFFC000  }
.LBB2_110:
0x971: {  	s7 =	sand.u32 $0x7, s5  }
0x972: {  	s7 =	sshll.u32 s7, $0x9  }
0x973: {  	s7 =	sshrl.u32 s7, $0x2  }
0x974: {  	v0 =	vmov s7;
	_ =	sdelay $0x2  }
0x975: {  	s8 =	sand.u32 $0x3FFFE000, s4  }
0x976: {  	s10 =	sadd.s32 $0x14470, s8  }
0x977: {  	v1 =	vld.idx.msk [tilespmem:v0+s10+$0x0 ss:$0x1], $0xffff  }
0x978: {  	v2 =	vld.idx.msk [tilespmem:v0+s10+$0xFFFFFBA0 ss:$0x1], $0xffff  }
0x979: {  	v3 =	vld.idx.msk [tilespmem:v0+s10+$0xFFFFFBB0 ss:$0x1], $0xffff  }
0x97a: {  	v4 =	vld.idx.msk [tilespmem:v0+s10+$0xFFFFFBC0 ss:$0x1], $0xffff  }
0x97b: {  	v5 =	vld.idx.msk [tilespmem:v0+s10+$0xFFFFFBD0 ss:$0x1], $0xffff  }
0x97c: {  	v6 =	vld.idx.msk [tilespmem:v0+s10+$0xFFFFFBE0 ss:$0x1], $0xffff  }
0x97d: {  	v7 =	vld.idx.msk [tilespmem:v0+s10+$0xFFFFFC00 ss:$0x1], $0xffff  }
0x97e: {  	v8 =	vld.idx.msk [tilespmem:v0+s10+$0xFFFFFF90 ss:$0x1], $0xffff  }
0x97f: {  	v9 =	vld.idx.msk [tilespmem:v0+s10+$0xFFFFFFA0 ss:$0x1], $0xffff  }
0x980: {  	v10 =	vld.idx.msk [tilespmem:v0+s10+$0xFFFFFFB0 ss:$0x1], $0xffff  }
0x981: {  	v11 =	vld.idx.msk [tilespmem:v0+s10+$0xFFFFFFC0 ss:$0x1], $0xffff  }
0x982: {  	v12 =	vld.idx.msk [tilespmem:v0+s10+$0xFFFFFFD0 ss:$0x1], $0xffff  }
0x983: {  	v13 =	vld.idx.msk [tilespmem:v0+s10+$0xFFFFFFE0 ss:$0x1], $0xffff  }
0x984: {  	s8 =	sadd.s32 $0x8000, s8;
	v14 =	vld.idx.msk [tilespmem:v0+s10+$0xFFFFFFF0 ss:$0x1], $0xffff  }
0x985: {  	s11 =	sadd.s32 s7, s8;
	v15 =	vld.idx.msk [tilespmem:v0+s10+$0xFFFFFB90 ss:$0x1], $0xffff  }
0x986: {  	[tilespmem:s11+$0x470] =	vst.add.f32.msk $0xffff, v1  }
0x987: {  	v1 =	vld.idx.msk [tilespmem:v0+s10+$0xFFFFFBF0 ss:$0x1], $0xffff  }
0x988: {  	[tilespmem:s11+$0x10] =	vst.add.f32.msk $0xffff, v2  }
0x989: {  	[tilespmem:s11+$0x20] =	vst.add.f32.msk $0xffff, v3  }
0x98a: {  	[tilespmem:s11+$0x30] =	vst.add.f32.msk $0xffff, v4  }
0x98b: {  	[tilespmem:s11+$0x40] =	vst.add.f32.msk $0xffff, v5  }
0x98c: {  	[tilespmem:s11+$0x50] =	vst.add.f32.msk $0xffff, v6  }
0x98d: {  	[tilespmem:s11+$0x0] =	vst.add.f32.msk $0xffff, v15  }
0x98e: {  	[tilespmem:s11+$0x70] =	vst.add.f32.msk $0xffff, v7  }
0x98f: {  	[tilespmem:s11+$0x400] =	vst.add.f32.msk $0xffff, v8  }
0x990: {  	[tilespmem:s11+$0x410] =	vst.add.f32.msk $0xffff, v9  }
0x991: {  	[tilespmem:s11+$0x420] =	vst.add.f32.msk $0xffff, v10  }
0x992: {  	[tilespmem:s11+$0x430] =	vst.add.f32.msk $0xffff, v11  }
0x993: {  	[tilespmem:s11+$0x440] =	vst.add.f32.msk $0xffff, v12  }
0x994: {  	[tilespmem:s11+$0x450] =	vst.add.f32.msk $0xffff, v13  }
0x995: {  	[tilespmem:s11+$0x460] =	vst.add.f32.msk $0xffff, v14  }
0x996: {  	s9 =	simm.s32 $0x0;
	s10 =	sadd.s32 $0x800, s10;
	[tilespmem:s11+$0x60] =	vst.add.f32.msk $0xffff, v1  }
.LBB2_111:
0x997: {  	v1 =	vld.idx.msk [tilespmem:v0+s10+$0x0 ss:$0x1], $0xffff;
	s9 =	sadd.s32 $0x100, s9  }
0x998: {  	v2 =	vld.idx.msk [tilespmem:v0+s10+$0xFFFFFBA0 ss:$0x1], $0xffff;
	p0 =	slt.u32 s9, $0x300  }
0x999: {  	v3 =	vld.idx.msk [tilespmem:v0+s10+$0xFFFFFBB0 ss:$0x1], $0xffff  }
0x99a: {  	v4 =	vld.idx.msk [tilespmem:v0+s10+$0xFFFFFBC0 ss:$0x1], $0xffff  }
0x99b: {  	s8 =	sadd.s32 $0x800, s8;
	v5 =	vld.idx.msk [tilespmem:v0+s10+$0xFFFFFBD0 ss:$0x1], $0xffff  }
0x99c: {  	s11 =	sadd.s32 s7, s8;
	v6 =	vld.idx.msk [tilespmem:v0+s10+$0xFFFFFBE0 ss:$0x1], $0xffff  }
0x99d: {  	[tilespmem:s11+$0x470] =	vst.add.f32.msk $0xffff, v1  }
0x99e: {  	v1 =	vld.idx.msk [tilespmem:v0+s10+$0xFFFFFBF0 ss:$0x1], $0xffff  }
0x99f: {  	v7 =	vld.idx.msk [tilespmem:v0+s10+$0xFFFFFC00 ss:$0x1], $0xffff  }
0x9a0: {  	v8 =	vld.idx.msk [tilespmem:v0+s10+$0xFFFFFF90 ss:$0x1], $0xffff  }
0x9a1: {  	v9 =	vld.idx.msk [tilespmem:v0+s10+$0xFFFFFFA0 ss:$0x1], $0xffff  }
0x9a2: {  	v10 =	vld.idx.msk [tilespmem:v0+s10+$0xFFFFFFB0 ss:$0x1], $0xffff  }
0x9a3: {  	v11 =	vld.idx.msk [tilespmem:v0+s10+$0xFFFFFFC0 ss:$0x1], $0xffff  }
0x9a4: {  	v12 =	vld.idx.msk [tilespmem:v0+s10+$0xFFFFFFD0 ss:$0x1], $0xffff  }
0x9a5: {  	v13 =	vld.idx.msk [tilespmem:v0+s10+$0xFFFFFFE0 ss:$0x1], $0xffff  }
0x9a6: {  	v14 =	vld.idx.msk [tilespmem:v0+s10+$0xFFFFFFF0 ss:$0x1], $0xffff  }
0x9a7: {  	v15 =	vld.idx.msk [tilespmem:v0+s10+$0xFFFFFB90 ss:$0x1], $0xffff  }
0x9a8: {  	[tilespmem:s11+$0x10] =	vst.add.f32.msk $0xffff, v2  }
0x9a9: {  	[tilespmem:s11+$0x20] =	vst.add.f32.msk $0xffff, v3  }
0x9aa: {  	[tilespmem:s11+$0x30] =	vst.add.f32.msk $0xffff, v4  }
0x9ab: {  	[tilespmem:s11+$0x40] =	vst.add.f32.msk $0xffff, v5  }
0x9ac: {  	[tilespmem:s11+$0x50] =	vst.add.f32.msk $0xffff, v6  }
0x9ad: {  	[tilespmem:s11+$0x0] =	vst.add.f32.msk $0xffff, v15  }
0x9ae: {  	[tilespmem:s11+$0x60] =	vst.add.f32.msk $0xffff, v1  }
0x9af: {  	[tilespmem:s11+$0x70] =	vst.add.f32.msk $0xffff, v7  }
0x9b0: {  	[tilespmem:s11+$0x400] =	vst.add.f32.msk $0xffff, v8  }
0x9b1: {  	[tilespmem:s11+$0x410] =	vst.add.f32.msk $0xffff, v9  }
.Ltmp54:
0x9b2: {  	[tilespmem:s11+$0x420] =	vst.add.f32.msk $0xffff, v10;
	(pc) =	sbr.rel @p0 .LBB2_111-.Ltmp54, $4  }
0x9b3: {  	[tilespmem:s11+$0x430] =	vst.add.f32.msk $0xffff, v11  }
0x9b4: {  	[tilespmem:s11+$0x440] =	vst.add.f32.msk $0xffff, v12  }
0x9b5: {  	[tilespmem:s11+$0x450] =	vst.add.f32.msk $0xffff, v13  }
0x9b6: {  	s10 =	sadd.s32 $0x800, s10;
	[tilespmem:s11+$0x460] =	vst.add.f32.msk $0xffff, v14  }
0x9b7: {  	s6 =	sadd.s32 $0x1, s6  }
0x9b8: {  	p0 =	sne.s32 s6, $0x10  }
.Ltmp55:
0x9b9: {  	_ = 	snop;
	(pc) =	sbr.rel @p0 .LBB2_110-.Ltmp55, $2  }
0x9ba: {  	_ =	sdelay $0x2  }
0x9bb: {  	s5 =	sadd.s32 $0x1, s5;
	s4 =	sadd.s32 $0x400, s4  }
0x9bc: {  	s5 =	sld [smem:$0x7F5];
	_ =	sdelay $0x1  }
0x9bd: {  	s4 =	simm.s32 $0x0  }
0x9be: {  	[hbm4b:s5+s4] =	stream.linear.scatter [tilespmem:s17], [sflag:$0x8], $0x4000, $0x38;
	[tilespmem:$0x1C000] =	vst v63  }
0x9bf: {  	_ =	swait.ge [sflag:s25], $0x4000  }
0x9c0: {  	s11 =	sld [smem:$0x7FB]  }
0x9c1: {  	[sflag:s25] =	ssyncset.done $0x0  }
0x9c2: {  	[sflag:s25] =	ssyncadd.s32 $0xFFFFC000  }
0x9c3: {  	[tilespmem:s4], [sflag:$0x1] =	stream.linear.gather [hbm4b:s11+s4], $0x4000, $0x38;
	[tilespmem:$0x1C000] =	vst v63  }
0x9c4: {  	_ =	swait.ge [sflag:s29], $0x4000  }
0x9c5: {  	[sflag:s29] =	ssyncset.done $0x0  }
0x9c6: {  	[sflag:s29] =	ssyncadd.s32 $0xFFFFC000  }
0x9c7: {  	_ =	swait.ge [sflag:s26], $0x4000  }
0x9c8: {  	[sflag:s26] =	ssyncset.done $0x0  }
0x9c9: {  	s6 =	simm.s32 $0x0;
	s5 =	simm.s32 $0x0;
	[sflag:s26] =	ssyncadd.s32 $0xFFFFC000  }
.LBB2_114:
0x9ca: {  	s7 =	sand.u32 $0x7, s5  }
0x9cb: {  	s7 =	sshll.u32 s7, $0x9  }
0x9cc: {  	s7 =	sshrl.u32 s7, $0x2  }
0x9cd: {  	v0 =	vmov s7;
	_ =	sdelay $0x2  }
0x9ce: {  	s8 =	sand.u32 $0x3FFFE000, s4  }
0x9cf: {  	s10 =	sadd.s32 $0x18470, s8  }
0x9d0: {  	v1 =	vld.idx.msk [tilespmem:v0+s10+$0x0 ss:$0x1], $0xffff  }
0x9d1: {  	v2 =	vld.idx.msk [tilespmem:v0+s10+$0xFFFFFBA0 ss:$0x1], $0xffff  }
0x9d2: {  	v3 =	vld.idx.msk [tilespmem:v0+s10+$0xFFFFFBB0 ss:$0x1], $0xffff  }
0x9d3: {  	v4 =	vld.idx.msk [tilespmem:v0+s10+$0xFFFFFBC0 ss:$0x1], $0xffff  }
0x9d4: {  	v5 =	vld.idx.msk [tilespmem:v0+s10+$0xFFFFFBD0 ss:$0x1], $0xffff  }
0x9d5: {  	v6 =	vld.idx.msk [tilespmem:v0+s10+$0xFFFFFBE0 ss:$0x1], $0xffff  }
0x9d6: {  	v7 =	vld.idx.msk [tilespmem:v0+s10+$0xFFFFFC00 ss:$0x1], $0xffff  }
0x9d7: {  	v8 =	vld.idx.msk [tilespmem:v0+s10+$0xFFFFFF90 ss:$0x1], $0xffff  }
0x9d8: {  	v9 =	vld.idx.msk [tilespmem:v0+s10+$0xFFFFFFA0 ss:$0x1], $0xffff  }
0x9d9: {  	v10 =	vld.idx.msk [tilespmem:v0+s10+$0xFFFFFFB0 ss:$0x1], $0xffff  }
0x9da: {  	v11 =	vld.idx.msk [tilespmem:v0+s10+$0xFFFFFFC0 ss:$0x1], $0xffff  }
0x9db: {  	v12 =	vld.idx.msk [tilespmem:v0+s10+$0xFFFFFFD0 ss:$0x1], $0xffff  }
0x9dc: {  	v13 =	vld.idx.msk [tilespmem:v0+s10+$0xFFFFFFE0 ss:$0x1], $0xffff  }
0x9dd: {  	s8 =	sadd.s32 $0xC000, s8;
	v14 =	vld.idx.msk [tilespmem:v0+s10+$0xFFFFFFF0 ss:$0x1], $0xffff  }
0x9de: {  	s11 =	sadd.s32 s7, s8;
	v15 =	vld.idx.msk [tilespmem:v0+s10+$0xFFFFFB90 ss:$0x1], $0xffff  }
0x9df: {  	[tilespmem:s11+$0x470] =	vst.add.f32.msk $0xffff, v1  }
0x9e0: {  	v1 =	vld.idx.msk [tilespmem:v0+s10+$0xFFFFFBF0 ss:$0x1], $0xffff  }
0x9e1: {  	[tilespmem:s11+$0x10] =	vst.add.f32.msk $0xffff, v2  }
0x9e2: {  	[tilespmem:s11+$0x20] =	vst.add.f32.msk $0xffff, v3  }
0x9e3: {  	[tilespmem:s11+$0x30] =	vst.add.f32.msk $0xffff, v4  }
0x9e4: {  	[tilespmem:s11+$0x40] =	vst.add.f32.msk $0xffff, v5  }
0x9e5: {  	[tilespmem:s11+$0x50] =	vst.add.f32.msk $0xffff, v6  }
0x9e6: {  	[tilespmem:s11+$0x0] =	vst.add.f32.msk $0xffff, v15  }
0x9e7: {  	[tilespmem:s11+$0x70] =	vst.add.f32.msk $0xffff, v7  }
0x9e8: {  	[tilespmem:s11+$0x400] =	vst.add.f32.msk $0xffff, v8  }
0x9e9: {  	[tilespmem:s11+$0x410] =	vst.add.f32.msk $0xffff, v9  }
0x9ea: {  	[tilespmem:s11+$0x420] =	vst.add.f32.msk $0xffff, v10  }
0x9eb: {  	[tilespmem:s11+$0x430] =	vst.add.f32.msk $0xffff, v11  }
0x9ec: {  	[tilespmem:s11+$0x440] =	vst.add.f32.msk $0xffff, v12  }
0x9ed: {  	[tilespmem:s11+$0x450] =	vst.add.f32.msk $0xffff, v13  }
0x9ee: {  	[tilespmem:s11+$0x460] =	vst.add.f32.msk $0xffff, v14  }
0x9ef: {  	s9 =	simm.s32 $0x0;
	s10 =	sadd.s32 $0x800, s10;
	[tilespmem:s11+$0x60] =	vst.add.f32.msk $0xffff, v1  }
.LBB2_115:
0x9f0: {  	v1 =	vld.idx.msk [tilespmem:v0+s10+$0x0 ss:$0x1], $0xffff;
	s9 =	sadd.s32 $0x100, s9  }
0x9f1: {  	v2 =	vld.idx.msk [tilespmem:v0+s10+$0xFFFFFBA0 ss:$0x1], $0xffff;
	p0 =	slt.u32 s9, $0x300  }
0x9f2: {  	v3 =	vld.idx.msk [tilespmem:v0+s10+$0xFFFFFBB0 ss:$0x1], $0xffff  }
0x9f3: {  	v4 =	vld.idx.msk [tilespmem:v0+s10+$0xFFFFFBC0 ss:$0x1], $0xffff  }
0x9f4: {  	s8 =	sadd.s32 $0x800, s8;
	v5 =	vld.idx.msk [tilespmem:v0+s10+$0xFFFFFBD0 ss:$0x1], $0xffff  }
0x9f5: {  	s11 =	sadd.s32 s7, s8;
	v6 =	vld.idx.msk [tilespmem:v0+s10+$0xFFFFFBE0 ss:$0x1], $0xffff  }
0x9f6: {  	[tilespmem:s11+$0x470] =	vst.add.f32.msk $0xffff, v1  }
0x9f7: {  	v1 =	vld.idx.msk [tilespmem:v0+s10+$0xFFFFFBF0 ss:$0x1], $0xffff  }
0x9f8: {  	v7 =	vld.idx.msk [tilespmem:v0+s10+$0xFFFFFC00 ss:$0x1], $0xffff  }
0x9f9: {  	v8 =	vld.idx.msk [tilespmem:v0+s10+$0xFFFFFF90 ss:$0x1], $0xffff  }
0x9fa: {  	v9 =	vld.idx.msk [tilespmem:v0+s10+$0xFFFFFFA0 ss:$0x1], $0xffff  }
0x9fb: {  	v10 =	vld.idx.msk [tilespmem:v0+s10+$0xFFFFFFB0 ss:$0x1], $0xffff  }
0x9fc: {  	v11 =	vld.idx.msk [tilespmem:v0+s10+$0xFFFFFFC0 ss:$0x1], $0xffff  }
0x9fd: {  	v12 =	vld.idx.msk [tilespmem:v0+s10+$0xFFFFFFD0 ss:$0x1], $0xffff  }
0x9fe: {  	v13 =	vld.idx.msk [tilespmem:v0+s10+$0xFFFFFFE0 ss:$0x1], $0xffff  }
0x9ff: {  	v14 =	vld.idx.msk [tilespmem:v0+s10+$0xFFFFFFF0 ss:$0x1], $0xffff  }
0xa00: {  	v15 =	vld.idx.msk [tilespmem:v0+s10+$0xFFFFFB90 ss:$0x1], $0xffff  }
0xa01: {  	[tilespmem:s11+$0x10] =	vst.add.f32.msk $0xffff, v2  }
0xa02: {  	[tilespmem:s11+$0x20] =	vst.add.f32.msk $0xffff, v3  }
0xa03: {  	[tilespmem:s11+$0x30] =	vst.add.f32.msk $0xffff, v4  }
0xa04: {  	[tilespmem:s11+$0x40] =	vst.add.f32.msk $0xffff, v5  }
0xa05: {  	[tilespmem:s11+$0x50] =	vst.add.f32.msk $0xffff, v6  }
0xa06: {  	[tilespmem:s11+$0x0] =	vst.add.f32.msk $0xffff, v15  }
0xa07: {  	[tilespmem:s11+$0x60] =	vst.add.f32.msk $0xffff, v1  }
0xa08: {  	[tilespmem:s11+$0x70] =	vst.add.f32.msk $0xffff, v7  }
0xa09: {  	[tilespmem:s11+$0x400] =	vst.add.f32.msk $0xffff, v8  }
0xa0a: {  	[tilespmem:s11+$0x410] =	vst.add.f32.msk $0xffff, v9  }
.Ltmp56:
0xa0b: {  	[tilespmem:s11+$0x420] =	vst.add.f32.msk $0xffff, v10;
	(pc) =	sbr.rel @p0 .LBB2_115-.Ltmp56, $4  }
0xa0c: {  	[tilespmem:s11+$0x430] =	vst.add.f32.msk $0xffff, v11  }
0xa0d: {  	[tilespmem:s11+$0x440] =	vst.add.f32.msk $0xffff, v12  }
0xa0e: {  	[tilespmem:s11+$0x450] =	vst.add.f32.msk $0xffff, v13  }
0xa0f: {  	s10 =	sadd.s32 $0x800, s10;
	[tilespmem:s11+$0x460] =	vst.add.f32.msk $0xffff, v14  }
0xa10: {  	s6 =	sadd.s32 $0x1, s6  }
0xa11: {  	p0 =	sne.s32 s6, $0x10  }
.Ltmp57:
0xa12: {  	_ = 	snop;
	(pc) =	sbr.rel @p0 .LBB2_114-.Ltmp57, $2  }
0xa13: {  	_ =	sdelay $0x2  }
0xa14: {  	s5 =	sadd.s32 $0x1, s5;
	s4 =	sadd.s32 $0x400, s4  }
0xa15: {  	s5 =	sld [smem:$0x7F7];
	_ =	sdelay $0x1  }
0xa16: {  	s4 =	simm.s32 $0x0  }
0xa17: {  	[hbm4b:s5+s4] =	stream.linear.scatter [tilespmem:s21], [sflag:$0x9], $0x4000, $0x38;
	[tilespmem:$0x1C000] =	vst v63  }
0xa18: {  	_ =	swait.ge [sflag:s28], $0x4000  }
0xa19: {  	s11 =	sld [smem:$0x7FC]  }
0xa1a: {  	[sflag:s28] =	ssyncset.done $0x0  }
0xa1b: {  	[sflag:s28] =	ssyncadd.s32 $0xFFFFC000  }
0xa1c: {  	[tilespmem:s16], [sflag:$0x2] =	stream.linear.gather [hbm4b:s11+s4], $0x4000, $0x38;
	[tilespmem:$0x1C000] =	vst v63  }
0xa1d: {  	_ =	swait.ge [sflag:s30], $0x4000  }
0xa1e: {  	[sflag:s30] =	ssyncset.done $0x0  }
0xa1f: {  	s6 =	simm.s32 $0x0;
	s5 =	simm.s32 $0x0;
	[sflag:s30] =	ssyncadd.s32 $0xFFFFC000  }
.LBB2_118:
0xa20: {  	s7 =	sand.u32 $0x7, s5  }
0xa21: {  	s7 =	sshll.u32 s7, $0x9  }
0xa22: {  	s7 =	sshrl.u32 s7, $0x2  }
0xa23: {  	v0 =	vmov s7;
	_ =	sdelay $0x2  }
0xa24: {  	s8 =	sand.u32 $0x3FFFE000, s4  }
0xa25: {  	s10 =	sadd.s32 $0x18470, s8  }
0xa26: {  	v1 =	vld.idx.msk [tilespmem:v0+s10+$0x0 ss:$0x1], $0xffff  }
0xa27: {  	v2 =	vld.idx.msk [tilespmem:v0+s10+$0xFFFFFBA0 ss:$0x1], $0xffff  }
0xa28: {  	v3 =	vld.idx.msk [tilespmem:v0+s10+$0xFFFFFBB0 ss:$0x1], $0xffff  }
0xa29: {  	v4 =	vld.idx.msk [tilespmem:v0+s10+$0xFFFFFBC0 ss:$0x1], $0xffff  }
0xa2a: {  	v5 =	vld.idx.msk [tilespmem:v0+s10+$0xFFFFFBD0 ss:$0x1], $0xffff  }
0xa2b: {  	v6 =	vld.idx.msk [tilespmem:v0+s10+$0xFFFFFBE0 ss:$0x1], $0xffff  }
0xa2c: {  	v7 =	vld.idx.msk [tilespmem:v0+s10+$0xFFFFFC00 ss:$0x1], $0xffff  }
0xa2d: {  	v8 =	vld.idx.msk [tilespmem:v0+s10+$0xFFFFFF90 ss:$0x1], $0xffff  }
0xa2e: {  	v9 =	vld.idx.msk [tilespmem:v0+s10+$0xFFFFFFA0 ss:$0x1], $0xffff  }
0xa2f: {  	v10 =	vld.idx.msk [tilespmem:v0+s10+$0xFFFFFFB0 ss:$0x1], $0xffff  }
0xa30: {  	v11 =	vld.idx.msk [tilespmem:v0+s10+$0xFFFFFFC0 ss:$0x1], $0xffff  }
0xa31: {  	v12 =	vld.idx.msk [tilespmem:v0+s10+$0xFFFFFFD0 ss:$0x1], $0xffff  }
0xa32: {  	v13 =	vld.idx.msk [tilespmem:v0+s10+$0xFFFFFFE0 ss:$0x1], $0xffff  }
0xa33: {  	s8 =	sadd.s32 $0x10000, s8;
	v14 =	vld.idx.msk [tilespmem:v0+s10+$0xFFFFFFF0 ss:$0x1], $0xffff  }
0xa34: {  	s11 =	sadd.s32 s7, s8;
	v15 =	vld.idx.msk [tilespmem:v0+s10+$0xFFFFFB90 ss:$0x1], $0xffff  }
0xa35: {  	[tilespmem:s11+$0x470] =	vst.add.f32.msk $0xffff, v1  }
0xa36: {  	v1 =	vld.idx.msk [tilespmem:v0+s10+$0xFFFFFBF0 ss:$0x1], $0xffff  }
0xa37: {  	[tilespmem:s11+$0x10] =	vst.add.f32.msk $0xffff, v2  }
0xa38: {  	[tilespmem:s11+$0x20] =	vst.add.f32.msk $0xffff, v3  }
0xa39: {  	[tilespmem:s11+$0x30] =	vst.add.f32.msk $0xffff, v4  }
0xa3a: {  	[tilespmem:s11+$0x40] =	vst.add.f32.msk $0xffff, v5  }
0xa3b: {  	[tilespmem:s11+$0x50] =	vst.add.f32.msk $0xffff, v6  }
0xa3c: {  	[tilespmem:s11+$0x0] =	vst.add.f32.msk $0xffff, v15  }
0xa3d: {  	[tilespmem:s11+$0x70] =	vst.add.f32.msk $0xffff, v7  }
0xa3e: {  	[tilespmem:s11+$0x400] =	vst.add.f32.msk $0xffff, v8  }
0xa3f: {  	[tilespmem:s11+$0x410] =	vst.add.f32.msk $0xffff, v9  }
0xa40: {  	[tilespmem:s11+$0x420] =	vst.add.f32.msk $0xffff, v10  }
0xa41: {  	[tilespmem:s11+$0x430] =	vst.add.f32.msk $0xffff, v11  }
0xa42: {  	[tilespmem:s11+$0x440] =	vst.add.f32.msk $0xffff, v12  }
0xa43: {  	[tilespmem:s11+$0x450] =	vst.add.f32.msk $0xffff, v13  }
0xa44: {  	[tilespmem:s11+$0x460] =	vst.add.f32.msk $0xffff, v14  }
0xa45: {  	s9 =	simm.s32 $0x0;
	s10 =	sadd.s32 $0x800, s10;
	[tilespmem:s11+$0x60] =	vst.add.f32.msk $0xffff, v1  }
.LBB2_119:
0xa46: {  	v1 =	vld.idx.msk [tilespmem:v0+s10+$0x0 ss:$0x1], $0xffff;
	s9 =	sadd.s32 $0x100, s9  }
0xa47: {  	v2 =	vld.idx.msk [tilespmem:v0+s10+$0xFFFFFBA0 ss:$0x1], $0xffff;
	p0 =	slt.u32 s9, $0x300  }
0xa48: {  	v3 =	vld.idx.msk [tilespmem:v0+s10+$0xFFFFFBB0 ss:$0x1], $0xffff  }
0xa49: {  	v4 =	vld.idx.msk [tilespmem:v0+s10+$0xFFFFFBC0 ss:$0x1], $0xffff  }
0xa4a: {  	s8 =	sadd.s32 $0x800, s8;
	v5 =	vld.idx.msk [tilespmem:v0+s10+$0xFFFFFBD0 ss:$0x1], $0xffff  }
0xa4b: {  	s11 =	sadd.s32 s7, s8;
	v6 =	vld.idx.msk [tilespmem:v0+s10+$0xFFFFFBE0 ss:$0x1], $0xffff  }
0xa4c: {  	[tilespmem:s11+$0x470] =	vst.add.f32.msk $0xffff, v1  }
0xa4d: {  	v1 =	vld.idx.msk [tilespmem:v0+s10+$0xFFFFFBF0 ss:$0x1], $0xffff  }
0xa4e: {  	v7 =	vld.idx.msk [tilespmem:v0+s10+$0xFFFFFC00 ss:$0x1], $0xffff  }
0xa4f: {  	v8 =	vld.idx.msk [tilespmem:v0+s10+$0xFFFFFF90 ss:$0x1], $0xffff  }
0xa50: {  	v9 =	vld.idx.msk [tilespmem:v0+s10+$0xFFFFFFA0 ss:$0x1], $0xffff  }
0xa51: {  	v10 =	vld.idx.msk [tilespmem:v0+s10+$0xFFFFFFB0 ss:$0x1], $0xffff  }
0xa52: {  	v11 =	vld.idx.msk [tilespmem:v0+s10+$0xFFFFFFC0 ss:$0x1], $0xffff  }
0xa53: {  	v12 =	vld.idx.msk [tilespmem:v0+s10+$0xFFFFFFD0 ss:$0x1], $0xffff  }
0xa54: {  	v13 =	vld.idx.msk [tilespmem:v0+s10+$0xFFFFFFE0 ss:$0x1], $0xffff  }
0xa55: {  	v14 =	vld.idx.msk [tilespmem:v0+s10+$0xFFFFFFF0 ss:$0x1], $0xffff  }
0xa56: {  	v15 =	vld.idx.msk [tilespmem:v0+s10+$0xFFFFFB90 ss:$0x1], $0xffff  }
0xa57: {  	[tilespmem:s11+$0x10] =	vst.add.f32.msk $0xffff, v2  }
0xa58: {  	[tilespmem:s11+$0x20] =	vst.add.f32.msk $0xffff, v3  }
0xa59: {  	[tilespmem:s11+$0x30] =	vst.add.f32.msk $0xffff, v4  }
0xa5a: {  	[tilespmem:s11+$0x40] =	vst.add.f32.msk $0xffff, v5  }
0xa5b: {  	[tilespmem:s11+$0x50] =	vst.add.f32.msk $0xffff, v6  }
0xa5c: {  	[tilespmem:s11+$0x0] =	vst.add.f32.msk $0xffff, v15  }
0xa5d: {  	[tilespmem:s11+$0x60] =	vst.add.f32.msk $0xffff, v1  }
0xa5e: {  	[tilespmem:s11+$0x70] =	vst.add.f32.msk $0xffff, v7  }
0xa5f: {  	[tilespmem:s11+$0x400] =	vst.add.f32.msk $0xffff, v8  }
0xa60: {  	[tilespmem:s11+$0x410] =	vst.add.f32.msk $0xffff, v9  }
.Ltmp58:
0xa61: {  	[tilespmem:s11+$0x420] =	vst.add.f32.msk $0xffff, v10;
	(pc) =	sbr.rel @p0 .LBB2_119-.Ltmp58, $4  }
0xa62: {  	[tilespmem:s11+$0x430] =	vst.add.f32.msk $0xffff, v11  }
0xa63: {  	[tilespmem:s11+$0x440] =	vst.add.f32.msk $0xffff, v12  }
0xa64: {  	[tilespmem:s11+$0x450] =	vst.add.f32.msk $0xffff, v13  }
0xa65: {  	s10 =	sadd.s32 $0x800, s10;
	[tilespmem:s11+$0x460] =	vst.add.f32.msk $0xffff, v14  }
0xa66: {  	s6 =	sadd.s32 $0x1, s6  }
0xa67: {  	p0 =	sne.s32 s6, $0x10  }
.Ltmp59:
0xa68: {  	_ = 	snop;
	(pc) =	sbr.rel @p0 .LBB2_118-.Ltmp59, $2  }
0xa69: {  	_ =	sdelay $0x2  }
0xa6a: {  	s5 =	sadd.s32 $0x1, s5;
	s4 =	sadd.s32 $0x400, s4  }
0xa6b: {  	s5 =	sld [smem:$0x7FD];
	_ =	sdelay $0x1  }
0xa6c: {  	s4 =	simm.s32 $0x0  }
0xa6d: {  	[hbm4b:s5+s4] =	stream.linear.scatter [tilespmem:s23], [sflag:$0xA], $0x4000, $0x38;
	[tilespmem:$0x1C000] =	vst v63  }
0xa6e: {  	_ =	swait.ge [sflag:s20], $0x4000  }
0xa6f: {  	[sflag:s20] =	ssyncset.done $0x0  }
0xa70: {  	s6 =	simm.s32 $0x0;
	s5 =	simm.s32 $0x0;
	[sflag:s20] =	ssyncadd.s32 $0xFFFFC000  }
.LBB2_122:
0xa71: {  	s7 =	sand.u32 $0x7, s5  }
0xa72: {  	s7 =	sshll.u32 s7, $0x9  }
0xa73: {  	s7 =	sshrl.u32 s7, $0x2  }
0xa74: {  	v0 =	vmov s7;
	_ =	sdelay $0x2  }
0xa75: {  	s8 =	sand.u32 $0x3FFFE000, s4  }
0xa76: {  	s10 =	sadd.s32 $0x18470, s8  }
0xa77: {  	v1 =	vld.idx.msk [tilespmem:v0+s10+$0x0 ss:$0x1], $0xffff  }
0xa78: {  	v2 =	vld.idx.msk [tilespmem:v0+s10+$0xFFFFFBA0 ss:$0x1], $0xffff  }
0xa79: {  	v3 =	vld.idx.msk [tilespmem:v0+s10+$0xFFFFFBB0 ss:$0x1], $0xffff  }
0xa7a: {  	v4 =	vld.idx.msk [tilespmem:v0+s10+$0xFFFFFBC0 ss:$0x1], $0xffff  }
0xa7b: {  	v5 =	vld.idx.msk [tilespmem:v0+s10+$0xFFFFFBD0 ss:$0x1], $0xffff  }
0xa7c: {  	v6 =	vld.idx.msk [tilespmem:v0+s10+$0xFFFFFBE0 ss:$0x1], $0xffff  }
0xa7d: {  	v7 =	vld.idx.msk [tilespmem:v0+s10+$0xFFFFFC00 ss:$0x1], $0xffff  }
0xa7e: {  	v8 =	vld.idx.msk [tilespmem:v0+s10+$0xFFFFFF90 ss:$0x1], $0xffff  }
0xa7f: {  	v9 =	vld.idx.msk [tilespmem:v0+s10+$0xFFFFFFA0 ss:$0x1], $0xffff  }
0xa80: {  	v10 =	vld.idx.msk [tilespmem:v0+s10+$0xFFFFFFB0 ss:$0x1], $0xffff  }
0xa81: {  	v11 =	vld.idx.msk [tilespmem:v0+s10+$0xFFFFFFC0 ss:$0x1], $0xffff  }
0xa82: {  	v12 =	vld.idx.msk [tilespmem:v0+s10+$0xFFFFFFD0 ss:$0x1], $0xffff  }
0xa83: {  	v13 =	vld.idx.msk [tilespmem:v0+s10+$0xFFFFFFE0 ss:$0x1], $0xffff  }
0xa84: {  	v14 =	vld.idx.msk [tilespmem:v0+s10+$0xFFFFFFF0 ss:$0x1], $0xffff  }
0xa85: {  	s11 =	sadd.s32 s7, s8;
	v15 =	vld.idx.msk [tilespmem:v0+s10+$0xFFFFFB90 ss:$0x1], $0xffff  }
0xa86: {  	[tilespmem:s11+$0x470] =	vst.add.f32.msk $0xffff, v1  }
0xa87: {  	v1 =	vld.idx.msk [tilespmem:v0+s10+$0xFFFFFBF0 ss:$0x1], $0xffff  }
0xa88: {  	[tilespmem:s11+$0x10] =	vst.add.f32.msk $0xffff, v2  }
0xa89: {  	[tilespmem:s11+$0x20] =	vst.add.f32.msk $0xffff, v3  }
0xa8a: {  	[tilespmem:s11+$0x30] =	vst.add.f32.msk $0xffff, v4  }
0xa8b: {  	[tilespmem:s11+$0x40] =	vst.add.f32.msk $0xffff, v5  }
0xa8c: {  	[tilespmem:s11+$0x50] =	vst.add.f32.msk $0xffff, v6  }
0xa8d: {  	[tilespmem:s11+$0x0] =	vst.add.f32.msk $0xffff, v15  }
0xa8e: {  	[tilespmem:s11+$0x70] =	vst.add.f32.msk $0xffff, v7  }
0xa8f: {  	[tilespmem:s11+$0x400] =	vst.add.f32.msk $0xffff, v8  }
0xa90: {  	[tilespmem:s11+$0x410] =	vst.add.f32.msk $0xffff, v9  }
0xa91: {  	[tilespmem:s11+$0x420] =	vst.add.f32.msk $0xffff, v10  }
0xa92: {  	[tilespmem:s11+$0x430] =	vst.add.f32.msk $0xffff, v11  }
0xa93: {  	[tilespmem:s11+$0x440] =	vst.add.f32.msk $0xffff, v12  }
0xa94: {  	[tilespmem:s11+$0x450] =	vst.add.f32.msk $0xffff, v13  }
0xa95: {  	[tilespmem:s11+$0x460] =	vst.add.f32.msk $0xffff, v14  }
0xa96: {  	s9 =	simm.s32 $0x0;
	s10 =	sadd.s32 $0x800, s10;
	[tilespmem:s11+$0x60] =	vst.add.f32.msk $0xffff, v1  }
.LBB2_123:
0xa97: {  	v1 =	vld.idx.msk [tilespmem:v0+s10+$0x0 ss:$0x1], $0xffff;
	s9 =	sadd.s32 $0x100, s9  }
0xa98: {  	v2 =	vld.idx.msk [tilespmem:v0+s10+$0xFFFFFBA0 ss:$0x1], $0xffff;
	p0 =	slt.u32 s9, $0x300  }
0xa99: {  	v3 =	vld.idx.msk [tilespmem:v0+s10+$0xFFFFFBB0 ss:$0x1], $0xffff  }
0xa9a: {  	v4 =	vld.idx.msk [tilespmem:v0+s10+$0xFFFFFBC0 ss:$0x1], $0xffff  }
0xa9b: {  	s8 =	sadd.s32 $0x800, s8;
	v5 =	vld.idx.msk [tilespmem:v0+s10+$0xFFFFFBD0 ss:$0x1], $0xffff  }
0xa9c: {  	s11 =	sadd.s32 s7, s8;
	v6 =	vld.idx.msk [tilespmem:v0+s10+$0xFFFFFBE0 ss:$0x1], $0xffff  }
0xa9d: {  	[tilespmem:s11+$0x470] =	vst.add.f32.msk $0xffff, v1  }
0xa9e: {  	v1 =	vld.idx.msk [tilespmem:v0+s10+$0xFFFFFBF0 ss:$0x1], $0xffff  }
0xa9f: {  	v7 =	vld.idx.msk [tilespmem:v0+s10+$0xFFFFFC00 ss:$0x1], $0xffff  }
0xaa0: {  	v8 =	vld.idx.msk [tilespmem:v0+s10+$0xFFFFFF90 ss:$0x1], $0xffff  }
0xaa1: {  	v9 =	vld.idx.msk [tilespmem:v0+s10+$0xFFFFFFA0 ss:$0x1], $0xffff  }
0xaa2: {  	v10 =	vld.idx.msk [tilespmem:v0+s10+$0xFFFFFFB0 ss:$0x1], $0xffff  }
0xaa3: {  	v11 =	vld.idx.msk [tilespmem:v0+s10+$0xFFFFFFC0 ss:$0x1], $0xffff  }
0xaa4: {  	v12 =	vld.idx.msk [tilespmem:v0+s10+$0xFFFFFFD0 ss:$0x1], $0xffff  }
0xaa5: {  	v13 =	vld.idx.msk [tilespmem:v0+s10+$0xFFFFFFE0 ss:$0x1], $0xffff  }
0xaa6: {  	v14 =	vld.idx.msk [tilespmem:v0+s10+$0xFFFFFFF0 ss:$0x1], $0xffff  }
0xaa7: {  	v15 =	vld.idx.msk [tilespmem:v0+s10+$0xFFFFFB90 ss:$0x1], $0xffff  }
0xaa8: {  	[tilespmem:s11+$0x10] =	vst.add.f32.msk $0xffff, v2  }
0xaa9: {  	[tilespmem:s11+$0x20] =	vst.add.f32.msk $0xffff, v3  }
0xaaa: {  	[tilespmem:s11+$0x30] =	vst.add.f32.msk $0xffff, v4  }
0xaab: {  	[tilespmem:s11+$0x40] =	vst.add.f32.msk $0xffff, v5  }
0xaac: {  	[tilespmem:s11+$0x50] =	vst.add.f32.msk $0xffff, v6  }
0xaad: {  	[tilespmem:s11+$0x0] =	vst.add.f32.msk $0xffff, v15  }
0xaae: {  	[tilespmem:s11+$0x60] =	vst.add.f32.msk $0xffff, v1  }
0xaaf: {  	[tilespmem:s11+$0x70] =	vst.add.f32.msk $0xffff, v7  }
0xab0: {  	[tilespmem:s11+$0x400] =	vst.add.f32.msk $0xffff, v8  }
0xab1: {  	[tilespmem:s11+$0x410] =	vst.add.f32.msk $0xffff, v9  }
.Ltmp60:
0xab2: {  	[tilespmem:s11+$0x420] =	vst.add.f32.msk $0xffff, v10;
	(pc) =	sbr.rel @p0 .LBB2_123-.Ltmp60, $4  }
0xab3: {  	[tilespmem:s11+$0x430] =	vst.add.f32.msk $0xffff, v11  }
0xab4: {  	[tilespmem:s11+$0x440] =	vst.add.f32.msk $0xffff, v12  }
0xab5: {  	[tilespmem:s11+$0x450] =	vst.add.f32.msk $0xffff, v13  }
0xab6: {  	s10 =	sadd.s32 $0x800, s10;
	[tilespmem:s11+$0x460] =	vst.add.f32.msk $0xffff, v14  }
0xab7: {  	s6 =	sadd.s32 $0x1, s6  }
0xab8: {  	p0 =	sne.s32 s6, $0x10  }
.Ltmp61:
0xab9: {  	_ = 	snop;
	(pc) =	sbr.rel @p0 .LBB2_122-.Ltmp61, $2  }
0xaba: {  	_ =	sdelay $0x2  }
0xabb: {  	s5 =	sadd.s32 $0x1, s5;
	s4 =	sadd.s32 $0x400, s4  }
0xabc: {  	s4 =	simm.s32 $0x0  }
0xabd: {  	[hbm4b:s12+s4] =	stream.linear.scatter [tilespmem:s4], [sflag:$0x6], $0x4000, $0x38;
	[tilespmem:$0x1C000] =	vst v63  }
0xabe: {  	_ =	swait.ge [sflag:s22], $0x4000  }
0xabf: {  	[sflag:s22] =	ssyncset.done $0x0  }
0xac0: {  	s5 =	simm.s32 $0x0;
	s6 =	simm.s32 $0x0;
	[sflag:s22] =	ssyncadd.s32 $0xFFFFC000  }
.LBB2_126:
0xac1: {  	s7 =	sand.u32 $0x7, s5  }
0xac2: {  	s7 =	sshll.u32 s7, $0x9  }
0xac3: {  	s7 =	sshrl.u32 s7, $0x2  }
0xac4: {  	v0 =	vmov s7;
	_ =	sdelay $0x2  }
0xac5: {  	s8 =	sand.u32 $0x3FFFE000, s4  }
0xac6: {  	s10 =	sadd.s32 $0x18470, s8  }
0xac7: {  	v1 =	vld.idx.msk [tilespmem:v0+s10+$0x0 ss:$0x1], $0xffff  }
0xac8: {  	v2 =	vld.idx.msk [tilespmem:v0+s10+$0xFFFFFBA0 ss:$0x1], $0xffff  }
0xac9: {  	v3 =	vld.idx.msk [tilespmem:v0+s10+$0xFFFFFBB0 ss:$0x1], $0xffff  }
0xaca: {  	v4 =	vld.idx.msk [tilespmem:v0+s10+$0xFFFFFBC0 ss:$0x1], $0xffff  }
0xacb: {  	v5 =	vld.idx.msk [tilespmem:v0+s10+$0xFFFFFBD0 ss:$0x1], $0xffff  }
0xacc: {  	v6 =	vld.idx.msk [tilespmem:v0+s10+$0xFFFFFBE0 ss:$0x1], $0xffff  }
0xacd: {  	v7 =	vld.idx.msk [tilespmem:v0+s10+$0xFFFFFC00 ss:$0x1], $0xffff  }
0xace: {  	v8 =	vld.idx.msk [tilespmem:v0+s10+$0xFFFFFF90 ss:$0x1], $0xffff  }
0xacf: {  	v9 =	vld.idx.msk [tilespmem:v0+s10+$0xFFFFFFA0 ss:$0x1], $0xffff  }
0xad0: {  	v10 =	vld.idx.msk [tilespmem:v0+s10+$0xFFFFFFB0 ss:$0x1], $0xffff  }
0xad1: {  	v11 =	vld.idx.msk [tilespmem:v0+s10+$0xFFFFFFC0 ss:$0x1], $0xffff  }
0xad2: {  	v12 =	vld.idx.msk [tilespmem:v0+s10+$0xFFFFFFD0 ss:$0x1], $0xffff  }
0xad3: {  	v13 =	vld.idx.msk [tilespmem:v0+s10+$0xFFFFFFE0 ss:$0x1], $0xffff  }
0xad4: {  	s8 =	sadd.s32 $0x4000, s8;
	v14 =	vld.idx.msk [tilespmem:v0+s10+$0xFFFFFFF0 ss:$0x1], $0xffff  }
0xad5: {  	s11 =	sadd.s32 s7, s8;
	v15 =	vld.idx.msk [tilespmem:v0+s10+$0xFFFFFB90 ss:$0x1], $0xffff  }
0xad6: {  	[tilespmem:s11+$0x470] =	vst.add.f32.msk $0xffff, v1  }
0xad7: {  	v1 =	vld.idx.msk [tilespmem:v0+s10+$0xFFFFFBF0 ss:$0x1], $0xffff  }
0xad8: {  	[tilespmem:s11+$0x10] =	vst.add.f32.msk $0xffff, v2  }
0xad9: {  	[tilespmem:s11+$0x20] =	vst.add.f32.msk $0xffff, v3  }
0xada: {  	[tilespmem:s11+$0x30] =	vst.add.f32.msk $0xffff, v4  }
0xadb: {  	[tilespmem:s11+$0x40] =	vst.add.f32.msk $0xffff, v5  }
0xadc: {  	[tilespmem:s11+$0x50] =	vst.add.f32.msk $0xffff, v6  }
0xadd: {  	[tilespmem:s11+$0x0] =	vst.add.f32.msk $0xffff, v15  }
0xade: {  	[tilespmem:s11+$0x70] =	vst.add.f32.msk $0xffff, v7  }
0xadf: {  	[tilespmem:s11+$0x400] =	vst.add.f32.msk $0xffff, v8  }
0xae0: {  	[tilespmem:s11+$0x410] =	vst.add.f32.msk $0xffff, v9  }
0xae1: {  	[tilespmem:s11+$0x420] =	vst.add.f32.msk $0xffff, v10  }
0xae2: {  	[tilespmem:s11+$0x430] =	vst.add.f32.msk $0xffff, v11  }
0xae3: {  	[tilespmem:s11+$0x440] =	vst.add.f32.msk $0xffff, v12  }
0xae4: {  	[tilespmem:s11+$0x450] =	vst.add.f32.msk $0xffff, v13  }
0xae5: {  	[tilespmem:s11+$0x460] =	vst.add.f32.msk $0xffff, v14  }
0xae6: {  	s9 =	simm.s32 $0x0;
	s10 =	sadd.s32 $0x800, s10;
	[tilespmem:s11+$0x60] =	vst.add.f32.msk $0xffff, v1  }
.LBB2_127:
0xae7: {  	v1 =	vld.idx.msk [tilespmem:v0+s10+$0x0 ss:$0x1], $0xffff;
	s9 =	sadd.s32 $0x100, s9  }
0xae8: {  	v2 =	vld.idx.msk [tilespmem:v0+s10+$0xFFFFFBA0 ss:$0x1], $0xffff;
	p0 =	slt.u32 s9, $0x300  }
0xae9: {  	v3 =	vld.idx.msk [tilespmem:v0+s10+$0xFFFFFBB0 ss:$0x1], $0xffff  }
0xaea: {  	v4 =	vld.idx.msk [tilespmem:v0+s10+$0xFFFFFBC0 ss:$0x1], $0xffff  }
0xaeb: {  	s8 =	sadd.s32 $0x800, s8;
	v5 =	vld.idx.msk [tilespmem:v0+s10+$0xFFFFFBD0 ss:$0x1], $0xffff  }
0xaec: {  	s11 =	sadd.s32 s7, s8;
	v6 =	vld.idx.msk [tilespmem:v0+s10+$0xFFFFFBE0 ss:$0x1], $0xffff  }
0xaed: {  	[tilespmem:s11+$0x470] =	vst.add.f32.msk $0xffff, v1  }
0xaee: {  	v1 =	vld.idx.msk [tilespmem:v0+s10+$0xFFFFFBF0 ss:$0x1], $0xffff  }
0xaef: {  	v7 =	vld.idx.msk [tilespmem:v0+s10+$0xFFFFFC00 ss:$0x1], $0xffff  }
0xaf0: {  	v8 =	vld.idx.msk [tilespmem:v0+s10+$0xFFFFFF90 ss:$0x1], $0xffff  }
0xaf1: {  	v9 =	vld.idx.msk [tilespmem:v0+s10+$0xFFFFFFA0 ss:$0x1], $0xffff  }
0xaf2: {  	v10 =	vld.idx.msk [tilespmem:v0+s10+$0xFFFFFFB0 ss:$0x1], $0xffff  }
0xaf3: {  	v11 =	vld.idx.msk [tilespmem:v0+s10+$0xFFFFFFC0 ss:$0x1], $0xffff  }
0xaf4: {  	v12 =	vld.idx.msk [tilespmem:v0+s10+$0xFFFFFFD0 ss:$0x1], $0xffff  }
0xaf5: {  	v13 =	vld.idx.msk [tilespmem:v0+s10+$0xFFFFFFE0 ss:$0x1], $0xffff  }
0xaf6: {  	v14 =	vld.idx.msk [tilespmem:v0+s10+$0xFFFFFFF0 ss:$0x1], $0xffff  }
0xaf7: {  	v15 =	vld.idx.msk [tilespmem:v0+s10+$0xFFFFFB90 ss:$0x1], $0xffff  }
0xaf8: {  	[tilespmem:s11+$0x10] =	vst.add.f32.msk $0xffff, v2  }
0xaf9: {  	[tilespmem:s11+$0x20] =	vst.add.f32.msk $0xffff, v3  }
0xafa: {  	[tilespmem:s11+$0x30] =	vst.add.f32.msk $0xffff, v4  }
0xafb: {  	[tilespmem:s11+$0x40] =	vst.add.f32.msk $0xffff, v5  }
0xafc: {  	[tilespmem:s11+$0x50] =	vst.add.f32.msk $0xffff, v6  }
0xafd: {  	[tilespmem:s11+$0x0] =	vst.add.f32.msk $0xffff, v15  }
0xafe: {  	[tilespmem:s11+$0x60] =	vst.add.f32.msk $0xffff, v1  }
0xaff: {  	[tilespmem:s11+$0x70] =	vst.add.f32.msk $0xffff, v7  }
0xb00: {  	[tilespmem:s11+$0x400] =	vst.add.f32.msk $0xffff, v8  }
0xb01: {  	[tilespmem:s11+$0x410] =	vst.add.f32.msk $0xffff, v9  }
.Ltmp62:
0xb02: {  	[tilespmem:s11+$0x420] =	vst.add.f32.msk $0xffff, v10;
	(pc) =	sbr.rel @p0 .LBB2_127-.Ltmp62, $4  }
0xb03: {  	[tilespmem:s11+$0x430] =	vst.add.f32.msk $0xffff, v11  }
0xb04: {  	[tilespmem:s11+$0x440] =	vst.add.f32.msk $0xffff, v12  }
0xb05: {  	[tilespmem:s11+$0x450] =	vst.add.f32.msk $0xffff, v13  }
0xb06: {  	s10 =	sadd.s32 $0x800, s10;
	[tilespmem:s11+$0x460] =	vst.add.f32.msk $0xffff, v14  }
0xb07: {  	s6 =	sadd.s32 $0x1, s6  }
0xb08: {  	p0 =	sne.s32 s6, $0x10  }
.Ltmp63:
0xb09: {  	_ = 	snop;
	(pc) =	sbr.rel @p0 .LBB2_126-.Ltmp63, $2  }
0xb0a: {  	_ =	sdelay $0x2  }
0xb0b: {  	s5 =	sadd.s32 $0x1, s5;
	s4 =	sadd.s32 $0x400, s4  }
0xb0c: {  	[hbm4b:s13+s1] =	stream.linear.scatter [tilespmem:s16], [sflag:$0x7], $0x4000, $0x38;
	[tilespmem:$0x1C000] =	vst v63  }
0xb0d: {  	_ =	swait.ge [sflag:s31], $0x4000  }
0xb0e: {  	[sflag:s31] =	ssyncset.done $0x0  }
0xb0f: {  	[sflag:s31] =	ssyncadd.s32 $0xFFFFC000  }
0xb10: {  	_ =	swait.ge [sflag:s0], $0x4000  }
0xb11: {  	[sflag:s0] =	ssyncset.done $0x0  }
0xb12: {  	[sflag:s0] =	ssyncadd.s32 $0xFFFFC000  }
0xb13: {  	_ =	swait.ge [sflag:s2], $0x4000  }
0xb14: {  	[sflag:s2] =	ssyncset.done $0x0  }
0xb15: {  	s3 =	sadd.s32 $0x1, s3;
	[sflag:s2] =	ssyncadd.s32 $0xFFFFC000  }
0xb16: {  	p0 =	sne.s32 s3, s14;
	_ =	swait.ge [sflag:s25], $0x4000  }
.Ltmp64:
0xb17: {  	[sflag:s25] =	ssyncset.done $0x0;
	(pc) =	sbr.rel @p0 .LBB2_1-.Ltmp64, $4  }
0xb18: {  	[sflag:s25] =	ssyncadd.s32 $0xFFFFC000  }
0xb19: {  	_ =	swait.ge [sflag:s28], $0x4000  }
0xb1a: {  	[sflag:s28] =	ssyncset.done $0x0  }
0xb1b: {  	[sflag:s28] =	ssyncadd.s32 $0xFFFFC000  }
0xb1c: {  	_ =	sfence.sel $0x180000  }
0xb1d: {  	[bflag:$0x0] =	sbarrier.arrive $0xFFFF  }
0xb1e: {  	_ =	strace $0x90000047  }
0xb1f: {  	s0 =	stileid.u32;
	[bflag:$0x2] =	sbarrier.arrive $0xFFFF  }
0xb20: {  	p0 =	sne.s32 s0, $0x0;
	s0 =	rddreg [dreg:$0x3]  }
0xb21: {  	s0 =	sadd.s32 @!p0 $0x100000, s0  }
0xb22: {  	[sflag:s0] =	ssyncadd.tile.s32 @!p0 $0x1;
	_ =	shalt  }
.Lfunc_end2:
_tile_overlayer_lowered:
.L_overlay_start_2:
0xb23: {  	(tag) =	ssettag $0x2  }
0xb24: {  	s0 =	rddreg [dreg:$0x0];
	s2 =	stileid.u32  }
0xb25: {  	s1 =	rddreg [dreg:$0x1];
	p0 =	sne.s32 s2, $0x0  }
0xb26: {  	s3 =	rddreg [dreg:$0x2];
	[bflag:$0x3] =	sbarrier.arrive $0xFFFF;
	s2 =	simm.s32 @!p0 $0x1C0D  }
0xb27: {  	[timem:s3], [sflag:s2] =	dma.local @!p0 [hbm:s0], s1  }
0xb28: {  	s0 =	simm.s32 @!p0 $0xD  }
0xb29: {  	_ =	swait.ge @!p0 [sflag:s0], s1  }
0xb2a: {  	s1 =	ssub.s32 @!p0 $0x0, s1;
	[sflag:s0] =	ssyncset.done @!p0 $0x0  }
0xb2b: {  	[sflag:s0] =	ssyncadd.s32 @!p0 s1  }
0xb2c: {  	[bflag:$0x3] =	sbarrier.arrive $0xFFFF  }
0xb2d: {  	_ =	shalt  }

</sc_bundles>
